<compile_context>
chip_gen: v7x
topology: tpu7x:2x2x1
jax: 0.10.2.dev20260603
libtpu: 0.0.44.dev20260713+nightly
codegen_flags: <defaults>
</compile_context>

<pallas_src>
import functools

import jax
import jax.numpy as jnp
from jax import lax
from jax.experimental import pallas as pl
from jax.experimental.pallas import tpu as pltpu
from jax.experimental.pallas import tpu_sc as plsc

BATCH = 4
SEQ = 4096
D = 2048
P = 10
L = 16
NW = 32
ROWS = BATCH * SEQ
RPW = ROWS // NW
CH = P
NFULL = RPW // CH
TAIL = RPW - NFULL * CH
VPR = D // L
UNROLL = 1


def _sc_body(x_hbm, emb_hbm, out_hbm, emb_rot, bin_v, bout_v,
             sem_i0, sem_i1, sem_o0, sem_o1, sem_t):
    wid = lax.axis_index("s") * 2 + lax.axis_index("c")
    base = wid * (RPW * D)
    ph0 = lax.rem(lax.rem(wid * RPW, SEQ), P)

    sems_in = (sem_i0, sem_i1)
    sems_out = (sem_o0, sem_o1)

    def in_copy(c, slot, nrows=CH):
        return pltpu.make_async_copy(
            x_hbm.at[pl.ds(base + c * (CH * D), nrows * D)],
            bin_v.at[slot, pl.ds(0, nrows * D)], sems_in[slot])

    def out_copy(c, slot, nrows=CH):
        return pltpu.make_async_copy(
            bout_v.at[slot, pl.ds(0, nrows * D)],
            out_hbm.at[pl.ds(base + c * (CH * D), nrows * D)],
            sems_out[slot])

    def compute(slot, nrows=CH):
        @plsc.parallel_loop(0, VPR, 1, unroll=UNROLL)
        def jloop(j):
            off = pl.multiple_of(j * L, L)
            for k in range(nrows):
                bout_v[slot, pl.ds(k * D + off, L)] = (
                    bin_v[slot, pl.ds(k * D + off, L)]
                    + emb_rot[pl.ds(k * D + off, L)])

    for k in range(P):
        src = lax.rem(ph0 + k, P)
        pltpu.make_async_copy(
            emb_hbm.at[pl.ds(src * D, D)],
            emb_rot.at[pl.ds(k * D, D)], sem_t).start()
    for k in range(P):
        pltpu.make_async_copy(
            emb_hbm.at[pl.ds(0, D)], emb_rot.at[pl.ds(0, D)], sem_t).wait()

    in_copy(0, 0).start()
    in_copy(1, 1).start()

    for c in (0, 1):
        slot = c & 1
        in_copy(c, slot).wait()
        compute(slot)
        out_copy(c, slot).start()
        in_copy(c + 2, slot).start()

    def chunk_pair(g, carry):
        for b in range(2):
            c = g * 2 + b
            in_copy(c, b).wait()
            out_copy(c - 2, b).wait()
            compute(b)
            out_copy(c, b).start()
            in_copy(c + 2, b).start()
        return carry

    lax.fori_loop(1, 24, chunk_pair, 0)

    c = 48
    in_copy(c, 0).wait()
    out_copy(c - 2, 0).wait()
    compute(0)
    out_copy(c, 0).start()
    in_copy(50, 0).start()

    c = 49
    in_copy(c, 1).wait()
    out_copy(c - 2, 1).wait()
    compute(1)
    out_copy(c, 1).start()
    in_copy(51, 1, TAIL).start()

    c = 50
    in_copy(c, 0).wait()
    out_copy(c - 2, 0).wait()
    compute(0)
    out_copy(c, 0).start()

    c = 51
    in_copy(c, 1, TAIL).wait()
    out_copy(c - 2, 1).wait()
    compute(1, TAIL)
    out_copy(c, 1, TAIL).start()

    out_copy(50, 0).wait()
    out_copy(51, 1, TAIL).wait()


def kernel(x, embedding):
    mesh = plsc.VectorSubcoreMesh(core_axis_name="c", subcore_axis_name="s")
    fn = functools.partial(
        pl.kernel,
        mesh=mesh,
        out_type=jax.ShapeDtypeStruct((ROWS * D,), jnp.float32),
        scratch_types=[
            pltpu.VMEM((P * D,), jnp.float32),
            pltpu.VMEM((2, CH * D), jnp.float32),
            pltpu.VMEM((2, CH * D), jnp.float32),
            pltpu.SemaphoreType.DMA,
            pltpu.SemaphoreType.DMA,
            pltpu.SemaphoreType.DMA,
            pltpu.SemaphoreType.DMA,
            pltpu.SemaphoreType.DMA,
        ],
    )(_sc_body)
    out = fn(x.reshape(ROWS * D), embedding.astype(jnp.float32).reshape(P * D))
    return out.reshape(x.shape)

# --- scband reference (transcript-rebuilt; emitter-appended) ---
"""Pipeline reference for scband-digit-encoding-5480378270073 (READ-ONLY COPY).

The authoritative reference and input builder live on the scoring server;
editing this copy changes nothing except your own understanding.
"""

import jax, jax.numpy as jnp
import numpy as np

BATCH = 4
SEQ_LEN = 4096
D_MODEL = 2048
PRECISION = 10


def setup_inputs(seed: int = 0) -> dict:
    key = jax.random.key(seed)
    k_x, k_w = jax.random.split(key)
    x = jax.random.normal(k_x, (BATCH, SEQ_LEN, D_MODEL), dtype=jnp.float32)
    # glorot_uniform init for embedding table of shape (precision, d_feature)
    fan_in, fan_out = PRECISION, D_MODEL
    limit = jnp.sqrt(6.0 / (fan_in + fan_out))
    embedding = jax.random.uniform(k_w, (PRECISION, D_MODEL), dtype=jnp.float32, minval=-limit, maxval=limit)
    return {"x": x, "embedding": embedding}


def reference(x, embedding):
    # DigitEncoding forward, deterministic=True (dropout_rate=0.0), decode=False
    precision = embedding.shape[0]
    weights = embedding.astype(jnp.float32)
    token_ids = jnp.arange(x.shape[1])
    digit_ids = jnp.mod(token_ids, precision)
    emb = jnp.take(weights, digit_ids, axis=0)  # gather: [seq_len, d_feature]
    emb = emb[None, :, :]
    return x + emb.astype(x.dtype)

if __name__ == "__main__":
    import jax
    _d = setup_inputs()
    print(jax.jit(kernel)(*tuple(_d.values())))

</pallas_src>

<mosaic_0001>
#map = affine_map<(d0, d1) -> (0)>
module attributes {stable_mosaic.version = 14 : i64} {
  func.func @_sc_body(%arg0: i32, %arg1: i32, %arg2: memref<33554432xf32, #tpu.memory_space<hbm>>, %arg3: memref<20480xf32, #tpu.memory_space<hbm>>, %arg4: memref<33554432xf32, #tpu.memory_space<hbm>>, %arg5: memref<20480xf32, #tpu.memory_space<vmem>>, %arg6: memref<2x20480xf32, #tpu.memory_space<vmem>>, %arg7: memref<2x20480xf32, #tpu.memory_space<vmem>>, %arg8: memref<!tpu.dma_semaphore, #tpu.memory_space<semaphore_mem>>, %arg9: memref<!tpu.dma_semaphore, #tpu.memory_space<semaphore_mem>>, %arg10: memref<!tpu.dma_semaphore, #tpu.memory_space<semaphore_mem>>, %arg11: memref<!tpu.dma_semaphore, #tpu.memory_space<semaphore_mem>>, %arg12: memref<!tpu.dma_semaphore, #tpu.memory_space<semaphore_mem>>) attributes {dimension_semantics = [#tpu.dimension_semantics<core_parallel>, #tpu.dimension_semantics<subcore_parallel>], iteration_bounds = array<i64: 2, 16>, scalar_prefetch = 0 : i64, scratch_operands = 8 : i64, tpu.core_type = #tpu.core_type<sc_vector_subcore>, window_params = [{transform_indices = #map}, {transform_indices = #map}, {transform_indices = #map}]} {
    %mul3A = arith.constant 2 : i32
    %mul3A_0 = arith.muli %arg1, %mul3A : i32
    %add3A = arith.addi %mul3A_0, %arg0 : i32
    %mul3A_1 = arith.constant 1048576 : i32
    %mul3A_2 = arith.muli %add3A, %mul3A_1 : i32
    %mul3A_3 = arith.constant 512 : i32
    %mul3A_4 = arith.muli %add3A, %mul3A_3 : i32
    %rem3A = arith.constant 4096 : i32
    %rem3A_5 = arith.remsi %mul3A_4, %rem3A : i32
    %rem3A_6 = arith.constant 10 : i32
    %rem3A_7 = arith.remsi %rem3A_5, %rem3A_6 : i32
    %add3A_8 = arith.constant 0 : i32
    %add3A_9 = arith.addi %rem3A_7, %add3A_8 : i32
    %rem3A_10 = arith.constant 10 : i32
    %rem3A_11 = arith.remsi %add3A_9, %rem3A_10 : i32
    %mul3A_12 = arith.constant 2048 : i32
    %mul3A_13 = arith.muli %rem3A_11, %mul3A_12 : i32
    %dma_start3A = arith.constant 0 : i32
    %dma_start3A_14 = tpu.memref_slice %arg5[%dma_start3A] : memref<20480xf32, #tpu.memory_space<vmem>> -> memref<2048xf32, #tpu.memory_space<vmem>>
    %dma_start3A_15 = tpu.memref_slice %arg3[%mul3A_13] : memref<20480xf32, #tpu.memory_space<hbm>> -> memref<2048xf32, #tpu.memory_space<hbm>>
    %dma_start3A_16 = arith.constant 0 : i32
    %dma_start3A_17 = tpu.memref_slice %arg5[%dma_start3A_16] : memref<20480xf32, #tpu.memory_space<vmem>> -> memref<2048xf32, #tpu.memory_space<vmem>>
    %dma_start3A_18 = tpu.memref_slice %arg3[%mul3A_13] : memref<20480xf32, #tpu.memory_space<hbm>> -> memref<2048xf32, #tpu.memory_space<hbm>>
    tpu.enqueue_dma source(%dma_start3A_18 : memref<2048xf32, #tpu.memory_space<hbm>>) target(%dma_start3A_17 : memref<2048xf32, #tpu.memory_space<vmem>>) target_semaphore(%arg12 : memref<!tpu.dma_semaphore, #tpu.memory_space<semaphore_mem>>)
    %add3A_19 = arith.constant 1 : i32
    %add3A_20 = arith.addi %rem3A_7, %add3A_19 : i32
    %rem3A_21 = arith.constant 10 : i32
    %rem3A_22 = arith.remsi %add3A_20, %rem3A_21 : i32
    %mul3A_23 = arith.constant 2048 : i32
    %mul3A_24 = arith.muli %rem3A_22, %mul3A_23 : i32
    %dma_start3A_25 = arith.constant 2048 : i32
    %dma_start3A_26 = tpu.memref_slice %arg5[%dma_start3A_25] : memref<20480xf32, #tpu.memory_space<vmem>> -> memref<2048xf32, #tpu.memory_space<vmem>>
    %dma_start3A_27 = tpu.memref_slice %arg3[%mul3A_24] : memref<20480xf32, #tpu.memory_space<hbm>> -> memref<2048xf32, #tpu.memory_space<hbm>>
    %dma_start3A_28 = arith.constant 2048 : i32
    %dma_start3A_29 = tpu.memref_slice %arg5[%dma_start3A_28] : memref<20480xf32, #tpu.memory_space<vmem>> -> memref<2048xf32, #tpu.memory_space<vmem>>
    %dma_start3A_30 = tpu.memref_slice %arg3[%mul3A_24] : memref<20480xf32, #tpu.memory_space<hbm>> -> memref<2048xf32, #tpu.memory_space<hbm>>
    tpu.enqueue_dma source(%dma_start3A_30 : memref<2048xf32, #tpu.memory_space<hbm>>) target(%dma_start3A_29 : memref<2048xf32, #tpu.memory_space<vmem>>) target_semaphore(%arg12 : memref<!tpu.dma_semaphore, #tpu.memory_space<semaphore_mem>>)
    %add3A_31 = arith.constant 2 : i32
    %add3A_32 = arith.addi %rem3A_7, %add3A_31 : i32
    %rem3A_33 = arith.constant 10 : i32
    %rem3A_34 = arith.remsi %add3A_32, %rem3A_33 : i32
    %mul3A_35 = arith.constant 2048 : i32
    %mul3A_36 = arith.muli %rem3A_34, %mul3A_35 : i32
    %dma_start3A_37 = arith.constant 4096 : i32
    %dma_start3A_38 = tpu.memref_slice %arg5[%dma_start3A_37] : memref<20480xf32, #tpu.memory_space<vmem>> -> memref<2048xf32, #tpu.memory_space<vmem>>
    %dma_start3A_39 = tpu.memref_slice %arg3[%mul3A_36] : memref<20480xf32, #tpu.memory_space<hbm>> -> memref<2048xf32, #tpu.memory_space<hbm>>
    %dma_start3A_40 = arith.constant 4096 : i32
    %dma_start3A_41 = tpu.memref_slice %arg5[%dma_start3A_40] : memref<20480xf32, #tpu.memory_space<vmem>> -> memref<2048xf32, #tpu.memory_space<vmem>>
    %dma_start3A_42 = tpu.memref_slice %arg3[%mul3A_36] : memref<20480xf32, #tpu.memory_space<hbm>> -> memref<2048xf32, #tpu.memory_space<hbm>>
    tpu.enqueue_dma source(%dma_start3A_42 : memref<2048xf32, #tpu.memory_space<hbm>>) target(%dma_start3A_41 : memref<2048xf32, #tpu.memory_space<vmem>>) target_semaphore(%arg12 : memref<!tpu.dma_semaphore, #tpu.memory_space<semaphore_mem>>)
    %add3A_43 = arith.constant 3 : i32
    %add3A_44 = arith.addi %rem3A_7, %add3A_43 : i32
    %rem3A_45 = arith.constant 10 : i32
    %rem3A_46 = arith.remsi %add3A_44, %rem3A_45 : i32
    %mul3A_47 = arith.constant 2048 : i32
    %mul3A_48 = arith.muli %rem3A_46, %mul3A_47 : i32
    %dma_start3A_49 = arith.constant 6144 : i32
    %dma_start3A_50 = tpu.memref_slice %arg5[%dma_start3A_49] : memref<20480xf32, #tpu.memory_space<vmem>> -> memref<2048xf32, #tpu.memory_space<vmem>>
    %dma_start3A_51 = tpu.memref_slice %arg3[%mul3A_48] : memref<20480xf32, #tpu.memory_space<hbm>> -> memref<2048xf32, #tpu.memory_space<hbm>>
    %dma_start3A_52 = arith.constant 6144 : i32
    %dma_start3A_53 = tpu.memref_slice %arg5[%dma_start3A_52] : memref<20480xf32, #tpu.memory_space<vmem>> -> memref<2048xf32, #tpu.memory_space<vmem>>
    %dma_start3A_54 = tpu.memref_slice %arg3[%mul3A_48] : memref<20480xf32, #tpu.memory_space<hbm>> -> memref<2048xf32, #tpu.memory_space<hbm>>
    tpu.enqueue_dma source(%dma_start3A_54 : memref<2048xf32, #tpu.memory_space<hbm>>) target(%dma_start3A_53 : memref<2048xf32, #tpu.memory_space<vmem>>) target_semaphore(%arg12 : memref<!tpu.dma_semaphore, #tpu.memory_space<semaphore_mem>>)
    %add3A_55 = arith.constant 4 : i32
    %add3A_56 = arith.addi %rem3A_7, %add3A_55 : i32
    %rem3A_57 = arith.constant 10 : i32
    %rem3A_58 = arith.remsi %add3A_56, %rem3A_57 : i32
    %mul3A_59 = arith.constant 2048 : i32
    %mul3A_60 = arith.muli %rem3A_58, %mul3A_59 : i32
    %dma_start3A_61 = arith.constant 8192 : i32
    %dma_start3A_62 = tpu.memref_slice %arg5[%dma_start3A_61] : memref<20480xf32, #tpu.memory_space<vmem>> -> memref<2048xf32, #tpu.memory_space<vmem>>
    %dma_start3A_63 = tpu.memref_slice %arg3[%mul3A_60] : memref<20480xf32, #tpu.memory_space<hbm>> -> memref<2048xf32, #tpu.memory_space<hbm>>
    %dma_start3A_64 = arith.constant 8192 : i32
    %dma_start3A_65 = tpu.memref_slice %arg5[%dma_start3A_64] : memref<20480xf32, #tpu.memory_space<vmem>> -> memref<2048xf32, #tpu.memory_space<vmem>>
    %dma_start3A_66 = tpu.memref_slice %arg3[%mul3A_60] : memref<20480xf32, #tpu.memory_space<hbm>> -> memref<2048xf32, #tpu.memory_space<hbm>>
    tpu.enqueue_dma source(%dma_start3A_66 : memref<2048xf32, #tpu.memory_space<hbm>>) target(%dma_start3A_65 : memref<2048xf32, #tpu.memory_space<vmem>>) target_semaphore(%arg12 : memref<!tpu.dma_semaphore, #tpu.memory_space<semaphore_mem>>)
    %add3A_67 = arith.constant 5 : i32
    %add3A_68 = arith.addi %rem3A_7, %add3A_67 : i32
    %rem3A_69 = arith.constant 10 : i32
    %rem3A_70 = arith.remsi %add3A_68, %rem3A_69 : i32
    %mul3A_71 = arith.constant 2048 : i32
    %mul3A_72 = arith.muli %rem3A_70, %mul3A_71 : i32
    %dma_start3A_73 = arith.constant 10240 : i32
    %dma_start3A_74 = tpu.memref_slice %arg5[%dma_start3A_73] : memref<20480xf32, #tpu.memory_space<vmem>> -> memref<2048xf32, #tpu.memory_space<vmem>>
    %dma_start3A_75 = tpu.memref_slice %arg3[%mul3A_72] : memref<20480xf32, #tpu.memory_space<hbm>> -> memref<2048xf32, #tpu.memory_space<hbm>>
    %dma_start3A_76 = arith.constant 10240 : i32
    %dma_start3A_77 = tpu.memref_slice %arg5[%dma_start3A_76] : memref<20480xf32, #tpu.memory_space<vmem>> -> memref<2048xf32, #tpu.memory_space<vmem>>
    %dma_start3A_78 = tpu.memref_slice %arg3[%mul3A_72] : memref<20480xf32, #tpu.memory_space<hbm>> -> memref<2048xf32, #tpu.memory_space<hbm>>
    tpu.enqueue_dma source(%dma_start3A_78 : memref<2048xf32, #tpu.memory_space<hbm>>) target(%dma_start3A_77 : memref<2048xf32, #tpu.memory_space<vmem>>) target_semaphore(%arg12 : memref<!tpu.dma_semaphore, #tpu.memory_space<semaphore_mem>>)
    %add3A_79 = arith.constant 6 : i32
    %add3A_80 = arith.addi %rem3A_7, %add3A_79 : i32
    %rem3A_81 = arith.constant 10 : i32
    %rem3A_82 = arith.remsi %add3A_80, %rem3A_81 : i32
    %mul3A_83 = arith.constant 2048 : i32
    %mul3A_84 = arith.muli %rem3A_82, %mul3A_83 : i32
    %dma_start3A_85 = arith.constant 12288 : i32
    %dma_start3A_86 = tpu.memref_slice %arg5[%dma_start3A_85] : memref<20480xf32, #tpu.memory_space<vmem>> -> memref<2048xf32, #tpu.memory_space<vmem>>
    %dma_start3A_87 = tpu.memref_slice %arg3[%mul3A_84] : memref<20480xf32, #tpu.memory_space<hbm>> -> memref<2048xf32, #tpu.memory_space<hbm>>
    %dma_start3A_88 = arith.constant 12288 : i32
    %dma_start3A_89 = tpu.memref_slice %arg5[%dma_start3A_88] : memref<20480xf32, #tpu.memory_space<vmem>> -> memref<2048xf32, #tpu.memory_space<vmem>>
    %dma_start3A_90 = tpu.memref_slice %arg3[%mul3A_84] : memref<20480xf32, #tpu.memory_space<hbm>> -> memref<2048xf32, #tpu.memory_space<hbm>>
    tpu.enqueue_dma source(%dma_start3A_90 : memref<2048xf32, #tpu.memory_space<hbm>>) target(%dma_start3A_89 : memref<2048xf32, #tpu.memory_space<vmem>>) target_semaphore(%arg12 : memref<!tpu.dma_semaphore, #tpu.memory_space<semaphore_mem>>)
    %add3A_91 = arith.constant 7 : i32
    %add3A_92 = arith.addi %rem3A_7, %add3A_91 : i32
    %rem3A_93 = arith.constant 10 : i32
    %rem3A_94 = arith.remsi %add3A_92, %rem3A_93 : i32
    %mul3A_95 = arith.constant 2048 : i32
    %mul3A_96 = arith.muli %rem3A_94, %mul3A_95 : i32
    %dma_start3A_97 = arith.constant 14336 : i32
    %dma_start3A_98 = tpu.memref_slice %arg5[%dma_start3A_97] : memref<20480xf32, #tpu.memory_space<vmem>> -> memref<2048xf32, #tpu.memory_space<vmem>>
    %dma_start3A_99 = tpu.memref_slice %arg3[%mul3A_96] : memref<20480xf32, #tpu.memory_space<hbm>> -> memref<2048xf32, #tpu.memory_space<hbm>>
    %dma_start3A_100 = arith.constant 14336 : i32
    %dma_start3A_101 = tpu.memref_slice %arg5[%dma_start3A_100] : memref<20480xf32, #tpu.memory_space<vmem>> -> memref<2048xf32, #tpu.memory_space<vmem>>
    %dma_start3A_102 = tpu.memref_slice %arg3[%mul3A_96] : memref<20480xf32, #tpu.memory_space<hbm>> -> memref<2048xf32, #tpu.memory_space<hbm>>
    tpu.enqueue_dma source(%dma_start3A_102 : memref<2048xf32, #tpu.memory_space<hbm>>) target(%dma_start3A_101 : memref<2048xf32, #tpu.memory_space<vmem>>) target_semaphore(%arg12 : memref<!tpu.dma_semaphore, #tpu.memory_space<semaphore_mem>>)
    %add3A_103 = arith.constant 8 : i32
    %add3A_104 = arith.addi %rem3A_7, %add3A_103 : i32
    %rem3A_105 = arith.constant 10 : i32
    %rem3A_106 = arith.remsi %add3A_104, %rem3A_105 : i32
    %mul3A_107 = arith.constant 2048 : i32
    %mul3A_108 = arith.muli %rem3A_106, %mul3A_107 : i32
    %dma_start3A_109 = arith.constant 16384 : i32
    %dma_start3A_110 = tpu.memref_slice %arg5[%dma_start3A_109] : memref<20480xf32, #tpu.memory_space<vmem>> -> memref<2048xf32, #tpu.memory_space<vmem>>
    %dma_start3A_111 = tpu.memref_slice %arg3[%mul3A_108] : memref<20480xf32, #tpu.memory_space<hbm>> -> memref<2048xf32, #tpu.memory_space<hbm>>
    %dma_start3A_112 = arith.constant 16384 : i32
    %dma_start3A_113 = tpu.memref_slice %arg5[%dma_start3A_112] : memref<20480xf32, #tpu.memory_space<vmem>> -> memref<2048xf32, #tpu.memory_space<vmem>>
    %dma_start3A_114 = tpu.memref_slice %arg3[%mul3A_108] : memref<20480xf32, #tpu.memory_space<hbm>> -> memref<2048xf32, #tpu.memory_space<hbm>>
    tpu.enqueue_dma source(%dma_start3A_114 : memref<2048xf32, #tpu.memory_space<hbm>>) target(%dma_start3A_113 : memref<2048xf32, #tpu.memory_space<vmem>>) target_semaphore(%arg12 : memref<!tpu.dma_semaphore, #tpu.memory_space<semaphore_mem>>)
    %add3A_115 = arith.constant 9 : i32
    %add3A_116 = arith.addi %rem3A_7, %add3A_115 : i32
    %rem3A_117 = arith.constant 10 : i32
    %rem3A_118 = arith.remsi %add3A_116, %rem3A_117 : i32
    %mul3A_119 = arith.constant 2048 : i32
    %mul3A_120 = arith.muli %rem3A_118, %mul3A_119 : i32
    %dma_start3A_121 = arith.constant 18432 : i32
    %dma_start3A_122 = tpu.memref_slice %arg5[%dma_start3A_121] : memref<20480xf32, #tpu.memory_space<vmem>> -> memref<2048xf32, #tpu.memory_space<vmem>>
    %dma_start3A_123 = tpu.memref_slice %arg3[%mul3A_120] : memref<20480xf32, #tpu.memory_space<hbm>> -> memref<2048xf32, #tpu.memory_space<hbm>>
    %dma_start3A_124 = arith.constant 18432 : i32
    %dma_start3A_125 = tpu.memref_slice %arg5[%dma_start3A_124] : memref<20480xf32, #tpu.memory_space<vmem>> -> memref<2048xf32, #tpu.memory_space<vmem>>
    %dma_start3A_126 = tpu.memref_slice %arg3[%mul3A_120] : memref<20480xf32, #tpu.memory_space<hbm>> -> memref<2048xf32, #tpu.memory_space<hbm>>
    tpu.enqueue_dma source(%dma_start3A_126 : memref<2048xf32, #tpu.memory_space<hbm>>) target(%dma_start3A_125 : memref<2048xf32, #tpu.memory_space<vmem>>) target_semaphore(%arg12 : memref<!tpu.dma_semaphore, #tpu.memory_space<semaphore_mem>>)
    %dma_wait3A = arith.constant 0 : i32
    %dma_wait3A_127 = tpu.memref_slice %arg5[%dma_wait3A] : memref<20480xf32, #tpu.memory_space<vmem>> -> memref<2048xf32, #tpu.memory_space<vmem>>
    %dma_wait3A_128 = arith.constant 0 : i32
    %dma_wait3A_129 = tpu.memref_slice %arg3[%dma_wait3A_128] : memref<20480xf32, #tpu.memory_space<hbm>> -> memref<2048xf32, #tpu.memory_space<hbm>>
    %dma_wait3A_130 = arith.constant 0 : i32
    %dma_wait3A_131 = tpu.memref_slice %arg5[%dma_wait3A_130] : memref<20480xf32, #tpu.memory_space<vmem>> -> memref<2048xf32, #tpu.memory_space<vmem>>
    %dma_wait3A_132 = arith.constant 0 : i32
    %dma_wait3A_133 = tpu.memref_slice %arg3[%dma_wait3A_132] : memref<20480xf32, #tpu.memory_space<hbm>> -> memref<2048xf32, #tpu.memory_space<hbm>>
    tpu.wait_dma2 semaphore(%arg12 : memref<!tpu.dma_semaphore, #tpu.memory_space<semaphore_mem>>) src(%dma_wait3A_133 : memref<2048xf32, #tpu.memory_space<hbm>>) dst(%dma_wait3A_131 : memref<2048xf32, #tpu.memory_space<vmem>>)
    %dma_wait3A_134 = arith.constant 0 : i32
    %dma_wait3A_135 = tpu.memref_slice %arg5[%dma_wait3A_134] : memref<20480xf32, #tpu.memory_space<vmem>> -> memref<2048xf32, #tpu.memory_space<vmem>>
    %dma_wait3A_136 = arith.constant 0 : i32
    %dma_wait3A_137 = tpu.memref_slice %arg3[%dma_wait3A_136] : memref<20480xf32, #tpu.memory_space<hbm>> -> memref<2048xf32, #tpu.memory_space<hbm>>
    %dma_wait3A_138 = arith.constant 0 : i32
    %dma_wait3A_139 = tpu.memref_slice %arg5[%dma_wait3A_138] : memref<20480xf32, #tpu.memory_space<vmem>> -> memref<2048xf32, #tpu.memory_space<vmem>>
    %dma_wait3A_140 = arith.constant 0 : i32
    %dma_wait3A_141 = tpu.memref_slice %arg3[%dma_wait3A_140] : memref<20480xf32, #tpu.memory_space<hbm>> -> memref<2048xf32, #tpu.memory_space<hbm>>
    tpu.wait_dma2 semaphore(%arg12 : memref<!tpu.dma_semaphore, #tpu.memory_space<semaphore_mem>>) src(%dma_wait3A_141 : memref<2048xf32, #tpu.memory_space<hbm>>) dst(%dma_wait3A_139 : memref<2048xf32, #tpu.memory_space<vmem>>)
    %dma_wait3A_142 = arith.constant 0 : i32
    %dma_wait3A_143 = tpu.memref_slice %arg5[%dma_wait3A_142] : memref<20480xf32, #tpu.memory_space<vmem>> -> memref<2048xf32, #tpu.memory_space<vmem>>
    %dma_wait3A_144 = arith.constant 0 : i32
    %dma_wait3A_145 = tpu.memref_slice %arg3[%dma_wait3A_144] : memref<20480xf32, #tpu.memory_space<hbm>> -> memref<2048xf32, #tpu.memory_space<hbm>>
    %dma_wait3A_146 = arith.constant 0 : i32
    %dma_wait3A_147 = tpu.memref_slice %arg5[%dma_wait3A_146] : memref<20480xf32, #tpu.memory_space<vmem>> -> memref<2048xf32, #tpu.memory_space<vmem>>
    %dma_wait3A_148 = arith.constant 0 : i32
    %dma_wait3A_149 = tpu.memref_slice %arg3[%dma_wait3A_148] : memref<20480xf32, #tpu.memory_space<hbm>> -> memref<2048xf32, #tpu.memory_space<hbm>>
    tpu.wait_dma2 semaphore(%arg12 : memref<!tpu.dma_semaphore, #tpu.memory_space<semaphore_mem>>) src(%dma_wait3A_149 : memref<2048xf32, #tpu.memory_space<hbm>>) dst(%dma_wait3A_147 : memref<2048xf32, #tpu.memory_space<vmem>>)
    %dma_wait3A_150 = arith.constant 0 : i32
    %dma_wait3A_151 = tpu.memref_slice %arg5[%dma_wait3A_150] : memref<20480xf32, #tpu.memory_space<vmem>> -> memref<2048xf32, #tpu.memory_space<vmem>>
    %dma_wait3A_152 = arith.constant 0 : i32
    %dma_wait3A_153 = tpu.memref_slice %arg3[%dma_wait3A_152] : memref<20480xf32, #tpu.memory_space<hbm>> -> memref<2048xf32, #tpu.memory_space<hbm>>
    %dma_wait3A_154 = arith.constant 0 : i32
    %dma_wait3A_155 = tpu.memref_slice %arg5[%dma_wait3A_154] : memref<20480xf32, #tpu.memory_space<vmem>> -> memref<2048xf32, #tpu.memory_space<vmem>>
    %dma_wait3A_156 = arith.constant 0 : i32
    %dma_wait3A_157 = tpu.memref_slice %arg3[%dma_wait3A_156] : memref<20480xf32, #tpu.memory_space<hbm>> -> memref<2048xf32, #tpu.memory_space<hbm>>
    tpu.wait_dma2 semaphore(%arg12 : memref<!tpu.dma_semaphore, #tpu.memory_space<semaphore_mem>>) src(%dma_wait3A_157 : memref<2048xf32, #tpu.memory_space<hbm>>) dst(%dma_wait3A_155 : memref<2048xf32, #tpu.memory_space<vmem>>)
    %dma_wait3A_158 = arith.constant 0 : i32
    %dma_wait3A_159 = tpu.memref_slice %arg5[%dma_wait3A_158] : memref<20480xf32, #tpu.memory_space<vmem>> -> memref<2048xf32, #tpu.memory_space<vmem>>
    %dma_wait3A_160 = arith.constant 0 : i32
    %dma_wait3A_161 = tpu.memref_slice %arg3[%dma_wait3A_160] : memref<20480xf32, #tpu.memory_space<hbm>> -> memref<2048xf32, #tpu.memory_space<hbm>>
    %dma_wait3A_162 = arith.constant 0 : i32
    %dma_wait3A_163 = tpu.memref_slice %arg5[%dma_wait3A_162] : memref<20480xf32, #tpu.memory_space<vmem>> -> memref<2048xf32, #tpu.memory_space<vmem>>
    %dma_wait3A_164 = arith.constant 0 : i32
    %dma_wait3A_165 = tpu.memref_slice %arg3[%dma_wait3A_164] : memref<20480xf32, #tpu.memory_space<hbm>> -> memref<2048xf32, #tpu.memory_space<hbm>>
    tpu.wait_dma2 semaphore(%arg12 : memref<!tpu.dma_semaphore, #tpu.memory_space<semaphore_mem>>) src(%dma_wait3A_165 : memref<2048xf32, #tpu.memory_space<hbm>>) dst(%dma_wait3A_163 : memref<2048xf32, #tpu.memory_space<vmem>>)
    %dma_wait3A_166 = arith.constant 0 : i32
    %dma_wait3A_167 = tpu.memref_slice %arg5[%dma_wait3A_166] : memref<20480xf32, #tpu.memory_space<vmem>> -> memref<2048xf32, #tpu.memory_space<vmem>>
    %dma_wait3A_168 = arith.constant 0 : i32
    %dma_wait3A_169 = tpu.memref_slice %arg3[%dma_wait3A_168] : memref<20480xf32, #tpu.memory_space<hbm>> -> memref<2048xf32, #tpu.memory_space<hbm>>
    %dma_wait3A_170 = arith.constant 0 : i32
    %dma_wait3A_171 = tpu.memref_slice %arg5[%dma_wait3A_170] : memref<20480xf32, #tpu.memory_space<vmem>> -> memref<2048xf32, #tpu.memory_space<vmem>>
    %dma_wait3A_172 = arith.constant 0 : i32
    %dma_wait3A_173 = tpu.memref_slice %arg3[%dma_wait3A_172] : memref<20480xf32, #tpu.memory_space<hbm>> -> memref<2048xf32, #tpu.memory_space<hbm>>
    tpu.wait_dma2 semaphore(%arg12 : memref<!tpu.dma_semaphore, #tpu.memory_space<semaphore_mem>>) src(%dma_wait3A_173 : memref<2048xf32, #tpu.memory_space<hbm>>) dst(%dma_wait3A_171 : memref<2048xf32, #tpu.memory_space<vmem>>)
    %dma_wait3A_174 = arith.constant 0 : i32
    %dma_wait3A_175 = tpu.memref_slice %arg5[%dma_wait3A_174] : memref<20480xf32, #tpu.memory_space<vmem>> -> memref<2048xf32, #tpu.memory_space<vmem>>
    %dma_wait3A_176 = arith.constant 0 : i32
    %dma_wait3A_177 = tpu.memref_slice %arg3[%dma_wait3A_176] : memref<20480xf32, #tpu.memory_space<hbm>> -> memref<2048xf32, #tpu.memory_space<hbm>>
    %dma_wait3A_178 = arith.constant 0 : i32
    %dma_wait3A_179 = tpu.memref_slice %arg5[%dma_wait3A_178] : memref<20480xf32, #tpu.memory_space<vmem>> -> memref<2048xf32, #tpu.memory_space<vmem>>
    %dma_wait3A_180 = arith.constant 0 : i32
    %dma_wait3A_181 = tpu.memref_slice %arg3[%dma_wait3A_180] : memref<20480xf32, #tpu.memory_space<hbm>> -> memref<2048xf32, #tpu.memory_space<hbm>>
    tpu.wait_dma2 semaphore(%arg12 : memref<!tpu.dma_semaphore, #tpu.memory_space<semaphore_mem>>) src(%dma_wait3A_181 : memref<2048xf32, #tpu.memory_space<hbm>>) dst(%dma_wait3A_179 : memref<2048xf32, #tpu.memory_space<vmem>>)
    %dma_wait3A_182 = arith.constant 0 : i32
    %dma_wait3A_183 = tpu.memref_slice %arg5[%dma_wait3A_182] : memref<20480xf32, #tpu.memory_space<vmem>> -> memref<2048xf32, #tpu.memory_space<vmem>>
    %dma_wait3A_184 = arith.constant 0 : i32
    %dma_wait3A_185 = tpu.memref_slice %arg3[%dma_wait3A_184] : memref<20480xf32, #tpu.memory_space<hbm>> -> memref<2048xf32, #tpu.memory_space<hbm>>
    %dma_wait3A_186 = arith.constant 0 : i32
    %dma_wait3A_187 = tpu.memref_slice %arg5[%dma_wait3A_186] : memref<20480xf32, #tpu.memory_space<vmem>> -> memref<2048xf32, #tpu.memory_space<vmem>>
    %dma_wait3A_188 = arith.constant 0 : i32
    %dma_wait3A_189 = tpu.memref_slice %arg3[%dma_wait3A_188] : memref<20480xf32, #tpu.memory_space<hbm>> -> memref<2048xf32, #tpu.memory_space<hbm>>
    tpu.wait_dma2 semaphore(%arg12 : memref<!tpu.dma_semaphore, #tpu.memory_space<semaphore_mem>>) src(%dma_wait3A_189 : memref<2048xf32, #tpu.memory_space<hbm>>) dst(%dma_wait3A_187 : memref<2048xf32, #tpu.memory_space<vmem>>)
    %dma_wait3A_190 = arith.constant 0 : i32
    %dma_wait3A_191 = tpu.memref_slice %arg5[%dma_wait3A_190] : memref<20480xf32, #tpu.memory_space<vmem>> -> memref<2048xf32, #tpu.memory_space<vmem>>
    %dma_wait3A_192 = arith.constant 0 : i32
    %dma_wait3A_193 = tpu.memref_slice %arg3[%dma_wait3A_192] : memref<20480xf32, #tpu.memory_space<hbm>> -> memref<2048xf32, #tpu.memory_space<hbm>>
    %dma_wait3A_194 = arith.constant 0 : i32
    %dma_wait3A_195 = tpu.memref_slice %arg5[%dma_wait3A_194] : memref<20480xf32, #tpu.memory_space<vmem>> -> memref<2048xf32, #tpu.memory_space<vmem>>
    %dma_wait3A_196 = arith.constant 0 : i32
    %dma_wait3A_197 = tpu.memref_slice %arg3[%dma_wait3A_196] : memref<20480xf32, #tpu.memory_space<hbm>> -> memref<2048xf32, #tpu.memory_space<hbm>>
    tpu.wait_dma2 semaphore(%arg12 : memref<!tpu.dma_semaphore, #tpu.memory_space<semaphore_mem>>) src(%dma_wait3A_197 : memref<2048xf32, #tpu.memory_space<hbm>>) dst(%dma_wait3A_195 : memref<2048xf32, #tpu.memory_space<vmem>>)
    %dma_wait3A_198 = arith.constant 0 : i32
    %dma_wait3A_199 = tpu.memref_slice %arg5[%dma_wait3A_198] : memref<20480xf32, #tpu.memory_space<vmem>> -> memref<2048xf32, #tpu.memory_space<vmem>>
    %dma_wait3A_200 = arith.constant 0 : i32
    %dma_wait3A_201 = tpu.memref_slice %arg3[%dma_wait3A_200] : memref<20480xf32, #tpu.memory_space<hbm>> -> memref<2048xf32, #tpu.memory_space<hbm>>
    %dma_wait3A_202 = arith.constant 0 : i32
    %dma_wait3A_203 = tpu.memref_slice %arg5[%dma_wait3A_202] : memref<20480xf32, #tpu.memory_space<vmem>> -> memref<2048xf32, #tpu.memory_space<vmem>>
    %dma_wait3A_204 = arith.constant 0 : i32
    %dma_wait3A_205 = tpu.memref_slice %arg3[%dma_wait3A_204] : memref<20480xf32, #tpu.memory_space<hbm>> -> memref<2048xf32, #tpu.memory_space<hbm>>
    tpu.wait_dma2 semaphore(%arg12 : memref<!tpu.dma_semaphore, #tpu.memory_space<semaphore_mem>>) src(%dma_wait3A_205 : memref<2048xf32, #tpu.memory_space<hbm>>) dst(%dma_wait3A_203 : memref<2048xf32, #tpu.memory_space<vmem>>)
    %add3A_206 = arith.constant 0 : i32
    %add3A_207 = arith.addi %mul3A_2, %add3A_206 : i32
    %dma_start3A_208 = arith.constant 0 : i32
    %dma_start3A_209 = arith.constant 0 : i32
    %dma_start3A_210 = tpu.memref_slice %arg6[%dma_start3A_208, %dma_start3A_209] : memref<2x20480xf32, #tpu.memory_space<vmem>> -> memref<1x20480xf32, #tpu.memory_space<vmem>>
    %dma_start3A_211 = tpu.memref_squeeze %dma_start3A_210 : memref<1x20480xf32, #tpu.memory_space<vmem>> -> memref<20480xf32, #tpu.memory_space<vmem>>
    %dma_start3A_212 = tpu.memref_slice %arg2[%add3A_207] : memref<33554432xf32, #tpu.memory_space<hbm>> -> memref<20480xf32, #tpu.memory_space<hbm>>
    %dma_start3A_213 = arith.constant 0 : i32
    %dma_start3A_214 = tpu.memref_slice %arg6[%dma_start3A_208, %dma_start3A_213] : memref<2x20480xf32, #tpu.memory_space<vmem>> -> memref<1x20480xf32, #tpu.memory_space<vmem>>
    %dma_start3A_215 = tpu.memref_squeeze %dma_start3A_214 : memref<1x20480xf32, #tpu.memory_space<vmem>> -> memref<20480xf32, #tpu.memory_space<vmem>>
    %dma_start3A_216 = tpu.memref_slice %arg2[%add3A_207] : memref<33554432xf32, #tpu.memory_space<hbm>> -> memref<20480xf32, #tpu.memory_space<hbm>>
    tpu.enqueue_dma source(%dma_start3A_216 : memref<20480xf32, #tpu.memory_space<hbm>>) target(%dma_start3A_215 : memref<20480xf32, #tpu.memory_space<vmem>>) target_semaphore(%arg8 : memref<!tpu.dma_semaphore, #tpu.memory_space<semaphore_mem>>)
    %add3A_217 = arith.constant 20480 : i32
    %add3A_218 = arith.addi %mul3A_2, %add3A_217 : i32
    %dma_start3A_219 = arith.constant 1 : i32
    %dma_start3A_220 = arith.constant 0 : i32
    %dma_start3A_221 = tpu.memref_slice %arg6[%dma_start3A_219, %dma_start3A_220] : memref<2x20480xf32, #tpu.memory_space<vmem>> -> memref<1x20480xf32, #tpu.memory_space<vmem>>
    %dma_start3A_222 = tpu.memref_squeeze %dma_start3A_221 : memref<1x20480xf32, #tpu.memory_space<vmem>> -> memref<20480xf32, #tpu.memory_space<vmem>>
    %dma_start3A_223 = tpu.memref_slice %arg2[%add3A_218] : memref<33554432xf32, #tpu.memory_space<hbm>> -> memref<20480xf32, #tpu.memory_space<hbm>>
    %dma_start3A_224 = arith.constant 0 : i32
    %dma_start3A_225 = tpu.memref_slice %arg6[%dma_start3A_219, %dma_start3A_224] : memref<2x20480xf32, #tpu.memory_space<vmem>> -> memref<1x20480xf32, #tpu.memory_space<vmem>>
    %dma_start3A_226 = tpu.memref_squeeze %dma_start3A_225 : memref<1x20480xf32, #tpu.memory_space<vmem>> -> memref<20480xf32, #tpu.memory_space<vmem>>
    %dma_start3A_227 = tpu.memref_slice %arg2[%add3A_218] : memref<33554432xf32, #tpu.memory_space<hbm>> -> memref<20480xf32, #tpu.memory_space<hbm>>
    tpu.enqueue_dma source(%dma_start3A_227 : memref<20480xf32, #tpu.memory_space<hbm>>) target(%dma_start3A_226 : memref<20480xf32, #tpu.memory_space<vmem>>) target_semaphore(%arg9 : memref<!tpu.dma_semaphore, #tpu.memory_space<semaphore_mem>>)
    %add3A_228 = arith.constant 0 : i32
    %add3A_229 = arith.addi %mul3A_2, %add3A_228 : i32
    %dma_wait3A_230 = arith.constant 0 : i32
    %dma_wait3A_231 = arith.constant 0 : i32
    %dma_wait3A_232 = tpu.memref_slice %arg6[%dma_wait3A_230, %dma_wait3A_231] : memref<2x20480xf32, #tpu.memory_space<vmem>> -> memref<1x20480xf32, #tpu.memory_space<vmem>>
    %dma_wait3A_233 = tpu.memref_squeeze %dma_wait3A_232 : memref<1x20480xf32, #tpu.memory_space<vmem>> -> memref<20480xf32, #tpu.memory_space<vmem>>
    %dma_wait3A_234 = tpu.memref_slice %arg2[%add3A_229] : memref<33554432xf32, #tpu.memory_space<hbm>> -> memref<20480xf32, #tpu.memory_space<hbm>>
    %dma_wait3A_235 = arith.constant 0 : i32
    %dma_wait3A_236 = tpu.memref_slice %arg6[%dma_wait3A_230, %dma_wait3A_235] : memref<2x20480xf32, #tpu.memory_space<vmem>> -> memref<1x20480xf32, #tpu.memory_space<vmem>>
    %dma_wait3A_237 = tpu.memref_squeeze %dma_wait3A_236 : memref<1x20480xf32, #tpu.memory_space<vmem>> -> memref<20480xf32, #tpu.memory_space<vmem>>
    %dma_wait3A_238 = tpu.memref_slice %arg2[%add3A_229] : memref<33554432xf32, #tpu.memory_space<hbm>> -> memref<20480xf32, #tpu.memory_space<hbm>>
    tpu.wait_dma2 semaphore(%arg8 : memref<!tpu.dma_semaphore, #tpu.memory_space<semaphore_mem>>) src(%dma_wait3A_238 : memref<20480xf32, #tpu.memory_space<hbm>>) dst(%dma_wait3A_237 : memref<20480xf32, #tpu.memory_space<vmem>>)
    %parallel_loop3A = arith.constant 0 : i32
    %parallel_loop3A_239 = arith.constant 128 : i32
    %parallel_loop3A_240 = arith.constant 1 : i32
    scf.for %parallel_loop3A_492 = %parallel_loop3A to %parallel_loop3A_239 step %parallel_loop3A_240  : i32 {
      %parallel_loop3A_493 = arith.constant 16 : i32
      %parallel_loop3A_494 = arith.muli %parallel_loop3A_492, %parallel_loop3A_493 : i32
      %parallel_loop3A_495 = tpu.assume_multiple %parallel_loop3A_494, 16 : i32
      %parallel_loop3A_496 = arith.constant 0 : i32
      %parallel_loop3A_497 = arith.addi %parallel_loop3A_496, %parallel_loop3A_495 : i32
      %parallel_loop3A_498 = arith.constant 0 : i32
      %parallel_loop3A_499 = arith.index_cast %parallel_loop3A_498 : i32 to index
      %parallel_loop3A_500 = arith.index_cast %parallel_loop3A_497 : i32 to index
      %parallel_loop3A_501 = tpu.vector_load %arg6[%parallel_loop3A_499, %parallel_loop3A_500] {strides = array<i32>} : memref<2x20480xf32, #tpu.memory_space<vmem>>, vector<1x16xf32>,
      %parallel_loop3A_502 = vector.shape_cast %parallel_loop3A_501 : vector<1x16xf32> to vector<16xf32>
      %parallel_loop3A_503 = arith.constant 0 : i32
      %parallel_loop3A_504 = arith.addi %parallel_loop3A_503, %parallel_loop3A_495 : i32
      %parallel_loop3A_505 = arith.index_cast %parallel_loop3A_504 : i32 to index
      %parallel_loop3A_506 = tpu.vector_load %arg5[%parallel_loop3A_505] {strides = array<i32>} : memref<20480xf32, #tpu.memory_space<vmem>>, vector<16xf32>,
      %parallel_loop3A_507 = vector.shape_cast %parallel_loop3A_506 : vector<16xf32> to vector<16xf32>
      %parallel_loop3A_508 = arith.addf %parallel_loop3A_502, %parallel_loop3A_507 : vector<16xf32>
      %parallel_loop3A_509 = arith.constant 0 : i32
      %parallel_loop3A_510 = arith.addi %parallel_loop3A_509, %parallel_loop3A_495 : i32
      %parallel_loop3A_511 = arith.constant 0 : i32
      %parallel_loop3A_512 = arith.index_cast %parallel_loop3A_511 : i32 to index
      %parallel_loop3A_513 = arith.index_cast %parallel_loop3A_510 : i32 to index
      %parallel_loop3A_514 = tpu.vector_load %arg7[%parallel_loop3A_512, %parallel_loop3A_513] {strides = array<i32>} : memref<2x20480xf32, #tpu.memory_space<vmem>>, vector<1x16xf32>,
      %parallel_loop3A_515 = vector.shape_cast %parallel_loop3A_514 : vector<1x16xf32> to vector<16xf32>
      %parallel_loop3A_516 = vector.shape_cast %parallel_loop3A_508 : vector<16xf32> to vector<1x16xf32>
      tpu.vector_store %arg7[%parallel_loop3A_512, %parallel_loop3A_513], %parallel_loop3A_516 {strides = array<i32>} : memref<2x20480xf32, #tpu.memory_space<vmem>>, vector<1x16xf32>,
      %parallel_loop3A_517 = arith.constant 2048 : i32
      %parallel_loop3A_518 = arith.addi %parallel_loop3A_517, %parallel_loop3A_495 : i32
      %parallel_loop3A_519 = arith.constant 0 : i32
      %parallel_loop3A_520 = arith.index_cast %parallel_loop3A_519 : i32 to index
      %parallel_loop3A_521 = arith.index_cast %parallel_loop3A_518 : i32 to index
      %parallel_loop3A_522 = tpu.vector_load %arg6[%parallel_loop3A_520, %parallel_loop3A_521] {strides = array<i32>} : memref<2x20480xf32, #tpu.memory_space<vmem>>, vector<1x16xf32>,
      %parallel_loop3A_523 = vector.shape_cast %parallel_loop3A_522 : vector<1x16xf32> to vector<16xf32>
      %parallel_loop3A_524 = arith.constant 2048 : i32
      %parallel_loop3A_525 = arith.addi %parallel_loop3A_524, %parallel_loop3A_495 : i32
      %parallel_loop3A_526 = arith.index_cast %parallel_loop3A_525 : i32 to index
      %parallel_loop3A_527 = tpu.vector_load %arg5[%parallel_loop3A_526] {strides = array<i32>} : memref<20480xf32, #tpu.memory_space<vmem>>, vector<16xf32>,
      %parallel_loop3A_528 = vector.shape_cast %parallel_loop3A_527 : vector<16xf32> to vector<16xf32>
      %parallel_loop3A_529 = arith.addf %parallel_loop3A_523, %parallel_loop3A_528 : vector<16xf32>
      %parallel_loop3A_530 = arith.constant 2048 : i32
      %parallel_loop3A_531 = arith.addi %parallel_loop3A_530, %parallel_loop3A_495 : i32
      %parallel_loop3A_532 = arith.constant 0 : i32
      %parallel_loop3A_533 = arith.index_cast %parallel_loop3A_532 : i32 to index
      %parallel_loop3A_534 = arith.index_cast %parallel_loop3A_531 : i32 to index
      %parallel_loop3A_535 = tpu.vector_load %arg7[%parallel_loop3A_533, %parallel_loop3A_534] {strides = array<i32>} : memref<2x20480xf32, #tpu.memory_space<vmem>>, vector<1x16xf32>,
      %parallel_loop3A_536 = vector.shape_cast %parallel_loop3A_535 : vector<1x16xf32> to vector<16xf32>
      %parallel_loop3A_537 = vector.shape_cast %parallel_loop3A_529 : vector<16xf32> to vector<1x16xf32>
      tpu.vector_store %arg7[%parallel_loop3A_533, %parallel_loop3A_534], %parallel_loop3A_537 {strides = array<i32>} : memref<2x20480xf32, #tpu.memory_space<vmem>>, vector<1x16xf32>,
      %parallel_loop3A_538 = arith.constant 4096 : i32
      %parallel_loop3A_539 = arith.addi %parallel_loop3A_538, %parallel_loop3A_495 : i32
      %parallel_loop3A_540 = arith.constant 0 : i32
      %parallel_loop3A_541 = arith.index_cast %parallel_loop3A_540 : i32 to index
      %parallel_loop3A_542 = arith.index_cast %parallel_loop3A_539 : i32 to index
      %parallel_loop3A_543 = tpu.vector_load %arg6[%parallel_loop3A_541, %parallel_loop3A_542] {strides = array<i32>} : memref<2x20480xf32, #tpu.memory_space<vmem>>, vector<1x16xf32>,
      %parallel_loop3A_544 = vector.shape_cast %parallel_loop3A_543 : vector<1x16xf32> to vector<16xf32>
      %parallel_loop3A_545 = arith.constant 4096 : i32
      %parallel_loop3A_546 = arith.addi %parallel_loop3A_545, %parallel_loop3A_495 : i32
      %parallel_loop3A_547 = arith.index_cast %parallel_loop3A_546 : i32 to index
      %parallel_loop3A_548 = tpu.vector_load %arg5[%parallel_loop3A_547] {strides = array<i32>} : memref<20480xf32, #tpu.memory_space<vmem>>, vector<16xf32>,
      %parallel_loop3A_549 = vector.shape_cast %parallel_loop3A_548 : vector<16xf32> to vector<16xf32>
      %parallel_loop3A_550 = arith.addf %parallel_loop3A_544, %parallel_loop3A_549 : vector<16xf32>
      %parallel_loop3A_551 = arith.constant 4096 : i32
      %parallel_loop3A_552 = arith.addi %parallel_loop3A_551, %parallel_loop3A_495 : i32
      %parallel_loop3A_553 = arith.constant 0 : i32
      %parallel_loop3A_554 = arith.index_cast %parallel_loop3A_553 : i32 to index
      %parallel_loop3A_555 = arith.index_cast %parallel_loop3A_552 : i32 to index
      %parallel_loop3A_556 = tpu.vector_load %arg7[%parallel_loop3A_554, %parallel_loop3A_555] {strides = array<i32>} : memref<2x20480xf32, #tpu.memory_space<vmem>>, vector<1x16xf32>,
      %parallel_loop3A_557 = vector.shape_cast %parallel_loop3A_556 : vector<1x16xf32> to vector<16xf32>
      %parallel_loop3A_558 = vector.shape_cast %parallel_loop3A_550 : vector<16xf32> to vector<1x16xf32>
      tpu.vector_store %arg7[%parallel_loop3A_554, %parallel_loop3A_555], %parallel_loop3A_558 {strides = array<i32>} : memref<2x20480xf32, #tpu.memory_space<vmem>>, vector<1x16xf32>,
      %parallel_loop3A_559 = arith.constant 6144 : i32
      %parallel_loop3A_560 = arith.addi %parallel_loop3A_559, %parallel_loop3A_495 : i32
      %parallel_loop3A_561 = arith.constant 0 : i32
      %parallel_loop3A_562 = arith.index_cast %parallel_loop3A_561 : i32 to index
      %parallel_loop3A_563 = arith.index_cast %parallel_loop3A_560 : i32 to index
      %parallel_loop3A_564 = tpu.vector_load %arg6[%parallel_loop3A_562, %parallel_loop3A_563] {strides = array<i32>} : memref<2x20480xf32, #tpu.memory_space<vmem>>, vector<1x16xf32>,
      %parallel_loop3A_565 = vector.shape_cast %parallel_loop3A_564 : vector<1x16xf32> to vector<16xf32>
      %parallel_loop3A_566 = arith.constant 6144 : i32
      %parallel_loop3A_567 = arith.addi %parallel_loop3A_566, %parallel_loop3A_495 : i32
      %parallel_loop3A_568 = arith.index_cast %parallel_loop3A_567 : i32 to index
      %parallel_loop3A_569 = tpu.vector_load %arg5[%parallel_loop3A_568] {strides = array<i32>} : memref<20480xf32, #tpu.memory_space<vmem>>, vector<16xf32>,
      %parallel_loop3A_570 = vector.shape_cast %parallel_loop3A_569 : vector<16xf32> to vector<16xf32>
      %parallel_loop3A_571 = arith.addf %parallel_loop3A_565, %parallel_loop3A_570 : vector<16xf32>
      %parallel_loop3A_572 = arith.constant 6144 : i32
      %parallel_loop3A_573 = arith.addi %parallel_loop3A_572, %parallel_loop3A_495 : i32
      %parallel_loop3A_574 = arith.constant 0 : i32
      %parallel_loop3A_575 = arith.index_cast %parallel_loop3A_574 : i32 to index
      %parallel_loop3A_576 = arith.index_cast %parallel_loop3A_573 : i32 to index
      %parallel_loop3A_577 = tpu.vector_load %arg7[%parallel_loop3A_575, %parallel_loop3A_576] {strides = array<i32>} : memref<2x20480xf32, #tpu.memory_space<vmem>>, vector<1x16xf32>,
      %parallel_loop3A_578 = vector.shape_cast %parallel_loop3A_577 : vector<1x16xf32> to vector<16xf32>
      %parallel_loop3A_579 = vector.shape_cast %parallel_loop3A_571 : vector<16xf32> to vector<1x16xf32>
      tpu.vector_store %arg7[%parallel_loop3A_575, %parallel_loop3A_576], %parallel_loop3A_579 {strides = array<i32>} : memref<2x20480xf32, #tpu.memory_space<vmem>>, vector<1x16xf32>,
      %parallel_loop3A_580 = arith.constant 8192 : i32
      %parallel_loop3A_581 = arith.addi %parallel_loop3A_580, %parallel_loop3A_495 : i32
      %parallel_loop3A_582 = arith.constant 0 : i32
      %parallel_loop3A_583 = arith.index_cast %parallel_loop3A_582 : i32 to index
      %parallel_loop3A_584 = arith.index_cast %parallel_loop3A_581 : i32 to index
      %parallel_loop3A_585 = tpu.vector_load %arg6[%parallel_loop3A_583, %parallel_loop3A_584] {strides = array<i32>} : memref<2x20480xf32, #tpu.memory_space<vmem>>, vector<1x16xf32>,
      %parallel_loop3A_586 = vector.shape_cast %parallel_loop3A_585 : vector<1x16xf32> to vector<16xf32>
      %parallel_loop3A_587 = arith.constant 8192 : i32
      %parallel_loop3A_588 = arith.addi %parallel_loop3A_587, %parallel_loop3A_495 : i32
      %parallel_loop3A_589 = arith.index_cast %parallel_loop3A_588 : i32 to index
      %parallel_loop3A_590 = tpu.vector_load %arg5[%parallel_loop3A_589] {strides = array<i32>} : memref<20480xf32, #tpu.memory_space<vmem>>, vector<16xf32>,
      %parallel_loop3A_591 = vector.shape_cast %parallel_loop3A_590 : vector<16xf32> to vector<16xf32>
      %parallel_loop3A_592 = arith.addf %parallel_loop3A_586, %parallel_loop3A_591 : vector<16xf32>
      %parallel_loop3A_593 = arith.constant 8192 : i32
      %parallel_loop3A_594 = arith.addi %parallel_loop3A_593, %parallel_loop3A_495 : i32
      %parallel_loop3A_595 = arith.constant 0 : i32
      %parallel_loop3A_596 = arith.index_cast %parallel_loop3A_595 : i32 to index
      %parallel_loop3A_597 = arith.index_cast %parallel_loop3A_594 : i32 to index
      %parallel_loop3A_598 = tpu.vector_load %arg7[%parallel_loop3A_596, %parallel_loop3A_597] {strides = array<i32>} : memref<2x20480xf32, #tpu.memory_space<vmem>>, vector<1x16xf32>,
      %parallel_loop3A_599 = vector.shape_cast %parallel_loop3A_598 : vector<1x16xf32> to vector<16xf32>
      %parallel_loop3A_600 = vector.shape_cast %parallel_loop3A_592 : vector<16xf32> to vector<1x16xf32>
      tpu.vector_store %arg7[%parallel_loop3A_596, %parallel_loop3A_597], %parallel_loop3A_600 {strides = array<i32>} : memref<2x20480xf32, #tpu.memory_space<vmem>>, vector<1x16xf32>,
      %parallel_loop3A_601 = arith.constant 10240 : i32
      %parallel_loop3A_602 = arith.addi %parallel_loop3A_601, %parallel_loop3A_495 : i32
      %parallel_loop3A_603 = arith.constant 0 : i32
      %parallel_loop3A_604 = arith.index_cast %parallel_loop3A_603 : i32 to index
      %parallel_loop3A_605 = arith.index_cast %parallel_loop3A_602 : i32 to index
      %parallel_loop3A_606 = tpu.vector_load %arg6[%parallel_loop3A_604, %parallel_loop3A_605] {strides = array<i32>} : memref<2x20480xf32, #tpu.memory_space<vmem>>, vector<1x16xf32>,
      %parallel_loop3A_607 = vector.shape_cast %parallel_loop3A_606 : vector<1x16xf32> to vector<16xf32>
      %parallel_loop3A_608 = arith.constant 10240 : i32
      %parallel_loop3A_609 = arith.addi %parallel_loop3A_608, %parallel_loop3A_495 : i32
      %parallel_loop3A_610 = arith.index_cast %parallel_loop3A_609 : i32 to index
      %parallel_loop3A_611 = tpu.vector_load %arg5[%parallel_loop3A_610] {strides = array<i32>} : memref<20480xf32, #tpu.memory_space<vmem>>, vector<16xf32>,
      %parallel_loop3A_612 = vector.shape_cast %parallel_loop3A_611 : vector<16xf32> to vector<16xf32>
      %parallel_loop3A_613 = arith.addf %parallel_loop3A_607, %parallel_loop3A_612 : vector<16xf32>
      %parallel_loop3A_614 = arith.constant 10240 : i32
      %parallel_loop3A_615 = arith.addi %parallel_loop3A_614, %parallel_loop3A_495 : i32
      %parallel_loop3A_616 = arith.constant 0 : i32
      %parallel_loop3A_617 = arith.index_cast %parallel_loop3A_616 : i32 to index
      %parallel_loop3A_618 = arith.index_cast %parallel_loop3A_615 : i32 to index
      %parallel_loop3A_619 = tpu.vector_load %arg7[%parallel_loop3A_617, %parallel_loop3A_618] {strides = array<i32>} : memref<2x20480xf32, #tpu.memory_space<vmem>>, vector<1x16xf32>,
      %parallel_loop3A_620 = vector.shape_cast %parallel_loop3A_619 : vector<1x16xf32> to vector<16xf32>
      %parallel_loop3A_621 = vector.shape_cast %parallel_loop3A_613 : vector<16xf32> to vector<1x16xf32>
      tpu.vector_store %arg7[%parallel_loop3A_617, %parallel_loop3A_618], %parallel_loop3A_621 {strides = array<i32>} : memref<2x20480xf32, #tpu.memory_space<vmem>>, vector<1x16xf32>,
      %parallel_loop3A_622 = arith.constant 12288 : i32
      %parallel_loop3A_623 = arith.addi %parallel_loop3A_622, %parallel_loop3A_495 : i32
      %parallel_loop3A_624 = arith.constant 0 : i32
      %parallel_loop3A_625 = arith.index_cast %parallel_loop3A_624 : i32 to index
      %parallel_loop3A_626 = arith.index_cast %parallel_loop3A_623 : i32 to index
      %parallel_loop3A_627 = tpu.vector_load %arg6[%parallel_loop3A_625, %parallel_loop3A_626] {strides = array<i32>} : memref<2x20480xf32, #tpu.memory_space<vmem>>, vector<1x16xf32>,
      %parallel_loop3A_628 = vector.shape_cast %parallel_loop3A_627 : vector<1x16xf32> to vector<16xf32>
      %parallel_loop3A_629 = arith.constant 12288 : i32
      %parallel_loop3A_630 = arith.addi %parallel_loop3A_629, %parallel_loop3A_495 : i32
      %parallel_loop3A_631 = arith.index_cast %parallel_loop3A_630 : i32 to index
      %parallel_loop3A_632 = tpu.vector_load %arg5[%parallel_loop3A_631] {strides = array<i32>} : memref<20480xf32, #tpu.memory_space<vmem>>, vector<16xf32>,
      %parallel_loop3A_633 = vector.shape_cast %parallel_loop3A_632 : vector<16xf32> to vector<16xf32>
      %parallel_loop3A_634 = arith.addf %parallel_loop3A_628, %parallel_loop3A_633 : vector<16xf32>
      %parallel_loop3A_635 = arith.constant 12288 : i32
      %parallel_loop3A_636 = arith.addi %parallel_loop3A_635, %parallel_loop3A_495 : i32
      %parallel_loop3A_637 = arith.constant 0 : i32
      %parallel_loop3A_638 = arith.index_cast %parallel_loop3A_637 : i32 to index
      %parallel_loop3A_639 = arith.index_cast %parallel_loop3A_636 : i32 to index
      %parallel_loop3A_640 = tpu.vector_load %arg7[%parallel_loop3A_638, %parallel_loop3A_639] {strides = array<i32>} : memref<2x20480xf32, #tpu.memory_space<vmem>>, vector<1x16xf32>,
      %parallel_loop3A_641 = vector.shape_cast %parallel_loop3A_640 : vector<1x16xf32> to vector<16xf32>
      %parallel_loop3A_642 = vector.shape_cast %parallel_loop3A_634 : vector<16xf32> to vector<1x16xf32>
      tpu.vector_store %arg7[%parallel_loop3A_638, %parallel_loop3A_639], %parallel_loop3A_642 {strides = array<i32>} : memref<2x20480xf32, #tpu.memory_space<vmem>>, vector<1x16xf32>,
      %parallel_loop3A_643 = arith.constant 14336 : i32
      %parallel_loop3A_644 = arith.addi %parallel_loop3A_643, %parallel_loop3A_495 : i32
      %parallel_loop3A_645 = arith.constant 0 : i32
      %parallel_loop3A_646 = arith.index_cast %parallel_loop3A_645 : i32 to index
      %parallel_loop3A_647 = arith.index_cast %parallel_loop3A_644 : i32 to index
      %parallel_loop3A_648 = tpu.vector_load %arg6[%parallel_loop3A_646, %parallel_loop3A_647] {strides = array<i32>} : memref<2x20480xf32, #tpu.memory_space<vmem>>, vector<1x16xf32>,
      %parallel_loop3A_649 = vector.shape_cast %parallel_loop3A_648 : vector<1x16xf32> to vector<16xf32>
      %parallel_loop3A_650 = arith.constant 14336 : i32
      %parallel_loop3A_651 = arith.addi %parallel_loop3A_650, %parallel_loop3A_495 : i32
      %parallel_loop3A_652 = arith.index_cast %parallel_loop3A_651 : i32 to index
      %parallel_loop3A_653 = tpu.vector_load %arg5[%parallel_loop3A_652] {strides = array<i32>} : memref<20480xf32, #tpu.memory_space<vmem>>, vector<16xf32>,
      %parallel_loop3A_654 = vector.shape_cast %parallel_loop3A_653 : vector<16xf32> to vector<16xf32>
      %parallel_loop3A_655 = arith.addf %parallel_loop3A_649, %parallel_loop3A_654 : vector<16xf32>
      %parallel_loop3A_656 = arith.constant 14336 : i32
      %parallel_loop3A_657 = arith.addi %parallel_loop3A_656, %parallel_loop3A_495 : i32
      %parallel_loop3A_658 = arith.constant 0 : i32
      %parallel_loop3A_659 = arith.index_cast %parallel_loop3A_658 : i32 to index
      %parallel_loop3A_660 = arith.index_cast %parallel_loop3A_657 : i32 to index
      %parallel_loop3A_661 = tpu.vector_load %arg7[%parallel_loop3A_659, %parallel_loop3A_660] {strides = array<i32>} : memref<2x20480xf32, #tpu.memory_space<vmem>>, vector<1x16xf32>,
      %parallel_loop3A_662 = vector.shape_cast %parallel_loop3A_661 : vector<1x16xf32> to vector<16xf32>
      %parallel_loop3A_663 = vector.shape_cast %parallel_loop3A_655 : vector<16xf32> to vector<1x16xf32>
      tpu.vector_store %arg7[%parallel_loop3A_659, %parallel_loop3A_660], %parallel_loop3A_663 {strides = array<i32>} : memref<2x20480xf32, #tpu.memory_space<vmem>>, vector<1x16xf32>,
      %parallel_loop3A_664 = arith.constant 16384 : i32
      %parallel_loop3A_665 = arith.addi %parallel_loop3A_664, %parallel_loop3A_495 : i32
      %parallel_loop3A_666 = arith.constant 0 : i32
      %parallel_loop3A_667 = arith.index_cast %parallel_loop3A_666 : i32 to index
      %parallel_loop3A_668 = arith.index_cast %parallel_loop3A_665 : i32 to index
      %parallel_loop3A_669 = tpu.vector_load %arg6[%parallel_loop3A_667, %parallel_loop3A_668] {strides = array<i32>} : memref<2x20480xf32, #tpu.memory_space<vmem>>, vector<1x16xf32>,
      %parallel_loop3A_670 = vector.shape_cast %parallel_loop3A_669 : vector<1x16xf32> to vector<16xf32>
      %parallel_loop3A_671 = arith.constant 16384 : i32
      %parallel_loop3A_672 = arith.addi %parallel_loop3A_671, %parallel_loop3A_495 : i32
      %parallel_loop3A_673 = arith.index_cast %parallel_loop3A_672 : i32 to index
      %parallel_loop3A_674 = tpu.vector_load %arg5[%parallel_loop3A_673] {strides = array<i32>} : memref<20480xf32, #tpu.memory_space<vmem>>, vector<16xf32>,
      %parallel_loop3A_675 = vector.shape_cast %parallel_loop3A_674 : vector<16xf32> to vector<16xf32>
      %parallel_loop3A_676 = arith.addf %parallel_loop3A_670, %parallel_loop3A_675 : vector<16xf32>
      %parallel_loop3A_677 = arith.constant 16384 : i32
      %parallel_loop3A_678 = arith.addi %parallel_loop3A_677, %parallel_loop3A_495 : i32
      %parallel_loop3A_679 = arith.constant 0 : i32
      %parallel_loop3A_680 = arith.index_cast %parallel_loop3A_679 : i32 to index
      %parallel_loop3A_681 = arith.index_cast %parallel_loop3A_678 : i32 to index
      %parallel_loop3A_682 = tpu.vector_load %arg7[%parallel_loop3A_680, %parallel_loop3A_681] {strides = array<i32>} : memref<2x20480xf32, #tpu.memory_space<vmem>>, vector<1x16xf32>,
      %parallel_loop3A_683 = vector.shape_cast %parallel_loop3A_682 : vector<1x16xf32> to vector<16xf32>
      %parallel_loop3A_684 = vector.shape_cast %parallel_loop3A_676 : vector<16xf32> to vector<1x16xf32>
      tpu.vector_store %arg7[%parallel_loop3A_680, %parallel_loop3A_681], %parallel_loop3A_684 {strides = array<i32>} : memref<2x20480xf32, #tpu.memory_space<vmem>>, vector<1x16xf32>,
      %parallel_loop3A_685 = arith.constant 18432 : i32
      %parallel_loop3A_686 = arith.addi %parallel_loop3A_685, %parallel_loop3A_495 : i32
      %parallel_loop3A_687 = arith.constant 0 : i32
      %parallel_loop3A_688 = arith.index_cast %parallel_loop3A_687 : i32 to index
      %parallel_loop3A_689 = arith.index_cast %parallel_loop3A_686 : i32 to index
      %parallel_loop3A_690 = tpu.vector_load %arg6[%parallel_loop3A_688, %parallel_loop3A_689] {strides = array<i32>} : memref<2x20480xf32, #tpu.memory_space<vmem>>, vector<1x16xf32>,
      %parallel_loop3A_691 = vector.shape_cast %parallel_loop3A_690 : vector<1x16xf32> to vector<16xf32>
      %parallel_loop3A_692 = arith.constant 18432 : i32
      %parallel_loop3A_693 = arith.addi %parallel_loop3A_692, %parallel_loop3A_495 : i32
      %parallel_loop3A_694 = arith.index_cast %parallel_loop3A_693 : i32 to index
      %parallel_loop3A_695 = tpu.vector_load %arg5[%parallel_loop3A_694] {strides = array<i32>} : memref<20480xf32, #tpu.memory_space<vmem>>, vector<16xf32>,
      %parallel_loop3A_696 = vector.shape_cast %parallel_loop3A_695 : vector<16xf32> to vector<16xf32>
      %parallel_loop3A_697 = arith.addf %parallel_loop3A_691, %parallel_loop3A_696 : vector<16xf32>
      %parallel_loop3A_698 = arith.constant 18432 : i32
      %parallel_loop3A_699 = arith.addi %parallel_loop3A_698, %parallel_loop3A_495 : i32
      %parallel_loop3A_700 = arith.constant 0 : i32
      %parallel_loop3A_701 = arith.index_cast %parallel_loop3A_700 : i32 to index
      %parallel_loop3A_702 = arith.index_cast %parallel_loop3A_699 : i32 to index
      %parallel_loop3A_703 = tpu.vector_load %arg7[%parallel_loop3A_701, %parallel_loop3A_702] {strides = array<i32>} : memref<2x20480xf32, #tpu.memory_space<vmem>>, vector<1x16xf32>,
      %parallel_loop3A_704 = vector.shape_cast %parallel_loop3A_703 : vector<1x16xf32> to vector<16xf32>
      %parallel_loop3A_705 = vector.shape_cast %parallel_loop3A_697 : vector<16xf32> to vector<1x16xf32>
      tpu.vector_store %arg7[%parallel_loop3A_701, %parallel_loop3A_702], %parallel_loop3A_705 {strides = array<i32>} : memref<2x20480xf32, #tpu.memory_space<vmem>>, vector<1x16xf32>,
    } {sc.loop_unroll_factor = 1 : i64, sc.parallel_access}
    %add3A_241 = arith.constant 0 : i32
    %add3A_242 = arith.addi %mul3A_2, %add3A_241 : i32
    %dma_start3A_243 = arith.constant 0 : i32
    %dma_start3A_244 = arith.constant 0 : i32
    %dma_start3A_245 = tpu.memref_slice %arg7[%dma_start3A_243, %dma_start3A_244] : memref<2x20480xf32, #tpu.memory_space<vmem>> -> memref<1x20480xf32, #tpu.memory_space<vmem>>
    %dma_start3A_246 = tpu.memref_squeeze %dma_start3A_245 : memref<1x20480xf32, #tpu.memory_space<vmem>> -> memref<20480xf32, #tpu.memory_space<vmem>>
    %dma_start3A_247 = tpu.memref_slice %arg4[%add3A_242] : memref<33554432xf32, #tpu.memory_space<hbm>> -> memref<20480xf32, #tpu.memory_space<hbm>>
    %dma_start3A_248 = tpu.memref_slice %arg4[%add3A_242] : memref<33554432xf32, #tpu.memory_space<hbm>> -> memref<20480xf32, #tpu.memory_space<hbm>>
    %dma_start3A_249 = arith.constant 0 : i32
    %dma_start3A_250 = tpu.memref_slice %arg7[%dma_start3A_243, %dma_start3A_249] : memref<2x20480xf32, #tpu.memory_space<vmem>> -> memref<1x20480xf32, #tpu.memory_space<vmem>>
    %dma_start3A_251 = tpu.memref_squeeze %dma_start3A_250 : memref<1x20480xf32, #tpu.memory_space<vmem>> -> memref<20480xf32, #tpu.memory_space<vmem>>
    tpu.enqueue_dma source(%dma_start3A_251 : memref<20480xf32, #tpu.memory_space<vmem>>) target(%dma_start3A_248 : memref<20480xf32, #tpu.memory_space<hbm>>) target_semaphore(%arg10 : memref<!tpu.dma_semaphore, #tpu.memory_space<semaphore_mem>>)
    %add3A_252 = arith.constant 40960 : i32
    %add3A_253 = arith.addi %mul3A_2, %add3A_252 : i32
    %dma_start3A_254 = arith.constant 0 : i32
    %dma_start3A_255 = arith.constant 0 : i32
    %dma_start3A_256 = tpu.memref_slice %arg6[%dma_start3A_254, %dma_start3A_255] : memref<2x20480xf32, #tpu.memory_space<vmem>> -> memref<1x20480xf32, #tpu.memory_space<vmem>>
    %dma_start3A_257 = tpu.memref_squeeze %dma_start3A_256 : memref<1x20480xf32, #tpu.memory_space<vmem>> -> memref<20480xf32, #tpu.memory_space<vmem>>
    %dma_start3A_258 = tpu.memref_slice %arg2[%add3A_253] : memref<33554432xf32, #tpu.memory_space<hbm>> -> memref<20480xf32, #tpu.memory_space<hbm>>
    %dma_start3A_259 = arith.constant 0 : i32
    %dma_start3A_260 = tpu.memref_slice %arg6[%dma_start3A_254, %dma_start3A_259] : memref<2x20480xf32, #tpu.memory_space<vmem>> -> memref<1x20480xf32, #tpu.memory_space<vmem>>
    %dma_start3A_261 = tpu.memref_squeeze %dma_start3A_260 : memref<1x20480xf32, #tpu.memory_space<vmem>> -> memref<20480xf32, #tpu.memory_space<vmem>>
    %dma_start3A_262 = tpu.memref_slice %arg2[%add3A_253] : memref<33554432xf32, #tpu.memory_space<hbm>> -> memref<20480xf32, #tpu.memory_space<hbm>>
    tpu.enqueue_dma source(%dma_start3A_262 : memref<20480xf32, #tpu.memory_space<hbm>>) target(%dma_start3A_261 : memref<20480xf32, #tpu.memory_space<vmem>>) target_semaphore(%arg8 : memref<!tpu.dma_semaphore, #tpu.memory_space<semaphore_mem>>)
    %add3A_263 = arith.constant 20480 : i32
    %add3A_264 = arith.addi %mul3A_2, %add3A_263 : i32
    %dma_wait3A_265 = arith.constant 1 : i32
    %dma_wait3A_266 = arith.constant 0 : i32
    %dma_wait3A_267 = tpu.memref_slice %arg6[%dma_wait3A_265, %dma_wait3A_266] : memref<2x20480xf32, #tpu.memory_space<vmem>> -> memref<1x20480xf32, #tpu.memory_space<vmem>>
    %dma_wait3A_268 = tpu.memref_squeeze %dma_wait3A_267 : memref<1x20480xf32, #tpu.memory_space<vmem>> -> memref<20480xf32, #tpu.memory_space<vmem>>
    %dma_wait3A_269 = tpu.memref_slice %arg2[%add3A_264] : memref<33554432xf32, #tpu.memory_space<hbm>> -> memref<20480xf32, #tpu.memory_space<hbm>>
    %dma_wait3A_270 = arith.constant 0 : i32
    %dma_wait3A_271 = tpu.memref_slice %arg6[%dma_wait3A_265, %dma_wait3A_270] : memref<2x20480xf32, #tpu.memory_space<vmem>> -> memref<1x20480xf32, #tpu.memory_space<vmem>>
    %dma_wait3A_272 = tpu.memref_squeeze %dma_wait3A_271 : memref<1x20480xf32, #tpu.memory_space<vmem>> -> memref<20480xf32, #tpu.memory_space<vmem>>
    %dma_wait3A_273 = tpu.memref_slice %arg2[%add3A_264] : memref<33554432xf32, #tpu.memory_space<hbm>> -> memref<20480xf32, #tpu.memory_space<hbm>>
    tpu.wait_dma2 semaphore(%arg9 : memref<!tpu.dma_semaphore, #tpu.memory_space<semaphore_mem>>) src(%dma_wait3A_273 : memref<20480xf32, #tpu.memory_space<hbm>>) dst(%dma_wait3A_272 : memref<20480xf32, #tpu.memory_space<vmem>>)
    %parallel_loop3A_274 = arith.constant 0 : i32
    %parallel_loop3A_275 = arith.constant 128 : i32
    %parallel_loop3A_276 = arith.constant 1 : i32
    scf.for %parallel_loop3A_492 = %parallel_loop3A_274 to %parallel_loop3A_275 step %parallel_loop3A_276  : i32 {
      %parallel_loop3A_493 = arith.constant 16 : i32
      %parallel_loop3A_494 = arith.muli %parallel_loop3A_492, %parallel_loop3A_493 : i32
      %parallel_loop3A_495 = tpu.assume_multiple %parallel_loop3A_494, 16 : i32
      %parallel_loop3A_496 = arith.constant 0 : i32
      %parallel_loop3A_497 = arith.addi %parallel_loop3A_496, %parallel_loop3A_495 : i32
      %parallel_loop3A_498 = arith.constant 1 : i32
      %parallel_loop3A_499 = arith.index_cast %parallel_loop3A_498 : i32 to index
      %parallel_loop3A_500 = arith.index_cast %parallel_loop3A_497 : i32 to index
      %parallel_loop3A_501 = tpu.vector_load %arg6[%parallel_loop3A_499, %parallel_loop3A_500] {strides = array<i32>} : memref<2x20480xf32, #tpu.memory_space<vmem>>, vector<1x16xf32>,
      %parallel_loop3A_502 = vector.shape_cast %parallel_loop3A_501 : vector<1x16xf32> to vector<16xf32>
      %parallel_loop3A_503 = arith.constant 0 : i32
      %parallel_loop3A_504 = arith.addi %parallel_loop3A_503, %parallel_loop3A_495 : i32
      %parallel_loop3A_505 = arith.index_cast %parallel_loop3A_504 : i32 to index
      %parallel_loop3A_506 = tpu.vector_load %arg5[%parallel_loop3A_505] {strides = array<i32>} : memref<20480xf32, #tpu.memory_space<vmem>>, vector<16xf32>,
      %parallel_loop3A_507 = vector.shape_cast %parallel_loop3A_506 : vector<16xf32> to vector<16xf32>
      %parallel_loop3A_508 = arith.addf %parallel_loop3A_502, %parallel_loop3A_507 : vector<16xf32>
      %parallel_loop3A_509 = arith.constant 0 : i32
      %parallel_loop3A_510 = arith.addi %parallel_loop3A_509, %parallel_loop3A_495 : i32
      %parallel_loop3A_511 = arith.constant 1 : i32
      %parallel_loop3A_512 = arith.index_cast %parallel_loop3A_511 : i32 to index
      %parallel_loop3A_513 = arith.index_cast %parallel_loop3A_510 : i32 to index
      %parallel_loop3A_514 = tpu.vector_load %arg7[%parallel_loop3A_512, %parallel_loop3A_513] {strides = array<i32>} : memref<2x20480xf32, #tpu.memory_space<vmem>>, vector<1x16xf32>,
      %parallel_loop3A_515 = vector.shape_cast %parallel_loop3A_514 : vector<1x16xf32> to vector<16xf32>
      %parallel_loop3A_516 = vector.shape_cast %parallel_loop3A_508 : vector<16xf32> to vector<1x16xf32>
      tpu.vector_store %arg7[%parallel_loop3A_512, %parallel_loop3A_513], %parallel_loop3A_516 {strides = array<i32>} : memref<2x20480xf32, #tpu.memory_space<vmem>>, vector<1x16xf32>,
      %parallel_loop3A_517 = arith.constant 2048 : i32
      %parallel_loop3A_518 = arith.addi %parallel_loop3A_517, %parallel_loop3A_495 : i32
      %parallel_loop3A_519 = arith.constant 1 : i32
      %parallel_loop3A_520 = arith.index_cast %parallel_loop3A_519 : i32 to index
      %parallel_loop3A_521 = arith.index_cast %parallel_loop3A_518 : i32 to index
      %parallel_loop3A_522 = tpu.vector_load %arg6[%parallel_loop3A_520, %parallel_loop3A_521] {strides = array<i32>} : memref<2x20480xf32, #tpu.memory_space<vmem>>, vector<1x16xf32>,
      %parallel_loop3A_523 = vector.shape_cast %parallel_loop3A_522 : vector<1x16xf32> to vector<16xf32>
      %parallel_loop3A_524 = arith.constant 2048 : i32
      %parallel_loop3A_525 = arith.addi %parallel_loop3A_524, %parallel_loop3A_495 : i32
      %parallel_loop3A_526 = arith.index_cast %parallel_loop3A_525 : i32 to index
      %parallel_loop3A_527 = tpu.vector_load %arg5[%parallel_loop3A_526] {strides = array<i32>} : memref<20480xf32, #tpu.memory_space<vmem>>, vector<16xf32>,
      %parallel_loop3A_528 = vector.shape_cast %parallel_loop3A_527 : vector<16xf32> to vector<16xf32>
      %parallel_loop3A_529 = arith.addf %parallel_loop3A_523, %parallel_loop3A_528 : vector<16xf32>
      %parallel_loop3A_530 = arith.constant 2048 : i32
      %parallel_loop3A_531 = arith.addi %parallel_loop3A_530, %parallel_loop3A_495 : i32
      %parallel_loop3A_532 = arith.constant 1 : i32
      %parallel_loop3A_533 = arith.index_cast %parallel_loop3A_532 : i32 to index
      %parallel_loop3A_534 = arith.index_cast %parallel_loop3A_531 : i32 to index
      %parallel_loop3A_535 = tpu.vector_load %arg7[%parallel_loop3A_533, %parallel_loop3A_534] {strides = array<i32>} : memref<2x20480xf32, #tpu.memory_space<vmem>>, vector<1x16xf32>,
      %parallel_loop3A_536 = vector.shape_cast %parallel_loop3A_535 : vector<1x16xf32> to vector<16xf32>
      %parallel_loop3A_537 = vector.shape_cast %parallel_loop3A_529 : vector<16xf32> to vector<1x16xf32>
      tpu.vector_store %arg7[%parallel_loop3A_533, %parallel_loop3A_534], %parallel_loop3A_537 {strides = array<i32>} : memref<2x20480xf32, #tpu.memory_space<vmem>>, vector<1x16xf32>,
      %parallel_loop3A_538 = arith.constant 4096 : i32
      %parallel_loop3A_539 = arith.addi %parallel_loop3A_538, %parallel_loop3A_495 : i32
      %parallel_loop3A_540 = arith.constant 1 : i32
      %parallel_loop3A_541 = arith.index_cast %parallel_loop3A_540 : i32 to index
      %parallel_loop3A_542 = arith.index_cast %parallel_loop3A_539 : i32 to index
      %parallel_loop3A_543 = tpu.vector_load %arg6[%parallel_loop3A_541, %parallel_loop3A_542] {strides = array<i32>} : memref<2x20480xf32, #tpu.memory_space<vmem>>, vector<1x16xf32>,
      %parallel_loop3A_544 = vector.shape_cast %parallel_loop3A_543 : vector<1x16xf32> to vector<16xf32>
      %parallel_loop3A_545 = arith.constant 4096 : i32
      %parallel_loop3A_546 = arith.addi %parallel_loop3A_545, %parallel_loop3A_495 : i32
      %parallel_loop3A_547 = arith.index_cast %parallel_loop3A_546 : i32 to index
      %parallel_loop3A_548 = tpu.vector_load %arg5[%parallel_loop3A_547] {strides = array<i32>} : memref<20480xf32, #tpu.memory_space<vmem>>, vector<16xf32>,
      %parallel_loop3A_549 = vector.shape_cast %parallel_loop3A_548 : vector<16xf32> to vector<16xf32>
      %parallel_loop3A_550 = arith.addf %parallel_loop3A_544, %parallel_loop3A_549 : vector<16xf32>
      %parallel_loop3A_551 = arith.constant 4096 : i32
      %parallel_loop3A_552 = arith.addi %parallel_loop3A_551, %parallel_loop3A_495 : i32
      %parallel_loop3A_553 = arith.constant 1 : i32
      %parallel_loop3A_554 = arith.index_cast %parallel_loop3A_553 : i32 to index
      %parallel_loop3A_555 = arith.index_cast %parallel_loop3A_552 : i32 to index
      %parallel_loop3A_556 = tpu.vector_load %arg7[%parallel_loop3A_554, %parallel_loop3A_555] {strides = array<i32>} : memref<2x20480xf32, #tpu.memory_space<vmem>>, vector<1x16xf32>,
      %parallel_loop3A_557 = vector.shape_cast %parallel_loop3A_556 : vector<1x16xf32> to vector<16xf32>
      %parallel_loop3A_558 = vector.shape_cast %parallel_loop3A_550 : vector<16xf32> to vector<1x16xf32>
      tpu.vector_store %arg7[%parallel_loop3A_554, %parallel_loop3A_555], %parallel_loop3A_558 {strides = array<i32>} : memref<2x20480xf32, #tpu.memory_space<vmem>>, vector<1x16xf32>,
      %parallel_loop3A_559 = arith.constant 6144 : i32
      %parallel_loop3A_560 = arith.addi %parallel_loop3A_559, %parallel_loop3A_495 : i32
      %parallel_loop3A_561 = arith.constant 1 : i32
      %parallel_loop3A_562 = arith.index_cast %parallel_loop3A_561 : i32 to index
      %parallel_loop3A_563 = arith.index_cast %parallel_loop3A_560 : i32 to index
      %parallel_loop3A_564 = tpu.vector_load %arg6[%parallel_loop3A_562, %parallel_loop3A_563] {strides = array<i32>} : memref<2x20480xf32, #tpu.memory_space<vmem>>, vector<1x16xf32>,
      %parallel_loop3A_565 = vector.shape_cast %parallel_loop3A_564 : vector<1x16xf32> to vector<16xf32>
      %parallel_loop3A_566 = arith.constant 6144 : i32
      %parallel_loop3A_567 = arith.addi %parallel_loop3A_566, %parallel_loop3A_495 : i32
      %parallel_loop3A_568 = arith.index_cast %parallel_loop3A_567 : i32 to index
      %parallel_loop3A_569 = tpu.vector_load %arg5[%parallel_loop3A_568] {strides = array<i32>} : memref<20480xf32, #tpu.memory_space<vmem>>, vector<16xf32>,
      %parallel_loop3A_570 = vector.shape_cast %parallel_loop3A_569 : vector<16xf32> to vector<16xf32>
      %parallel_loop3A_571 = arith.addf %parallel_loop3A_565, %parallel_loop3A_570 : vector<16xf32>
      %parallel_loop3A_572 = arith.constant 6144 : i32
      %parallel_loop3A_573 = arith.addi %parallel_loop3A_572, %parallel_loop3A_495 : i32
      %parallel_loop3A_574 = arith.constant 1 : i32
      %parallel_loop3A_575 = arith.index_cast %parallel_loop3A_574 : i32 to index
      %parallel_loop3A_576 = arith.index_cast %parallel_loop3A_573 : i32 to index
      %parallel_loop3A_577 = tpu.vector_load %arg7[%parallel_loop3A_575, %parallel_loop3A_576] {strides = array<i32>} : memref<2x20480xf32, #tpu.memory_space<vmem>>, vector<1x16xf32>,
      %parallel_loop3A_578 = vector.shape_cast %parallel_loop3A_577 : vector<1x16xf32> to vector<16xf32>
      %parallel_loop3A_579 = vector.shape_cast %parallel_loop3A_571 : vector<16xf32> to vector<1x16xf32>
      tpu.vector_store %arg7[%parallel_loop3A_575, %parallel_loop3A_576], %parallel_loop3A_579 {strides = array<i32>} : memref<2x20480xf32, #tpu.memory_space<vmem>>, vector<1x16xf32>,
      %parallel_loop3A_580 = arith.constant 8192 : i32
      %parallel_loop3A_581 = arith.addi %parallel_loop3A_580, %parallel_loop3A_495 : i32
      %parallel_loop3A_582 = arith.constant 1 : i32
      %parallel_loop3A_583 = arith.index_cast %parallel_loop3A_582 : i32 to index
      %parallel_loop3A_584 = arith.index_cast %parallel_loop3A_581 : i32 to index
      %parallel_loop3A_585 = tpu.vector_load %arg6[%parallel_loop3A_583, %parallel_loop3A_584] {strides = array<i32>} : memref<2x20480xf32, #tpu.memory_space<vmem>>, vector<1x16xf32>,
      %parallel_loop3A_586 = vector.shape_cast %parallel_loop3A_585 : vector<1x16xf32> to vector<16xf32>
      %parallel_loop3A_587 = arith.constant 8192 : i32
      %parallel_loop3A_588 = arith.addi %parallel_loop3A_587, %parallel_loop3A_495 : i32
      %parallel_loop3A_589 = arith.index_cast %parallel_loop3A_588 : i32 to index
      %parallel_loop3A_590 = tpu.vector_load %arg5[%parallel_loop3A_589] {strides = array<i32>} : memref<20480xf32, #tpu.memory_space<vmem>>, vector<16xf32>,
      %parallel_loop3A_591 = vector.shape_cast %parallel_loop3A_590 : vector<16xf32> to vector<16xf32>
      %parallel_loop3A_592 = arith.addf %parallel_loop3A_586, %parallel_loop3A_591 : vector<16xf32>
      %parallel_loop3A_593 = arith.constant 8192 : i32
      %parallel_loop3A_594 = arith.addi %parallel_loop3A_593, %parallel_loop3A_495 : i32
      %parallel_loop3A_595 = arith.constant 1 : i32
      %parallel_loop3A_596 = arith.index_cast %parallel_loop3A_595 : i32 to index
      %parallel_loop3A_597 = arith.index_cast %parallel_loop3A_594 : i32 to index
      %parallel_loop3A_598 = tpu.vector_load %arg7[%parallel_loop3A_596, %parallel_loop3A_597] {strides = array<i32>} : memref<2x20480xf32, #tpu.memory_space<vmem>>, vector<1x16xf32>,
      %parallel_loop3A_599 = vector.shape_cast %parallel_loop3A_598 : vector<1x16xf32> to vector<16xf32>
      %parallel_loop3A_600 = vector.shape_cast %parallel_loop3A_592 : vector<16xf32> to vector<1x16xf32>
      tpu.vector_store %arg7[%parallel_loop3A_596, %parallel_loop3A_597], %parallel_loop3A_600 {strides = array<i32>} : memref<2x20480xf32, #tpu.memory_space<vmem>>, vector<1x16xf32>,
      %parallel_loop3A_601 = arith.constant 10240 : i32
      %parallel_loop3A_602 = arith.addi %parallel_loop3A_601, %parallel_loop3A_495 : i32
      %parallel_loop3A_603 = arith.constant 1 : i32
      %parallel_loop3A_604 = arith.index_cast %parallel_loop3A_603 : i32 to index
      %parallel_loop3A_605 = arith.index_cast %parallel_loop3A_602 : i32 to index
      %parallel_loop3A_606 = tpu.vector_load %arg6[%parallel_loop3A_604, %parallel_loop3A_605] {strides = array<i32>} : memref<2x20480xf32, #tpu.memory_space<vmem>>, vector<1x16xf32>,
      %parallel_loop3A_607 = vector.shape_cast %parallel_loop3A_606 : vector<1x16xf32> to vector<16xf32>
      %parallel_loop3A_608 = arith.constant 10240 : i32
      %parallel_loop3A_609 = arith.addi %parallel_loop3A_608, %parallel_loop3A_495 : i32
      %parallel_loop3A_610 = arith.index_cast %parallel_loop3A_609 : i32 to index
      %parallel_loop3A_611 = tpu.vector_load %arg5[%parallel_loop3A_610] {strides = array<i32>} : memref<20480xf32, #tpu.memory_space<vmem>>, vector<16xf32>,
      %parallel_loop3A_612 = vector.shape_cast %parallel_loop3A_611 : vector<16xf32> to vector<16xf32>
      %parallel_loop3A_613 = arith.addf %parallel_loop3A_607, %parallel_loop3A_612 : vector<16xf32>
      %parallel_loop3A_614 = arith.constant 10240 : i32
      %parallel_loop3A_615 = arith.addi %parallel_loop3A_614, %parallel_loop3A_495 : i32
      %parallel_loop3A_616 = arith.constant 1 : i32
      %parallel_loop3A_617 = arith.index_cast %parallel_loop3A_616 : i32 to index
      %parallel_loop3A_618 = arith.index_cast %parallel_loop3A_615 : i32 to index
      %parallel_loop3A_619 = tpu.vector_load %arg7[%parallel_loop3A_617, %parallel_loop3A_618] {strides = array<i32>} : memref<2x20480xf32, #tpu.memory_space<vmem>>, vector<1x16xf32>,
      %parallel_loop3A_620 = vector.shape_cast %parallel_loop3A_619 : vector<1x16xf32> to vector<16xf32>
      %parallel_loop3A_621 = vector.shape_cast %parallel_loop3A_613 : vector<16xf32> to vector<1x16xf32>
      tpu.vector_store %arg7[%parallel_loop3A_617, %parallel_loop3A_618], %parallel_loop3A_621 {strides = array<i32>} : memref<2x20480xf32, #tpu.memory_space<vmem>>, vector<1x16xf32>,
      %parallel_loop3A_622 = arith.constant 12288 : i32
      %parallel_loop3A_623 = arith.addi %parallel_loop3A_622, %parallel_loop3A_495 : i32
      %parallel_loop3A_624 = arith.constant 1 : i32
      %parallel_loop3A_625 = arith.index_cast %parallel_loop3A_624 : i32 to index
      %parallel_loop3A_626 = arith.index_cast %parallel_loop3A_623 : i32 to index
      %parallel_loop3A_627 = tpu.vector_load %arg6[%parallel_loop3A_625, %parallel_loop3A_626] {strides = array<i32>} : memref<2x20480xf32, #tpu.memory_space<vmem>>, vector<1x16xf32>,
      %parallel_loop3A_628 = vector.shape_cast %parallel_loop3A_627 : vector<1x16xf32> to vector<16xf32>
      %parallel_loop3A_629 = arith.constant 12288 : i32
      %parallel_loop3A_630 = arith.addi %parallel_loop3A_629, %parallel_loop3A_495 : i32
      %parallel_loop3A_631 = arith.index_cast %parallel_loop3A_630 : i32 to index
      %parallel_loop3A_632 = tpu.vector_load %arg5[%parallel_loop3A_631] {strides = array<i32>} : memref<20480xf32, #tpu.memory_space<vmem>>, vector<16xf32>,
      %parallel_loop3A_633 = vector.shape_cast %parallel_loop3A_632 : vector<16xf32> to vector<16xf32>
      %parallel_loop3A_634 = arith.addf %parallel_loop3A_628, %parallel_loop3A_633 : vector<16xf32>
      %parallel_loop3A_635 = arith.constant 12288 : i32
      %parallel_loop3A_636 = arith.addi %parallel_loop3A_635, %parallel_loop3A_495 : i32
      %parallel_loop3A_637 = arith.constant 1 : i32
      %parallel_loop3A_638 = arith.index_cast %parallel_loop3A_637 : i32 to index
      %parallel_loop3A_639 = arith.index_cast %parallel_loop3A_636 : i32 to index
      %parallel_loop3A_640 = tpu.vector_load %arg7[%parallel_loop3A_638, %parallel_loop3A_639] {strides = array<i32>} : memref<2x20480xf32, #tpu.memory_space<vmem>>, vector<1x16xf32>,
      %parallel_loop3A_641 = vector.shape_cast %parallel_loop3A_640 : vector<1x16xf32> to vector<16xf32>
      %parallel_loop3A_642 = vector.shape_cast %parallel_loop3A_634 : vector<16xf32> to vector<1x16xf32>
      tpu.vector_store %arg7[%parallel_loop3A_638, %parallel_loop3A_639], %parallel_loop3A_642 {strides = array<i32>} : memref<2x20480xf32, #tpu.memory_space<vmem>>, vector<1x16xf32>,
      %parallel_loop3A_643 = arith.constant 14336 : i32
      %parallel_loop3A_644 = arith.addi %parallel_loop3A_643, %parallel_loop3A_495 : i32
      %parallel_loop3A_645 = arith.constant 1 : i32
      %parallel_loop3A_646 = arith.index_cast %parallel_loop3A_645 : i32 to index
      %parallel_loop3A_647 = arith.index_cast %parallel_loop3A_644 : i32 to index
      %parallel_loop3A_648 = tpu.vector_load %arg6[%parallel_loop3A_646, %parallel_loop3A_647] {strides = array<i32>} : memref<2x20480xf32, #tpu.memory_space<vmem>>, vector<1x16xf32>,
      %parallel_loop3A_649 = vector.shape_cast %parallel_loop3A_648 : vector<1x16xf32> to vector<16xf32>
      %parallel_loop3A_650 = arith.constant 14336 : i32
      %parallel_loop3A_651 = arith.addi %parallel_loop3A_650, %parallel_loop3A_495 : i32
      %parallel_loop3A_652 = arith.index_cast %parallel_loop3A_651 : i32 to index
      %parallel_loop3A_653 = tpu.vector_load %arg5[%parallel_loop3A_652] {strides = array<i32>} : memref<20480xf32, #tpu.memory_space<vmem>>, vector<16xf32>,
      %parallel_loop3A_654 = vector.shape_cast %parallel_loop3A_653 : vector<16xf32> to vector<16xf32>
      %parallel_loop3A_655 = arith.addf %parallel_loop3A_649, %parallel_loop3A_654 : vector<16xf32>
      %parallel_loop3A_656 = arith.constant 14336 : i32
      %parallel_loop3A_657 = arith.addi %parallel_loop3A_656, %parallel_loop3A_495 : i32
      %parallel_loop3A_658 = arith.constant 1 : i32
      %parallel_loop3A_659 = arith.index_cast %parallel_loop3A_658 : i32 to index
      %parallel_loop3A_660 = arith.index_cast %parallel_loop3A_657 : i32 to index
      %parallel_loop3A_661 = tpu.vector_load %arg7[%parallel_loop3A_659, %parallel_loop3A_660] {strides = array<i32>} : memref<2x20480xf32, #tpu.memory_space<vmem>>, vector<1x16xf32>,
      %parallel_loop3A_662 = vector.shape_cast %parallel_loop3A_661 : vector<1x16xf32> to vector<16xf32>
      %parallel_loop3A_663 = vector.shape_cast %parallel_loop3A_655 : vector<16xf32> to vector<1x16xf32>
      tpu.vector_store %arg7[%parallel_loop3A_659, %parallel_loop3A_660], %parallel_loop3A_663 {strides = array<i32>} : memref<2x20480xf32, #tpu.memory_space<vmem>>, vector<1x16xf32>,
      %parallel_loop3A_664 = arith.constant 16384 : i32
      %parallel_loop3A_665 = arith.addi %parallel_loop3A_664, %parallel_loop3A_495 : i32
      %parallel_loop3A_666 = arith.constant 1 : i32
      %parallel_loop3A_667 = arith.index_cast %parallel_loop3A_666 : i32 to index
      %parallel_loop3A_668 = arith.index_cast %parallel_loop3A_665 : i32 to index
      %parallel_loop3A_669 = tpu.vector_load %arg6[%parallel_loop3A_667, %parallel_loop3A_668] {strides = array<i32>} : memref<2x20480xf32, #tpu.memory_space<vmem>>, vector<1x16xf32>,
      %parallel_loop3A_670 = vector.shape_cast %parallel_loop3A_669 : vector<1x16xf32> to vector<16xf32>
      %parallel_loop3A_671 = arith.constant 16384 : i32
      %parallel_loop3A_672 = arith.addi %parallel_loop3A_671, %parallel_loop3A_495 : i32
      %parallel_loop3A_673 = arith.index_cast %parallel_loop3A_672 : i32 to index
      %parallel_loop3A_674 = tpu.vector_load %arg5[%parallel_loop3A_673] {strides = array<i32>} : memref<20480xf32, #tpu.memory_space<vmem>>, vector<16xf32>,
      %parallel_loop3A_675 = vector.shape_cast %parallel_loop3A_674 : vector<16xf32> to vector<16xf32>
      %parallel_loop3A_676 = arith.addf %parallel_loop3A_670, %parallel_loop3A_675 : vector<16xf32>
      %parallel_loop3A_677 = arith.constant 16384 : i32
      %parallel_loop3A_678 = arith.addi %parallel_loop3A_677, %parallel_loop3A_495 : i32
      %parallel_loop3A_679 = arith.constant 1 : i32
      %parallel_loop3A_680 = arith.index_cast %parallel_loop3A_679 : i32 to index
      %parallel_loop3A_681 = arith.index_cast %parallel_loop3A_678 : i32 to index
      %parallel_loop3A_682 = tpu.vector_load %arg7[%parallel_loop3A_680, %parallel_loop3A_681] {strides = array<i32>} : memref<2x20480xf32, #tpu.memory_space<vmem>>, vector<1x16xf32>,
      %parallel_loop3A_683 = vector.shape_cast %parallel_loop3A_682 : vector<1x16xf32> to vector<16xf32>
      %parallel_loop3A_684 = vector.shape_cast %parallel_loop3A_676 : vector<16xf32> to vector<1x16xf32>
      tpu.vector_store %arg7[%parallel_loop3A_680, %parallel_loop3A_681], %parallel_loop3A_684 {strides = array<i32>} : memref<2x20480xf32, #tpu.memory_space<vmem>>, vector<1x16xf32>,
      %parallel_loop3A_685 = arith.constant 18432 : i32
      %parallel_loop3A_686 = arith.addi %parallel_loop3A_685, %parallel_loop3A_495 : i32
      %parallel_loop3A_687 = arith.constant 1 : i32
      %parallel_loop3A_688 = arith.index_cast %parallel_loop3A_687 : i32 to index
      %parallel_loop3A_689 = arith.index_cast %parallel_loop3A_686 : i32 to index
      %parallel_loop3A_690 = tpu.vector_load %arg6[%parallel_loop3A_688, %parallel_loop3A_689] {strides = array<i32>} : memref<2x20480xf32, #tpu.memory_space<vmem>>, vector<1x16xf32>,
      %parallel_loop3A_691 = vector.shape_cast %parallel_loop3A_690 : vector<1x16xf32> to vector<16xf32>
      %parallel_loop3A_692 = arith.constant 18432 : i32
      %parallel_loop3A_693 = arith.addi %parallel_loop3A_692, %parallel_loop3A_495 : i32
      %parallel_loop3A_694 = arith.index_cast %parallel_loop3A_693 : i32 to index
      %parallel_loop3A_695 = tpu.vector_load %arg5[%parallel_loop3A_694] {strides = array<i32>} : memref<20480xf32, #tpu.memory_space<vmem>>, vector<16xf32>,
      %parallel_loop3A_696 = vector.shape_cast %parallel_loop3A_695 : vector<16xf32> to vector<16xf32>
      %parallel_loop3A_697 = arith.addf %parallel_loop3A_691, %parallel_loop3A_696 : vector<16xf32>
      %parallel_loop3A_698 = arith.constant 18432 : i32
      %parallel_loop3A_699 = arith.addi %parallel_loop3A_698, %parallel_loop3A_495 : i32
      %parallel_loop3A_700 = arith.constant 1 : i32
      %parallel_loop3A_701 = arith.index_cast %parallel_loop3A_700 : i32 to index
      %parallel_loop3A_702 = arith.index_cast %parallel_loop3A_699 : i32 to index
      %parallel_loop3A_703 = tpu.vector_load %arg7[%parallel_loop3A_701, %parallel_loop3A_702] {strides = array<i32>} : memref<2x20480xf32, #tpu.memory_space<vmem>>, vector<1x16xf32>,
      %parallel_loop3A_704 = vector.shape_cast %parallel_loop3A_703 : vector<1x16xf32> to vector<16xf32>
      %parallel_loop3A_705 = vector.shape_cast %parallel_loop3A_697 : vector<16xf32> to vector<1x16xf32>
      tpu.vector_store %arg7[%parallel_loop3A_701, %parallel_loop3A_702], %parallel_loop3A_705 {strides = array<i32>} : memref<2x20480xf32, #tpu.memory_space<vmem>>, vector<1x16xf32>,
    } {sc.loop_unroll_factor = 1 : i64, sc.parallel_access}
    %add3A_277 = arith.constant 20480 : i32
    %add3A_278 = arith.addi %mul3A_2, %add3A_277 : i32
    %dma_start3A_279 = arith.constant 1 : i32
    %dma_start3A_280 = arith.constant 0 : i32
    %dma_start3A_281 = tpu.memref_slice %arg7[%dma_start3A_279, %dma_start3A_280] : memref<2x20480xf32, #tpu.memory_space<vmem>> -> memref<1x20480xf32, #tpu.memory_space<vmem>>
    %dma_start3A_282 = tpu.memref_squeeze %dma_start3A_281 : memref<1x20480xf32, #tpu.memory_space<vmem>> -> memref<20480xf32, #tpu.memory_space<vmem>>
    %dma_start3A_283 = tpu.memref_slice %arg4[%add3A_278] : memref<33554432xf32, #tpu.memory_space<hbm>> -> memref<20480xf32, #tpu.memory_space<hbm>>
    %dma_start3A_284 = tpu.memref_slice %arg4[%add3A_278] : memref<33554432xf32, #tpu.memory_space<hbm>> -> memref<20480xf32, #tpu.memory_space<hbm>>
    %dma_start3A_285 = arith.constant 0 : i32
    %dma_start3A_286 = tpu.memref_slice %arg7[%dma_start3A_279, %dma_start3A_285] : memref<2x20480xf32, #tpu.memory_space<vmem>> -> memref<1x20480xf32, #tpu.memory_space<vmem>>
    %dma_start3A_287 = tpu.memref_squeeze %dma_start3A_286 : memref<1x20480xf32, #tpu.memory_space<vmem>> -> memref<20480xf32, #tpu.memory_space<vmem>>
    tpu.enqueue_dma source(%dma_start3A_287 : memref<20480xf32, #tpu.memory_space<vmem>>) target(%dma_start3A_284 : memref<20480xf32, #tpu.memory_space<hbm>>) target_semaphore(%arg11 : memref<!tpu.dma_semaphore, #tpu.memory_space<semaphore_mem>>)
    %add3A_288 = arith.constant 61440 : i32
    %add3A_289 = arith.addi %mul3A_2, %add3A_288 : i32
    %dma_start3A_290 = arith.constant 1 : i32
    %dma_start3A_291 = arith.constant 0 : i32
    %dma_start3A_292 = tpu.memref_slice %arg6[%dma_start3A_290, %dma_start3A_291] : memref<2x20480xf32, #tpu.memory_space<vmem>> -> memref<1x20480xf32, #tpu.memory_space<vmem>>
    %dma_start3A_293 = tpu.memref_squeeze %dma_start3A_292 : memref<1x20480xf32, #tpu.memory_space<vmem>> -> memref<20480xf32, #tpu.memory_space<vmem>>
    %dma_start3A_294 = tpu.memref_slice %arg2[%add3A_289] : memref<33554432xf32, #tpu.memory_space<hbm>> -> memref<20480xf32, #tpu.memory_space<hbm>>
    %dma_start3A_295 = arith.constant 0 : i32
    %dma_start3A_296 = tpu.memref_slice %arg6[%dma_start3A_290, %dma_start3A_295] : memref<2x20480xf32, #tpu.memory_space<vmem>> -> memref<1x20480xf32, #tpu.memory_space<vmem>>
    %dma_start3A_297 = tpu.memref_squeeze %dma_start3A_296 : memref<1x20480xf32, #tpu.memory_space<vmem>> -> memref<20480xf32, #tpu.memory_space<vmem>>
    %dma_start3A_298 = tpu.memref_slice %arg2[%add3A_289] : memref<33554432xf32, #tpu.memory_space<hbm>> -> memref<20480xf32, #tpu.memory_space<hbm>>
    tpu.enqueue_dma source(%dma_start3A_298 : memref<20480xf32, #tpu.memory_space<hbm>>) target(%dma_start3A_297 : memref<20480xf32, #tpu.memory_space<vmem>>) target_semaphore(%arg9 : memref<!tpu.dma_semaphore, #tpu.memory_space<semaphore_mem>>)
    %scan3A = arith.constant 0 : i32
    %scan3A_299 = arith.constant 1 : i32
    %scan3A_300 = arith.constant 23 : i32
    %scan3A_301 = arith.addi %scan3A_299, %scan3A_300 : i32
    %scan3A_302 = arith.constant 1 : i32
    scf.for %scan3A_492 = %scan3A_299 to %scan3A_301 step %scan3A_302  : i32 {
      %mul3A_493 = arith.constant 2 : i32
      %mul3A_494 = arith.muli %scan3A_492, %mul3A_493 : i32
      %add3A_495 = arith.constant 0 : i32
      %add3A_496 = arith.addi %mul3A_494, %add3A_495 : i32
      %mul3A_497 = arith.constant 20480 : i32
      %mul3A_498 = arith.muli %add3A_496, %mul3A_497 : i32
      %add3A_499 = arith.addi %mul3A_2, %mul3A_498 : i32
      %dma_wait3A_500 = arith.constant 0 : i32
      %dma_wait3A_501 = arith.constant 0 : i32
      %dma_wait3A_502 = tpu.memref_slice %arg6[%dma_wait3A_500, %dma_wait3A_501] : memref<2x20480xf32, #tpu.memory_space<vmem>> -> memref<1x20480xf32, #tpu.memory_space<vmem>>
      %dma_wait3A_503 = tpu.memref_squeeze %dma_wait3A_502 : memref<1x20480xf32, #tpu.memory_space<vmem>> -> memref<20480xf32, #tpu.memory_space<vmem>>
      %dma_wait3A_504 = tpu.memref_slice %arg2[%add3A_499] : memref<33554432xf32, #tpu.memory_space<hbm>> -> memref<20480xf32, #tpu.memory_space<hbm>>
      %dma_wait3A_505 = arith.constant 0 : i32
      %dma_wait3A_506 = tpu.memref_slice %arg6[%dma_wait3A_500, %dma_wait3A_505] : memref<2x20480xf32, #tpu.memory_space<vmem>> -> memref<1x20480xf32, #tpu.memory_space<vmem>>
      %dma_wait3A_507 = tpu.memref_squeeze %dma_wait3A_506 : memref<1x20480xf32, #tpu.memory_space<vmem>> -> memref<20480xf32, #tpu.memory_space<vmem>>
      %dma_wait3A_508 = tpu.memref_slice %arg2[%add3A_499] : memref<33554432xf32, #tpu.memory_space<hbm>> -> memref<20480xf32, #tpu.memory_space<hbm>>
      tpu.wait_dma2 semaphore(%arg8 : memref<!tpu.dma_semaphore, #tpu.memory_space<semaphore_mem>>) src(%dma_wait3A_508 : memref<20480xf32, #tpu.memory_space<hbm>>) dst(%dma_wait3A_507 : memref<20480xf32, #tpu.memory_space<vmem>>)
      %sub3A = arith.constant 2 : i32
      %sub3A_509 = arith.subi %add3A_496, %sub3A : i32
      %mul3A_510 = arith.constant 20480 : i32
      %mul3A_511 = arith.muli %sub3A_509, %mul3A_510 : i32
      %add3A_512 = arith.addi %mul3A_2, %mul3A_511 : i32
      %dma_wait3A_513 = arith.constant 0 : i32
      %dma_wait3A_514 = arith.constant 0 : i32
      %dma_wait3A_515 = tpu.memref_slice %arg7[%dma_wait3A_513, %dma_wait3A_514] : memref<2x20480xf32, #tpu.memory_space<vmem>> -> memref<1x20480xf32, #tpu.memory_space<vmem>>
      %dma_wait3A_516 = tpu.memref_squeeze %dma_wait3A_515 : memref<1x20480xf32, #tpu.memory_space<vmem>> -> memref<20480xf32, #tpu.memory_space<vmem>>
      %dma_wait3A_517 = tpu.memref_slice %arg4[%add3A_512] : memref<33554432xf32, #tpu.memory_space<hbm>> -> memref<20480xf32, #tpu.memory_space<hbm>>
      %dma_wait3A_518 = tpu.memref_slice %arg4[%add3A_512] : memref<33554432xf32, #tpu.memory_space<hbm>> -> memref<20480xf32, #tpu.memory_space<hbm>>
      %dma_wait3A_519 = arith.constant 0 : i32
      %dma_wait3A_520 = tpu.memref_slice %arg7[%dma_wait3A_513, %dma_wait3A_519] : memref<2x20480xf32, #tpu.memory_space<vmem>> -> memref<1x20480xf32, #tpu.memory_space<vmem>>
      %dma_wait3A_521 = tpu.memref_squeeze %dma_wait3A_520 : memref<1x20480xf32, #tpu.memory_space<vmem>> -> memref<20480xf32, #tpu.memory_space<vmem>>
      tpu.wait_dma2 semaphore(%arg10 : memref<!tpu.dma_semaphore, #tpu.memory_space<semaphore_mem>>) src(%dma_wait3A_521 : memref<20480xf32, #tpu.memory_space<vmem>>) dst(%dma_wait3A_518 : memref<20480xf32, #tpu.memory_space<hbm>>)
      %parallel_loop3A_522 = arith.constant 0 : i32
      %parallel_loop3A_523 = arith.constant 128 : i32
      %parallel_loop3A_524 = arith.constant 1 : i32
      scf.for %parallel_loop3A_610 = %parallel_loop3A_522 to %parallel_loop3A_523 step %parallel_loop3A_524  : i32 {
        %parallel_loop3A_611 = arith.constant 16 : i32
        %parallel_loop3A_612 = arith.muli %parallel_loop3A_610, %parallel_loop3A_611 : i32
        %parallel_loop3A_613 = tpu.assume_multiple %parallel_loop3A_612, 16 : i32
        %parallel_loop3A_614 = arith.constant 0 : i32
        %parallel_loop3A_615 = arith.addi %parallel_loop3A_614, %parallel_loop3A_613 : i32
        %parallel_loop3A_616 = arith.constant 0 : i32
        %parallel_loop3A_617 = arith.index_cast %parallel_loop3A_616 : i32 to index
        %parallel_loop3A_618 = arith.index_cast %parallel_loop3A_615 : i32 to index
        %parallel_loop3A_619 = tpu.vector_load %arg6[%parallel_loop3A_617, %parallel_loop3A_618] {strides = array<i32>} : memref<2x20480xf32, #tpu.memory_space<vmem>>, vector<1x16xf32>,
        %parallel_loop3A_620 = vector.shape_cast %parallel_loop3A_619 : vector<1x16xf32> to vector<16xf32>
        %parallel_loop3A_621 = arith.constant 0 : i32
        %parallel_loop3A_622 = arith.addi %parallel_loop3A_621, %parallel_loop3A_613 : i32
        %parallel_loop3A_623 = arith.index_cast %parallel_loop3A_622 : i32 to index
        %parallel_loop3A_624 = tpu.vector_load %arg5[%parallel_loop3A_623] {strides = array<i32>} : memref<20480xf32, #tpu.memory_space<vmem>>, vector<16xf32>,
        %parallel_loop3A_625 = vector.shape_cast %parallel_loop3A_624 : vector<16xf32> to vector<16xf32>
        %parallel_loop3A_626 = arith.addf %parallel_loop3A_620, %parallel_loop3A_625 : vector<16xf32>
        %parallel_loop3A_627 = arith.constant 0 : i32
        %parallel_loop3A_628 = arith.addi %parallel_loop3A_627, %parallel_loop3A_613 : i32
        %parallel_loop3A_629 = arith.constant 0 : i32
        %parallel_loop3A_630 = arith.index_cast %parallel_loop3A_629 : i32 to index
        %parallel_loop3A_631 = arith.index_cast %parallel_loop3A_628 : i32 to index
        %parallel_loop3A_632 = tpu.vector_load %arg7[%parallel_loop3A_630, %parallel_loop3A_631] {strides = array<i32>} : memref<2x20480xf32, #tpu.memory_space<vmem>>, vector<1x16xf32>,
        %parallel_loop3A_633 = vector.shape_cast %parallel_loop3A_632 : vector<1x16xf32> to vector<16xf32>
        %parallel_loop3A_634 = vector.shape_cast %parallel_loop3A_626 : vector<16xf32> to vector<1x16xf32>
        tpu.vector_store %arg7[%parallel_loop3A_630, %parallel_loop3A_631], %parallel_loop3A_634 {strides = array<i32>} : memref<2x20480xf32, #tpu.memory_space<vmem>>, vector<1x16xf32>,
        %parallel_loop3A_635 = arith.constant 2048 : i32
        %parallel_loop3A_636 = arith.addi %parallel_loop3A_635, %parallel_loop3A_613 : i32
        %parallel_loop3A_637 = arith.constant 0 : i32
        %parallel_loop3A_638 = arith.index_cast %parallel_loop3A_637 : i32 to index
        %parallel_loop3A_639 = arith.index_cast %parallel_loop3A_636 : i32 to index
        %parallel_loop3A_640 = tpu.vector_load %arg6[%parallel_loop3A_638, %parallel_loop3A_639] {strides = array<i32>} : memref<2x20480xf32, #tpu.memory_space<vmem>>, vector<1x16xf32>,
        %parallel_loop3A_641 = vector.shape_cast %parallel_loop3A_640 : vector<1x16xf32> to vector<16xf32>
        %parallel_loop3A_642 = arith.constant 2048 : i32
        %parallel_loop3A_643 = arith.addi %parallel_loop3A_642, %parallel_loop3A_613 : i32
        %parallel_loop3A_644 = arith.index_cast %parallel_loop3A_643 : i32 to index
        %parallel_loop3A_645 = tpu.vector_load %arg5[%parallel_loop3A_644] {strides = array<i32>} : memref<20480xf32, #tpu.memory_space<vmem>>, vector<16xf32>,
        %parallel_loop3A_646 = vector.shape_cast %parallel_loop3A_645 : vector<16xf32> to vector<16xf32>
        %parallel_loop3A_647 = arith.addf %parallel_loop3A_641, %parallel_loop3A_646 : vector<16xf32>
        %parallel_loop3A_648 = arith.constant 2048 : i32
        %parallel_loop3A_649 = arith.addi %parallel_loop3A_648, %parallel_loop3A_613 : i32
        %parallel_loop3A_650 = arith.constant 0 : i32
        %parallel_loop3A_651 = arith.index_cast %parallel_loop3A_650 : i32 to index
        %parallel_loop3A_652 = arith.index_cast %parallel_loop3A_649 : i32 to index
        %parallel_loop3A_653 = tpu.vector_load %arg7[%parallel_loop3A_651, %parallel_loop3A_652] {strides = array<i32>} : memref<2x20480xf32, #tpu.memory_space<vmem>>, vector<1x16xf32>,
        %parallel_loop3A_654 = vector.shape_cast %parallel_loop3A_653 : vector<1x16xf32> to vector<16xf32>
        %parallel_loop3A_655 = vector.shape_cast %parallel_loop3A_647 : vector<16xf32> to vector<1x16xf32>
        tpu.vector_store %arg7[%parallel_loop3A_651, %parallel_loop3A_652], %parallel_loop3A_655 {strides = array<i32>} : memref<2x20480xf32, #tpu.memory_space<vmem>>, vector<1x16xf32>,
        %parallel_loop3A_656 = arith.constant 4096 : i32
        %parallel_loop3A_657 = arith.addi %parallel_loop3A_656, %parallel_loop3A_613 : i32
        %parallel_loop3A_658 = arith.constant 0 : i32
        %parallel_loop3A_659 = arith.index_cast %parallel_loop3A_658 : i32 to index
        %parallel_loop3A_660 = arith.index_cast %parallel_loop3A_657 : i32 to index
        %parallel_loop3A_661 = tpu.vector_load %arg6[%parallel_loop3A_659, %parallel_loop3A_660] {strides = array<i32>} : memref<2x20480xf32, #tpu.memory_space<vmem>>, vector<1x16xf32>,
        %parallel_loop3A_662 = vector.shape_cast %parallel_loop3A_661 : vector<1x16xf32> to vector<16xf32>
        %parallel_loop3A_663 = arith.constant 4096 : i32
        %parallel_loop3A_664 = arith.addi %parallel_loop3A_663, %parallel_loop3A_613 : i32
        %parallel_loop3A_665 = arith.index_cast %parallel_loop3A_664 : i32 to index
        %parallel_loop3A_666 = tpu.vector_load %arg5[%parallel_loop3A_665] {strides = array<i32>} : memref<20480xf32, #tpu.memory_space<vmem>>, vector<16xf32>,
        %parallel_loop3A_667 = vector.shape_cast %parallel_loop3A_666 : vector<16xf32> to vector<16xf32>
        %parallel_loop3A_668 = arith.addf %parallel_loop3A_662, %parallel_loop3A_667 : vector<16xf32>
        %parallel_loop3A_669 = arith.constant 4096 : i32
        %parallel_loop3A_670 = arith.addi %parallel_loop3A_669, %parallel_loop3A_613 : i32
        %parallel_loop3A_671 = arith.constant 0 : i32
        %parallel_loop3A_672 = arith.index_cast %parallel_loop3A_671 : i32 to index
        %parallel_loop3A_673 = arith.index_cast %parallel_loop3A_670 : i32 to index
        %parallel_loop3A_674 = tpu.vector_load %arg7[%parallel_loop3A_672, %parallel_loop3A_673] {strides = array<i32>} : memref<2x20480xf32, #tpu.memory_space<vmem>>, vector<1x16xf32>,
        %parallel_loop3A_675 = vector.shape_cast %parallel_loop3A_674 : vector<1x16xf32> to vector<16xf32>
        %parallel_loop3A_676 = vector.shape_cast %parallel_loop3A_668 : vector<16xf32> to vector<1x16xf32>
        tpu.vector_store %arg7[%parallel_loop3A_672, %parallel_loop3A_673], %parallel_loop3A_676 {strides = array<i32>} : memref<2x20480xf32, #tpu.memory_space<vmem>>, vector<1x16xf32>,
        %parallel_loop3A_677 = arith.constant 6144 : i32
        %parallel_loop3A_678 = arith.addi %parallel_loop3A_677, %parallel_loop3A_613 : i32
        %parallel_loop3A_679 = arith.constant 0 : i32
        %parallel_loop3A_680 = arith.index_cast %parallel_loop3A_679 : i32 to index
        %parallel_loop3A_681 = arith.index_cast %parallel_loop3A_678 : i32 to index
        %parallel_loop3A_682 = tpu.vector_load %arg6[%parallel_loop3A_680, %parallel_loop3A_681] {strides = array<i32>} : memref<2x20480xf32, #tpu.memory_space<vmem>>, vector<1x16xf32>,
        %parallel_loop3A_683 = vector.shape_cast %parallel_loop3A_682 : vector<1x16xf32> to vector<16xf32>
        %parallel_loop3A_684 = arith.constant 6144 : i32
        %parallel_loop3A_685 = arith.addi %parallel_loop3A_684, %parallel_loop3A_613 : i32
        %parallel_loop3A_686 = arith.index_cast %parallel_loop3A_685 : i32 to index
        %parallel_loop3A_687 = tpu.vector_load %arg5[%parallel_loop3A_686] {strides = array<i32>} : memref<20480xf32, #tpu.memory_space<vmem>>, vector<16xf32>,
        %parallel_loop3A_688 = vector.shape_cast %parallel_loop3A_687 : vector<16xf32> to vector<16xf32>
        %parallel_loop3A_689 = arith.addf %parallel_loop3A_683, %parallel_loop3A_688 : vector<16xf32>
        %parallel_loop3A_690 = arith.constant 6144 : i32
        %parallel_loop3A_691 = arith.addi %parallel_loop3A_690, %parallel_loop3A_613 : i32
        %parallel_loop3A_692 = arith.constant 0 : i32
        %parallel_loop3A_693 = arith.index_cast %parallel_loop3A_692 : i32 to index
        %parallel_loop3A_694 = arith.index_cast %parallel_loop3A_691 : i32 to index
        %parallel_loop3A_695 = tpu.vector_load %arg7[%parallel_loop3A_693, %parallel_loop3A_694] {strides = array<i32>} : memref<2x20480xf32, #tpu.memory_space<vmem>>, vector<1x16xf32>,
        %parallel_loop3A_696 = vector.shape_cast %parallel_loop3A_695 : vector<1x16xf32> to vector<16xf32>
        %parallel_loop3A_697 = vector.shape_cast %parallel_loop3A_689 : vector<16xf32> to vector<1x16xf32>
        tpu.vector_store %arg7[%parallel_loop3A_693, %parallel_loop3A_694], %parallel_loop3A_697 {strides = array<i32>} : memref<2x20480xf32, #tpu.memory_space<vmem>>, vector<1x16xf32>,
        %parallel_loop3A_698 = arith.constant 8192 : i32
        %parallel_loop3A_699 = arith.addi %parallel_loop3A_698, %parallel_loop3A_613 : i32
        %parallel_loop3A_700 = arith.constant 0 : i32
        %parallel_loop3A_701 = arith.index_cast %parallel_loop3A_700 : i32 to index
        %parallel_loop3A_702 = arith.index_cast %parallel_loop3A_699 : i32 to index
        %parallel_loop3A_703 = tpu.vector_load %arg6[%parallel_loop3A_701, %parallel_loop3A_702] {strides = array<i32>} : memref<2x20480xf32, #tpu.memory_space<vmem>>, vector<1x16xf32>,
        %parallel_loop3A_704 = vector.shape_cast %parallel_loop3A_703 : vector<1x16xf32> to vector<16xf32>
        %parallel_loop3A_705 = arith.constant 8192 : i32
        %parallel_loop3A_706 = arith.addi %parallel_loop3A_705, %parallel_loop3A_613 : i32
        %parallel_loop3A_707 = arith.index_cast %parallel_loop3A_706 : i32 to index
        %parallel_loop3A_708 = tpu.vector_load %arg5[%parallel_loop3A_707] {strides = array<i32>} : memref<20480xf32, #tpu.memory_space<vmem>>, vector<16xf32>,
        %parallel_loop3A_709 = vector.shape_cast %parallel_loop3A_708 : vector<16xf32> to vector<16xf32>
        %parallel_loop3A_710 = arith.addf %parallel_loop3A_704, %parallel_loop3A_709 : vector<16xf32>
        %parallel_loop3A_711 = arith.constant 8192 : i32
        %parallel_loop3A_712 = arith.addi %parallel_loop3A_711, %parallel_loop3A_613 : i32
        %parallel_loop3A_713 = arith.constant 0 : i32
        %parallel_loop3A_714 = arith.index_cast %parallel_loop3A_713 : i32 to index
        %parallel_loop3A_715 = arith.index_cast %parallel_loop3A_712 : i32 to index
        %parallel_loop3A_716 = tpu.vector_load %arg7[%parallel_loop3A_714, %parallel_loop3A_715] {strides = array<i32>} : memref<2x20480xf32, #tpu.memory_space<vmem>>, vector<1x16xf32>,
        %parallel_loop3A_717 = vector.shape_cast %parallel_loop3A_716 : vector<1x16xf32> to vector<16xf32>
        %parallel_loop3A_718 = vector.shape_cast %parallel_loop3A_710 : vector<16xf32> to vector<1x16xf32>
        tpu.vector_store %arg7[%parallel_loop3A_714, %parallel_loop3A_715], %parallel_loop3A_718 {strides = array<i32>} : memref<2x20480xf32, #tpu.memory_space<vmem>>, vector<1x16xf32>,
        %parallel_loop3A_719 = arith.constant 10240 : i32
        %parallel_loop3A_720 = arith.addi %parallel_loop3A_719, %parallel_loop3A_613 : i32
        %parallel_loop3A_721 = arith.constant 0 : i32
        %parallel_loop3A_722 = arith.index_cast %parallel_loop3A_721 : i32 to index
        %parallel_loop3A_723 = arith.index_cast %parallel_loop3A_720 : i32 to index
        %parallel_loop3A_724 = tpu.vector_load %arg6[%parallel_loop3A_722, %parallel_loop3A_723] {strides = array<i32>} : memref<2x20480xf32, #tpu.memory_space<vmem>>, vector<1x16xf32>,
        %parallel_loop3A_725 = vector.shape_cast %parallel_loop3A_724 : vector<1x16xf32> to vector<16xf32>
        %parallel_loop3A_726 = arith.constant 10240 : i32
        %parallel_loop3A_727 = arith.addi %parallel_loop3A_726, %parallel_loop3A_613 : i32
        %parallel_loop3A_728 = arith.index_cast %parallel_loop3A_727 : i32 to index
        %parallel_loop3A_729 = tpu.vector_load %arg5[%parallel_loop3A_728] {strides = array<i32>} : memref<20480xf32, #tpu.memory_space<vmem>>, vector<16xf32>,
        %parallel_loop3A_730 = vector.shape_cast %parallel_loop3A_729 : vector<16xf32> to vector<16xf32>
        %parallel_loop3A_731 = arith.addf %parallel_loop3A_725, %parallel_loop3A_730 : vector<16xf32>
        %parallel_loop3A_732 = arith.constant 10240 : i32
        %parallel_loop3A_733 = arith.addi %parallel_loop3A_732, %parallel_loop3A_613 : i32
        %parallel_loop3A_734 = arith.constant 0 : i32
        %parallel_loop3A_735 = arith.index_cast %parallel_loop3A_734 : i32 to index
        %parallel_loop3A_736 = arith.index_cast %parallel_loop3A_733 : i32 to index
        %parallel_loop3A_737 = tpu.vector_load %arg7[%parallel_loop3A_735, %parallel_loop3A_736] {strides = array<i32>} : memref<2x20480xf32, #tpu.memory_space<vmem>>, vector<1x16xf32>,
        %parallel_loop3A_738 = vector.shape_cast %parallel_loop3A_737 : vector<1x16xf32> to vector<16xf32>
        %parallel_loop3A_739 = vector.shape_cast %parallel_loop3A_731 : vector<16xf32> to vector<1x16xf32>
        tpu.vector_store %arg7[%parallel_loop3A_735, %parallel_loop3A_736], %parallel_loop3A_739 {strides = array<i32>} : memref<2x20480xf32, #tpu.memory_space<vmem>>, vector<1x16xf32>,
        %parallel_loop3A_740 = arith.constant 12288 : i32
        %parallel_loop3A_741 = arith.addi %parallel_loop3A_740, %parallel_loop3A_613 : i32
        %parallel_loop3A_742 = arith.constant 0 : i32
        %parallel_loop3A_743 = arith.index_cast %parallel_loop3A_742 : i32 to index
        %parallel_loop3A_744 = arith.index_cast %parallel_loop3A_741 : i32 to index
        %parallel_loop3A_745 = tpu.vector_load %arg6[%parallel_loop3A_743, %parallel_loop3A_744] {strides = array<i32>} : memref<2x20480xf32, #tpu.memory_space<vmem>>, vector<1x16xf32>,
        %parallel_loop3A_746 = vector.shape_cast %parallel_loop3A_745 : vector<1x16xf32> to vector<16xf32>
        %parallel_loop3A_747 = arith.constant 12288 : i32
        %parallel_loop3A_748 = arith.addi %parallel_loop3A_747, %parallel_loop3A_613 : i32
        %parallel_loop3A_749 = arith.index_cast %parallel_loop3A_748 : i32 to index
        %parallel_loop3A_750 = tpu.vector_load %arg5[%parallel_loop3A_749] {strides = array<i32>} : memref<20480xf32, #tpu.memory_space<vmem>>, vector<16xf32>,
        %parallel_loop3A_751 = vector.shape_cast %parallel_loop3A_750 : vector<16xf32> to vector<16xf32>
        %parallel_loop3A_752 = arith.addf %parallel_loop3A_746, %parallel_loop3A_751 : vector<16xf32>
        %parallel_loop3A_753 = arith.constant 12288 : i32
        %parallel_loop3A_754 = arith.addi %parallel_loop3A_753, %parallel_loop3A_613 : i32
        %parallel_loop3A_755 = arith.constant 0 : i32
        %parallel_loop3A_756 = arith.index_cast %parallel_loop3A_755 : i32 to index
        %parallel_loop3A_757 = arith.index_cast %parallel_loop3A_754 : i32 to index
        %parallel_loop3A_758 = tpu.vector_load %arg7[%parallel_loop3A_756, %parallel_loop3A_757] {strides = array<i32>} : memref<2x20480xf32, #tpu.memory_space<vmem>>, vector<1x16xf32>,
        %parallel_loop3A_759 = vector.shape_cast %parallel_loop3A_758 : vector<1x16xf32> to vector<16xf32>
        %parallel_loop3A_760 = vector.shape_cast %parallel_loop3A_752 : vector<16xf32> to vector<1x16xf32>
        tpu.vector_store %arg7[%parallel_loop3A_756, %parallel_loop3A_757], %parallel_loop3A_760 {strides = array<i32>} : memref<2x20480xf32, #tpu.memory_space<vmem>>, vector<1x16xf32>,
        %parallel_loop3A_761 = arith.constant 14336 : i32
        %parallel_loop3A_762 = arith.addi %parallel_loop3A_761, %parallel_loop3A_613 : i32
        %parallel_loop3A_763 = arith.constant 0 : i32
        %parallel_loop3A_764 = arith.index_cast %parallel_loop3A_763 : i32 to index
        %parallel_loop3A_765 = arith.index_cast %parallel_loop3A_762 : i32 to index
        %parallel_loop3A_766 = tpu.vector_load %arg6[%parallel_loop3A_764, %parallel_loop3A_765] {strides = array<i32>} : memref<2x20480xf32, #tpu.memory_space<vmem>>, vector<1x16xf32>,
        %parallel_loop3A_767 = vector.shape_cast %parallel_loop3A_766 : vector<1x16xf32> to vector<16xf32>
        %parallel_loop3A_768 = arith.constant 14336 : i32
        %parallel_loop3A_769 = arith.addi %parallel_loop3A_768, %parallel_loop3A_613 : i32
        %parallel_loop3A_770 = arith.index_cast %parallel_loop3A_769 : i32 to index
        %parallel_loop3A_771 = tpu.vector_load %arg5[%parallel_loop3A_770] {strides = array<i32>} : memref<20480xf32, #tpu.memory_space<vmem>>, vector<16xf32>,
        %parallel_loop3A_772 = vector.shape_cast %parallel_loop3A_771 : vector<16xf32> to vector<16xf32>
        %parallel_loop3A_773 = arith.addf %parallel_loop3A_767, %parallel_loop3A_772 : vector<16xf32>
        %parallel_loop3A_774 = arith.constant 14336 : i32
        %parallel_loop3A_775 = arith.addi %parallel_loop3A_774, %parallel_loop3A_613 : i32
        %parallel_loop3A_776 = arith.constant 0 : i32
        %parallel_loop3A_777 = arith.index_cast %parallel_loop3A_776 : i32 to index
        %parallel_loop3A_778 = arith.index_cast %parallel_loop3A_775 : i32 to index
        %parallel_loop3A_779 = tpu.vector_load %arg7[%parallel_loop3A_777, %parallel_loop3A_778] {strides = array<i32>} : memref<2x20480xf32, #tpu.memory_space<vmem>>, vector<1x16xf32>,
        %parallel_loop3A_780 = vector.shape_cast %parallel_loop3A_779 : vector<1x16xf32> to vector<16xf32>
        %parallel_loop3A_781 = vector.shape_cast %parallel_loop3A_773 : vector<16xf32> to vector<1x16xf32>
        tpu.vector_store %arg7[%parallel_loop3A_777, %parallel_loop3A_778], %parallel_loop3A_781 {strides = array<i32>} : memref<2x20480xf32, #tpu.memory_space<vmem>>, vector<1x16xf32>,
        %parallel_loop3A_782 = arith.constant 16384 : i32
        %parallel_loop3A_783 = arith.addi %parallel_loop3A_782, %parallel_loop3A_613 : i32
        %parallel_loop3A_784 = arith.constant 0 : i32
        %parallel_loop3A_785 = arith.index_cast %parallel_loop3A_784 : i32 to index
        %parallel_loop3A_786 = arith.index_cast %parallel_loop3A_783 : i32 to index
        %parallel_loop3A_787 = tpu.vector_load %arg6[%parallel_loop3A_785, %parallel_loop3A_786] {strides = array<i32>} : memref<2x20480xf32, #tpu.memory_space<vmem>>, vector<1x16xf32>,
        %parallel_loop3A_788 = vector.shape_cast %parallel_loop3A_787 : vector<1x16xf32> to vector<16xf32>
        %parallel_loop3A_789 = arith.constant 16384 : i32
        %parallel_loop3A_790 = arith.addi %parallel_loop3A_789, %parallel_loop3A_613 : i32
        %parallel_loop3A_791 = arith.index_cast %parallel_loop3A_790 : i32 to index
        %parallel_loop3A_792 = tpu.vector_load %arg5[%parallel_loop3A_791] {strides = array<i32>} : memref<20480xf32, #tpu.memory_space<vmem>>, vector<16xf32>,
        %parallel_loop3A_793 = vector.shape_cast %parallel_loop3A_792 : vector<16xf32> to vector<16xf32>
        %parallel_loop3A_794 = arith.addf %parallel_loop3A_788, %parallel_loop3A_793 : vector<16xf32>
        %parallel_loop3A_795 = arith.constant 16384 : i32
        %parallel_loop3A_796 = arith.addi %parallel_loop3A_795, %parallel_loop3A_613 : i32
        %parallel_loop3A_797 = arith.constant 0 : i32
        %parallel_loop3A_798 = arith.index_cast %parallel_loop3A_797 : i32 to index
        %parallel_loop3A_799 = arith.index_cast %parallel_loop3A_796 : i32 to index
        %parallel_loop3A_800 = tpu.vector_load %arg7[%parallel_loop3A_798, %parallel_loop3A_799] {strides = array<i32>} : memref<2x20480xf32, #tpu.memory_space<vmem>>, vector<1x16xf32>,
        %parallel_loop3A_801 = vector.shape_cast %parallel_loop3A_800 : vector<1x16xf32> to vector<16xf32>
        %parallel_loop3A_802 = vector.shape_cast %parallel_loop3A_794 : vector<16xf32> to vector<1x16xf32>
        tpu.vector_store %arg7[%parallel_loop3A_798, %parallel_loop3A_799], %parallel_loop3A_802 {strides = array<i32>} : memref<2x20480xf32, #tpu.memory_space<vmem>>, vector<1x16xf32>,
        %parallel_loop3A_803 = arith.constant 18432 : i32
        %parallel_loop3A_804 = arith.addi %parallel_loop3A_803, %parallel_loop3A_613 : i32
        %parallel_loop3A_805 = arith.constant 0 : i32
        %parallel_loop3A_806 = arith.index_cast %parallel_loop3A_805 : i32 to index
        %parallel_loop3A_807 = arith.index_cast %parallel_loop3A_804 : i32 to index
        %parallel_loop3A_808 = tpu.vector_load %arg6[%parallel_loop3A_806, %parallel_loop3A_807] {strides = array<i32>} : memref<2x20480xf32, #tpu.memory_space<vmem>>, vector<1x16xf32>,
        %parallel_loop3A_809 = vector.shape_cast %parallel_loop3A_808 : vector<1x16xf32> to vector<16xf32>
        %parallel_loop3A_810 = arith.constant 18432 : i32
        %parallel_loop3A_811 = arith.addi %parallel_loop3A_810, %parallel_loop3A_613 : i32
        %parallel_loop3A_812 = arith.index_cast %parallel_loop3A_811 : i32 to index
        %parallel_loop3A_813 = tpu.vector_load %arg5[%parallel_loop3A_812] {strides = array<i32>} : memref<20480xf32, #tpu.memory_space<vmem>>, vector<16xf32>,
        %parallel_loop3A_814 = vector.shape_cast %parallel_loop3A_813 : vector<16xf32> to vector<16xf32>
        %parallel_loop3A_815 = arith.addf %parallel_loop3A_809, %parallel_loop3A_814 : vector<16xf32>
        %parallel_loop3A_816 = arith.constant 18432 : i32
        %parallel_loop3A_817 = arith.addi %parallel_loop3A_816, %parallel_loop3A_613 : i32
        %parallel_loop3A_818 = arith.constant 0 : i32
        %parallel_loop3A_819 = arith.index_cast %parallel_loop3A_818 : i32 to index
        %parallel_loop3A_820 = arith.index_cast %parallel_loop3A_817 : i32 to index
        %parallel_loop3A_821 = tpu.vector_load %arg7[%parallel_loop3A_819, %parallel_loop3A_820] {strides = array<i32>} : memref<2x20480xf32, #tpu.memory_space<vmem>>, vector<1x16xf32>,
        %parallel_loop3A_822 = vector.shape_cast %parallel_loop3A_821 : vector<1x16xf32> to vector<16xf32>
        %parallel_loop3A_823 = vector.shape_cast %parallel_loop3A_815 : vector<16xf32> to vector<1x16xf32>
        tpu.vector_store %arg7[%parallel_loop3A_819, %parallel_loop3A_820], %parallel_loop3A_823 {strides = array<i32>} : memref<2x20480xf32, #tpu.memory_space<vmem>>, vector<1x16xf32>,
      } {sc.loop_unroll_factor = 1 : i64, sc.parallel_access}
      %mul3A_525 = arith.constant 20480 : i32
      %mul3A_526 = arith.muli %add3A_496, %mul3A_525 : i32
      %add3A_527 = arith.addi %mul3A_2, %mul3A_526 : i32
      %dma_start3A_528 = arith.constant 0 : i32
      %dma_start3A_529 = arith.constant 0 : i32
      %dma_start3A_530 = tpu.memref_slice %arg7[%dma_start3A_528, %dma_start3A_529] : memref<2x20480xf32, #tpu.memory_space<vmem>> -> memref<1x20480xf32, #tpu.memory_space<vmem>>
      %dma_start3A_531 = tpu.memref_squeeze %dma_start3A_530 : memref<1x20480xf32, #tpu.memory_space<vmem>> -> memref<20480xf32, #tpu.memory_space<vmem>>
      %dma_start3A_532 = tpu.memref_slice %arg4[%add3A_527] : memref<33554432xf32, #tpu.memory_space<hbm>> -> memref<20480xf32, #tpu.memory_space<hbm>>
      %dma_start3A_533 = tpu.memref_slice %arg4[%add3A_527] : memref<33554432xf32, #tpu.memory_space<hbm>> -> memref<20480xf32, #tpu.memory_space<hbm>>
      %dma_start3A_534 = arith.constant 0 : i32
      %dma_start3A_535 = tpu.memref_slice %arg7[%dma_start3A_528, %dma_start3A_534] : memref<2x20480xf32, #tpu.memory_space<vmem>> -> memref<1x20480xf32, #tpu.memory_space<vmem>>
      %dma_start3A_536 = tpu.memref_squeeze %dma_start3A_535 : memref<1x20480xf32, #tpu.memory_space<vmem>> -> memref<20480xf32, #tpu.memory_space<vmem>>
      tpu.enqueue_dma source(%dma_start3A_536 : memref<20480xf32, #tpu.memory_space<vmem>>) target(%dma_start3A_533 : memref<20480xf32, #tpu.memory_space<hbm>>) target_semaphore(%arg10 : memref<!tpu.dma_semaphore, #tpu.memory_space<semaphore_mem>>)
      %add3A_537 = arith.constant 2 : i32
      %add3A_538 = arith.addi %add3A_496, %add3A_537 : i32
      %mul3A_539 = arith.constant 20480 : i32
      %mul3A_540 = arith.muli %add3A_538, %mul3A_539 : i32
      %add3A_541 = arith.addi %mul3A_2, %mul3A_540 : i32
      %dma_start3A_542 = arith.constant 0 : i32
      %dma_start3A_543 = arith.constant 0 : i32
      %dma_start3A_544 = tpu.memref_slice %arg6[%dma_start3A_542, %dma_start3A_543] : memref<2x20480xf32, #tpu.memory_space<vmem>> -> memref<1x20480xf32, #tpu.memory_space<vmem>>
      %dma_start3A_545 = tpu.memref_squeeze %dma_start3A_544 : memref<1x20480xf32, #tpu.memory_space<vmem>> -> memref<20480xf32, #tpu.memory_space<vmem>>
      %dma_start3A_546 = tpu.memref_slice %arg2[%add3A_541] : memref<33554432xf32, #tpu.memory_space<hbm>> -> memref<20480xf32, #tpu.memory_space<hbm>>
      %dma_start3A_547 = arith.constant 0 : i32
      %dma_start3A_548 = tpu.memref_slice %arg6[%dma_start3A_542, %dma_start3A_547] : memref<2x20480xf32, #tpu.memory_space<vmem>> -> memref<1x20480xf32, #tpu.memory_space<vmem>>
      %dma_start3A_549 = tpu.memref_squeeze %dma_start3A_548 : memref<1x20480xf32, #tpu.memory_space<vmem>> -> memref<20480xf32, #tpu.memory_space<vmem>>
      %dma_start3A_550 = tpu.memref_slice %arg2[%add3A_541] : memref<33554432xf32, #tpu.memory_space<hbm>> -> memref<20480xf32, #tpu.memory_space<hbm>>
      tpu.enqueue_dma source(%dma_start3A_550 : memref<20480xf32, #tpu.memory_space<hbm>>) target(%dma_start3A_549 : memref<20480xf32, #tpu.memory_space<vmem>>) target_semaphore(%arg8 : memref<!tpu.dma_semaphore, #tpu.memory_space<semaphore_mem>>)
      %mul3A_551 = arith.constant 2 : i32
      %mul3A_552 = arith.muli %scan3A_492, %mul3A_551 : i32
      %add3A_553 = arith.constant 1 : i32
      %add3A_554 = arith.addi %mul3A_552, %add3A_553 : i32
      %mul3A_555 = arith.constant 20480 : i32
      %mul3A_556 = arith.muli %add3A_554, %mul3A_555 : i32
      %add3A_557 = arith.addi %mul3A_2, %mul3A_556 : i32
      %dma_wait3A_558 = arith.constant 1 : i32
      %dma_wait3A_559 = arith.constant 0 : i32
      %dma_wait3A_560 = tpu.memref_slice %arg6[%dma_wait3A_558, %dma_wait3A_559] : memref<2x20480xf32, #tpu.memory_space<vmem>> -> memref<1x20480xf32, #tpu.memory_space<vmem>>
      %dma_wait3A_561 = tpu.memref_squeeze %dma_wait3A_560 : memref<1x20480xf32, #tpu.memory_space<vmem>> -> memref<20480xf32, #tpu.memory_space<vmem>>
      %dma_wait3A_562 = tpu.memref_slice %arg2[%add3A_557] : memref<33554432xf32, #tpu.memory_space<hbm>> -> memref<20480xf32, #tpu.memory_space<hbm>>
      %dma_wait3A_563 = arith.constant 0 : i32
      %dma_wait3A_564 = tpu.memref_slice %arg6[%dma_wait3A_558, %dma_wait3A_563] : memref<2x20480xf32, #tpu.memory_space<vmem>> -> memref<1x20480xf32, #tpu.memory_space<vmem>>
      %dma_wait3A_565 = tpu.memref_squeeze %dma_wait3A_564 : memref<1x20480xf32, #tpu.memory_space<vmem>> -> memref<20480xf32, #tpu.memory_space<vmem>>
      %dma_wait3A_566 = tpu.memref_slice %arg2[%add3A_557] : memref<33554432xf32, #tpu.memory_space<hbm>> -> memref<20480xf32, #tpu.memory_space<hbm>>
      tpu.wait_dma2 semaphore(%arg9 : memref<!tpu.dma_semaphore, #tpu.memory_space<semaphore_mem>>) src(%dma_wait3A_566 : memref<20480xf32, #tpu.memory_space<hbm>>) dst(%dma_wait3A_565 : memref<20480xf32, #tpu.memory_space<vmem>>)
      %sub3A_567 = arith.constant 2 : i32
      %sub3A_568 = arith.subi %add3A_554, %sub3A_567 : i32
      %mul3A_569 = arith.constant 20480 : i32
      %mul3A_570 = arith.muli %sub3A_568, %mul3A_569 : i32
      %add3A_571 = arith.addi %mul3A_2, %mul3A_570 : i32
      %dma_wait3A_572 = arith.constant 1 : i32
      %dma_wait3A_573 = arith.constant 0 : i32
      %dma_wait3A_574 = tpu.memref_slice %arg7[%dma_wait3A_572, %dma_wait3A_573] : memref<2x20480xf32, #tpu.memory_space<vmem>> -> memref<1x20480xf32, #tpu.memory_space<vmem>>
      %dma_wait3A_575 = tpu.memref_squeeze %dma_wait3A_574 : memref<1x20480xf32, #tpu.memory_space<vmem>> -> memref<20480xf32, #tpu.memory_space<vmem>>
      %dma_wait3A_576 = tpu.memref_slice %arg4[%add3A_571] : memref<33554432xf32, #tpu.memory_space<hbm>> -> memref<20480xf32, #tpu.memory_space<hbm>>
      %dma_wait3A_577 = tpu.memref_slice %arg4[%add3A_571] : memref<33554432xf32, #tpu.memory_space<hbm>> -> memref<20480xf32, #tpu.memory_space<hbm>>
      %dma_wait3A_578 = arith.constant 0 : i32
      %dma_wait3A_579 = tpu.memref_slice %arg7[%dma_wait3A_572, %dma_wait3A_578] : memref<2x20480xf32, #tpu.memory_space<vmem>> -> memref<1x20480xf32, #tpu.memory_space<vmem>>
      %dma_wait3A_580 = tpu.memref_squeeze %dma_wait3A_579 : memref<1x20480xf32, #tpu.memory_space<vmem>> -> memref<20480xf32, #tpu.memory_space<vmem>>
      tpu.wait_dma2 semaphore(%arg11 : memref<!tpu.dma_semaphore, #tpu.memory_space<semaphore_mem>>) src(%dma_wait3A_580 : memref<20480xf32, #tpu.memory_space<vmem>>) dst(%dma_wait3A_577 : memref<20480xf32, #tpu.memory_space<hbm>>)
      %parallel_loop3A_581 = arith.constant 0 : i32
      %parallel_loop3A_582 = arith.constant 128 : i32
      %parallel_loop3A_583 = arith.constant 1 : i32
      scf.for %parallel_loop3A_610 = %parallel_loop3A_581 to %parallel_loop3A_582 step %parallel_loop3A_583  : i32 {
        %parallel_loop3A_611 = arith.constant 16 : i32
        %parallel_loop3A_612 = arith.muli %parallel_loop3A_610, %parallel_loop3A_611 : i32
        %parallel_loop3A_613 = tpu.assume_multiple %parallel_loop3A_612, 16 : i32
        %parallel_loop3A_614 = arith.constant 0 : i32
        %parallel_loop3A_615 = arith.addi %parallel_loop3A_614, %parallel_loop3A_613 : i32
        %parallel_loop3A_616 = arith.constant 1 : i32
        %parallel_loop3A_617 = arith.index_cast %parallel_loop3A_616 : i32 to index
        %parallel_loop3A_618 = arith.index_cast %parallel_loop3A_615 : i32 to index
        %parallel_loop3A_619 = tpu.vector_load %arg6[%parallel_loop3A_617, %parallel_loop3A_618] {strides = array<i32>} : memref<2x20480xf32, #tpu.memory_space<vmem>>, vector<1x16xf32>,
        %parallel_loop3A_620 = vector.shape_cast %parallel_loop3A_619 : vector<1x16xf32> to vector<16xf32>
        %parallel_loop3A_621 = arith.constant 0 : i32
        %parallel_loop3A_622 = arith.addi %parallel_loop3A_621, %parallel_loop3A_613 : i32
        %parallel_loop3A_623 = arith.index_cast %parallel_loop3A_622 : i32 to index
        %parallel_loop3A_624 = tpu.vector_load %arg5[%parallel_loop3A_623] {strides = array<i32>} : memref<20480xf32, #tpu.memory_space<vmem>>, vector<16xf32>,
        %parallel_loop3A_625 = vector.shape_cast %parallel_loop3A_624 : vector<16xf32> to vector<16xf32>
        %parallel_loop3A_626 = arith.addf %parallel_loop3A_620, %parallel_loop3A_625 : vector<16xf32>
        %parallel_loop3A_627 = arith.constant 0 : i32
        %parallel_loop3A_628 = arith.addi %parallel_loop3A_627, %parallel_loop3A_613 : i32
        %parallel_loop3A_629 = arith.constant 1 : i32
        %parallel_loop3A_630 = arith.index_cast %parallel_loop3A_629 : i32 to index
        %parallel_loop3A_631 = arith.index_cast %parallel_loop3A_628 : i32 to index
        %parallel_loop3A_632 = tpu.vector_load %arg7[%parallel_loop3A_630, %parallel_loop3A_631] {strides = array<i32>} : memref<2x20480xf32, #tpu.memory_space<vmem>>, vector<1x16xf32>,
        %parallel_loop3A_633 = vector.shape_cast %parallel_loop3A_632 : vector<1x16xf32> to vector<16xf32>
        %parallel_loop3A_634 = vector.shape_cast %parallel_loop3A_626 : vector<16xf32> to vector<1x16xf32>
        tpu.vector_store %arg7[%parallel_loop3A_630, %parallel_loop3A_631], %parallel_loop3A_634 {strides = array<i32>} : memref<2x20480xf32, #tpu.memory_space<vmem>>, vector<1x16xf32>,
        %parallel_loop3A_635 = arith.constant 2048 : i32
        %parallel_loop3A_636 = arith.addi %parallel_loop3A_635, %parallel_loop3A_613 : i32
        %parallel_loop3A_637 = arith.constant 1 : i32
        %parallel_loop3A_638 = arith.index_cast %parallel_loop3A_637 : i32 to index
        %parallel_loop3A_639 = arith.index_cast %parallel_loop3A_636 : i32 to index
        %parallel_loop3A_640 = tpu.vector_load %arg6[%parallel_loop3A_638, %parallel_loop3A_639] {strides = array<i32>} : memref<2x20480xf32, #tpu.memory_space<vmem>>, vector<1x16xf32>,
        %parallel_loop3A_641 = vector.shape_cast %parallel_loop3A_640 : vector<1x16xf32> to vector<16xf32>
        %parallel_loop3A_642 = arith.constant 2048 : i32
        %parallel_loop3A_643 = arith.addi %parallel_loop3A_642, %parallel_loop3A_613 : i32
        %parallel_loop3A_644 = arith.index_cast %parallel_loop3A_643 : i32 to index
        %parallel_loop3A_645 = tpu.vector_load %arg5[%parallel_loop3A_644] {strides = array<i32>} : memref<20480xf32, #tpu.memory_space<vmem>>, vector<16xf32>,
        %parallel_loop3A_646 = vector.shape_cast %parallel_loop3A_645 : vector<16xf32> to vector<16xf32>
        %parallel_loop3A_647 = arith.addf %parallel_loop3A_641, %parallel_loop3A_646 : vector<16xf32>
        %parallel_loop3A_648 = arith.constant 2048 : i32
        %parallel_loop3A_649 = arith.addi %parallel_loop3A_648, %parallel_loop3A_613 : i32
        %parallel_loop3A_650 = arith.constant 1 : i32
        %parallel_loop3A_651 = arith.index_cast %parallel_loop3A_650 : i32 to index
        %parallel_loop3A_652 = arith.index_cast %parallel_loop3A_649 : i32 to index
        %parallel_loop3A_653 = tpu.vector_load %arg7[%parallel_loop3A_651, %parallel_loop3A_652] {strides = array<i32>} : memref<2x20480xf32, #tpu.memory_space<vmem>>, vector<1x16xf32>,
        %parallel_loop3A_654 = vector.shape_cast %parallel_loop3A_653 : vector<1x16xf32> to vector<16xf32>
        %parallel_loop3A_655 = vector.shape_cast %parallel_loop3A_647 : vector<16xf32> to vector<1x16xf32>
        tpu.vector_store %arg7[%parallel_loop3A_651, %parallel_loop3A_652], %parallel_loop3A_655 {strides = array<i32>} : memref<2x20480xf32, #tpu.memory_space<vmem>>, vector<1x16xf32>,
        %parallel_loop3A_656 = arith.constant 4096 : i32
        %parallel_loop3A_657 = arith.addi %parallel_loop3A_656, %parallel_loop3A_613 : i32
        %parallel_loop3A_658 = arith.constant 1 : i32
        %parallel_loop3A_659 = arith.index_cast %parallel_loop3A_658 : i32 to index
        %parallel_loop3A_660 = arith.index_cast %parallel_loop3A_657 : i32 to index
        %parallel_loop3A_661 = tpu.vector_load %arg6[%parallel_loop3A_659, %parallel_loop3A_660] {strides = array<i32>} : memref<2x20480xf32, #tpu.memory_space<vmem>>, vector<1x16xf32>,
        %parallel_loop3A_662 = vector.shape_cast %parallel_loop3A_661 : vector<1x16xf32> to vector<16xf32>
        %parallel_loop3A_663 = arith.constant 4096 : i32
        %parallel_loop3A_664 = arith.addi %parallel_loop3A_663, %parallel_loop3A_613 : i32
        %parallel_loop3A_665 = arith.index_cast %parallel_loop3A_664 : i32 to index
        %parallel_loop3A_666 = tpu.vector_load %arg5[%parallel_loop3A_665] {strides = array<i32>} : memref<20480xf32, #tpu.memory_space<vmem>>, vector<16xf32>,
        %parallel_loop3A_667 = vector.shape_cast %parallel_loop3A_666 : vector<16xf32> to vector<16xf32>
        %parallel_loop3A_668 = arith.addf %parallel_loop3A_662, %parallel_loop3A_667 : vector<16xf32>
        %parallel_loop3A_669 = arith.constant 4096 : i32
        %parallel_loop3A_670 = arith.addi %parallel_loop3A_669, %parallel_loop3A_613 : i32
        %parallel_loop3A_671 = arith.constant 1 : i32
        %parallel_loop3A_672 = arith.index_cast %parallel_loop3A_671 : i32 to index
        %parallel_loop3A_673 = arith.index_cast %parallel_loop3A_670 : i32 to index
        %parallel_loop3A_674 = tpu.vector_load %arg7[%parallel_loop3A_672, %parallel_loop3A_673] {strides = array<i32>} : memref<2x20480xf32, #tpu.memory_space<vmem>>, vector<1x16xf32>,
        %parallel_loop3A_675 = vector.shape_cast %parallel_loop3A_674 : vector<1x16xf32> to vector<16xf32>
        %parallel_loop3A_676 = vector.shape_cast %parallel_loop3A_668 : vector<16xf32> to vector<1x16xf32>
        tpu.vector_store %arg7[%parallel_loop3A_672, %parallel_loop3A_673], %parallel_loop3A_676 {strides = array<i32>} : memref<2x20480xf32, #tpu.memory_space<vmem>>, vector<1x16xf32>,
        %parallel_loop3A_677 = arith.constant 6144 : i32
        %parallel_loop3A_678 = arith.addi %parallel_loop3A_677, %parallel_loop3A_613 : i32
        %parallel_loop3A_679 = arith.constant 1 : i32
        %parallel_loop3A_680 = arith.index_cast %parallel_loop3A_679 : i32 to index
        %parallel_loop3A_681 = arith.index_cast %parallel_loop3A_678 : i32 to index
        %parallel_loop3A_682 = tpu.vector_load %arg6[%parallel_loop3A_680, %parallel_loop3A_681] {strides = array<i32>} : memref<2x20480xf32, #tpu.memory_space<vmem>>, vector<1x16xf32>,
        %parallel_loop3A_683 = vector.shape_cast %parallel_loop3A_682 : vector<1x16xf32> to vector<16xf32>
        %parallel_loop3A_684 = arith.constant 6144 : i32
        %parallel_loop3A_685 = arith.addi %parallel_loop3A_684, %parallel_loop3A_613 : i32
        %parallel_loop3A_686 = arith.index_cast %parallel_loop3A_685 : i32 to index
        %parallel_loop3A_687 = tpu.vector_load %arg5[%parallel_loop3A_686] {strides = array<i32>} : memref<20480xf32, #tpu.memory_space<vmem>>, vector<16xf32>,
        %parallel_loop3A_688 = vector.shape_cast %parallel_loop3A_687 : vector<16xf32> to vector<16xf32>
        %parallel_loop3A_689 = arith.addf %parallel_loop3A_683, %parallel_loop3A_688 : vector<16xf32>
        %parallel_loop3A_690 = arith.constant 6144 : i32
        %parallel_loop3A_691 = arith.addi %parallel_loop3A_690, %parallel_loop3A_613 : i32
        %parallel_loop3A_692 = arith.constant 1 : i32
        %parallel_loop3A_693 = arith.index_cast %parallel_loop3A_692 : i32 to index
        %parallel_loop3A_694 = arith.index_cast %parallel_loop3A_691 : i32 to index
        %parallel_loop3A_695 = tpu.vector_load %arg7[%parallel_loop3A_693, %parallel_loop3A_694] {strides = array<i32>} : memref<2x20480xf32, #tpu.memory_space<vmem>>, vector<1x16xf32>,
        %parallel_loop3A_696 = vector.shape_cast %parallel_loop3A_695 : vector<1x16xf32> to vector<16xf32>
        %parallel_loop3A_697 = vector.shape_cast %parallel_loop3A_689 : vector<16xf32> to vector<1x16xf32>
        tpu.vector_store %arg7[%parallel_loop3A_693, %parallel_loop3A_694], %parallel_loop3A_697 {strides = array<i32>} : memref<2x20480xf32, #tpu.memory_space<vmem>>, vector<1x16xf32>,
        %parallel_loop3A_698 = arith.constant 8192 : i32
        %parallel_loop3A_699 = arith.addi %parallel_loop3A_698, %parallel_loop3A_613 : i32
        %parallel_loop3A_700 = arith.constant 1 : i32
        %parallel_loop3A_701 = arith.index_cast %parallel_loop3A_700 : i32 to index
        %parallel_loop3A_702 = arith.index_cast %parallel_loop3A_699 : i32 to index
        %parallel_loop3A_703 = tpu.vector_load %arg6[%parallel_loop3A_701, %parallel_loop3A_702] {strides = array<i32>} : memref<2x20480xf32, #tpu.memory_space<vmem>>, vector<1x16xf32>,
        %parallel_loop3A_704 = vector.shape_cast %parallel_loop3A_703 : vector<1x16xf32> to vector<16xf32>
        %parallel_loop3A_705 = arith.constant 8192 : i32
        %parallel_loop3A_706 = arith.addi %parallel_loop3A_705, %parallel_loop3A_613 : i32
        %parallel_loop3A_707 = arith.index_cast %parallel_loop3A_706 : i32 to index
        %parallel_loop3A_708 = tpu.vector_load %arg5[%parallel_loop3A_707] {strides = array<i32>} : memref<20480xf32, #tpu.memory_space<vmem>>, vector<16xf32>,
        %parallel_loop3A_709 = vector.shape_cast %parallel_loop3A_708 : vector<16xf32> to vector<16xf32>
        %parallel_loop3A_710 = arith.addf %parallel_loop3A_704, %parallel_loop3A_709 : vector<16xf32>
        %parallel_loop3A_711 = arith.constant 8192 : i32
        %parallel_loop3A_712 = arith.addi %parallel_loop3A_711, %parallel_loop3A_613 : i32
        %parallel_loop3A_713 = arith.constant 1 : i32
        %parallel_loop3A_714 = arith.index_cast %parallel_loop3A_713 : i32 to index
        %parallel_loop3A_715 = arith.index_cast %parallel_loop3A_712 : i32 to index
        %parallel_loop3A_716 = tpu.vector_load %arg7[%parallel_loop3A_714, %parallel_loop3A_715] {strides = array<i32>} : memref<2x20480xf32, #tpu.memory_space<vmem>>, vector<1x16xf32>,
        %parallel_loop3A_717 = vector.shape_cast %parallel_loop3A_716 : vector<1x16xf32> to vector<16xf32>
        %parallel_loop3A_718 = vector.shape_cast %parallel_loop3A_710 : vector<16xf32> to vector<1x16xf32>
        tpu.vector_store %arg7[%parallel_loop3A_714, %parallel_loop3A_715], %parallel_loop3A_718 {strides = array<i32>} : memref<2x20480xf32, #tpu.memory_space<vmem>>, vector<1x16xf32>,
        %parallel_loop3A_719 = arith.constant 10240 : i32
        %parallel_loop3A_720 = arith.addi %parallel_loop3A_719, %parallel_loop3A_613 : i32
        %parallel_loop3A_721 = arith.constant 1 : i32
        %parallel_loop3A_722 = arith.index_cast %parallel_loop3A_721 : i32 to index
        %parallel_loop3A_723 = arith.index_cast %parallel_loop3A_720 : i32 to index
        %parallel_loop3A_724 = tpu.vector_load %arg6[%parallel_loop3A_722, %parallel_loop3A_723] {strides = array<i32>} : memref<2x20480xf32, #tpu.memory_space<vmem>>, vector<1x16xf32>,
        %parallel_loop3A_725 = vector.shape_cast %parallel_loop3A_724 : vector<1x16xf32> to vector<16xf32>
        %parallel_loop3A_726 = arith.constant 10240 : i32
        %parallel_loop3A_727 = arith.addi %parallel_loop3A_726, %parallel_loop3A_613 : i32
        %parallel_loop3A_728 = arith.index_cast %parallel_loop3A_727 : i32 to index
        %parallel_loop3A_729 = tpu.vector_load %arg5[%parallel_loop3A_728] {strides = array<i32>} : memref<20480xf32, #tpu.memory_space<vmem>>, vector<16xf32>,
        %parallel_loop3A_730 = vector.shape_cast %parallel_loop3A_729 : vector<16xf32> to vector<16xf32>
        %parallel_loop3A_731 = arith.addf %parallel_loop3A_725, %parallel_loop3A_730 : vector<16xf32>
        %parallel_loop3A_732 = arith.constant 10240 : i32
        %parallel_loop3A_733 = arith.addi %parallel_loop3A_732, %parallel_loop3A_613 : i32
        %parallel_loop3A_734 = arith.constant 1 : i32
        %parallel_loop3A_735 = arith.index_cast %parallel_loop3A_734 : i32 to index
        %parallel_loop3A_736 = arith.index_cast %parallel_loop3A_733 : i32 to index
        %parallel_loop3A_737 = tpu.vector_load %arg7[%parallel_loop3A_735, %parallel_loop3A_736] {strides = array<i32>} : memref<2x20480xf32, #tpu.memory_space<vmem>>, vector<1x16xf32>,
        %parallel_loop3A_738 = vector.shape_cast %parallel_loop3A_737 : vector<1x16xf32> to vector<16xf32>
        %parallel_loop3A_739 = vector.shape_cast %parallel_loop3A_731 : vector<16xf32> to vector<1x16xf32>
        tpu.vector_store %arg7[%parallel_loop3A_735, %parallel_loop3A_736], %parallel_loop3A_739 {strides = array<i32>} : memref<2x20480xf32, #tpu.memory_space<vmem>>, vector<1x16xf32>,
        %parallel_loop3A_740 = arith.constant 12288 : i32
        %parallel_loop3A_741 = arith.addi %parallel_loop3A_740, %parallel_loop3A_613 : i32
        %parallel_loop3A_742 = arith.constant 1 : i32
        %parallel_loop3A_743 = arith.index_cast %parallel_loop3A_742 : i32 to index
        %parallel_loop3A_744 = arith.index_cast %parallel_loop3A_741 : i32 to index
        %parallel_loop3A_745 = tpu.vector_load %arg6[%parallel_loop3A_743, %parallel_loop3A_744] {strides = array<i32>} : memref<2x20480xf32, #tpu.memory_space<vmem>>, vector<1x16xf32>,
        %parallel_loop3A_746 = vector.shape_cast %parallel_loop3A_745 : vector<1x16xf32> to vector<16xf32>
        %parallel_loop3A_747 = arith.constant 12288 : i32
        %parallel_loop3A_748 = arith.addi %parallel_loop3A_747, %parallel_loop3A_613 : i32
        %parallel_loop3A_749 = arith.index_cast %parallel_loop3A_748 : i32 to index
        %parallel_loop3A_750 = tpu.vector_load %arg5[%parallel_loop3A_749] {strides = array<i32>} : memref<20480xf32, #tpu.memory_space<vmem>>, vector<16xf32>,
        %parallel_loop3A_751 = vector.shape_cast %parallel_loop3A_750 : vector<16xf32> to vector<16xf32>
        %parallel_loop3A_752 = arith.addf %parallel_loop3A_746, %parallel_loop3A_751 : vector<16xf32>
        %parallel_loop3A_753 = arith.constant 12288 : i32
        %parallel_loop3A_754 = arith.addi %parallel_loop3A_753, %parallel_loop3A_613 : i32
        %parallel_loop3A_755 = arith.constant 1 : i32
        %parallel_loop3A_756 = arith.index_cast %parallel_loop3A_755 : i32 to index
        %parallel_loop3A_757 = arith.index_cast %parallel_loop3A_754 : i32 to index
        %parallel_loop3A_758 = tpu.vector_load %arg7[%parallel_loop3A_756, %parallel_loop3A_757] {strides = array<i32>} : memref<2x20480xf32, #tpu.memory_space<vmem>>, vector<1x16xf32>,
        %parallel_loop3A_759 = vector.shape_cast %parallel_loop3A_758 : vector<1x16xf32> to vector<16xf32>
        %parallel_loop3A_760 = vector.shape_cast %parallel_loop3A_752 : vector<16xf32> to vector<1x16xf32>
        tpu.vector_store %arg7[%parallel_loop3A_756, %parallel_loop3A_757], %parallel_loop3A_760 {strides = array<i32>} : memref<2x20480xf32, #tpu.memory_space<vmem>>, vector<1x16xf32>,
        %parallel_loop3A_761 = arith.constant 14336 : i32
        %parallel_loop3A_762 = arith.addi %parallel_loop3A_761, %parallel_loop3A_613 : i32
        %parallel_loop3A_763 = arith.constant 1 : i32
        %parallel_loop3A_764 = arith.index_cast %parallel_loop3A_763 : i32 to index
        %parallel_loop3A_765 = arith.index_cast %parallel_loop3A_762 : i32 to index
        %parallel_loop3A_766 = tpu.vector_load %arg6[%parallel_loop3A_764, %parallel_loop3A_765] {strides = array<i32>} : memref<2x20480xf32, #tpu.memory_space<vmem>>, vector<1x16xf32>,
        %parallel_loop3A_767 = vector.shape_cast %parallel_loop3A_766 : vector<1x16xf32> to vector<16xf32>
        %parallel_loop3A_768 = arith.constant 14336 : i32
        %parallel_loop3A_769 = arith.addi %parallel_loop3A_768, %parallel_loop3A_613 : i32
        %parallel_loop3A_770 = arith.index_cast %parallel_loop3A_769 : i32 to index
        %parallel_loop3A_771 = tpu.vector_load %arg5[%parallel_loop3A_770] {strides = array<i32>} : memref<20480xf32, #tpu.memory_space<vmem>>, vector<16xf32>,
        %parallel_loop3A_772 = vector.shape_cast %parallel_loop3A_771 : vector<16xf32> to vector<16xf32>
        %parallel_loop3A_773 = arith.addf %parallel_loop3A_767, %parallel_loop3A_772 : vector<16xf32>
        %parallel_loop3A_774 = arith.constant 14336 : i32
        %parallel_loop3A_775 = arith.addi %parallel_loop3A_774, %parallel_loop3A_613 : i32
        %parallel_loop3A_776 = arith.constant 1 : i32
        %parallel_loop3A_777 = arith.index_cast %parallel_loop3A_776 : i32 to index
        %parallel_loop3A_778 = arith.index_cast %parallel_loop3A_775 : i32 to index
        %parallel_loop3A_779 = tpu.vector_load %arg7[%parallel_loop3A_777, %parallel_loop3A_778] {strides = array<i32>} : memref<2x20480xf32, #tpu.memory_space<vmem>>, vector<1x16xf32>,
        %parallel_loop3A_780 = vector.shape_cast %parallel_loop3A_779 : vector<1x16xf32> to vector<16xf32>
        %parallel_loop3A_781 = vector.shape_cast %parallel_loop3A_773 : vector<16xf32> to vector<1x16xf32>
        tpu.vector_store %arg7[%parallel_loop3A_777, %parallel_loop3A_778], %parallel_loop3A_781 {strides = array<i32>} : memref<2x20480xf32, #tpu.memory_space<vmem>>, vector<1x16xf32>,
        %parallel_loop3A_782 = arith.constant 16384 : i32
        %parallel_loop3A_783 = arith.addi %parallel_loop3A_782, %parallel_loop3A_613 : i32
        %parallel_loop3A_784 = arith.constant 1 : i32
        %parallel_loop3A_785 = arith.index_cast %parallel_loop3A_784 : i32 to index
        %parallel_loop3A_786 = arith.index_cast %parallel_loop3A_783 : i32 to index
        %parallel_loop3A_787 = tpu.vector_load %arg6[%parallel_loop3A_785, %parallel_loop3A_786] {strides = array<i32>} : memref<2x20480xf32, #tpu.memory_space<vmem>>, vector<1x16xf32>,
        %parallel_loop3A_788 = vector.shape_cast %parallel_loop3A_787 : vector<1x16xf32> to vector<16xf32>
        %parallel_loop3A_789 = arith.constant 16384 : i32
        %parallel_loop3A_790 = arith.addi %parallel_loop3A_789, %parallel_loop3A_613 : i32
        %parallel_loop3A_791 = arith.index_cast %parallel_loop3A_790 : i32 to index
        %parallel_loop3A_792 = tpu.vector_load %arg5[%parallel_loop3A_791] {strides = array<i32>} : memref<20480xf32, #tpu.memory_space<vmem>>, vector<16xf32>,
        %parallel_loop3A_793 = vector.shape_cast %parallel_loop3A_792 : vector<16xf32> to vector<16xf32>
        %parallel_loop3A_794 = arith.addf %parallel_loop3A_788, %parallel_loop3A_793 : vector<16xf32>
        %parallel_loop3A_795 = arith.constant 16384 : i32
        %parallel_loop3A_796 = arith.addi %parallel_loop3A_795, %parallel_loop3A_613 : i32
        %parallel_loop3A_797 = arith.constant 1 : i32
        %parallel_loop3A_798 = arith.index_cast %parallel_loop3A_797 : i32 to index
        %parallel_loop3A_799 = arith.index_cast %parallel_loop3A_796 : i32 to index
        %parallel_loop3A_800 = tpu.vector_load %arg7[%parallel_loop3A_798, %parallel_loop3A_799] {strides = array<i32>} : memref<2x20480xf32, #tpu.memory_space<vmem>>, vector<1x16xf32>,
        %parallel_loop3A_801 = vector.shape_cast %parallel_loop3A_800 : vector<1x16xf32> to vector<16xf32>
        %parallel_loop3A_802 = vector.shape_cast %parallel_loop3A_794 : vector<16xf32> to vector<1x16xf32>
        tpu.vector_store %arg7[%parallel_loop3A_798, %parallel_loop3A_799], %parallel_loop3A_802 {strides = array<i32>} : memref<2x20480xf32, #tpu.memory_space<vmem>>, vector<1x16xf32>,
        %parallel_loop3A_803 = arith.constant 18432 : i32
        %parallel_loop3A_804 = arith.addi %parallel_loop3A_803, %parallel_loop3A_613 : i32
        %parallel_loop3A_805 = arith.constant 1 : i32
        %parallel_loop3A_806 = arith.index_cast %parallel_loop3A_805 : i32 to index
        %parallel_loop3A_807 = arith.index_cast %parallel_loop3A_804 : i32 to index
        %parallel_loop3A_808 = tpu.vector_load %arg6[%parallel_loop3A_806, %parallel_loop3A_807] {strides = array<i32>} : memref<2x20480xf32, #tpu.memory_space<vmem>>, vector<1x16xf32>,
        %parallel_loop3A_809 = vector.shape_cast %parallel_loop3A_808 : vector<1x16xf32> to vector<16xf32>
        %parallel_loop3A_810 = arith.constant 18432 : i32
        %parallel_loop3A_811 = arith.addi %parallel_loop3A_810, %parallel_loop3A_613 : i32
        %parallel_loop3A_812 = arith.index_cast %parallel_loop3A_811 : i32 to index
        %parallel_loop3A_813 = tpu.vector_load %arg5[%parallel_loop3A_812] {strides = array<i32>} : memref<20480xf32, #tpu.memory_space<vmem>>, vector<16xf32>,
        %parallel_loop3A_814 = vector.shape_cast %parallel_loop3A_813 : vector<16xf32> to vector<16xf32>
        %parallel_loop3A_815 = arith.addf %parallel_loop3A_809, %parallel_loop3A_814 : vector<16xf32>
        %parallel_loop3A_816 = arith.constant 18432 : i32
        %parallel_loop3A_817 = arith.addi %parallel_loop3A_816, %parallel_loop3A_613 : i32
        %parallel_loop3A_818 = arith.constant 1 : i32
        %parallel_loop3A_819 = arith.index_cast %parallel_loop3A_818 : i32 to index
        %parallel_loop3A_820 = arith.index_cast %parallel_loop3A_817 : i32 to index
        %parallel_loop3A_821 = tpu.vector_load %arg7[%parallel_loop3A_819, %parallel_loop3A_820] {strides = array<i32>} : memref<2x20480xf32, #tpu.memory_space<vmem>>, vector<1x16xf32>,
        %parallel_loop3A_822 = vector.shape_cast %parallel_loop3A_821 : vector<1x16xf32> to vector<16xf32>
        %parallel_loop3A_823 = vector.shape_cast %parallel_loop3A_815 : vector<16xf32> to vector<1x16xf32>
        tpu.vector_store %arg7[%parallel_loop3A_819, %parallel_loop3A_820], %parallel_loop3A_823 {strides = array<i32>} : memref<2x20480xf32, #tpu.memory_space<vmem>>, vector<1x16xf32>,
      } {sc.loop_unroll_factor = 1 : i64, sc.parallel_access}
      %mul3A_584 = arith.constant 20480 : i32
      %mul3A_585 = arith.muli %add3A_554, %mul3A_584 : i32
      %add3A_586 = arith.addi %mul3A_2, %mul3A_585 : i32
      %dma_start3A_587 = arith.constant 1 : i32
      %dma_start3A_588 = arith.constant 0 : i32
      %dma_start3A_589 = tpu.memref_slice %arg7[%dma_start3A_587, %dma_start3A_588] : memref<2x20480xf32, #tpu.memory_space<vmem>> -> memref<1x20480xf32, #tpu.memory_space<vmem>>
      %dma_start3A_590 = tpu.memref_squeeze %dma_start3A_589 : memref<1x20480xf32, #tpu.memory_space<vmem>> -> memref<20480xf32, #tpu.memory_space<vmem>>
      %dma_start3A_591 = tpu.memref_slice %arg4[%add3A_586] : memref<33554432xf32, #tpu.memory_space<hbm>> -> memref<20480xf32, #tpu.memory_space<hbm>>
      %dma_start3A_592 = tpu.memref_slice %arg4[%add3A_586] : memref<33554432xf32, #tpu.memory_space<hbm>> -> memref<20480xf32, #tpu.memory_space<hbm>>
      %dma_start3A_593 = arith.constant 0 : i32
      %dma_start3A_594 = tpu.memref_slice %arg7[%dma_start3A_587, %dma_start3A_593] : memref<2x20480xf32, #tpu.memory_space<vmem>> -> memref<1x20480xf32, #tpu.memory_space<vmem>>
      %dma_start3A_595 = tpu.memref_squeeze %dma_start3A_594 : memref<1x20480xf32, #tpu.memory_space<vmem>> -> memref<20480xf32, #tpu.memory_space<vmem>>
      tpu.enqueue_dma source(%dma_start3A_595 : memref<20480xf32, #tpu.memory_space<vmem>>) target(%dma_start3A_592 : memref<20480xf32, #tpu.memory_space<hbm>>) target_semaphore(%arg11 : memref<!tpu.dma_semaphore, #tpu.memory_space<semaphore_mem>>)
      %add3A_596 = arith.constant 2 : i32
      %add3A_597 = arith.addi %add3A_554, %add3A_596 : i32
      %mul3A_598 = arith.constant 20480 : i32
      %mul3A_599 = arith.muli %add3A_597, %mul3A_598 : i32
      %add3A_600 = arith.addi %mul3A_2, %mul3A_599 : i32
      %dma_start3A_601 = arith.constant 1 : i32
      %dma_start3A_602 = arith.constant 0 : i32
      %dma_start3A_603 = tpu.memref_slice %arg6[%dma_start3A_601, %dma_start3A_602] : memref<2x20480xf32, #tpu.memory_space<vmem>> -> memref<1x20480xf32, #tpu.memory_space<vmem>>
      %dma_start3A_604 = tpu.memref_squeeze %dma_start3A_603 : memref<1x20480xf32, #tpu.memory_space<vmem>> -> memref<20480xf32, #tpu.memory_space<vmem>>
      %dma_start3A_605 = tpu.memref_slice %arg2[%add3A_600] : memref<33554432xf32, #tpu.memory_space<hbm>> -> memref<20480xf32, #tpu.memory_space<hbm>>
      %dma_start3A_606 = arith.constant 0 : i32
      %dma_start3A_607 = tpu.memref_slice %arg6[%dma_start3A_601, %dma_start3A_606] : memref<2x20480xf32, #tpu.memory_space<vmem>> -> memref<1x20480xf32, #tpu.memory_space<vmem>>
      %dma_start3A_608 = tpu.memref_squeeze %dma_start3A_607 : memref<1x20480xf32, #tpu.memory_space<vmem>> -> memref<20480xf32, #tpu.memory_space<vmem>>
      %dma_start3A_609 = tpu.memref_slice %arg2[%add3A_600] : memref<33554432xf32, #tpu.memory_space<hbm>> -> memref<20480xf32, #tpu.memory_space<hbm>>
      tpu.enqueue_dma source(%dma_start3A_609 : memref<20480xf32, #tpu.memory_space<hbm>>) target(%dma_start3A_608 : memref<20480xf32, #tpu.memory_space<vmem>>) target_semaphore(%arg9 : memref<!tpu.dma_semaphore, #tpu.memory_space<semaphore_mem>>)
    }
    %scan3A_303 = arith.constant 23 : i32
    %add3A_304 = arith.constant 983040 : i32
    %add3A_305 = arith.addi %mul3A_2, %add3A_304 : i32
    %dma_wait3A_306 = arith.constant 0 : i32
    %dma_wait3A_307 = arith.constant 0 : i32
    %dma_wait3A_308 = tpu.memref_slice %arg6[%dma_wait3A_306, %dma_wait3A_307] : memref<2x20480xf32, #tpu.memory_space<vmem>> -> memref<1x20480xf32, #tpu.memory_space<vmem>>
    %dma_wait3A_309 = tpu.memref_squeeze %dma_wait3A_308 : memref<1x20480xf32, #tpu.memory_space<vmem>> -> memref<20480xf32, #tpu.memory_space<vmem>>
    %dma_wait3A_310 = tpu.memref_slice %arg2[%add3A_305] : memref<33554432xf32, #tpu.memory_space<hbm>> -> memref<20480xf32, #tpu.memory_space<hbm>>
    %dma_wait3A_311 = arith.constant 0 : i32
    %dma_wait3A_312 = tpu.memref_slice %arg6[%dma_wait3A_306, %dma_wait3A_311] : memref<2x20480xf32, #tpu.memory_space<vmem>> -> memref<1x20480xf32, #tpu.memory_space<vmem>>
    %dma_wait3A_313 = tpu.memref_squeeze %dma_wait3A_312 : memref<1x20480xf32, #tpu.memory_space<vmem>> -> memref<20480xf32, #tpu.memory_space<vmem>>
    %dma_wait3A_314 = tpu.memref_slice %arg2[%add3A_305] : memref<33554432xf32, #tpu.memory_space<hbm>> -> memref<20480xf32, #tpu.memory_space<hbm>>
    tpu.wait_dma2 semaphore(%arg8 : memref<!tpu.dma_semaphore, #tpu.memory_space<semaphore_mem>>) src(%dma_wait3A_314 : memref<20480xf32, #tpu.memory_space<hbm>>) dst(%dma_wait3A_313 : memref<20480xf32, #tpu.memory_space<vmem>>)
    %add3A_315 = arith.constant 942080 : i32
    %add3A_316 = arith.addi %mul3A_2, %add3A_315 : i32
    %dma_wait3A_317 = arith.constant 0 : i32
    %dma_wait3A_318 = arith.constant 0 : i32
    %dma_wait3A_319 = tpu.memref_slice %arg7[%dma_wait3A_317, %dma_wait3A_318] : memref<2x20480xf32, #tpu.memory_space<vmem>> -> memref<1x20480xf32, #tpu.memory_space<vmem>>
    %dma_wait3A_320 = tpu.memref_squeeze %dma_wait3A_319 : memref<1x20480xf32, #tpu.memory_space<vmem>> -> memref<20480xf32, #tpu.memory_space<vmem>>
    %dma_wait3A_321 = tpu.memref_slice %arg4[%add3A_316] : memref<33554432xf32, #tpu.memory_space<hbm>> -> memref<20480xf32, #tpu.memory_space<hbm>>
    %dma_wait3A_322 = tpu.memref_slice %arg4[%add3A_316] : memref<33554432xf32, #tpu.memory_space<hbm>> -> memref<20480xf32, #tpu.memory_space<hbm>>
    %dma_wait3A_323 = arith.constant 0 : i32
    %dma_wait3A_324 = tpu.memref_slice %arg7[%dma_wait3A_317, %dma_wait3A_323] : memref<2x20480xf32, #tpu.memory_space<vmem>> -> memref<1x20480xf32, #tpu.memory_space<vmem>>
    %dma_wait3A_325 = tpu.memref_squeeze %dma_wait3A_324 : memref<1x20480xf32, #tpu.memory_space<vmem>> -> memref<20480xf32, #tpu.memory_space<vmem>>
    tpu.wait_dma2 semaphore(%arg10 : memref<!tpu.dma_semaphore, #tpu.memory_space<semaphore_mem>>) src(%dma_wait3A_325 : memref<20480xf32, #tpu.memory_space<vmem>>) dst(%dma_wait3A_322 : memref<20480xf32, #tpu.memory_space<hbm>>)
    %parallel_loop3A_326 = arith.constant 0 : i32
    %parallel_loop3A_327 = arith.constant 128 : i32
    %parallel_loop3A_328 = arith.constant 1 : i32
    scf.for %parallel_loop3A_492 = %parallel_loop3A_326 to %parallel_loop3A_327 step %parallel_loop3A_328  : i32 {
      %parallel_loop3A_493 = arith.constant 16 : i32
      %parallel_loop3A_494 = arith.muli %parallel_loop3A_492, %parallel_loop3A_493 : i32
      %parallel_loop3A_495 = tpu.assume_multiple %parallel_loop3A_494, 16 : i32
      %parallel_loop3A_496 = arith.constant 0 : i32
      %parallel_loop3A_497 = arith.addi %parallel_loop3A_496, %parallel_loop3A_495 : i32
      %parallel_loop3A_498 = arith.constant 0 : i32
      %parallel_loop3A_499 = arith.index_cast %parallel_loop3A_498 : i32 to index
      %parallel_loop3A_500 = arith.index_cast %parallel_loop3A_497 : i32 to index
      %parallel_loop3A_501 = tpu.vector_load %arg6[%parallel_loop3A_499, %parallel_loop3A_500] {strides = array<i32>} : memref<2x20480xf32, #tpu.memory_space<vmem>>, vector<1x16xf32>,
      %parallel_loop3A_502 = vector.shape_cast %parallel_loop3A_501 : vector<1x16xf32> to vector<16xf32>
      %parallel_loop3A_503 = arith.constant 0 : i32
      %parallel_loop3A_504 = arith.addi %parallel_loop3A_503, %parallel_loop3A_495 : i32
      %parallel_loop3A_505 = arith.index_cast %parallel_loop3A_504 : i32 to index
      %parallel_loop3A_506 = tpu.vector_load %arg5[%parallel_loop3A_505] {strides = array<i32>} : memref<20480xf32, #tpu.memory_space<vmem>>, vector<16xf32>,
      %parallel_loop3A_507 = vector.shape_cast %parallel_loop3A_506 : vector<16xf32> to vector<16xf32>
      %parallel_loop3A_508 = arith.addf %parallel_loop3A_502, %parallel_loop3A_507 : vector<16xf32>
      %parallel_loop3A_509 = arith.constant 0 : i32
      %parallel_loop3A_510 = arith.addi %parallel_loop3A_509, %parallel_loop3A_495 : i32
      %parallel_loop3A_511 = arith.constant 0 : i32
      %parallel_loop3A_512 = arith.index_cast %parallel_loop3A_511 : i32 to index
      %parallel_loop3A_513 = arith.index_cast %parallel_loop3A_510 : i32 to index
      %parallel_loop3A_514 = tpu.vector_load %arg7[%parallel_loop3A_512, %parallel_loop3A_513] {strides = array<i32>} : memref<2x20480xf32, #tpu.memory_space<vmem>>, vector<1x16xf32>,
      %parallel_loop3A_515 = vector.shape_cast %parallel_loop3A_514 : vector<1x16xf32> to vector<16xf32>
      %parallel_loop3A_516 = vector.shape_cast %parallel_loop3A_508 : vector<16xf32> to vector<1x16xf32>
      tpu.vector_store %arg7[%parallel_loop3A_512, %parallel_loop3A_513], %parallel_loop3A_516 {strides = array<i32>} : memref<2x20480xf32, #tpu.memory_space<vmem>>, vector<1x16xf32>,
      %parallel_loop3A_517 = arith.constant 2048 : i32
      %parallel_loop3A_518 = arith.addi %parallel_loop3A_517, %parallel_loop3A_495 : i32
      %parallel_loop3A_519 = arith.constant 0 : i32
      %parallel_loop3A_520 = arith.index_cast %parallel_loop3A_519 : i32 to index
      %parallel_loop3A_521 = arith.index_cast %parallel_loop3A_518 : i32 to index
      %parallel_loop3A_522 = tpu.vector_load %arg6[%parallel_loop3A_520, %parallel_loop3A_521] {strides = array<i32>} : memref<2x20480xf32, #tpu.memory_space<vmem>>, vector<1x16xf32>,
      %parallel_loop3A_523 = vector.shape_cast %parallel_loop3A_522 : vector<1x16xf32> to vector<16xf32>
      %parallel_loop3A_524 = arith.constant 2048 : i32
      %parallel_loop3A_525 = arith.addi %parallel_loop3A_524, %parallel_loop3A_495 : i32
      %parallel_loop3A_526 = arith.index_cast %parallel_loop3A_525 : i32 to index
      %parallel_loop3A_527 = tpu.vector_load %arg5[%parallel_loop3A_526] {strides = array<i32>} : memref<20480xf32, #tpu.memory_space<vmem>>, vector<16xf32>,
      %parallel_loop3A_528 = vector.shape_cast %parallel_loop3A_527 : vector<16xf32> to vector<16xf32>
      %parallel_loop3A_529 = arith.addf %parallel_loop3A_523, %parallel_loop3A_528 : vector<16xf32>
      %parallel_loop3A_530 = arith.constant 2048 : i32
      %parallel_loop3A_531 = arith.addi %parallel_loop3A_530, %parallel_loop3A_495 : i32
      %parallel_loop3A_532 = arith.constant 0 : i32
      %parallel_loop3A_533 = arith.index_cast %parallel_loop3A_532 : i32 to index
      %parallel_loop3A_534 = arith.index_cast %parallel_loop3A_531 : i32 to index
      %parallel_loop3A_535 = tpu.vector_load %arg7[%parallel_loop3A_533, %parallel_loop3A_534] {strides = array<i32>} : memref<2x20480xf32, #tpu.memory_space<vmem>>, vector<1x16xf32>,
      %parallel_loop3A_536 = vector.shape_cast %parallel_loop3A_535 : vector<1x16xf32> to vector<16xf32>
      %parallel_loop3A_537 = vector.shape_cast %parallel_loop3A_529 : vector<16xf32> to vector<1x16xf32>
      tpu.vector_store %arg7[%parallel_loop3A_533, %parallel_loop3A_534], %parallel_loop3A_537 {strides = array<i32>} : memref<2x20480xf32, #tpu.memory_space<vmem>>, vector<1x16xf32>,
      %parallel_loop3A_538 = arith.constant 4096 : i32
      %parallel_loop3A_539 = arith.addi %parallel_loop3A_538, %parallel_loop3A_495 : i32
      %parallel_loop3A_540 = arith.constant 0 : i32
      %parallel_loop3A_541 = arith.index_cast %parallel_loop3A_540 : i32 to index
      %parallel_loop3A_542 = arith.index_cast %parallel_loop3A_539 : i32 to index
      %parallel_loop3A_543 = tpu.vector_load %arg6[%parallel_loop3A_541, %parallel_loop3A_542] {strides = array<i32>} : memref<2x20480xf32, #tpu.memory_space<vmem>>, vector<1x16xf32>,
      %parallel_loop3A_544 = vector.shape_cast %parallel_loop3A_543 : vector<1x16xf32> to vector<16xf32>
      %parallel_loop3A_545 = arith.constant 4096 : i32
      %parallel_loop3A_546 = arith.addi %parallel_loop3A_545, %parallel_loop3A_495 : i32
      %parallel_loop3A_547 = arith.index_cast %parallel_loop3A_546 : i32 to index
      %parallel_loop3A_548 = tpu.vector_load %arg5[%parallel_loop3A_547] {strides = array<i32>} : memref<20480xf32, #tpu.memory_space<vmem>>, vector<16xf32>,
      %parallel_loop3A_549 = vector.shape_cast %parallel_loop3A_548 : vector<16xf32> to vector<16xf32>
      %parallel_loop3A_550 = arith.addf %parallel_loop3A_544, %parallel_loop3A_549 : vector<16xf32>
      %parallel_loop3A_551 = arith.constant 4096 : i32
      %parallel_loop3A_552 = arith.addi %parallel_loop3A_551, %parallel_loop3A_495 : i32
      %parallel_loop3A_553 = arith.constant 0 : i32
      %parallel_loop3A_554 = arith.index_cast %parallel_loop3A_553 : i32 to index
      %parallel_loop3A_555 = arith.index_cast %parallel_loop3A_552 : i32 to index
      %parallel_loop3A_556 = tpu.vector_load %arg7[%parallel_loop3A_554, %parallel_loop3A_555] {strides = array<i32>} : memref<2x20480xf32, #tpu.memory_space<vmem>>, vector<1x16xf32>,
      %parallel_loop3A_557 = vector.shape_cast %parallel_loop3A_556 : vector<1x16xf32> to vector<16xf32>
      %parallel_loop3A_558 = vector.shape_cast %parallel_loop3A_550 : vector<16xf32> to vector<1x16xf32>
      tpu.vector_store %arg7[%parallel_loop3A_554, %parallel_loop3A_555], %parallel_loop3A_558 {strides = array<i32>} : memref<2x20480xf32, #tpu.memory_space<vmem>>, vector<1x16xf32>,
      %parallel_loop3A_559 = arith.constant 6144 : i32
      %parallel_loop3A_560 = arith.addi %parallel_loop3A_559, %parallel_loop3A_495 : i32
      %parallel_loop3A_561 = arith.constant 0 : i32
      %parallel_loop3A_562 = arith.index_cast %parallel_loop3A_561 : i32 to index
      %parallel_loop3A_563 = arith.index_cast %parallel_loop3A_560 : i32 to index
      %parallel_loop3A_564 = tpu.vector_load %arg6[%parallel_loop3A_562, %parallel_loop3A_563] {strides = array<i32>} : memref<2x20480xf32, #tpu.memory_space<vmem>>, vector<1x16xf32>,
      %parallel_loop3A_565 = vector.shape_cast %parallel_loop3A_564 : vector<1x16xf32> to vector<16xf32>
      %parallel_loop3A_566 = arith.constant 6144 : i32
      %parallel_loop3A_567 = arith.addi %parallel_loop3A_566, %parallel_loop3A_495 : i32
      %parallel_loop3A_568 = arith.index_cast %parallel_loop3A_567 : i32 to index
      %parallel_loop3A_569 = tpu.vector_load %arg5[%parallel_loop3A_568] {strides = array<i32>} : memref<20480xf32, #tpu.memory_space<vmem>>, vector<16xf32>,
      %parallel_loop3A_570 = vector.shape_cast %parallel_loop3A_569 : vector<16xf32> to vector<16xf32>
      %parallel_loop3A_571 = arith.addf %parallel_loop3A_565, %parallel_loop3A_570 : vector<16xf32>
      %parallel_loop3A_572 = arith.constant 6144 : i32
      %parallel_loop3A_573 = arith.addi %parallel_loop3A_572, %parallel_loop3A_495 : i32
      %parallel_loop3A_574 = arith.constant 0 : i32
      %parallel_loop3A_575 = arith.index_cast %parallel_loop3A_574 : i32 to index
      %parallel_loop3A_576 = arith.index_cast %parallel_loop3A_573 : i32 to index
      %parallel_loop3A_577 = tpu.vector_load %arg7[%parallel_loop3A_575, %parallel_loop3A_576] {strides = array<i32>} : memref<2x20480xf32, #tpu.memory_space<vmem>>, vector<1x16xf32>,
      %parallel_loop3A_578 = vector.shape_cast %parallel_loop3A_577 : vector<1x16xf32> to vector<16xf32>
      %parallel_loop3A_579 = vector.shape_cast %parallel_loop3A_571 : vector<16xf32> to vector<1x16xf32>
      tpu.vector_store %arg7[%parallel_loop3A_575, %parallel_loop3A_576], %parallel_loop3A_579 {strides = array<i32>} : memref<2x20480xf32, #tpu.memory_space<vmem>>, vector<1x16xf32>,
      %parallel_loop3A_580 = arith.constant 8192 : i32
      %parallel_loop3A_581 = arith.addi %parallel_loop3A_580, %parallel_loop3A_495 : i32
      %parallel_loop3A_582 = arith.constant 0 : i32
      %parallel_loop3A_583 = arith.index_cast %parallel_loop3A_582 : i32 to index
      %parallel_loop3A_584 = arith.index_cast %parallel_loop3A_581 : i32 to index
      %parallel_loop3A_585 = tpu.vector_load %arg6[%parallel_loop3A_583, %parallel_loop3A_584] {strides = array<i32>} : memref<2x20480xf32, #tpu.memory_space<vmem>>, vector<1x16xf32>,
      %parallel_loop3A_586 = vector.shape_cast %parallel_loop3A_585 : vector<1x16xf32> to vector<16xf32>
      %parallel_loop3A_587 = arith.constant 8192 : i32
      %parallel_loop3A_588 = arith.addi %parallel_loop3A_587, %parallel_loop3A_495 : i32
      %parallel_loop3A_589 = arith.index_cast %parallel_loop3A_588 : i32 to index
      %parallel_loop3A_590 = tpu.vector_load %arg5[%parallel_loop3A_589] {strides = array<i32>} : memref<20480xf32, #tpu.memory_space<vmem>>, vector<16xf32>,
      %parallel_loop3A_591 = vector.shape_cast %parallel_loop3A_590 : vector<16xf32> to vector<16xf32>
      %parallel_loop3A_592 = arith.addf %parallel_loop3A_586, %parallel_loop3A_591 : vector<16xf32>
      %parallel_loop3A_593 = arith.constant 8192 : i32
      %parallel_loop3A_594 = arith.addi %parallel_loop3A_593, %parallel_loop3A_495 : i32
      %parallel_loop3A_595 = arith.constant 0 : i32
      %parallel_loop3A_596 = arith.index_cast %parallel_loop3A_595 : i32 to index
      %parallel_loop3A_597 = arith.index_cast %parallel_loop3A_594 : i32 to index
      %parallel_loop3A_598 = tpu.vector_load %arg7[%parallel_loop3A_596, %parallel_loop3A_597] {strides = array<i32>} : memref<2x20480xf32, #tpu.memory_space<vmem>>, vector<1x16xf32>,
      %parallel_loop3A_599 = vector.shape_cast %parallel_loop3A_598 : vector<1x16xf32> to vector<16xf32>
      %parallel_loop3A_600 = vector.shape_cast %parallel_loop3A_592 : vector<16xf32> to vector<1x16xf32>
      tpu.vector_store %arg7[%parallel_loop3A_596, %parallel_loop3A_597], %parallel_loop3A_600 {strides = array<i32>} : memref<2x20480xf32, #tpu.memory_space<vmem>>, vector<1x16xf32>,
      %parallel_loop3A_601 = arith.constant 10240 : i32
      %parallel_loop3A_602 = arith.addi %parallel_loop3A_601, %parallel_loop3A_495 : i32
      %parallel_loop3A_603 = arith.constant 0 : i32
      %parallel_loop3A_604 = arith.index_cast %parallel_loop3A_603 : i32 to index
      %parallel_loop3A_605 = arith.index_cast %parallel_loop3A_602 : i32 to index
      %parallel_loop3A_606 = tpu.vector_load %arg6[%parallel_loop3A_604, %parallel_loop3A_605] {strides = array<i32>} : memref<2x20480xf32, #tpu.memory_space<vmem>>, vector<1x16xf32>,
      %parallel_loop3A_607 = vector.shape_cast %parallel_loop3A_606 : vector<1x16xf32> to vector<16xf32>
      %parallel_loop3A_608 = arith.constant 10240 : i32
      %parallel_loop3A_609 = arith.addi %parallel_loop3A_608, %parallel_loop3A_495 : i32
      %parallel_loop3A_610 = arith.index_cast %parallel_loop3A_609 : i32 to index
      %parallel_loop3A_611 = tpu.vector_load %arg5[%parallel_loop3A_610] {strides = array<i32>} : memref<20480xf32, #tpu.memory_space<vmem>>, vector<16xf32>,
      %parallel_loop3A_612 = vector.shape_cast %parallel_loop3A_611 : vector<16xf32> to vector<16xf32>
      %parallel_loop3A_613 = arith.addf %parallel_loop3A_607, %parallel_loop3A_612 : vector<16xf32>
      %parallel_loop3A_614 = arith.constant 10240 : i32
      %parallel_loop3A_615 = arith.addi %parallel_loop3A_614, %parallel_loop3A_495 : i32
      %parallel_loop3A_616 = arith.constant 0 : i32
      %parallel_loop3A_617 = arith.index_cast %parallel_loop3A_616 : i32 to index
      %parallel_loop3A_618 = arith.index_cast %parallel_loop3A_615 : i32 to index
      %parallel_loop3A_619 = tpu.vector_load %arg7[%parallel_loop3A_617, %parallel_loop3A_618] {strides = array<i32>} : memref<2x20480xf32, #tpu.memory_space<vmem>>, vector<1x16xf32>,
      %parallel_loop3A_620 = vector.shape_cast %parallel_loop3A_619 : vector<1x16xf32> to vector<16xf32>
      %parallel_loop3A_621 = vector.shape_cast %parallel_loop3A_613 : vector<16xf32> to vector<1x16xf32>
      tpu.vector_store %arg7[%parallel_loop3A_617, %parallel_loop3A_618], %parallel_loop3A_621 {strides = array<i32>} : memref<2x20480xf32, #tpu.memory_space<vmem>>, vector<1x16xf32>,
      %parallel_loop3A_622 = arith.constant 12288 : i32
      %parallel_loop3A_623 = arith.addi %parallel_loop3A_622, %parallel_loop3A_495 : i32
      %parallel_loop3A_624 = arith.constant 0 : i32
      %parallel_loop3A_625 = arith.index_cast %parallel_loop3A_624 : i32 to index
      %parallel_loop3A_626 = arith.index_cast %parallel_loop3A_623 : i32 to index
      %parallel_loop3A_627 = tpu.vector_load %arg6[%parallel_loop3A_625, %parallel_loop3A_626] {strides = array<i32>} : memref<2x20480xf32, #tpu.memory_space<vmem>>, vector<1x16xf32>,
      %parallel_loop3A_628 = vector.shape_cast %parallel_loop3A_627 : vector<1x16xf32> to vector<16xf32>
      %parallel_loop3A_629 = arith.constant 12288 : i32
      %parallel_loop3A_630 = arith.addi %parallel_loop3A_629, %parallel_loop3A_495 : i32
      %parallel_loop3A_631 = arith.index_cast %parallel_loop3A_630 : i32 to index
      %parallel_loop3A_632 = tpu.vector_load %arg5[%parallel_loop3A_631] {strides = array<i32>} : memref<20480xf32, #tpu.memory_space<vmem>>, vector<16xf32>,
      %parallel_loop3A_633 = vector.shape_cast %parallel_loop3A_632 : vector<16xf32> to vector<16xf32>
      %parallel_loop3A_634 = arith.addf %parallel_loop3A_628, %parallel_loop3A_633 : vector<16xf32>
      %parallel_loop3A_635 = arith.constant 12288 : i32
      %parallel_loop3A_636 = arith.addi %parallel_loop3A_635, %parallel_loop3A_495 : i32
      %parallel_loop3A_637 = arith.constant 0 : i32
      %parallel_loop3A_638 = arith.index_cast %parallel_loop3A_637 : i32 to index
      %parallel_loop3A_639 = arith.index_cast %parallel_loop3A_636 : i32 to index
      %parallel_loop3A_640 = tpu.vector_load %arg7[%parallel_loop3A_638, %parallel_loop3A_639] {strides = array<i32>} : memref<2x20480xf32, #tpu.memory_space<vmem>>, vector<1x16xf32>,
      %parallel_loop3A_641 = vector.shape_cast %parallel_loop3A_640 : vector<1x16xf32> to vector<16xf32>
      %parallel_loop3A_642 = vector.shape_cast %parallel_loop3A_634 : vector<16xf32> to vector<1x16xf32>
      tpu.vector_store %arg7[%parallel_loop3A_638, %parallel_loop3A_639], %parallel_loop3A_642 {strides = array<i32>} : memref<2x20480xf32, #tpu.memory_space<vmem>>, vector<1x16xf32>,
      %parallel_loop3A_643 = arith.constant 14336 : i32
      %parallel_loop3A_644 = arith.addi %parallel_loop3A_643, %parallel_loop3A_495 : i32
      %parallel_loop3A_645 = arith.constant 0 : i32
      %parallel_loop3A_646 = arith.index_cast %parallel_loop3A_645 : i32 to index
      %parallel_loop3A_647 = arith.index_cast %parallel_loop3A_644 : i32 to index
      %parallel_loop3A_648 = tpu.vector_load %arg6[%parallel_loop3A_646, %parallel_loop3A_647] {strides = array<i32>} : memref<2x20480xf32, #tpu.memory_space<vmem>>, vector<1x16xf32>,
      %parallel_loop3A_649 = vector.shape_cast %parallel_loop3A_648 : vector<1x16xf32> to vector<16xf32>
      %parallel_loop3A_650 = arith.constant 14336 : i32
      %parallel_loop3A_651 = arith.addi %parallel_loop3A_650, %parallel_loop3A_495 : i32
      %parallel_loop3A_652 = arith.index_cast %parallel_loop3A_651 : i32 to index
      %parallel_loop3A_653 = tpu.vector_load %arg5[%parallel_loop3A_652] {strides = array<i32>} : memref<20480xf32, #tpu.memory_space<vmem>>, vector<16xf32>,
      %parallel_loop3A_654 = vector.shape_cast %parallel_loop3A_653 : vector<16xf32> to vector<16xf32>
      %parallel_loop3A_655 = arith.addf %parallel_loop3A_649, %parallel_loop3A_654 : vector<16xf32>
      %parallel_loop3A_656 = arith.constant 14336 : i32
      %parallel_loop3A_657 = arith.addi %parallel_loop3A_656, %parallel_loop3A_495 : i32
      %parallel_loop3A_658 = arith.constant 0 : i32
      %parallel_loop3A_659 = arith.index_cast %parallel_loop3A_658 : i32 to index
      %parallel_loop3A_660 = arith.index_cast %parallel_loop3A_657 : i32 to index
      %parallel_loop3A_661 = tpu.vector_load %arg7[%parallel_loop3A_659, %parallel_loop3A_660] {strides = array<i32>} : memref<2x20480xf32, #tpu.memory_space<vmem>>, vector<1x16xf32>,
      %parallel_loop3A_662 = vector.shape_cast %parallel_loop3A_661 : vector<1x16xf32> to vector<16xf32>
      %parallel_loop3A_663 = vector.shape_cast %parallel_loop3A_655 : vector<16xf32> to vector<1x16xf32>
      tpu.vector_store %arg7[%parallel_loop3A_659, %parallel_loop3A_660], %parallel_loop3A_663 {strides = array<i32>} : memref<2x20480xf32, #tpu.memory_space<vmem>>, vector<1x16xf32>,
      %parallel_loop3A_664 = arith.constant 16384 : i32
      %parallel_loop3A_665 = arith.addi %parallel_loop3A_664, %parallel_loop3A_495 : i32
      %parallel_loop3A_666 = arith.constant 0 : i32
      %parallel_loop3A_667 = arith.index_cast %parallel_loop3A_666 : i32 to index
      %parallel_loop3A_668 = arith.index_cast %parallel_loop3A_665 : i32 to index
      %parallel_loop3A_669 = tpu.vector_load %arg6[%parallel_loop3A_667, %parallel_loop3A_668] {strides = array<i32>} : memref<2x20480xf32, #tpu.memory_space<vmem>>, vector<1x16xf32>,
      %parallel_loop3A_670 = vector.shape_cast %parallel_loop3A_669 : vector<1x16xf32> to vector<16xf32>
      %parallel_loop3A_671 = arith.constant 16384 : i32
      %parallel_loop3A_672 = arith.addi %parallel_loop3A_671, %parallel_loop3A_495 : i32
      %parallel_loop3A_673 = arith.index_cast %parallel_loop3A_672 : i32 to index
      %parallel_loop3A_674 = tpu.vector_load %arg5[%parallel_loop3A_673] {strides = array<i32>} : memref<20480xf32, #tpu.memory_space<vmem>>, vector<16xf32>,
      %parallel_loop3A_675 = vector.shape_cast %parallel_loop3A_674 : vector<16xf32> to vector<16xf32>
      %parallel_loop3A_676 = arith.addf %parallel_loop3A_670, %parallel_loop3A_675 : vector<16xf32>
      %parallel_loop3A_677 = arith.constant 16384 : i32
      %parallel_loop3A_678 = arith.addi %parallel_loop3A_677, %parallel_loop3A_495 : i32
      %parallel_loop3A_679 = arith.constant 0 : i32
      %parallel_loop3A_680 = arith.index_cast %parallel_loop3A_679 : i32 to index
      %parallel_loop3A_681 = arith.index_cast %parallel_loop3A_678 : i32 to index
      %parallel_loop3A_682 = tpu.vector_load %arg7[%parallel_loop3A_680, %parallel_loop3A_681] {strides = array<i32>} : memref<2x20480xf32, #tpu.memory_space<vmem>>, vector<1x16xf32>,
      %parallel_loop3A_683 = vector.shape_cast %parallel_loop3A_682 : vector<1x16xf32> to vector<16xf32>
      %parallel_loop3A_684 = vector.shape_cast %parallel_loop3A_676 : vector<16xf32> to vector<1x16xf32>
      tpu.vector_store %arg7[%parallel_loop3A_680, %parallel_loop3A_681], %parallel_loop3A_684 {strides = array<i32>} : memref<2x20480xf32, #tpu.memory_space<vmem>>, vector<1x16xf32>,
      %parallel_loop3A_685 = arith.constant 18432 : i32
      %parallel_loop3A_686 = arith.addi %parallel_loop3A_685, %parallel_loop3A_495 : i32
      %parallel_loop3A_687 = arith.constant 0 : i32
      %parallel_loop3A_688 = arith.index_cast %parallel_loop3A_687 : i32 to index
      %parallel_loop3A_689 = arith.index_cast %parallel_loop3A_686 : i32 to index
      %parallel_loop3A_690 = tpu.vector_load %arg6[%parallel_loop3A_688, %parallel_loop3A_689] {strides = array<i32>} : memref<2x20480xf32, #tpu.memory_space<vmem>>, vector<1x16xf32>,
      %parallel_loop3A_691 = vector.shape_cast %parallel_loop3A_690 : vector<1x16xf32> to vector<16xf32>
      %parallel_loop3A_692 = arith.constant 18432 : i32
      %parallel_loop3A_693 = arith.addi %parallel_loop3A_692, %parallel_loop3A_495 : i32
      %parallel_loop3A_694 = arith.index_cast %parallel_loop3A_693 : i32 to index
      %parallel_loop3A_695 = tpu.vector_load %arg5[%parallel_loop3A_694] {strides = array<i32>} : memref<20480xf32, #tpu.memory_space<vmem>>, vector<16xf32>,
      %parallel_loop3A_696 = vector.shape_cast %parallel_loop3A_695 : vector<16xf32> to vector<16xf32>
      %parallel_loop3A_697 = arith.addf %parallel_loop3A_691, %parallel_loop3A_696 : vector<16xf32>
      %parallel_loop3A_698 = arith.constant 18432 : i32
      %parallel_loop3A_699 = arith.addi %parallel_loop3A_698, %parallel_loop3A_495 : i32
      %parallel_loop3A_700 = arith.constant 0 : i32
      %parallel_loop3A_701 = arith.index_cast %parallel_loop3A_700 : i32 to index
      %parallel_loop3A_702 = arith.index_cast %parallel_loop3A_699 : i32 to index
      %parallel_loop3A_703 = tpu.vector_load %arg7[%parallel_loop3A_701, %parallel_loop3A_702] {strides = array<i32>} : memref<2x20480xf32, #tpu.memory_space<vmem>>, vector<1x16xf32>,
      %parallel_loop3A_704 = vector.shape_cast %parallel_loop3A_703 : vector<1x16xf32> to vector<16xf32>
      %parallel_loop3A_705 = vector.shape_cast %parallel_loop3A_697 : vector<16xf32> to vector<1x16xf32>
      tpu.vector_store %arg7[%parallel_loop3A_701, %parallel_loop3A_702], %parallel_loop3A_705 {strides = array<i32>} : memref<2x20480xf32, #tpu.memory_space<vmem>>, vector<1x16xf32>,
    } {sc.loop_unroll_factor = 1 : i64, sc.parallel_access}
    %add3A_329 = arith.constant 983040 : i32
    %add3A_330 = arith.addi %mul3A_2, %add3A_329 : i32
    %dma_start3A_331 = arith.constant 0 : i32
    %dma_start3A_332 = arith.constant 0 : i32
    %dma_start3A_333 = tpu.memref_slice %arg7[%dma_start3A_331, %dma_start3A_332] : memref<2x20480xf32, #tpu.memory_space<vmem>> -> memref<1x20480xf32, #tpu.memory_space<vmem>>
    %dma_start3A_334 = tpu.memref_squeeze %dma_start3A_333 : memref<1x20480xf32, #tpu.memory_space<vmem>> -> memref<20480xf32, #tpu.memory_space<vmem>>
    %dma_start3A_335 = tpu.memref_slice %arg4[%add3A_330] : memref<33554432xf32, #tpu.memory_space<hbm>> -> memref<20480xf32, #tpu.memory_space<hbm>>
    %dma_start3A_336 = tpu.memref_slice %arg4[%add3A_330] : memref<33554432xf32, #tpu.memory_space<hbm>> -> memref<20480xf32, #tpu.memory_space<hbm>>
    %dma_start3A_337 = arith.constant 0 : i32
    %dma_start3A_338 = tpu.memref_slice %arg7[%dma_start3A_331, %dma_start3A_337] : memref<2x20480xf32, #tpu.memory_space<vmem>> -> memref<1x20480xf32, #tpu.memory_space<vmem>>
    %dma_start3A_339 = tpu.memref_squeeze %dma_start3A_338 : memref<1x20480xf32, #tpu.memory_space<vmem>> -> memref<20480xf32, #tpu.memory_space<vmem>>
    tpu.enqueue_dma source(%dma_start3A_339 : memref<20480xf32, #tpu.memory_space<vmem>>) target(%dma_start3A_336 : memref<20480xf32, #tpu.memory_space<hbm>>) target_semaphore(%arg10 : memref<!tpu.dma_semaphore, #tpu.memory_space<semaphore_mem>>)
    %add3A_340 = arith.constant 1024000 : i32
    %add3A_341 = arith.addi %mul3A_2, %add3A_340 : i32
    %dma_start3A_342 = arith.constant 0 : i32
    %dma_start3A_343 = arith.constant 0 : i32
    %dma_start3A_344 = tpu.memref_slice %arg6[%dma_start3A_342, %dma_start3A_343] : memref<2x20480xf32, #tpu.memory_space<vmem>> -> memref<1x20480xf32, #tpu.memory_space<vmem>>
    %dma_start3A_345 = tpu.memref_squeeze %dma_start3A_344 : memref<1x20480xf32, #tpu.memory_space<vmem>> -> memref<20480xf32, #tpu.memory_space<vmem>>
    %dma_start3A_346 = tpu.memref_slice %arg2[%add3A_341] : memref<33554432xf32, #tpu.memory_space<hbm>> -> memref<20480xf32, #tpu.memory_space<hbm>>
    %dma_start3A_347 = arith.constant 0 : i32
    %dma_start3A_348 = tpu.memref_slice %arg6[%dma_start3A_342, %dma_start3A_347] : memref<2x20480xf32, #tpu.memory_space<vmem>> -> memref<1x20480xf32, #tpu.memory_space<vmem>>
    %dma_start3A_349 = tpu.memref_squeeze %dma_start3A_348 : memref<1x20480xf32, #tpu.memory_space<vmem>> -> memref<20480xf32, #tpu.memory_space<vmem>>
    %dma_start3A_350 = tpu.memref_slice %arg2[%add3A_341] : memref<33554432xf32, #tpu.memory_space<hbm>> -> memref<20480xf32, #tpu.memory_space<hbm>>
    tpu.enqueue_dma source(%dma_start3A_350 : memref<20480xf32, #tpu.memory_space<hbm>>) target(%dma_start3A_349 : memref<20480xf32, #tpu.memory_space<vmem>>) target_semaphore(%arg8 : memref<!tpu.dma_semaphore, #tpu.memory_space<semaphore_mem>>)
    %add3A_351 = arith.constant 1003520 : i32
    %add3A_352 = arith.addi %mul3A_2, %add3A_351 : i32
    %dma_wait3A_353 = arith.constant 1 : i32
    %dma_wait3A_354 = arith.constant 0 : i32
    %dma_wait3A_355 = tpu.memref_slice %arg6[%dma_wait3A_353, %dma_wait3A_354] : memref<2x20480xf32, #tpu.memory_space<vmem>> -> memref<1x20480xf32, #tpu.memory_space<vmem>>
    %dma_wait3A_356 = tpu.memref_squeeze %dma_wait3A_355 : memref<1x20480xf32, #tpu.memory_space<vmem>> -> memref<20480xf32, #tpu.memory_space<vmem>>
    %dma_wait3A_357 = tpu.memref_slice %arg2[%add3A_352] : memref<33554432xf32, #tpu.memory_space<hbm>> -> memref<20480xf32, #tpu.memory_space<hbm>>
    %dma_wait3A_358 = arith.constant 0 : i32
    %dma_wait3A_359 = tpu.memref_slice %arg6[%dma_wait3A_353, %dma_wait3A_358] : memref<2x20480xf32, #tpu.memory_space<vmem>> -> memref<1x20480xf32, #tpu.memory_space<vmem>>
    %dma_wait3A_360 = tpu.memref_squeeze %dma_wait3A_359 : memref<1x20480xf32, #tpu.memory_space<vmem>> -> memref<20480xf32, #tpu.memory_space<vmem>>
    %dma_wait3A_361 = tpu.memref_slice %arg2[%add3A_352] : memref<33554432xf32, #tpu.memory_space<hbm>> -> memref<20480xf32, #tpu.memory_space<hbm>>
    tpu.wait_dma2 semaphore(%arg9 : memref<!tpu.dma_semaphore, #tpu.memory_space<semaphore_mem>>) src(%dma_wait3A_361 : memref<20480xf32, #tpu.memory_space<hbm>>) dst(%dma_wait3A_360 : memref<20480xf32, #tpu.memory_space<vmem>>)
    %add3A_362 = arith.constant 962560 : i32
    %add3A_363 = arith.addi %mul3A_2, %add3A_362 : i32
    %dma_wait3A_364 = arith.constant 1 : i32
    %dma_wait3A_365 = arith.constant 0 : i32
    %dma_wait3A_366 = tpu.memref_slice %arg7[%dma_wait3A_364, %dma_wait3A_365] : memref<2x20480xf32, #tpu.memory_space<vmem>> -> memref<1x20480xf32, #tpu.memory_space<vmem>>
    %dma_wait3A_367 = tpu.memref_squeeze %dma_wait3A_366 : memref<1x20480xf32, #tpu.memory_space<vmem>> -> memref<20480xf32, #tpu.memory_space<vmem>>
    %dma_wait3A_368 = tpu.memref_slice %arg4[%add3A_363] : memref<33554432xf32, #tpu.memory_space<hbm>> -> memref<20480xf32, #tpu.memory_space<hbm>>
    %dma_wait3A_369 = tpu.memref_slice %arg4[%add3A_363] : memref<33554432xf32, #tpu.memory_space<hbm>> -> memref<20480xf32, #tpu.memory_space<hbm>>
    %dma_wait3A_370 = arith.constant 0 : i32
    %dma_wait3A_371 = tpu.memref_slice %arg7[%dma_wait3A_364, %dma_wait3A_370] : memref<2x20480xf32, #tpu.memory_space<vmem>> -> memref<1x20480xf32, #tpu.memory_space<vmem>>
    %dma_wait3A_372 = tpu.memref_squeeze %dma_wait3A_371 : memref<1x20480xf32, #tpu.memory_space<vmem>> -> memref<20480xf32, #tpu.memory_space<vmem>>
    tpu.wait_dma2 semaphore(%arg11 : memref<!tpu.dma_semaphore, #tpu.memory_space<semaphore_mem>>) src(%dma_wait3A_372 : memref<20480xf32, #tpu.memory_space<vmem>>) dst(%dma_wait3A_369 : memref<20480xf32, #tpu.memory_space<hbm>>)
    %parallel_loop3A_373 = arith.constant 0 : i32
    %parallel_loop3A_374 = arith.constant 128 : i32
    %parallel_loop3A_375 = arith.constant 1 : i32
    scf.for %parallel_loop3A_492 = %parallel_loop3A_373 to %parallel_loop3A_374 step %parallel_loop3A_375  : i32 {
      %parallel_loop3A_493 = arith.constant 16 : i32
      %parallel_loop3A_494 = arith.muli %parallel_loop3A_492, %parallel_loop3A_493 : i32
      %parallel_loop3A_495 = tpu.assume_multiple %parallel_loop3A_494, 16 : i32
      %parallel_loop3A_496 = arith.constant 0 : i32
      %parallel_loop3A_497 = arith.addi %parallel_loop3A_496, %parallel_loop3A_495 : i32
      %parallel_loop3A_498 = arith.constant 1 : i32
      %parallel_loop3A_499 = arith.index_cast %parallel_loop3A_498 : i32 to index
      %parallel_loop3A_500 = arith.index_cast %parallel_loop3A_497 : i32 to index
      %parallel_loop3A_501 = tpu.vector_load %arg6[%parallel_loop3A_499, %parallel_loop3A_500] {strides = array<i32>} : memref<2x20480xf32, #tpu.memory_space<vmem>>, vector<1x16xf32>,
      %parallel_loop3A_502 = vector.shape_cast %parallel_loop3A_501 : vector<1x16xf32> to vector<16xf32>
      %parallel_loop3A_503 = arith.constant 0 : i32
      %parallel_loop3A_504 = arith.addi %parallel_loop3A_503, %parallel_loop3A_495 : i32
      %parallel_loop3A_505 = arith.index_cast %parallel_loop3A_504 : i32 to index
      %parallel_loop3A_506 = tpu.vector_load %arg5[%parallel_loop3A_505] {strides = array<i32>} : memref<20480xf32, #tpu.memory_space<vmem>>, vector<16xf32>,
      %parallel_loop3A_507 = vector.shape_cast %parallel_loop3A_506 : vector<16xf32> to vector<16xf32>
      %parallel_loop3A_508 = arith.addf %parallel_loop3A_502, %parallel_loop3A_507 : vector<16xf32>
      %parallel_loop3A_509 = arith.constant 0 : i32
      %parallel_loop3A_510 = arith.addi %parallel_loop3A_509, %parallel_loop3A_495 : i32
      %parallel_loop3A_511 = arith.constant 1 : i32
      %parallel_loop3A_512 = arith.index_cast %parallel_loop3A_511 : i32 to index
      %parallel_loop3A_513 = arith.index_cast %parallel_loop3A_510 : i32 to index
      %parallel_loop3A_514 = tpu.vector_load %arg7[%parallel_loop3A_512, %parallel_loop3A_513] {strides = array<i32>} : memref<2x20480xf32, #tpu.memory_space<vmem>>, vector<1x16xf32>,
      %parallel_loop3A_515 = vector.shape_cast %parallel_loop3A_514 : vector<1x16xf32> to vector<16xf32>
      %parallel_loop3A_516 = vector.shape_cast %parallel_loop3A_508 : vector<16xf32> to vector<1x16xf32>
      tpu.vector_store %arg7[%parallel_loop3A_512, %parallel_loop3A_513], %parallel_loop3A_516 {strides = array<i32>} : memref<2x20480xf32, #tpu.memory_space<vmem>>, vector<1x16xf32>,
      %parallel_loop3A_517 = arith.constant 2048 : i32
      %parallel_loop3A_518 = arith.addi %parallel_loop3A_517, %parallel_loop3A_495 : i32
      %parallel_loop3A_519 = arith.constant 1 : i32
      %parallel_loop3A_520 = arith.index_cast %parallel_loop3A_519 : i32 to index
      %parallel_loop3A_521 = arith.index_cast %parallel_loop3A_518 : i32 to index
      %parallel_loop3A_522 = tpu.vector_load %arg6[%parallel_loop3A_520, %parallel_loop3A_521] {strides = array<i32>} : memref<2x20480xf32, #tpu.memory_space<vmem>>, vector<1x16xf32>,
      %parallel_loop3A_523 = vector.shape_cast %parallel_loop3A_522 : vector<1x16xf32> to vector<16xf32>
      %parallel_loop3A_524 = arith.constant 2048 : i32
      %parallel_loop3A_525 = arith.addi %parallel_loop3A_524, %parallel_loop3A_495 : i32
      %parallel_loop3A_526 = arith.index_cast %parallel_loop3A_525 : i32 to index
      %parallel_loop3A_527 = tpu.vector_load %arg5[%parallel_loop3A_526] {strides = array<i32>} : memref<20480xf32, #tpu.memory_space<vmem>>, vector<16xf32>,
      %parallel_loop3A_528 = vector.shape_cast %parallel_loop3A_527 : vector<16xf32> to vector<16xf32>
      %parallel_loop3A_529 = arith.addf %parallel_loop3A_523, %parallel_loop3A_528 : vector<16xf32>
      %parallel_loop3A_530 = arith.constant 2048 : i32
      %parallel_loop3A_531 = arith.addi %parallel_loop3A_530, %parallel_loop3A_495 : i32
      %parallel_loop3A_532 = arith.constant 1 : i32
      %parallel_loop3A_533 = arith.index_cast %parallel_loop3A_532 : i32 to index
      %parallel_loop3A_534 = arith.index_cast %parallel_loop3A_531 : i32 to index
      %parallel_loop3A_535 = tpu.vector_load %arg7[%parallel_loop3A_533, %parallel_loop3A_534] {strides = array<i32>} : memref<2x20480xf32, #tpu.memory_space<vmem>>, vector<1x16xf32>,
      %parallel_loop3A_536 = vector.shape_cast %parallel_loop3A_535 : vector<1x16xf32> to vector<16xf32>
      %parallel_loop3A_537 = vector.shape_cast %parallel_loop3A_529 : vector<16xf32> to vector<1x16xf32>
      tpu.vector_store %arg7[%parallel_loop3A_533, %parallel_loop3A_534], %parallel_loop3A_537 {strides = array<i32>} : memref<2x20480xf32, #tpu.memory_space<vmem>>, vector<1x16xf32>,
      %parallel_loop3A_538 = arith.constant 4096 : i32
      %parallel_loop3A_539 = arith.addi %parallel_loop3A_538, %parallel_loop3A_495 : i32
      %parallel_loop3A_540 = arith.constant 1 : i32
      %parallel_loop3A_541 = arith.index_cast %parallel_loop3A_540 : i32 to index
      %parallel_loop3A_542 = arith.index_cast %parallel_loop3A_539 : i32 to index
      %parallel_loop3A_543 = tpu.vector_load %arg6[%parallel_loop3A_541, %parallel_loop3A_542] {strides = array<i32>} : memref<2x20480xf32, #tpu.memory_space<vmem>>, vector<1x16xf32>,
      %parallel_loop3A_544 = vector.shape_cast %parallel_loop3A_543 : vector<1x16xf32> to vector<16xf32>
      %parallel_loop3A_545 = arith.constant 4096 : i32
      %parallel_loop3A_546 = arith.addi %parallel_loop3A_545, %parallel_loop3A_495 : i32
      %parallel_loop3A_547 = arith.index_cast %parallel_loop3A_546 : i32 to index
      %parallel_loop3A_548 = tpu.vector_load %arg5[%parallel_loop3A_547] {strides = array<i32>} : memref<20480xf32, #tpu.memory_space<vmem>>, vector<16xf32>,
      %parallel_loop3A_549 = vector.shape_cast %parallel_loop3A_548 : vector<16xf32> to vector<16xf32>
      %parallel_loop3A_550 = arith.addf %parallel_loop3A_544, %parallel_loop3A_549 : vector<16xf32>
      %parallel_loop3A_551 = arith.constant 4096 : i32
      %parallel_loop3A_552 = arith.addi %parallel_loop3A_551, %parallel_loop3A_495 : i32
      %parallel_loop3A_553 = arith.constant 1 : i32
      %parallel_loop3A_554 = arith.index_cast %parallel_loop3A_553 : i32 to index
      %parallel_loop3A_555 = arith.index_cast %parallel_loop3A_552 : i32 to index
      %parallel_loop3A_556 = tpu.vector_load %arg7[%parallel_loop3A_554, %parallel_loop3A_555] {strides = array<i32>} : memref<2x20480xf32, #tpu.memory_space<vmem>>, vector<1x16xf32>,
      %parallel_loop3A_557 = vector.shape_cast %parallel_loop3A_556 : vector<1x16xf32> to vector<16xf32>
      %parallel_loop3A_558 = vector.shape_cast %parallel_loop3A_550 : vector<16xf32> to vector<1x16xf32>
      tpu.vector_store %arg7[%parallel_loop3A_554, %parallel_loop3A_555], %parallel_loop3A_558 {strides = array<i32>} : memref<2x20480xf32, #tpu.memory_space<vmem>>, vector<1x16xf32>,
      %parallel_loop3A_559 = arith.constant 6144 : i32
      %parallel_loop3A_560 = arith.addi %parallel_loop3A_559, %parallel_loop3A_495 : i32
      %parallel_loop3A_561 = arith.constant 1 : i32
      %parallel_loop3A_562 = arith.index_cast %parallel_loop3A_561 : i32 to index
      %parallel_loop3A_563 = arith.index_cast %parallel_loop3A_560 : i32 to index
      %parallel_loop3A_564 = tpu.vector_load %arg6[%parallel_loop3A_562, %parallel_loop3A_563] {strides = array<i32>} : memref<2x20480xf32, #tpu.memory_space<vmem>>, vector<1x16xf32>,
      %parallel_loop3A_565 = vector.shape_cast %parallel_loop3A_564 : vector<1x16xf32> to vector<16xf32>
      %parallel_loop3A_566 = arith.constant 6144 : i32
      %parallel_loop3A_567 = arith.addi %parallel_loop3A_566, %parallel_loop3A_495 : i32
      %parallel_loop3A_568 = arith.index_cast %parallel_loop3A_567 : i32 to index
      %parallel_loop3A_569 = tpu.vector_load %arg5[%parallel_loop3A_568] {strides = array<i32>} : memref<20480xf32, #tpu.memory_space<vmem>>, vector<16xf32>,
      %parallel_loop3A_570 = vector.shape_cast %parallel_loop3A_569 : vector<16xf32> to vector<16xf32>
      %parallel_loop3A_571 = arith.addf %parallel_loop3A_565, %parallel_loop3A_570 : vector<16xf32>
      %parallel_loop3A_572 = arith.constant 6144 : i32
      %parallel_loop3A_573 = arith.addi %parallel_loop3A_572, %parallel_loop3A_495 : i32
      %parallel_loop3A_574 = arith.constant 1 : i32
      %parallel_loop3A_575 = arith.index_cast %parallel_loop3A_574 : i32 to index
      %parallel_loop3A_576 = arith.index_cast %parallel_loop3A_573 : i32 to index
      %parallel_loop3A_577 = tpu.vector_load %arg7[%parallel_loop3A_575, %parallel_loop3A_576] {strides = array<i32>} : memref<2x20480xf32, #tpu.memory_space<vmem>>, vector<1x16xf32>,
      %parallel_loop3A_578 = vector.shape_cast %parallel_loop3A_577 : vector<1x16xf32> to vector<16xf32>
      %parallel_loop3A_579 = vector.shape_cast %parallel_loop3A_571 : vector<16xf32> to vector<1x16xf32>
      tpu.vector_store %arg7[%parallel_loop3A_575, %parallel_loop3A_576], %parallel_loop3A_579 {strides = array<i32>} : memref<2x20480xf32, #tpu.memory_space<vmem>>, vector<1x16xf32>,
      %parallel_loop3A_580 = arith.constant 8192 : i32
      %parallel_loop3A_581 = arith.addi %parallel_loop3A_580, %parallel_loop3A_495 : i32
      %parallel_loop3A_582 = arith.constant 1 : i32
      %parallel_loop3A_583 = arith.index_cast %parallel_loop3A_582 : i32 to index
      %parallel_loop3A_584 = arith.index_cast %parallel_loop3A_581 : i32 to index
      %parallel_loop3A_585 = tpu.vector_load %arg6[%parallel_loop3A_583, %parallel_loop3A_584] {strides = array<i32>} : memref<2x20480xf32, #tpu.memory_space<vmem>>, vector<1x16xf32>,
      %parallel_loop3A_586 = vector.shape_cast %parallel_loop3A_585 : vector<1x16xf32> to vector<16xf32>
      %parallel_loop3A_587 = arith.constant 8192 : i32
      %parallel_loop3A_588 = arith.addi %parallel_loop3A_587, %parallel_loop3A_495 : i32
      %parallel_loop3A_589 = arith.index_cast %parallel_loop3A_588 : i32 to index
      %parallel_loop3A_590 = tpu.vector_load %arg5[%parallel_loop3A_589] {strides = array<i32>} : memref<20480xf32, #tpu.memory_space<vmem>>, vector<16xf32>,
      %parallel_loop3A_591 = vector.shape_cast %parallel_loop3A_590 : vector<16xf32> to vector<16xf32>
      %parallel_loop3A_592 = arith.addf %parallel_loop3A_586, %parallel_loop3A_591 : vector<16xf32>
      %parallel_loop3A_593 = arith.constant 8192 : i32
      %parallel_loop3A_594 = arith.addi %parallel_loop3A_593, %parallel_loop3A_495 : i32
      %parallel_loop3A_595 = arith.constant 1 : i32
      %parallel_loop3A_596 = arith.index_cast %parallel_loop3A_595 : i32 to index
      %parallel_loop3A_597 = arith.index_cast %parallel_loop3A_594 : i32 to index
      %parallel_loop3A_598 = tpu.vector_load %arg7[%parallel_loop3A_596, %parallel_loop3A_597] {strides = array<i32>} : memref<2x20480xf32, #tpu.memory_space<vmem>>, vector<1x16xf32>,
      %parallel_loop3A_599 = vector.shape_cast %parallel_loop3A_598 : vector<1x16xf32> to vector<16xf32>
      %parallel_loop3A_600 = vector.shape_cast %parallel_loop3A_592 : vector<16xf32> to vector<1x16xf32>
      tpu.vector_store %arg7[%parallel_loop3A_596, %parallel_loop3A_597], %parallel_loop3A_600 {strides = array<i32>} : memref<2x20480xf32, #tpu.memory_space<vmem>>, vector<1x16xf32>,
      %parallel_loop3A_601 = arith.constant 10240 : i32
      %parallel_loop3A_602 = arith.addi %parallel_loop3A_601, %parallel_loop3A_495 : i32
      %parallel_loop3A_603 = arith.constant 1 : i32
      %parallel_loop3A_604 = arith.index_cast %parallel_loop3A_603 : i32 to index
      %parallel_loop3A_605 = arith.index_cast %parallel_loop3A_602 : i32 to index
      %parallel_loop3A_606 = tpu.vector_load %arg6[%parallel_loop3A_604, %parallel_loop3A_605] {strides = array<i32>} : memref<2x20480xf32, #tpu.memory_space<vmem>>, vector<1x16xf32>,
      %parallel_loop3A_607 = vector.shape_cast %parallel_loop3A_606 : vector<1x16xf32> to vector<16xf32>
      %parallel_loop3A_608 = arith.constant 10240 : i32
      %parallel_loop3A_609 = arith.addi %parallel_loop3A_608, %parallel_loop3A_495 : i32
      %parallel_loop3A_610 = arith.index_cast %parallel_loop3A_609 : i32 to index
      %parallel_loop3A_611 = tpu.vector_load %arg5[%parallel_loop3A_610] {strides = array<i32>} : memref<20480xf32, #tpu.memory_space<vmem>>, vector<16xf32>,
      %parallel_loop3A_612 = vector.shape_cast %parallel_loop3A_611 : vector<16xf32> to vector<16xf32>
      %parallel_loop3A_613 = arith.addf %parallel_loop3A_607, %parallel_loop3A_612 : vector<16xf32>
      %parallel_loop3A_614 = arith.constant 10240 : i32
      %parallel_loop3A_615 = arith.addi %parallel_loop3A_614, %parallel_loop3A_495 : i32
      %parallel_loop3A_616 = arith.constant 1 : i32
      %parallel_loop3A_617 = arith.index_cast %parallel_loop3A_616 : i32 to index
      %parallel_loop3A_618 = arith.index_cast %parallel_loop3A_615 : i32 to index
      %parallel_loop3A_619 = tpu.vector_load %arg7[%parallel_loop3A_617, %parallel_loop3A_618] {strides = array<i32>} : memref<2x20480xf32, #tpu.memory_space<vmem>>, vector<1x16xf32>,
      %parallel_loop3A_620 = vector.shape_cast %parallel_loop3A_619 : vector<1x16xf32> to vector<16xf32>
      %parallel_loop3A_621 = vector.shape_cast %parallel_loop3A_613 : vector<16xf32> to vector<1x16xf32>
      tpu.vector_store %arg7[%parallel_loop3A_617, %parallel_loop3A_618], %parallel_loop3A_621 {strides = array<i32>} : memref<2x20480xf32, #tpu.memory_space<vmem>>, vector<1x16xf32>,
      %parallel_loop3A_622 = arith.constant 12288 : i32
      %parallel_loop3A_623 = arith.addi %parallel_loop3A_622, %parallel_loop3A_495 : i32
      %parallel_loop3A_624 = arith.constant 1 : i32
      %parallel_loop3A_625 = arith.index_cast %parallel_loop3A_624 : i32 to index
      %parallel_loop3A_626 = arith.index_cast %parallel_loop3A_623 : i32 to index
      %parallel_loop3A_627 = tpu.vector_load %arg6[%parallel_loop3A_625, %parallel_loop3A_626] {strides = array<i32>} : memref<2x20480xf32, #tpu.memory_space<vmem>>, vector<1x16xf32>,
      %parallel_loop3A_628 = vector.shape_cast %parallel_loop3A_627 : vector<1x16xf32> to vector<16xf32>
      %parallel_loop3A_629 = arith.constant 12288 : i32
      %parallel_loop3A_630 = arith.addi %parallel_loop3A_629, %parallel_loop3A_495 : i32
      %parallel_loop3A_631 = arith.index_cast %parallel_loop3A_630 : i32 to index
      %parallel_loop3A_632 = tpu.vector_load %arg5[%parallel_loop3A_631] {strides = array<i32>} : memref<20480xf32, #tpu.memory_space<vmem>>, vector<16xf32>,
      %parallel_loop3A_633 = vector.shape_cast %parallel_loop3A_632 : vector<16xf32> to vector<16xf32>
      %parallel_loop3A_634 = arith.addf %parallel_loop3A_628, %parallel_loop3A_633 : vector<16xf32>
      %parallel_loop3A_635 = arith.constant 12288 : i32
      %parallel_loop3A_636 = arith.addi %parallel_loop3A_635, %parallel_loop3A_495 : i32
      %parallel_loop3A_637 = arith.constant 1 : i32
      %parallel_loop3A_638 = arith.index_cast %parallel_loop3A_637 : i32 to index
      %parallel_loop3A_639 = arith.index_cast %parallel_loop3A_636 : i32 to index
      %parallel_loop3A_640 = tpu.vector_load %arg7[%parallel_loop3A_638, %parallel_loop3A_639] {strides = array<i32>} : memref<2x20480xf32, #tpu.memory_space<vmem>>, vector<1x16xf32>,
      %parallel_loop3A_641 = vector.shape_cast %parallel_loop3A_640 : vector<1x16xf32> to vector<16xf32>
      %parallel_loop3A_642 = vector.shape_cast %parallel_loop3A_634 : vector<16xf32> to vector<1x16xf32>
      tpu.vector_store %arg7[%parallel_loop3A_638, %parallel_loop3A_639], %parallel_loop3A_642 {strides = array<i32>} : memref<2x20480xf32, #tpu.memory_space<vmem>>, vector<1x16xf32>,
      %parallel_loop3A_643 = arith.constant 14336 : i32
      %parallel_loop3A_644 = arith.addi %parallel_loop3A_643, %parallel_loop3A_495 : i32
      %parallel_loop3A_645 = arith.constant 1 : i32
      %parallel_loop3A_646 = arith.index_cast %parallel_loop3A_645 : i32 to index
      %parallel_loop3A_647 = arith.index_cast %parallel_loop3A_644 : i32 to index
      %parallel_loop3A_648 = tpu.vector_load %arg6[%parallel_loop3A_646, %parallel_loop3A_647] {strides = array<i32>} : memref<2x20480xf32, #tpu.memory_space<vmem>>, vector<1x16xf32>,
      %parallel_loop3A_649 = vector.shape_cast %parallel_loop3A_648 : vector<1x16xf32> to vector<16xf32>
      %parallel_loop3A_650 = arith.constant 14336 : i32
      %parallel_loop3A_651 = arith.addi %parallel_loop3A_650, %parallel_loop3A_495 : i32
      %parallel_loop3A_652 = arith.index_cast %parallel_loop3A_651 : i32 to index
      %parallel_loop3A_653 = tpu.vector_load %arg5[%parallel_loop3A_652] {strides = array<i32>} : memref<20480xf32, #tpu.memory_space<vmem>>, vector<16xf32>,
      %parallel_loop3A_654 = vector.shape_cast %parallel_loop3A_653 : vector<16xf32> to vector<16xf32>
      %parallel_loop3A_655 = arith.addf %parallel_loop3A_649, %parallel_loop3A_654 : vector<16xf32>
      %parallel_loop3A_656 = arith.constant 14336 : i32
      %parallel_loop3A_657 = arith.addi %parallel_loop3A_656, %parallel_loop3A_495 : i32
      %parallel_loop3A_658 = arith.constant 1 : i32
      %parallel_loop3A_659 = arith.index_cast %parallel_loop3A_658 : i32 to index
      %parallel_loop3A_660 = arith.index_cast %parallel_loop3A_657 : i32 to index
      %parallel_loop3A_661 = tpu.vector_load %arg7[%parallel_loop3A_659, %parallel_loop3A_660] {strides = array<i32>} : memref<2x20480xf32, #tpu.memory_space<vmem>>, vector<1x16xf32>,
      %parallel_loop3A_662 = vector.shape_cast %parallel_loop3A_661 : vector<1x16xf32> to vector<16xf32>
      %parallel_loop3A_663 = vector.shape_cast %parallel_loop3A_655 : vector<16xf32> to vector<1x16xf32>
      tpu.vector_store %arg7[%parallel_loop3A_659, %parallel_loop3A_660], %parallel_loop3A_663 {strides = array<i32>} : memref<2x20480xf32, #tpu.memory_space<vmem>>, vector<1x16xf32>,
      %parallel_loop3A_664 = arith.constant 16384 : i32
      %parallel_loop3A_665 = arith.addi %parallel_loop3A_664, %parallel_loop3A_495 : i32
      %parallel_loop3A_666 = arith.constant 1 : i32
      %parallel_loop3A_667 = arith.index_cast %parallel_loop3A_666 : i32 to index
      %parallel_loop3A_668 = arith.index_cast %parallel_loop3A_665 : i32 to index
      %parallel_loop3A_669 = tpu.vector_load %arg6[%parallel_loop3A_667, %parallel_loop3A_668] {strides = array<i32>} : memref<2x20480xf32, #tpu.memory_space<vmem>>, vector<1x16xf32>,
      %parallel_loop3A_670 = vector.shape_cast %parallel_loop3A_669 : vector<1x16xf32> to vector<16xf32>
      %parallel_loop3A_671 = arith.constant 16384 : i32
      %parallel_loop3A_672 = arith.addi %parallel_loop3A_671, %parallel_loop3A_495 : i32
      %parallel_loop3A_673 = arith.index_cast %parallel_loop3A_672 : i32 to index
      %parallel_loop3A_674 = tpu.vector_load %arg5[%parallel_loop3A_673] {strides = array<i32>} : memref<20480xf32, #tpu.memory_space<vmem>>, vector<16xf32>,
      %parallel_loop3A_675 = vector.shape_cast %parallel_loop3A_674 : vector<16xf32> to vector<16xf32>
      %parallel_loop3A_676 = arith.addf %parallel_loop3A_670, %parallel_loop3A_675 : vector<16xf32>
      %parallel_loop3A_677 = arith.constant 16384 : i32
      %parallel_loop3A_678 = arith.addi %parallel_loop3A_677, %parallel_loop3A_495 : i32
      %parallel_loop3A_679 = arith.constant 1 : i32
      %parallel_loop3A_680 = arith.index_cast %parallel_loop3A_679 : i32 to index
      %parallel_loop3A_681 = arith.index_cast %parallel_loop3A_678 : i32 to index
      %parallel_loop3A_682 = tpu.vector_load %arg7[%parallel_loop3A_680, %parallel_loop3A_681] {strides = array<i32>} : memref<2x20480xf32, #tpu.memory_space<vmem>>, vector<1x16xf32>,
      %parallel_loop3A_683 = vector.shape_cast %parallel_loop3A_682 : vector<1x16xf32> to vector<16xf32>
      %parallel_loop3A_684 = vector.shape_cast %parallel_loop3A_676 : vector<16xf32> to vector<1x16xf32>
      tpu.vector_store %arg7[%parallel_loop3A_680, %parallel_loop3A_681], %parallel_loop3A_684 {strides = array<i32>} : memref<2x20480xf32, #tpu.memory_space<vmem>>, vector<1x16xf32>,
      %parallel_loop3A_685 = arith.constant 18432 : i32
      %parallel_loop3A_686 = arith.addi %parallel_loop3A_685, %parallel_loop3A_495 : i32
      %parallel_loop3A_687 = arith.constant 1 : i32
      %parallel_loop3A_688 = arith.index_cast %parallel_loop3A_687 : i32 to index
      %parallel_loop3A_689 = arith.index_cast %parallel_loop3A_686 : i32 to index
      %parallel_loop3A_690 = tpu.vector_load %arg6[%parallel_loop3A_688, %parallel_loop3A_689] {strides = array<i32>} : memref<2x20480xf32, #tpu.memory_space<vmem>>, vector<1x16xf32>,
      %parallel_loop3A_691 = vector.shape_cast %parallel_loop3A_690 : vector<1x16xf32> to vector<16xf32>
      %parallel_loop3A_692 = arith.constant 18432 : i32
      %parallel_loop3A_693 = arith.addi %parallel_loop3A_692, %parallel_loop3A_495 : i32
      %parallel_loop3A_694 = arith.index_cast %parallel_loop3A_693 : i32 to index
      %parallel_loop3A_695 = tpu.vector_load %arg5[%parallel_loop3A_694] {strides = array<i32>} : memref<20480xf32, #tpu.memory_space<vmem>>, vector<16xf32>,
      %parallel_loop3A_696 = vector.shape_cast %parallel_loop3A_695 : vector<16xf32> to vector<16xf32>
      %parallel_loop3A_697 = arith.addf %parallel_loop3A_691, %parallel_loop3A_696 : vector<16xf32>
      %parallel_loop3A_698 = arith.constant 18432 : i32
      %parallel_loop3A_699 = arith.addi %parallel_loop3A_698, %parallel_loop3A_495 : i32
      %parallel_loop3A_700 = arith.constant 1 : i32
      %parallel_loop3A_701 = arith.index_cast %parallel_loop3A_700 : i32 to index
      %parallel_loop3A_702 = arith.index_cast %parallel_loop3A_699 : i32 to index
      %parallel_loop3A_703 = tpu.vector_load %arg7[%parallel_loop3A_701, %parallel_loop3A_702] {strides = array<i32>} : memref<2x20480xf32, #tpu.memory_space<vmem>>, vector<1x16xf32>,
      %parallel_loop3A_704 = vector.shape_cast %parallel_loop3A_703 : vector<1x16xf32> to vector<16xf32>
      %parallel_loop3A_705 = vector.shape_cast %parallel_loop3A_697 : vector<16xf32> to vector<1x16xf32>
      tpu.vector_store %arg7[%parallel_loop3A_701, %parallel_loop3A_702], %parallel_loop3A_705 {strides = array<i32>} : memref<2x20480xf32, #tpu.memory_space<vmem>>, vector<1x16xf32>,
    } {sc.loop_unroll_factor = 1 : i64, sc.parallel_access}
    %add3A_376 = arith.constant 1003520 : i32
    %add3A_377 = arith.addi %mul3A_2, %add3A_376 : i32
    %dma_start3A_378 = arith.constant 1 : i32
    %dma_start3A_379 = arith.constant 0 : i32
    %dma_start3A_380 = tpu.memref_slice %arg7[%dma_start3A_378, %dma_start3A_379] : memref<2x20480xf32, #tpu.memory_space<vmem>> -> memref<1x20480xf32, #tpu.memory_space<vmem>>
    %dma_start3A_381 = tpu.memref_squeeze %dma_start3A_380 : memref<1x20480xf32, #tpu.memory_space<vmem>> -> memref<20480xf32, #tpu.memory_space<vmem>>
    %dma_start3A_382 = tpu.memref_slice %arg4[%add3A_377] : memref<33554432xf32, #tpu.memory_space<hbm>> -> memref<20480xf32, #tpu.memory_space<hbm>>
    %dma_start3A_383 = tpu.memref_slice %arg4[%add3A_377] : memref<33554432xf32, #tpu.memory_space<hbm>> -> memref<20480xf32, #tpu.memory_space<hbm>>
    %dma_start3A_384 = arith.constant 0 : i32
    %dma_start3A_385 = tpu.memref_slice %arg7[%dma_start3A_378, %dma_start3A_384] : memref<2x20480xf32, #tpu.memory_space<vmem>> -> memref<1x20480xf32, #tpu.memory_space<vmem>>
    %dma_start3A_386 = tpu.memref_squeeze %dma_start3A_385 : memref<1x20480xf32, #tpu.memory_space<vmem>> -> memref<20480xf32, #tpu.memory_space<vmem>>
    tpu.enqueue_dma source(%dma_start3A_386 : memref<20480xf32, #tpu.memory_space<vmem>>) target(%dma_start3A_383 : memref<20480xf32, #tpu.memory_space<hbm>>) target_semaphore(%arg11 : memref<!tpu.dma_semaphore, #tpu.memory_space<semaphore_mem>>)
    %add3A_387 = arith.constant 1044480 : i32
    %add3A_388 = arith.addi %mul3A_2, %add3A_387 : i32
    %dma_start3A_389 = arith.constant 1 : i32
    %dma_start3A_390 = arith.constant 0 : i32
    %dma_start3A_391 = tpu.memref_slice %arg6[%dma_start3A_389, %dma_start3A_390] : memref<2x20480xf32, #tpu.memory_space<vmem>> -> memref<1x4096xf32, #tpu.memory_space<vmem>>
    %dma_start3A_392 = tpu.memref_squeeze %dma_start3A_391 : memref<1x4096xf32, #tpu.memory_space<vmem>> -> memref<4096xf32, #tpu.memory_space<vmem>>
    %dma_start3A_393 = tpu.memref_slice %arg2[%add3A_388] : memref<33554432xf32, #tpu.memory_space<hbm>> -> memref<4096xf32, #tpu.memory_space<hbm>>
    %dma_start3A_394 = arith.constant 0 : i32
    %dma_start3A_395 = tpu.memref_slice %arg6[%dma_start3A_389, %dma_start3A_394] : memref<2x20480xf32, #tpu.memory_space<vmem>> -> memref<1x4096xf32, #tpu.memory_space<vmem>>
    %dma_start3A_396 = tpu.memref_squeeze %dma_start3A_395 : memref<1x4096xf32, #tpu.memory_space<vmem>> -> memref<4096xf32, #tpu.memory_space<vmem>>
    %dma_start3A_397 = tpu.memref_slice %arg2[%add3A_388] : memref<33554432xf32, #tpu.memory_space<hbm>> -> memref<4096xf32, #tpu.memory_space<hbm>>
    tpu.enqueue_dma source(%dma_start3A_397 : memref<4096xf32, #tpu.memory_space<hbm>>) target(%dma_start3A_396 : memref<4096xf32, #tpu.memory_space<vmem>>) target_semaphore(%arg9 : memref<!tpu.dma_semaphore, #tpu.memory_space<semaphore_mem>>)
    %add3A_398 = arith.constant 1024000 : i32
    %add3A_399 = arith.addi %mul3A_2, %add3A_398 : i32
    %dma_wait3A_400 = arith.constant 0 : i32
    %dma_wait3A_401 = arith.constant 0 : i32
    %dma_wait3A_402 = tpu.memref_slice %arg6[%dma_wait3A_400, %dma_wait3A_401] : memref<2x20480xf32, #tpu.memory_space<vmem>> -> memref<1x20480xf32, #tpu.memory_space<vmem>>
    %dma_wait3A_403 = tpu.memref_squeeze %dma_wait3A_402 : memref<1x20480xf32, #tpu.memory_space<vmem>> -> memref<20480xf32, #tpu.memory_space<vmem>>
    %dma_wait3A_404 = tpu.memref_slice %arg2[%add3A_399] : memref<33554432xf32, #tpu.memory_space<hbm>> -> memref<20480xf32, #tpu.memory_space<hbm>>
    %dma_wait3A_405 = arith.constant 0 : i32
    %dma_wait3A_406 = tpu.memref_slice %arg6[%dma_wait3A_400, %dma_wait3A_405] : memref<2x20480xf32, #tpu.memory_space<vmem>> -> memref<1x20480xf32, #tpu.memory_space<vmem>>
    %dma_wait3A_407 = tpu.memref_squeeze %dma_wait3A_406 : memref<1x20480xf32, #tpu.memory_space<vmem>> -> memref<20480xf32, #tpu.memory_space<vmem>>
    %dma_wait3A_408 = tpu.memref_slice %arg2[%add3A_399] : memref<33554432xf32, #tpu.memory_space<hbm>> -> memref<20480xf32, #tpu.memory_space<hbm>>
    tpu.wait_dma2 semaphore(%arg8 : memref<!tpu.dma_semaphore, #tpu.memory_space<semaphore_mem>>) src(%dma_wait3A_408 : memref<20480xf32, #tpu.memory_space<hbm>>) dst(%dma_wait3A_407 : memref<20480xf32, #tpu.memory_space<vmem>>)
    %add3A_409 = arith.constant 983040 : i32
    %add3A_410 = arith.addi %mul3A_2, %add3A_409 : i32
    %dma_wait3A_411 = arith.constant 0 : i32
    %dma_wait3A_412 = arith.constant 0 : i32
    %dma_wait3A_413 = tpu.memref_slice %arg7[%dma_wait3A_411, %dma_wait3A_412] : memref<2x20480xf32, #tpu.memory_space<vmem>> -> memref<1x20480xf32, #tpu.memory_space<vmem>>
    %dma_wait3A_414 = tpu.memref_squeeze %dma_wait3A_413 : memref<1x20480xf32, #tpu.memory_space<vmem>> -> memref<20480xf32, #tpu.memory_space<vmem>>
    %dma_wait3A_415 = tpu.memref_slice %arg4[%add3A_410] : memref<33554432xf32, #tpu.memory_space<hbm>> -> memref<20480xf32, #tpu.memory_space<hbm>>
    %dma_wait3A_416 = tpu.memref_slice %arg4[%add3A_410] : memref<33554432xf32, #tpu.memory_space<hbm>> -> memref<20480xf32, #tpu.memory_space<hbm>>
    %dma_wait3A_417 = arith.constant 0 : i32
    %dma_wait3A_418 = tpu.memref_slice %arg7[%dma_wait3A_411, %dma_wait3A_417] : memref<2x20480xf32, #tpu.memory_space<vmem>> -> memref<1x20480xf32, #tpu.memory_space<vmem>>
    %dma_wait3A_419 = tpu.memref_squeeze %dma_wait3A_418 : memref<1x20480xf32, #tpu.memory_space<vmem>> -> memref<20480xf32, #tpu.memory_space<vmem>>
    tpu.wait_dma2 semaphore(%arg10 : memref<!tpu.dma_semaphore, #tpu.memory_space<semaphore_mem>>) src(%dma_wait3A_419 : memref<20480xf32, #tpu.memory_space<vmem>>) dst(%dma_wait3A_416 : memref<20480xf32, #tpu.memory_space<hbm>>)
    %parallel_loop3A_420 = arith.constant 0 : i32
    %parallel_loop3A_421 = arith.constant 128 : i32
    %parallel_loop3A_422 = arith.constant 1 : i32
    scf.for %parallel_loop3A_492 = %parallel_loop3A_420 to %parallel_loop3A_421 step %parallel_loop3A_422  : i32 {
      %parallel_loop3A_493 = arith.constant 16 : i32
      %parallel_loop3A_494 = arith.muli %parallel_loop3A_492, %parallel_loop3A_493 : i32
      %parallel_loop3A_495 = tpu.assume_multiple %parallel_loop3A_494, 16 : i32
      %parallel_loop3A_496 = arith.constant 0 : i32
      %parallel_loop3A_497 = arith.addi %parallel_loop3A_496, %parallel_loop3A_495 : i32
      %parallel_loop3A_498 = arith.constant 0 : i32
      %parallel_loop3A_499 = arith.index_cast %parallel_loop3A_498 : i32 to index
      %parallel_loop3A_500 = arith.index_cast %parallel_loop3A_497 : i32 to index
      %parallel_loop3A_501 = tpu.vector_load %arg6[%parallel_loop3A_499, %parallel_loop3A_500] {strides = array<i32>} : memref<2x20480xf32, #tpu.memory_space<vmem>>, vector<1x16xf32>,
      %parallel_loop3A_502 = vector.shape_cast %parallel_loop3A_501 : vector<1x16xf32> to vector<16xf32>
      %parallel_loop3A_503 = arith.constant 0 : i32
      %parallel_loop3A_504 = arith.addi %parallel_loop3A_503, %parallel_loop3A_495 : i32
      %parallel_loop3A_505 = arith.index_cast %parallel_loop3A_504 : i32 to index
      %parallel_loop3A_506 = tpu.vector_load %arg5[%parallel_loop3A_505] {strides = array<i32>} : memref<20480xf32, #tpu.memory_space<vmem>>, vector<16xf32>,
      %parallel_loop3A_507 = vector.shape_cast %parallel_loop3A_506 : vector<16xf32> to vector<16xf32>
      %parallel_loop3A_508 = arith.addf %parallel_loop3A_502, %parallel_loop3A_507 : vector<16xf32>
      %parallel_loop3A_509 = arith.constant 0 : i32
      %parallel_loop3A_510 = arith.addi %parallel_loop3A_509, %parallel_loop3A_495 : i32
      %parallel_loop3A_511 = arith.constant 0 : i32
      %parallel_loop3A_512 = arith.index_cast %parallel_loop3A_511 : i32 to index
      %parallel_loop3A_513 = arith.index_cast %parallel_loop3A_510 : i32 to index
      %parallel_loop3A_514 = tpu.vector_load %arg7[%parallel_loop3A_512, %parallel_loop3A_513] {strides = array<i32>} : memref<2x20480xf32, #tpu.memory_space<vmem>>, vector<1x16xf32>,
      %parallel_loop3A_515 = vector.shape_cast %parallel_loop3A_514 : vector<1x16xf32> to vector<16xf32>
      %parallel_loop3A_516 = vector.shape_cast %parallel_loop3A_508 : vector<16xf32> to vector<1x16xf32>
      tpu.vector_store %arg7[%parallel_loop3A_512, %parallel_loop3A_513], %parallel_loop3A_516 {strides = array<i32>} : memref<2x20480xf32, #tpu.memory_space<vmem>>, vector<1x16xf32>,
      %parallel_loop3A_517 = arith.constant 2048 : i32
      %parallel_loop3A_518 = arith.addi %parallel_loop3A_517, %parallel_loop3A_495 : i32
      %parallel_loop3A_519 = arith.constant 0 : i32
      %parallel_loop3A_520 = arith.index_cast %parallel_loop3A_519 : i32 to index
      %parallel_loop3A_521 = arith.index_cast %parallel_loop3A_518 : i32 to index
      %parallel_loop3A_522 = tpu.vector_load %arg6[%parallel_loop3A_520, %parallel_loop3A_521] {strides = array<i32>} : memref<2x20480xf32, #tpu.memory_space<vmem>>, vector<1x16xf32>,
      %parallel_loop3A_523 = vector.shape_cast %parallel_loop3A_522 : vector<1x16xf32> to vector<16xf32>
      %parallel_loop3A_524 = arith.constant 2048 : i32
      %parallel_loop3A_525 = arith.addi %parallel_loop3A_524, %parallel_loop3A_495 : i32
      %parallel_loop3A_526 = arith.index_cast %parallel_loop3A_525 : i32 to index
      %parallel_loop3A_527 = tpu.vector_load %arg5[%parallel_loop3A_526] {strides = array<i32>} : memref<20480xf32, #tpu.memory_space<vmem>>, vector<16xf32>,
      %parallel_loop3A_528 = vector.shape_cast %parallel_loop3A_527 : vector<16xf32> to vector<16xf32>
      %parallel_loop3A_529 = arith.addf %parallel_loop3A_523, %parallel_loop3A_528 : vector<16xf32>
      %parallel_loop3A_530 = arith.constant 2048 : i32
      %parallel_loop3A_531 = arith.addi %parallel_loop3A_530, %parallel_loop3A_495 : i32
      %parallel_loop3A_532 = arith.constant 0 : i32
      %parallel_loop3A_533 = arith.index_cast %parallel_loop3A_532 : i32 to index
      %parallel_loop3A_534 = arith.index_cast %parallel_loop3A_531 : i32 to index
      %parallel_loop3A_535 = tpu.vector_load %arg7[%parallel_loop3A_533, %parallel_loop3A_534] {strides = array<i32>} : memref<2x20480xf32, #tpu.memory_space<vmem>>, vector<1x16xf32>,
      %parallel_loop3A_536 = vector.shape_cast %parallel_loop3A_535 : vector<1x16xf32> to vector<16xf32>
      %parallel_loop3A_537 = vector.shape_cast %parallel_loop3A_529 : vector<16xf32> to vector<1x16xf32>
      tpu.vector_store %arg7[%parallel_loop3A_533, %parallel_loop3A_534], %parallel_loop3A_537 {strides = array<i32>} : memref<2x20480xf32, #tpu.memory_space<vmem>>, vector<1x16xf32>,
      %parallel_loop3A_538 = arith.constant 4096 : i32
      %parallel_loop3A_539 = arith.addi %parallel_loop3A_538, %parallel_loop3A_495 : i32
      %parallel_loop3A_540 = arith.constant 0 : i32
      %parallel_loop3A_541 = arith.index_cast %parallel_loop3A_540 : i32 to index
      %parallel_loop3A_542 = arith.index_cast %parallel_loop3A_539 : i32 to index
      %parallel_loop3A_543 = tpu.vector_load %arg6[%parallel_loop3A_541, %parallel_loop3A_542] {strides = array<i32>} : memref<2x20480xf32, #tpu.memory_space<vmem>>, vector<1x16xf32>,
      %parallel_loop3A_544 = vector.shape_cast %parallel_loop3A_543 : vector<1x16xf32> to vector<16xf32>
      %parallel_loop3A_545 = arith.constant 4096 : i32
      %parallel_loop3A_546 = arith.addi %parallel_loop3A_545, %parallel_loop3A_495 : i32
      %parallel_loop3A_547 = arith.index_cast %parallel_loop3A_546 : i32 to index
      %parallel_loop3A_548 = tpu.vector_load %arg5[%parallel_loop3A_547] {strides = array<i32>} : memref<20480xf32, #tpu.memory_space<vmem>>, vector<16xf32>,
      %parallel_loop3A_549 = vector.shape_cast %parallel_loop3A_548 : vector<16xf32> to vector<16xf32>
      %parallel_loop3A_550 = arith.addf %parallel_loop3A_544, %parallel_loop3A_549 : vector<16xf32>
      %parallel_loop3A_551 = arith.constant 4096 : i32
      %parallel_loop3A_552 = arith.addi %parallel_loop3A_551, %parallel_loop3A_495 : i32
      %parallel_loop3A_553 = arith.constant 0 : i32
      %parallel_loop3A_554 = arith.index_cast %parallel_loop3A_553 : i32 to index
      %parallel_loop3A_555 = arith.index_cast %parallel_loop3A_552 : i32 to index
      %parallel_loop3A_556 = tpu.vector_load %arg7[%parallel_loop3A_554, %parallel_loop3A_555] {strides = array<i32>} : memref<2x20480xf32, #tpu.memory_space<vmem>>, vector<1x16xf32>,
      %parallel_loop3A_557 = vector.shape_cast %parallel_loop3A_556 : vector<1x16xf32> to vector<16xf32>
      %parallel_loop3A_558 = vector.shape_cast %parallel_loop3A_550 : vector<16xf32> to vector<1x16xf32>
      tpu.vector_store %arg7[%parallel_loop3A_554, %parallel_loop3A_555], %parallel_loop3A_558 {strides = array<i32>} : memref<2x20480xf32, #tpu.memory_space<vmem>>, vector<1x16xf32>,
      %parallel_loop3A_559 = arith.constant 6144 : i32
      %parallel_loop3A_560 = arith.addi %parallel_loop3A_559, %parallel_loop3A_495 : i32
      %parallel_loop3A_561 = arith.constant 0 : i32
      %parallel_loop3A_562 = arith.index_cast %parallel_loop3A_561 : i32 to index
      %parallel_loop3A_563 = arith.index_cast %parallel_loop3A_560 : i32 to index
      %parallel_loop3A_564 = tpu.vector_load %arg6[%parallel_loop3A_562, %parallel_loop3A_563] {strides = array<i32>} : memref<2x20480xf32, #tpu.memory_space<vmem>>, vector<1x16xf32>,
      %parallel_loop3A_565 = vector.shape_cast %parallel_loop3A_564 : vector<1x16xf32> to vector<16xf32>
      %parallel_loop3A_566 = arith.constant 6144 : i32
      %parallel_loop3A_567 = arith.addi %parallel_loop3A_566, %parallel_loop3A_495 : i32
      %parallel_loop3A_568 = arith.index_cast %parallel_loop3A_567 : i32 to index
      %parallel_loop3A_569 = tpu.vector_load %arg5[%parallel_loop3A_568] {strides = array<i32>} : memref<20480xf32, #tpu.memory_space<vmem>>, vector<16xf32>,
      %parallel_loop3A_570 = vector.shape_cast %parallel_loop3A_569 : vector<16xf32> to vector<16xf32>
      %parallel_loop3A_571 = arith.addf %parallel_loop3A_565, %parallel_loop3A_570 : vector<16xf32>
      %parallel_loop3A_572 = arith.constant 6144 : i32
      %parallel_loop3A_573 = arith.addi %parallel_loop3A_572, %parallel_loop3A_495 : i32
      %parallel_loop3A_574 = arith.constant 0 : i32
      %parallel_loop3A_575 = arith.index_cast %parallel_loop3A_574 : i32 to index
      %parallel_loop3A_576 = arith.index_cast %parallel_loop3A_573 : i32 to index
      %parallel_loop3A_577 = tpu.vector_load %arg7[%parallel_loop3A_575, %parallel_loop3A_576] {strides = array<i32>} : memref<2x20480xf32, #tpu.memory_space<vmem>>, vector<1x16xf32>,
      %parallel_loop3A_578 = vector.shape_cast %parallel_loop3A_577 : vector<1x16xf32> to vector<16xf32>
      %parallel_loop3A_579 = vector.shape_cast %parallel_loop3A_571 : vector<16xf32> to vector<1x16xf32>
      tpu.vector_store %arg7[%parallel_loop3A_575, %parallel_loop3A_576], %parallel_loop3A_579 {strides = array<i32>} : memref<2x20480xf32, #tpu.memory_space<vmem>>, vector<1x16xf32>,
      %parallel_loop3A_580 = arith.constant 8192 : i32
      %parallel_loop3A_581 = arith.addi %parallel_loop3A_580, %parallel_loop3A_495 : i32
      %parallel_loop3A_582 = arith.constant 0 : i32
      %parallel_loop3A_583 = arith.index_cast %parallel_loop3A_582 : i32 to index
      %parallel_loop3A_584 = arith.index_cast %parallel_loop3A_581 : i32 to index
      %parallel_loop3A_585 = tpu.vector_load %arg6[%parallel_loop3A_583, %parallel_loop3A_584] {strides = array<i32>} : memref<2x20480xf32, #tpu.memory_space<vmem>>, vector<1x16xf32>,
      %parallel_loop3A_586 = vector.shape_cast %parallel_loop3A_585 : vector<1x16xf32> to vector<16xf32>
      %parallel_loop3A_587 = arith.constant 8192 : i32
      %parallel_loop3A_588 = arith.addi %parallel_loop3A_587, %parallel_loop3A_495 : i32
      %parallel_loop3A_589 = arith.index_cast %parallel_loop3A_588 : i32 to index
      %parallel_loop3A_590 = tpu.vector_load %arg5[%parallel_loop3A_589] {strides = array<i32>} : memref<20480xf32, #tpu.memory_space<vmem>>, vector<16xf32>,
      %parallel_loop3A_591 = vector.shape_cast %parallel_loop3A_590 : vector<16xf32> to vector<16xf32>
      %parallel_loop3A_592 = arith.addf %parallel_loop3A_586, %parallel_loop3A_591 : vector<16xf32>
      %parallel_loop3A_593 = arith.constant 8192 : i32
      %parallel_loop3A_594 = arith.addi %parallel_loop3A_593, %parallel_loop3A_495 : i32
      %parallel_loop3A_595 = arith.constant 0 : i32
      %parallel_loop3A_596 = arith.index_cast %parallel_loop3A_595 : i32 to index
      %parallel_loop3A_597 = arith.index_cast %parallel_loop3A_594 : i32 to index
      %parallel_loop3A_598 = tpu.vector_load %arg7[%parallel_loop3A_596, %parallel_loop3A_597] {strides = array<i32>} : memref<2x20480xf32, #tpu.memory_space<vmem>>, vector<1x16xf32>,
      %parallel_loop3A_599 = vector.shape_cast %parallel_loop3A_598 : vector<1x16xf32> to vector<16xf32>
      %parallel_loop3A_600 = vector.shape_cast %parallel_loop3A_592 : vector<16xf32> to vector<1x16xf32>
      tpu.vector_store %arg7[%parallel_loop3A_596, %parallel_loop3A_597], %parallel_loop3A_600 {strides = array<i32>} : memref<2x20480xf32, #tpu.memory_space<vmem>>, vector<1x16xf32>,
      %parallel_loop3A_601 = arith.constant 10240 : i32
      %parallel_loop3A_602 = arith.addi %parallel_loop3A_601, %parallel_loop3A_495 : i32
      %parallel_loop3A_603 = arith.constant 0 : i32
      %parallel_loop3A_604 = arith.index_cast %parallel_loop3A_603 : i32 to index
      %parallel_loop3A_605 = arith.index_cast %parallel_loop3A_602 : i32 to index
      %parallel_loop3A_606 = tpu.vector_load %arg6[%parallel_loop3A_604, %parallel_loop3A_605] {strides = array<i32>} : memref<2x20480xf32, #tpu.memory_space<vmem>>, vector<1x16xf32>,
      %parallel_loop3A_607 = vector.shape_cast %parallel_loop3A_606 : vector<1x16xf32> to vector<16xf32>
      %parallel_loop3A_608 = arith.constant 10240 : i32
      %parallel_loop3A_609 = arith.addi %parallel_loop3A_608, %parallel_loop3A_495 : i32
      %parallel_loop3A_610 = arith.index_cast %parallel_loop3A_609 : i32 to index
      %parallel_loop3A_611 = tpu.vector_load %arg5[%parallel_loop3A_610] {strides = array<i32>} : memref<20480xf32, #tpu.memory_space<vmem>>, vector<16xf32>,
      %parallel_loop3A_612 = vector.shape_cast %parallel_loop3A_611 : vector<16xf32> to vector<16xf32>
      %parallel_loop3A_613 = arith.addf %parallel_loop3A_607, %parallel_loop3A_612 : vector<16xf32>
      %parallel_loop3A_614 = arith.constant 10240 : i32
      %parallel_loop3A_615 = arith.addi %parallel_loop3A_614, %parallel_loop3A_495 : i32
      %parallel_loop3A_616 = arith.constant 0 : i32
      %parallel_loop3A_617 = arith.index_cast %parallel_loop3A_616 : i32 to index
      %parallel_loop3A_618 = arith.index_cast %parallel_loop3A_615 : i32 to index
      %parallel_loop3A_619 = tpu.vector_load %arg7[%parallel_loop3A_617, %parallel_loop3A_618] {strides = array<i32>} : memref<2x20480xf32, #tpu.memory_space<vmem>>, vector<1x16xf32>,
      %parallel_loop3A_620 = vector.shape_cast %parallel_loop3A_619 : vector<1x16xf32> to vector<16xf32>
      %parallel_loop3A_621 = vector.shape_cast %parallel_loop3A_613 : vector<16xf32> to vector<1x16xf32>
      tpu.vector_store %arg7[%parallel_loop3A_617, %parallel_loop3A_618], %parallel_loop3A_621 {strides = array<i32>} : memref<2x20480xf32, #tpu.memory_space<vmem>>, vector<1x16xf32>,
      %parallel_loop3A_622 = arith.constant 12288 : i32
      %parallel_loop3A_623 = arith.addi %parallel_loop3A_622, %parallel_loop3A_495 : i32
      %parallel_loop3A_624 = arith.constant 0 : i32
      %parallel_loop3A_625 = arith.index_cast %parallel_loop3A_624 : i32 to index
      %parallel_loop3A_626 = arith.index_cast %parallel_loop3A_623 : i32 to index
      %parallel_loop3A_627 = tpu.vector_load %arg6[%parallel_loop3A_625, %parallel_loop3A_626] {strides = array<i32>} : memref<2x20480xf32, #tpu.memory_space<vmem>>, vector<1x16xf32>,
      %parallel_loop3A_628 = vector.shape_cast %parallel_loop3A_627 : vector<1x16xf32> to vector<16xf32>
      %parallel_loop3A_629 = arith.constant 12288 : i32
      %parallel_loop3A_630 = arith.addi %parallel_loop3A_629, %parallel_loop3A_495 : i32
      %parallel_loop3A_631 = arith.index_cast %parallel_loop3A_630 : i32 to index
      %parallel_loop3A_632 = tpu.vector_load %arg5[%parallel_loop3A_631] {strides = array<i32>} : memref<20480xf32, #tpu.memory_space<vmem>>, vector<16xf32>,
      %parallel_loop3A_633 = vector.shape_cast %parallel_loop3A_632 : vector<16xf32> to vector<16xf32>
      %parallel_loop3A_634 = arith.addf %parallel_loop3A_628, %parallel_loop3A_633 : vector<16xf32>
      %parallel_loop3A_635 = arith.constant 12288 : i32
      %parallel_loop3A_636 = arith.addi %parallel_loop3A_635, %parallel_loop3A_495 : i32
      %parallel_loop3A_637 = arith.constant 0 : i32
      %parallel_loop3A_638 = arith.index_cast %parallel_loop3A_637 : i32 to index
      %parallel_loop3A_639 = arith.index_cast %parallel_loop3A_636 : i32 to index
      %parallel_loop3A_640 = tpu.vector_load %arg7[%parallel_loop3A_638, %parallel_loop3A_639] {strides = array<i32>} : memref<2x20480xf32, #tpu.memory_space<vmem>>, vector<1x16xf32>,
      %parallel_loop3A_641 = vector.shape_cast %parallel_loop3A_640 : vector<1x16xf32> to vector<16xf32>
      %parallel_loop3A_642 = vector.shape_cast %parallel_loop3A_634 : vector<16xf32> to vector<1x16xf32>
      tpu.vector_store %arg7[%parallel_loop3A_638, %parallel_loop3A_639], %parallel_loop3A_642 {strides = array<i32>} : memref<2x20480xf32, #tpu.memory_space<vmem>>, vector<1x16xf32>,
      %parallel_loop3A_643 = arith.constant 14336 : i32
      %parallel_loop3A_644 = arith.addi %parallel_loop3A_643, %parallel_loop3A_495 : i32
      %parallel_loop3A_645 = arith.constant 0 : i32
      %parallel_loop3A_646 = arith.index_cast %parallel_loop3A_645 : i32 to index
      %parallel_loop3A_647 = arith.index_cast %parallel_loop3A_644 : i32 to index
      %parallel_loop3A_648 = tpu.vector_load %arg6[%parallel_loop3A_646, %parallel_loop3A_647] {strides = array<i32>} : memref<2x20480xf32, #tpu.memory_space<vmem>>, vector<1x16xf32>,
      %parallel_loop3A_649 = vector.shape_cast %parallel_loop3A_648 : vector<1x16xf32> to vector<16xf32>
      %parallel_loop3A_650 = arith.constant 14336 : i32
      %parallel_loop3A_651 = arith.addi %parallel_loop3A_650, %parallel_loop3A_495 : i32
      %parallel_loop3A_652 = arith.index_cast %parallel_loop3A_651 : i32 to index
      %parallel_loop3A_653 = tpu.vector_load %arg5[%parallel_loop3A_652] {strides = array<i32>} : memref<20480xf32, #tpu.memory_space<vmem>>, vector<16xf32>,
      %parallel_loop3A_654 = vector.shape_cast %parallel_loop3A_653 : vector<16xf32> to vector<16xf32>
      %parallel_loop3A_655 = arith.addf %parallel_loop3A_649, %parallel_loop3A_654 : vector<16xf32>
      %parallel_loop3A_656 = arith.constant 14336 : i32
      %parallel_loop3A_657 = arith.addi %parallel_loop3A_656, %parallel_loop3A_495 : i32
      %parallel_loop3A_658 = arith.constant 0 : i32
      %parallel_loop3A_659 = arith.index_cast %parallel_loop3A_658 : i32 to index
      %parallel_loop3A_660 = arith.index_cast %parallel_loop3A_657 : i32 to index
      %parallel_loop3A_661 = tpu.vector_load %arg7[%parallel_loop3A_659, %parallel_loop3A_660] {strides = array<i32>} : memref<2x20480xf32, #tpu.memory_space<vmem>>, vector<1x16xf32>,
      %parallel_loop3A_662 = vector.shape_cast %parallel_loop3A_661 : vector<1x16xf32> to vector<16xf32>
      %parallel_loop3A_663 = vector.shape_cast %parallel_loop3A_655 : vector<16xf32> to vector<1x16xf32>
      tpu.vector_store %arg7[%parallel_loop3A_659, %parallel_loop3A_660], %parallel_loop3A_663 {strides = array<i32>} : memref<2x20480xf32, #tpu.memory_space<vmem>>, vector<1x16xf32>,
      %parallel_loop3A_664 = arith.constant 16384 : i32
      %parallel_loop3A_665 = arith.addi %parallel_loop3A_664, %parallel_loop3A_495 : i32
      %parallel_loop3A_666 = arith.constant 0 : i32
      %parallel_loop3A_667 = arith.index_cast %parallel_loop3A_666 : i32 to index
      %parallel_loop3A_668 = arith.index_cast %parallel_loop3A_665 : i32 to index
      %parallel_loop3A_669 = tpu.vector_load %arg6[%parallel_loop3A_667, %parallel_loop3A_668] {strides = array<i32>} : memref<2x20480xf32, #tpu.memory_space<vmem>>, vector<1x16xf32>,
      %parallel_loop3A_670 = vector.shape_cast %parallel_loop3A_669 : vector<1x16xf32> to vector<16xf32>
      %parallel_loop3A_671 = arith.constant 16384 : i32
      %parallel_loop3A_672 = arith.addi %parallel_loop3A_671, %parallel_loop3A_495 : i32
      %parallel_loop3A_673 = arith.index_cast %parallel_loop3A_672 : i32 to index
      %parallel_loop3A_674 = tpu.vector_load %arg5[%parallel_loop3A_673] {strides = array<i32>} : memref<20480xf32, #tpu.memory_space<vmem>>, vector<16xf32>,
      %parallel_loop3A_675 = vector.shape_cast %parallel_loop3A_674 : vector<16xf32> to vector<16xf32>
      %parallel_loop3A_676 = arith.addf %parallel_loop3A_670, %parallel_loop3A_675 : vector<16xf32>
      %parallel_loop3A_677 = arith.constant 16384 : i32
      %parallel_loop3A_678 = arith.addi %parallel_loop3A_677, %parallel_loop3A_495 : i32
      %parallel_loop3A_679 = arith.constant 0 : i32
      %parallel_loop3A_680 = arith.index_cast %parallel_loop3A_679 : i32 to index
      %parallel_loop3A_681 = arith.index_cast %parallel_loop3A_678 : i32 to index
      %parallel_loop3A_682 = tpu.vector_load %arg7[%parallel_loop3A_680, %parallel_loop3A_681] {strides = array<i32>} : memref<2x20480xf32, #tpu.memory_space<vmem>>, vector<1x16xf32>,
      %parallel_loop3A_683 = vector.shape_cast %parallel_loop3A_682 : vector<1x16xf32> to vector<16xf32>
      %parallel_loop3A_684 = vector.shape_cast %parallel_loop3A_676 : vector<16xf32> to vector<1x16xf32>
      tpu.vector_store %arg7[%parallel_loop3A_680, %parallel_loop3A_681], %parallel_loop3A_684 {strides = array<i32>} : memref<2x20480xf32, #tpu.memory_space<vmem>>, vector<1x16xf32>,
      %parallel_loop3A_685 = arith.constant 18432 : i32
      %parallel_loop3A_686 = arith.addi %parallel_loop3A_685, %parallel_loop3A_495 : i32
      %parallel_loop3A_687 = arith.constant 0 : i32
      %parallel_loop3A_688 = arith.index_cast %parallel_loop3A_687 : i32 to index
      %parallel_loop3A_689 = arith.index_cast %parallel_loop3A_686 : i32 to index
      %parallel_loop3A_690 = tpu.vector_load %arg6[%parallel_loop3A_688, %parallel_loop3A_689] {strides = array<i32>} : memref<2x20480xf32, #tpu.memory_space<vmem>>, vector<1x16xf32>,
      %parallel_loop3A_691 = vector.shape_cast %parallel_loop3A_690 : vector<1x16xf32> to vector<16xf32>
      %parallel_loop3A_692 = arith.constant 18432 : i32
      %parallel_loop3A_693 = arith.addi %parallel_loop3A_692, %parallel_loop3A_495 : i32
      %parallel_loop3A_694 = arith.index_cast %parallel_loop3A_693 : i32 to index
      %parallel_loop3A_695 = tpu.vector_load %arg5[%parallel_loop3A_694] {strides = array<i32>} : memref<20480xf32, #tpu.memory_space<vmem>>, vector<16xf32>,
      %parallel_loop3A_696 = vector.shape_cast %parallel_loop3A_695 : vector<16xf32> to vector<16xf32>
      %parallel_loop3A_697 = arith.addf %parallel_loop3A_691, %parallel_loop3A_696 : vector<16xf32>
      %parallel_loop3A_698 = arith.constant 18432 : i32
      %parallel_loop3A_699 = arith.addi %parallel_loop3A_698, %parallel_loop3A_495 : i32
      %parallel_loop3A_700 = arith.constant 0 : i32
      %parallel_loop3A_701 = arith.index_cast %parallel_loop3A_700 : i32 to index
      %parallel_loop3A_702 = arith.index_cast %parallel_loop3A_699 : i32 to index
      %parallel_loop3A_703 = tpu.vector_load %arg7[%parallel_loop3A_701, %parallel_loop3A_702] {strides = array<i32>} : memref<2x20480xf32, #tpu.memory_space<vmem>>, vector<1x16xf32>,
      %parallel_loop3A_704 = vector.shape_cast %parallel_loop3A_703 : vector<1x16xf32> to vector<16xf32>
      %parallel_loop3A_705 = vector.shape_cast %parallel_loop3A_697 : vector<16xf32> to vector<1x16xf32>
      tpu.vector_store %arg7[%parallel_loop3A_701, %parallel_loop3A_702], %parallel_loop3A_705 {strides = array<i32>} : memref<2x20480xf32, #tpu.memory_space<vmem>>, vector<1x16xf32>,
    } {sc.loop_unroll_factor = 1 : i64, sc.parallel_access}
    %add3A_423 = arith.constant 1024000 : i32
    %add3A_424 = arith.addi %mul3A_2, %add3A_423 : i32
    %dma_start3A_425 = arith.constant 0 : i32
    %dma_start3A_426 = arith.constant 0 : i32
    %dma_start3A_427 = tpu.memref_slice %arg7[%dma_start3A_425, %dma_start3A_426] : memref<2x20480xf32, #tpu.memory_space<vmem>> -> memref<1x20480xf32, #tpu.memory_space<vmem>>
    %dma_start3A_428 = tpu.memref_squeeze %dma_start3A_427 : memref<1x20480xf32, #tpu.memory_space<vmem>> -> memref<20480xf32, #tpu.memory_space<vmem>>
    %dma_start3A_429 = tpu.memref_slice %arg4[%add3A_424] : memref<33554432xf32, #tpu.memory_space<hbm>> -> memref<20480xf32, #tpu.memory_space<hbm>>
    %dma_start3A_430 = tpu.memref_slice %arg4[%add3A_424] : memref<33554432xf32, #tpu.memory_space<hbm>> -> memref<20480xf32, #tpu.memory_space<hbm>>
    %dma_start3A_431 = arith.constant 0 : i32
    %dma_start3A_432 = tpu.memref_slice %arg7[%dma_start3A_425, %dma_start3A_431] : memref<2x20480xf32, #tpu.memory_space<vmem>> -> memref<1x20480xf32, #tpu.memory_space<vmem>>
    %dma_start3A_433 = tpu.memref_squeeze %dma_start3A_432 : memref<1x20480xf32, #tpu.memory_space<vmem>> -> memref<20480xf32, #tpu.memory_space<vmem>>
    tpu.enqueue_dma source(%dma_start3A_433 : memref<20480xf32, #tpu.memory_space<vmem>>) target(%dma_start3A_430 : memref<20480xf32, #tpu.memory_space<hbm>>) target_semaphore(%arg10 : memref<!tpu.dma_semaphore, #tpu.memory_space<semaphore_mem>>)
    %add3A_434 = arith.constant 1044480 : i32
    %add3A_435 = arith.addi %mul3A_2, %add3A_434 : i32
    %dma_wait3A_436 = arith.constant 1 : i32
    %dma_wait3A_437 = arith.constant 0 : i32
    %dma_wait3A_438 = tpu.memref_slice %arg6[%dma_wait3A_436, %dma_wait3A_437] : memref<2x20480xf32, #tpu.memory_space<vmem>> -> memref<1x4096xf32, #tpu.memory_space<vmem>>
    %dma_wait3A_439 = tpu.memref_squeeze %dma_wait3A_438 : memref<1x4096xf32, #tpu.memory_space<vmem>> -> memref<4096xf32, #tpu.memory_space<vmem>>
    %dma_wait3A_440 = tpu.memref_slice %arg2[%add3A_435] : memref<33554432xf32, #tpu.memory_space<hbm>> -> memref<4096xf32, #tpu.memory_space<hbm>>
    %dma_wait3A_441 = arith.constant 0 : i32
    %dma_wait3A_442 = tpu.memref_slice %arg6[%dma_wait3A_436, %dma_wait3A_441] : memref<2x20480xf32, #tpu.memory_space<vmem>> -> memref<1x4096xf32, #tpu.memory_space<vmem>>
    %dma_wait3A_443 = tpu.memref_squeeze %dma_wait3A_442 : memref<1x4096xf32, #tpu.memory_space<vmem>> -> memref<4096xf32, #tpu.memory_space<vmem>>
    %dma_wait3A_444 = tpu.memref_slice %arg2[%add3A_435] : memref<33554432xf32, #tpu.memory_space<hbm>> -> memref<4096xf32, #tpu.memory_space<hbm>>
    tpu.wait_dma2 semaphore(%arg9 : memref<!tpu.dma_semaphore, #tpu.memory_space<semaphore_mem>>) src(%dma_wait3A_444 : memref<4096xf32, #tpu.memory_space<hbm>>) dst(%dma_wait3A_443 : memref<4096xf32, #tpu.memory_space<vmem>>)
    %add3A_445 = arith.constant 1003520 : i32
    %add3A_446 = arith.addi %mul3A_2, %add3A_445 : i32
    %dma_wait3A_447 = arith.constant 1 : i32
    %dma_wait3A_448 = arith.constant 0 : i32
    %dma_wait3A_449 = tpu.memref_slice %arg7[%dma_wait3A_447, %dma_wait3A_448] : memref<2x20480xf32, #tpu.memory_space<vmem>> -> memref<1x20480xf32, #tpu.memory_space<vmem>>
    %dma_wait3A_450 = tpu.memref_squeeze %dma_wait3A_449 : memref<1x20480xf32, #tpu.memory_space<vmem>> -> memref<20480xf32, #tpu.memory_space<vmem>>
    %dma_wait3A_451 = tpu.memref_slice %arg4[%add3A_446] : memref<33554432xf32, #tpu.memory_space<hbm>> -> memref<20480xf32, #tpu.memory_space<hbm>>
    %dma_wait3A_452 = tpu.memref_slice %arg4[%add3A_446] : memref<33554432xf32, #tpu.memory_space<hbm>> -> memref<20480xf32, #tpu.memory_space<hbm>>
    %dma_wait3A_453 = arith.constant 0 : i32
    %dma_wait3A_454 = tpu.memref_slice %arg7[%dma_wait3A_447, %dma_wait3A_453] : memref<2x20480xf32, #tpu.memory_space<vmem>> -> memref<1x20480xf32, #tpu.memory_space<vmem>>
    %dma_wait3A_455 = tpu.memref_squeeze %dma_wait3A_454 : memref<1x20480xf32, #tpu.memory_space<vmem>> -> memref<20480xf32, #tpu.memory_space<vmem>>
    tpu.wait_dma2 semaphore(%arg11 : memref<!tpu.dma_semaphore, #tpu.memory_space<semaphore_mem>>) src(%dma_wait3A_455 : memref<20480xf32, #tpu.memory_space<vmem>>) dst(%dma_wait3A_452 : memref<20480xf32, #tpu.memory_space<hbm>>)
    %parallel_loop3A_456 = arith.constant 0 : i32
    %parallel_loop3A_457 = arith.constant 128 : i32
    %parallel_loop3A_458 = arith.constant 1 : i32
    scf.for %parallel_loop3A_492 = %parallel_loop3A_456 to %parallel_loop3A_457 step %parallel_loop3A_458  : i32 {
      %parallel_loop3A_493 = arith.constant 16 : i32
      %parallel_loop3A_494 = arith.muli %parallel_loop3A_492, %parallel_loop3A_493 : i32
      %parallel_loop3A_495 = tpu.assume_multiple %parallel_loop3A_494, 16 : i32
      %parallel_loop3A_496 = arith.constant 0 : i32
      %parallel_loop3A_497 = arith.addi %parallel_loop3A_496, %parallel_loop3A_495 : i32
      %parallel_loop3A_498 = arith.constant 1 : i32
      %parallel_loop3A_499 = arith.index_cast %parallel_loop3A_498 : i32 to index
      %parallel_loop3A_500 = arith.index_cast %parallel_loop3A_497 : i32 to index
      %parallel_loop3A_501 = tpu.vector_load %arg6[%parallel_loop3A_499, %parallel_loop3A_500] {strides = array<i32>} : memref<2x20480xf32, #tpu.memory_space<vmem>>, vector<1x16xf32>,
      %parallel_loop3A_502 = vector.shape_cast %parallel_loop3A_501 : vector<1x16xf32> to vector<16xf32>
      %parallel_loop3A_503 = arith.constant 0 : i32
      %parallel_loop3A_504 = arith.addi %parallel_loop3A_503, %parallel_loop3A_495 : i32
      %parallel_loop3A_505 = arith.index_cast %parallel_loop3A_504 : i32 to index
      %parallel_loop3A_506 = tpu.vector_load %arg5[%parallel_loop3A_505] {strides = array<i32>} : memref<20480xf32, #tpu.memory_space<vmem>>, vector<16xf32>,
      %parallel_loop3A_507 = vector.shape_cast %parallel_loop3A_506 : vector<16xf32> to vector<16xf32>
      %parallel_loop3A_508 = arith.addf %parallel_loop3A_502, %parallel_loop3A_507 : vector<16xf32>
      %parallel_loop3A_509 = arith.constant 0 : i32
      %parallel_loop3A_510 = arith.addi %parallel_loop3A_509, %parallel_loop3A_495 : i32
      %parallel_loop3A_511 = arith.constant 1 : i32
      %parallel_loop3A_512 = arith.index_cast %parallel_loop3A_511 : i32 to index
      %parallel_loop3A_513 = arith.index_cast %parallel_loop3A_510 : i32 to index
      %parallel_loop3A_514 = tpu.vector_load %arg7[%parallel_loop3A_512, %parallel_loop3A_513] {strides = array<i32>} : memref<2x20480xf32, #tpu.memory_space<vmem>>, vector<1x16xf32>,
      %parallel_loop3A_515 = vector.shape_cast %parallel_loop3A_514 : vector<1x16xf32> to vector<16xf32>
      %parallel_loop3A_516 = vector.shape_cast %parallel_loop3A_508 : vector<16xf32> to vector<1x16xf32>
      tpu.vector_store %arg7[%parallel_loop3A_512, %parallel_loop3A_513], %parallel_loop3A_516 {strides = array<i32>} : memref<2x20480xf32, #tpu.memory_space<vmem>>, vector<1x16xf32>,
      %parallel_loop3A_517 = arith.constant 2048 : i32
      %parallel_loop3A_518 = arith.addi %parallel_loop3A_517, %parallel_loop3A_495 : i32
      %parallel_loop3A_519 = arith.constant 1 : i32
      %parallel_loop3A_520 = arith.index_cast %parallel_loop3A_519 : i32 to index
      %parallel_loop3A_521 = arith.index_cast %parallel_loop3A_518 : i32 to index
      %parallel_loop3A_522 = tpu.vector_load %arg6[%parallel_loop3A_520, %parallel_loop3A_521] {strides = array<i32>} : memref<2x20480xf32, #tpu.memory_space<vmem>>, vector<1x16xf32>,
      %parallel_loop3A_523 = vector.shape_cast %parallel_loop3A_522 : vector<1x16xf32> to vector<16xf32>
      %parallel_loop3A_524 = arith.constant 2048 : i32
      %parallel_loop3A_525 = arith.addi %parallel_loop3A_524, %parallel_loop3A_495 : i32
      %parallel_loop3A_526 = arith.index_cast %parallel_loop3A_525 : i32 to index
      %parallel_loop3A_527 = tpu.vector_load %arg5[%parallel_loop3A_526] {strides = array<i32>} : memref<20480xf32, #tpu.memory_space<vmem>>, vector<16xf32>,
      %parallel_loop3A_528 = vector.shape_cast %parallel_loop3A_527 : vector<16xf32> to vector<16xf32>
      %parallel_loop3A_529 = arith.addf %parallel_loop3A_523, %parallel_loop3A_528 : vector<16xf32>
      %parallel_loop3A_530 = arith.constant 2048 : i32
      %parallel_loop3A_531 = arith.addi %parallel_loop3A_530, %parallel_loop3A_495 : i32
      %parallel_loop3A_532 = arith.constant 1 : i32
      %parallel_loop3A_533 = arith.index_cast %parallel_loop3A_532 : i32 to index
      %parallel_loop3A_534 = arith.index_cast %parallel_loop3A_531 : i32 to index
      %parallel_loop3A_535 = tpu.vector_load %arg7[%parallel_loop3A_533, %parallel_loop3A_534] {strides = array<i32>} : memref<2x20480xf32, #tpu.memory_space<vmem>>, vector<1x16xf32>,
      %parallel_loop3A_536 = vector.shape_cast %parallel_loop3A_535 : vector<1x16xf32> to vector<16xf32>
      %parallel_loop3A_537 = vector.shape_cast %parallel_loop3A_529 : vector<16xf32> to vector<1x16xf32>
      tpu.vector_store %arg7[%parallel_loop3A_533, %parallel_loop3A_534], %parallel_loop3A_537 {strides = array<i32>} : memref<2x20480xf32, #tpu.memory_space<vmem>>, vector<1x16xf32>,
    } {sc.loop_unroll_factor = 1 : i64, sc.parallel_access}
    %add3A_459 = arith.constant 1044480 : i32
    %add3A_460 = arith.addi %mul3A_2, %add3A_459 : i32
    %dma_start3A_461 = arith.constant 1 : i32
    %dma_start3A_462 = arith.constant 0 : i32
    %dma_start3A_463 = tpu.memref_slice %arg7[%dma_start3A_461, %dma_start3A_462] : memref<2x20480xf32, #tpu.memory_space<vmem>> -> memref<1x4096xf32, #tpu.memory_space<vmem>>
    %dma_start3A_464 = tpu.memref_squeeze %dma_start3A_463 : memref<1x4096xf32, #tpu.memory_space<vmem>> -> memref<4096xf32, #tpu.memory_space<vmem>>
    %dma_start3A_465 = tpu.memref_slice %arg4[%add3A_460] : memref<33554432xf32, #tpu.memory_space<hbm>> -> memref<4096xf32, #tpu.memory_space<hbm>>
    %dma_start3A_466 = tpu.memref_slice %arg4[%add3A_460] : memref<33554432xf32, #tpu.memory_space<hbm>> -> memref<4096xf32, #tpu.memory_space<hbm>>
    %dma_start3A_467 = arith.constant 0 : i32
    %dma_start3A_468 = tpu.memref_slice %arg7[%dma_start3A_461, %dma_start3A_467] : memref<2x20480xf32, #tpu.memory_space<vmem>> -> memref<1x4096xf32, #tpu.memory_space<vmem>>
    %dma_start3A_469 = tpu.memref_squeeze %dma_start3A_468 : memref<1x4096xf32, #tpu.memory_space<vmem>> -> memref<4096xf32, #tpu.memory_space<vmem>>
    tpu.enqueue_dma source(%dma_start3A_469 : memref<4096xf32, #tpu.memory_space<vmem>>) target(%dma_start3A_466 : memref<4096xf32, #tpu.memory_space<hbm>>) target_semaphore(%arg11 : memref<!tpu.dma_semaphore, #tpu.memory_space<semaphore_mem>>)
    %add3A_470 = arith.constant 1024000 : i32
    %add3A_471 = arith.addi %mul3A_2, %add3A_470 : i32
    %dma_wait3A_472 = arith.constant 0 : i32
    %dma_wait3A_473 = arith.constant 0 : i32
    %dma_wait3A_474 = tpu.memref_slice %arg7[%dma_wait3A_472, %dma_wait3A_473] : memref<2x20480xf32, #tpu.memory_space<vmem>> -> memref<1x20480xf32, #tpu.memory_space<vmem>>
    %dma_wait3A_475 = tpu.memref_squeeze %dma_wait3A_474 : memref<1x20480xf32, #tpu.memory_space<vmem>> -> memref<20480xf32, #tpu.memory_space<vmem>>
    %dma_wait3A_476 = tpu.memref_slice %arg4[%add3A_471] : memref<33554432xf32, #tpu.memory_space<hbm>> -> memref<20480xf32, #tpu.memory_space<hbm>>
    %dma_wait3A_477 = tpu.memref_slice %arg4[%add3A_471] : memref<33554432xf32, #tpu.memory_space<hbm>> -> memref<20480xf32, #tpu.memory_space<hbm>>
    %dma_wait3A_478 = arith.constant 0 : i32
    %dma_wait3A_479 = tpu.memref_slice %arg7[%dma_wait3A_472, %dma_wait3A_478] : memref<2x20480xf32, #tpu.memory_space<vmem>> -> memref<1x20480xf32, #tpu.memory_space<vmem>>
    %dma_wait3A_480 = tpu.memref_squeeze %dma_wait3A_479 : memref<1x20480xf32, #tpu.memory_space<vmem>> -> memref<20480xf32, #tpu.memory_space<vmem>>
    tpu.wait_dma2 semaphore(%arg10 : memref<!tpu.dma_semaphore, #tpu.memory_space<semaphore_mem>>) src(%dma_wait3A_480 : memref<20480xf32, #tpu.memory_space<vmem>>) dst(%dma_wait3A_477 : memref<20480xf32, #tpu.memory_space<hbm>>)
    %add3A_481 = arith.constant 1044480 : i32
    %add3A_482 = arith.addi %mul3A_2, %add3A_481 : i32
    %dma_wait3A_483 = arith.constant 1 : i32
    %dma_wait3A_484 = arith.constant 0 : i32
    %dma_wait3A_485 = tpu.memref_slice %arg7[%dma_wait3A_483, %dma_wait3A_484] : memref<2x20480xf32, #tpu.memory_space<vmem>> -> memref<1x4096xf32, #tpu.memory_space<vmem>>
    %dma_wait3A_486 = tpu.memref_squeeze %dma_wait3A_485 : memref<1x4096xf32, #tpu.memory_space<vmem>> -> memref<4096xf32, #tpu.memory_space<vmem>>
    %dma_wait3A_487 = tpu.memref_slice %arg4[%add3A_482] : memref<33554432xf32, #tpu.memory_space<hbm>> -> memref<4096xf32, #tpu.memory_space<hbm>>
    %dma_wait3A_488 = tpu.memref_slice %arg4[%add3A_482] : memref<33554432xf32, #tpu.memory_space<hbm>> -> memref<4096xf32, #tpu.memory_space<hbm>>
    %dma_wait3A_489 = arith.constant 0 : i32
    %dma_wait3A_490 = tpu.memref_slice %arg7[%dma_wait3A_483, %dma_wait3A_489] : memref<2x20480xf32, #tpu.memory_space<vmem>> -> memref<1x4096xf32, #tpu.memory_space<vmem>>
    %dma_wait3A_491 = tpu.memref_squeeze %dma_wait3A_490 : memref<1x4096xf32, #tpu.memory_space<vmem>> -> memref<4096xf32, #tpu.memory_space<vmem>>
    tpu.wait_dma2 semaphore(%arg11 : memref<!tpu.dma_semaphore, #tpu.memory_space<semaphore_mem>>) src(%dma_wait3A_491 : memref<4096xf32, #tpu.memory_space<vmem>>) dst(%dma_wait3A_488 : memref<4096xf32, #tpu.memory_space<hbm>>)
    return
  }
}

</mosaic_0001>

<sc_bundles>
// kernel: kernel.3.cloned.1.call-start
scs
__scs_entry_jumppad:
0x0: {  	(pc) =	sbr.rel $0x88, $3  }
0x1: {  	(tag) =	ssettag $0x0;
	lr =	simm.s32 $0x1  }
0x2: {  	[smem:$0x3F9F] =	sst lr;
	_ =	strace $0xD0000000  }
0x3: {  	_ = 	snop  }
0x4: {  	_ = 	snop  }
0x5: {  	_ = 	snop  }
0x6: {  	_ = 	snop  }
0x7: {  	_ = 	snop  }
__scs_overlays_trampoline_lowered:
0x8: {  	[smem:$0x3FAE] =	sst s0  }
0x9: {  	[smem:$0x3FAF] =	sst s1  }
0xa: {  	[smem:$0x3FB0] =	sst s2  }
0xb: {  	[smem:$0x3FB1] =	sst s3  }
0xc: {  	[smem:$0x3FB2] =	sst s4  }
0xd: {  	[smem:$0x3FB3] =	sst s5  }
0xe: {  	[smem:$0x3FB4] =	sst s6  }
0xf: {  	[smem:$0x3FB5] =	sst s7  }
0x10: {  	[smem:$0x3FB6] =	sst s8  }
0x11: {  	[smem:$0x3FB7] =	sst s9;
	s0 =	simm.s32 @!p0 $0x0  }
0x12: {  	s1 =	sld [smem:$0x3F9D];
	s0 =	simm.s32 @p0 $0x1  }
0x13: {  	[smem:$0x3FB8] =	sst s0;
	s0 =	simm.s32 @!p1 $0x0  }
0x14: {  	s2 =	sld [smem:$0x3F9C];
	s0 =	simm.s32 @p1 $0x1  }
0x15: {  	[smem:$0x3FB9] =	sst s0;
	s0 =	simm.s32 @!p2 $0x0  }
0x16: {  	s3 =	sld [smem:$0x3FDB];
	s0 =	simm.s32 @p2 $0x1  }
0x17: {  	s4 =	simm.s32 $0x1BF5;
	[smem:$0x3FBB] =	sst s0  }
0x18: {  	s0 =	sld [smem:$0x3F9E];
	_ =	swait.ge [sflag:s4], $0x0  }
0x19: {  	s7 =	sld [smem:$0x3F9F]  }
0x1a: {  	s8 =	sadd.s32 $0xFFFFE003, lr  }
0x1b: {  	s9 =	sadd.s32 $0xFFFFFEF7, lr;
	s5 =	simm.s32 $0xFFFFFFFF;
	p2 =	slt.u32 s8, $0xFFFFF086  }
0x1c: {  	p1 =	slt.u32 s9, $0xF7A;
	s5 =	simm.s32 @!p2 $0x0  }
0x1d: {  	s5 =	simm.s32 @p1 $0x1;
	p0 =	seq.s32 s7, s2  }
0x1e: {  	s7 =	smul.u32 @!p0 $0xF7A, s2;
	p2 =	seq.s32 @!p0 s5, $0x0  }
0x1f: {  	s9 =	smul.u32 $0xF7A, s1;
	s8 =	simm.s32 @!p0 $0x1BF5;
	p2 =	por !p2, p0  }
0x20: {  	[sflag:s8] =	ssyncset.s32 @!p0 $0xFFFFF086;
	s6 =	sadd.s32 @!p0 s3, s7;
	s7 =	simm.s32 @!p0 $0x108  }
0x21: {  	s3 =	sadd.s32 s3, s9;
	s6 =	sadd.s32 @!p0 $0x88, s6;
	s7 =	simm.s32 @p2 $0x1082  }
0x22: {  	[simem:s7], [sflag:s8] =	dma.local @!p0 [hbm:s6], $0xF7A  }
0x23: {  	s9 =	sor.u32 $0xD0000000, s2;
	s6 =	simm.s32 $0x108;
	_ =	swait.ge @!p0 [sflag:s8], $0x0  }
0x24: {  	s3 =	sadd.s32 $0x88, s3;
	s6 =	simm.s32 @!p1 $0x1082;
	[sflag:s4] =	ssyncset.s32 $0xFFFFF086  }
0x25: {  	[simem:s6], [sflag:s4] =	dma.local [hbm:s3], $0xF7A  }
0x26: {  	[smem:$0x3F9F] =	sst s1;
	(tag) =	ssettag s2;
	_ =	strace s9  }
0x27: {  	s1 =	sld [smem:$0x3FAF]  }
0x28: {  	s2 =	sld [smem:$0x3FB0]  }
0x29: {  	s4 =	sld [smem:$0x3FB2]  }
0x2a: {  	p0 =	seq.s32 s5, $0x0;
	s5 =	sld [smem:$0x3FB3]  }
0x2b: {  	s6 =	sld [smem:$0x3FB4]  }
0x2c: {  	s7 =	sld [smem:$0x3FB5]  }
0x2d: {  	s3 =	simm.s32 $0x108;
	s8 =	sld [smem:$0x3FB6]  }
0x2e: {  	s3 =	simm.s32 @!p0 $0x1082;
	s9 =	sld [smem:$0x3FB7]  }
0x2f: {  	lr =	sadd.s32 s0, s3;
	s0 =	sld [smem:$0x3FAE]  }
0x30: {  	s3 =	sld [smem:$0x3FB1]  }
0x31: {  	[smem:$0x3FBA] =	sst s10  }
0x32: {  	s10 =	sld [smem:$0x3FB8];
	_ =	sdelay $0x3  }
0x33: {  	p0 =	seq.s32 s10, $0x1;
	s10 =	sld [smem:$0x3FBA];
	_ =	sdelay $0x3  }
0x34: {  	[smem:$0x3FBA] =	sst s10  }
0x35: {  	s10 =	sld [smem:$0x3FB9];
	_ =	sdelay $0x3  }
0x36: {  	p1 =	seq.s32 s10, $0x1;
	s10 =	sld [smem:$0x3FBA];
	_ =	sdelay $0x3  }
0x37: {  	[smem:$0x3FBA] =	sst s10  }
0x38: {  	s10 =	sld [smem:$0x3FBB]  }
0x39: {  	_ = 	snop;
	(pc) =	sbr.ind lr, $3  }
0x3a: {  	_ = 	snop  }
0x3b: {  	_ = 	snop  }
0x3c: {  	p2 =	seq.s32 s10, $0x1;
	s10 =	sld [smem:$0x3FBA]  }
0x3d: {  	_ =	shalt  }
0x3e: {  	_ =	shalt  }
0x3f: {  	_ =	shalt  }
0x40: {  	_ =	shalt  }
0x41: {  	_ =	shalt  }
0x42: {  	_ =	shalt  }
0x43: {  	_ =	shalt  }
0x44: {  	_ =	shalt  }
0x45: {  	_ =	shalt  }
0x46: {  	_ =	shalt  }
0x47: {  	_ =	shalt  }
0x48: {  	_ =	shalt  }
0x49: {  	_ =	shalt  }
0x4a: {  	_ =	shalt  }
0x4b: {  	_ =	shalt  }
0x4c: {  	_ =	shalt  }
0x4d: {  	_ =	shalt  }
0x4e: {  	_ =	shalt  }
0x4f: {  	_ =	shalt  }
0x50: {  	_ =	shalt  }
0x51: {  	_ =	shalt  }
0x52: {  	_ =	shalt  }
0x53: {  	_ =	shalt  }
0x54: {  	_ =	shalt  }
0x55: {  	_ =	shalt  }
0x56: {  	_ =	shalt  }
0x57: {  	_ =	shalt  }
0x58: {  	_ =	shalt  }
0x59: {  	_ =	shalt  }
0x5a: {  	_ =	shalt  }
0x5b: {  	_ =	shalt  }
0x5c: {  	_ =	shalt  }
0x5d: {  	_ =	shalt  }
0x5e: {  	_ =	shalt  }
0x5f: {  	_ =	shalt  }
0x60: {  	_ =	shalt  }
0x61: {  	_ =	shalt  }
0x62: {  	_ =	shalt  }
0x63: {  	_ =	shalt  }
0x64: {  	_ =	shalt  }
0x65: {  	_ =	shalt  }
0x66: {  	_ =	shalt  }
0x67: {  	_ =	shalt  }
0x68: {  	_ =	shalt  }
0x69: {  	_ =	shalt  }
0x6a: {  	_ =	shalt  }
0x6b: {  	_ =	shalt  }
0x6c: {  	_ =	shalt  }
0x6d: {  	_ =	shalt  }
0x6e: {  	_ =	shalt  }
0x6f: {  	_ =	shalt  }
0x70: {  	_ =	shalt  }
0x71: {  	_ =	shalt  }
0x72: {  	_ =	shalt  }
0x73: {  	_ =	shalt  }
0x74: {  	_ =	shalt  }
0x75: {  	_ =	shalt  }
0x76: {  	_ =	shalt  }
0x77: {  	_ =	shalt  }
0x78: {  	_ =	shalt  }
0x79: {  	_ =	shalt  }
0x7a: {  	_ =	shalt  }
0x7b: {  	_ =	shalt  }
0x7c: {  	_ =	shalt  }
0x7d: {  	_ =	shalt  }
0x7e: {  	_ =	shalt  }
0x7f: {  	_ =	shalt  }
0x80: {  	_ =	shalt  }
0x81: {  	_ =	shalt  }
0x82: {  	_ =	shalt  }
0x83: {  	_ =	shalt  }
0x84: {  	_ =	shalt  }
0x85: {  	_ =	shalt  }
0x86: {  	_ =	shalt  }
0x87: {  	_ =	shalt  }
.Lfunc_end0:
.L_simem_size_0:
called_computation.1_lowered:
.L_overlay_start_0:
0x88: {  	s2 =	sld [smem:$0x3FD9]  }
0x89: {  	s3 =	sld [smem:$0x3FFE];
	_ =	sdelay $0x1  }
0x8a: {  	s1 =	srdreg.scid  }
0x8b: {  	s0 =	sand.u32 $0x1, s1  }
0x8c: {  	s17 =	sshll.u32 s0, $0xA;
	s2 =	sadd.s32 s3, s2  }
0x8d: {  	s2 =	sadd.s32 s2, s17  }
0x8e: {  	[smem:$0x3FC6] =	sst s2  }
0x8f: {  	_ = 	snop  }
0x90: {  	s2 =	sld [smem:$0x3FD0];
	(tm) =	ssettm $0x1  }
0x91: {  	s18 =	sld [smem:$0x3FFB];
	_ =	sdelay $0x3  }
0x92: {  	_ =	strace s18  }
0x93: {  	s3 =	sld [smem:$0x3FFC];
	_ =	sdelay $0x3  }
0x94: {  	_ =	strace s3  }
0x95: {  	s3 =	sld [smem:$0x3FFD];
	_ =	sdelay $0x3  }
0x96: {  	_ =	strace s3  }
0x97: {  	_ =	strace $0x8FFFFFFF  }
0x98: {  	s19 =	sld [smem:$0x3FDB];
	_ =	sdelay $0x1  }
0x99: {  	s4 =	simm.s32 $_scs_section_size  }
0x9a: {  	s5 =	simm.s32 $_size__tile_overlayer_lowered;
	s6 =	simm.s32 $_tile_overlayer_lowered  }
0x9b: {  	s22 =	simm.s32 $0x1BFF;
	s21 =	sshll.u32 s6, $0x1;
	s3 =	sadd.s32 s4, s19  }
0x9c: {  	s7 =	simm.s32 $0x0;
	s20 =	sshll.u32 s5, $0x1;
	s5 =	sadd.s32 s21, s3  }
0x9d: {  	[timem:s7], [sflag:s22] =	dma.local [hbm:s5], s20  }
0x9e: {  	_ =	swait.ge [sflag:s22], s20  }
0x9f: {  	s4 =	ssub.s32 $0x0, s20;
	[sflag:s22] =	ssyncset.done $0x0  }
0xa0: {  	[sflag:s22] =	ssyncadd.s32 s4;
	_ =	sdelay $0x1  }
0xa1: {  	s23 =	simm.s32 $0x1B8B  }
0xa2: {  	_ =	swait.ge [sflag:s23], $0x1  }
0xa3: {  	[sflag:s23] =	ssyncset.done $0x0  }
0xa4: {  	s25 =	simm.s32 $0x1B8E;
	s24 =	sld [smem:$0x3FFE];
	[sflag:s23] =	ssyncadd.s32 $0xFFFFFFFF  }
0xa5: {  	s26 =	simm.s32 $execute0_lowered;
	[smem:$0x3FD2] =	sst s25  }
0xa6: {  	s5 =	sshll.u32 s26, $0x1;
	_ =	strace $0x80000049;
	[dreg:$0x1] =	wrdreg $0xFFFFFFFF  }
0xa7: {  	s28 =	simm.s32 $_size_execute0_lowered;
	s3 =	sadd.s32 s3, s5;
	[dreg:$0x0] =	wrdreg $0x0  }
0xa8: {  	s5 =	sshll.u32 s28, $0x1;
	[dreg:$0x2] =	wrdreg s3  }
0xa9: {  	[dreg:$0x3] =	wrdreg s5  }
0xaa: {  	[dreg:$0x4] =	wrdreg $0xC0  }
0xab: {  	_ =	task [dreg:s7], $0x5FFFF  }
0xac: {  	[dreg:$0x1] =	wrdreg $0xFFFFFFFF  }
0xad: {  	[dreg:$0x0] =	wrdreg $0x60  }
0xae: {  	[dreg:$0x2] =	wrdreg s2  }
0xaf: {  	[dreg:$0x3] =	wrdreg s24  }
0xb0: {  	[dreg:$0x4] =	wrdreg $0x9  }
0xb1: {  	_ =	task.clear_ibuf [dreg:s7], $0x5FFFF;
	_ =	strace $0x90000049  }
0xb2: {  	s29 =	simm.s32 $0x9;
	_ =	strace $0x8000004B  }
0xb3: {  	_ =	swait.ge [sflag:s29], $0x1  }
0xb4: {  	[sflag:s29] =	ssyncadd.s32 $0xFFFFFFFF  }
0xb5: {  	_ =	strace $0x9000004B  }
0xb6: {  	_ =	sfence  }
0xb7: {  	s30 =	sld [smem:$0x0];
	_ =	sdelay $0x2  }
0xb8: {  	s31 =	sshll.u32 s1, $0xD;
	s1 =	sshrl.u32 s1, $0x2  }
0xb9: {  	s3 =	sand.u32 $0x4000, s31;
	s1 =	sadd.s32 s1, s30  }
0xba: {  	s0 =	sor.u32 s3, s0;
	s1 =	sshll.u32 s1, $0x11  }
0xbb: {  	s0 =	sor.u32 s1, s0  }
0xbc: {  	s0 =	sadd.s32 $0x8F2B, s0  }
0xbd: {  	[sflag:s0] =	ssyncadd.remote.s32 $0x1  }
0xbe: {  	_ =	sfence.sel $0xFFFF  }
0xbf: {  	[dreg:$0x0] =	wrdreg $0xFFFFFFFF;
	(pc) =	sbr.abs _section_cstart, $3  }
0xc0: {  	[dreg:$0x1] =	wrdreg $0xFFFFFFFF  }
0xc1: {  	_ =	task.clear_ibuf [dreg:s7], $0x2FFFF;
	_ =	strace $0x9FFFFFFF  }
0xc2: {  	(tm) =	ssettm $0x7FFFFFFF  }
0xc3: {  	_ =	shalt  }
tec
execute0_lowered:
.L_overlay_start_1:
0x0: {  	(tag) =	ssettag $0x1  }
0x1: {  	s0 =	srdreg.scid;
	s2 =	stileid.u32  }
0x2: {  	s1 =	sand.u32 $0x1, s0;
	s15 =	sshll.u32 s2, $0x1  }
0x3: {  	s0 =	sor.u32 s1, s15  }
0x4: {  	s10 =	rddreg [dreg:$0x0];
	s16 =	sshll.u32 s0, $0x9  }
0x5: {  	s4 =	rddreg [dreg:$0x1];
	s2 =	sand.u32 $0xE00, s16  }
0x6: {  	s9 =	simm.s32 $0x4;
	s6 =	sadd.s32 $0xA00, s4;
	s3 =	smul.u32 $0x199A, s2  }
0x7: {  	s11 =	sadd.s32 $0x1400, s4;
	s4 =	simm.s32 $0x2;
	s1 =	ssub.s32 $0x2, s1  }
0x8: {  	s17 =	sshrl.u32 s1, $0x1;
	s12 =	sshll.u32 s0, $0x14;
	s3 =	sshrl.u32 s3, $0x10  }
0x9: {  	s0 =	sshll.u32 s0, $0x11;
	s5 =	smul.u32 $0xA, s3;
	s3 =	simm.s32 $0x0  }
0xa: {  	s1 =	ssub.s32 s1, s17;
	s23 =	sor.u32 $0xA00, s0;
	[smem:$0x7FF] =	sst s3  }
0xb: {  	s25 =	smax.u32 s1, $0x1;
	_ =	strace $0x8000004A;
	[dreg:$0x3] =	wrdreg s11  }
0xc: {  	s24 =	sor.u32 $0x1F400, s0;
	s28 =	sor.u32 $0xA000, s12;
	[dreg:$0x13] =	wrdreg s25  }
0xd: {  	s29 =	sor.u32 $0x5000, s12;
	s2 =	ssub.s32 s2, s5;
	[dreg:$0x15] =	wrdreg s28  }
0xe: {  	s31 =	sor.u32 $0xF000, s12;
	[dreg:$0x16] =	wrdreg s29;
	s5 =	sand.u32 $0xFFFE, s2  }
0xf: {  	[dreg:$0x5] =	wrdreg s12;
	p0 =	slt.u32 s2, $0x8;
	s7 =	sshll.u32 s5, $0x8  }
0x10: {  	[dreg:$0x17] =	wrdreg s31;
	s4 =	simm.s32 @!p0 $0xFFFFFFF8;
	s8 =	sadd.s32 s6, s7  }
0x11: {  	p0 =	slt.u32 s2, $0x7;
	s4 =	sadd.s32 s5, s4;
	[dreg:$0x4] =	wrdreg s8  }
0x12: {  	s18 =	sadd.s32 $0x100, s8;
	s8 =	simm.s32 $0x3;
	s4 =	sshll.u32 s4, $0x8  }
0x13: {  	[dreg:$0x6] =	wrdreg s18;
	s8 =	simm.s32 @!p0 $0xFFFFFFF9;
	p0 =	slt.u32 s2, $0x6  }
0x14: {  	s4 =	sadd.s32 s6, s4;
	s8 =	sadd.s32 s5, s8;
	s9 =	simm.s32 @!p0 $0xFFFFFFFA  }
0x15: {  	[dreg:$0x7] =	wrdreg s4;
	s8 =	sshll.u32 s8, $0x8;
	s9 =	sadd.s32 s5, s9  }
0x16: {  	p0 =	slt.u32 s2, $0x5;
	s19 =	sadd.s32 s6, s8;
	s20 =	sshll.u32 s9, $0x8  }
0x17: {  	s8 =	simm.s32 $0x6;
	[dreg:$0x8] =	wrdreg s19;
	s4 =	sadd.s32 s6, s20  }
0x18: {  	s9 =	simm.s32 $0x7;
	[dreg:$0x9] =	wrdreg s4;
	s4 =	simm.s32 $0x5  }
0x19: {  	s19 =	sadd.s32 s11, s0;
	s4 =	simm.s32 @!p0 $0xFFFFFFFB;
	p0 =	slt.u32 s2, $0x4  }
0x1a: {  	[dreg:$0x11] =	wrdreg s19;
	s8 =	simm.s32 @!p0 $0xFFFFFFFC;
	p0 =	slt.u32 s2, $0x3  }
0x1b: {  	s4 =	sadd.s32 s5, s4;
	s8 =	sadd.s32 s5, s8;
	s9 =	simm.s32 @!p0 $0xFFFFFFFD  }
0x1c: {  	s4 =	sshll.u32 s4, $0x8;
	p0 =	seq.s32 s2, $0x0;
	s2 =	sadd.s32 $0xFFFFFE00, s7  }
0x1d: {  	s8 =	sshll.u32 s8, $0x8;
	s5 =	sadd.s32 s5, s9;
	s4 =	sadd.s32 s6, s4  }
0x1e: {  	s2 =	simm.s32 @p0 $0x800;
	s9 =	sadd.s32 $0x1E000, s19;
	[dreg:$0xa] =	wrdreg s4  }
0x1f: {  	s21 =	sadd.s32 s6, s8;
	s22 =	sshll.u32 s5, $0x8;
	s2 =	sadd.s32 s6, s2  }
0x20: {  	s5 =	sadd.s32 s10, s0;
	s0 =	sor.u32 $0x1FE00, s0;
	[dreg:$0xb] =	wrdreg s21  }
0x21: {  	s4 =	sadd.s32 s6, s22;
	[dreg:$0xd] =	wrdreg s2;
	s2 =	sadd.s32 s11, s23  }
0x22: {  	s21 =	sadd.s32 s10, s24;
	s22 =	sadd.s32 s10, s0;
	[dreg:$0xf] =	wrdreg s5  }
0x23: {  	s30 =	sadd.s32 $0x1400, s5;
	[dreg:$0xc] =	wrdreg s4;
	s4 =	sadd.s32 $0xFFFFFF00, s7  }
0x24: {  	s26 =	sadd.s32 $0x1E00, s5;
	[dreg:$0x12] =	wrdreg s2;
	s4 =	simm.s32 @p0 $0x900  }
0x25: {  	[dreg:$0x14] =	wrdreg s26;
	s2 =	simm.s32 $0x0;
	s4 =	sadd.s32 s6, s4  }
0x26: {  	s6 =	sadd.s32 s10, s23;
	s23 =	sadd.s32 s11, s24;
	[dreg:$0xe] =	wrdreg s4  }
0x27: {  	s24 =	sadd.s32 s11, s0;
	s10 =	sadd.s32 $0x1EA00, s19;
	[dreg:$0x10] =	wrdreg s6  }
.LBB2_1:
0x28: {  	[dreg:$0x18] =	wrdreg s2  }
0x29: {  	s0 =	rddreg [dreg:$0x4]  }
0x2a: {  	[tilespmem:s3], [sflag:$0x5] =	stream.linear.gather [hbm4b:s0+s3], $0x800, $0x38;
	[tilespmem:$0x19000] =	vst v63  }
0x2b: {  	s2 =	rddreg [dreg:$0x6];
	s1 =	simm.s32 $0x800  }
0x2c: {  	[tilespmem:s1], [sflag:$0x5] =	stream.linear.gather [hbm4b:s2+s3], $0x800, $0x38;
	[tilespmem:$0x19000] =	vst v63  }
0x2d: {  	s4 =	rddreg [dreg:$0x7];
	s7 =	simm.s32 $0x1000  }
0x2e: {  	[tilespmem:s7], [sflag:$0x5] =	stream.linear.gather [hbm4b:s4+s3], $0x800, $0x38;
	[tilespmem:$0x19000] =	vst v63  }
0x2f: {  	s8 =	rddreg [dreg:$0x8];
	s11 =	simm.s32 $0x1800  }
0x30: {  	[tilespmem:s11], [sflag:$0x5] =	stream.linear.gather [hbm4b:s8+s3], $0x800, $0x38;
	[tilespmem:$0x19000] =	vst v63  }
0x31: {  	s12 =	rddreg [dreg:$0x9];
	s13 =	simm.s32 $0x2000  }
0x32: {  	[tilespmem:s13], [sflag:$0x5] =	stream.linear.gather [hbm4b:s12+s3], $0x800, $0x38;
	[tilespmem:$0x19000] =	vst v63  }
0x33: {  	s14 =	rddreg [dreg:$0xa];
	s15 =	simm.s32 $0x2800  }
0x34: {  	[tilespmem:s15], [sflag:$0x5] =	stream.linear.gather [hbm4b:s14+s3], $0x800, $0x38;
	[tilespmem:$0x19000] =	vst v63  }
0x35: {  	s16 =	rddreg [dreg:$0xb];
	s17 =	simm.s32 $0x3000  }
0x36: {  	[tilespmem:s17], [sflag:$0x5] =	stream.linear.gather [hbm4b:s16+s3], $0x800, $0x38;
	[tilespmem:$0x19000] =	vst v63  }
0x37: {  	s18 =	rddreg [dreg:$0xc];
	s20 =	simm.s32 $0x3800  }
0x38: {  	[tilespmem:s20], [sflag:$0x5] =	stream.linear.gather [hbm4b:s18+s3], $0x800, $0x38;
	[tilespmem:$0x19000] =	vst v63  }
0x39: {  	s25 =	rddreg [dreg:$0xd];
	s26 =	simm.s32 $0x4000  }
0x3a: {  	[tilespmem:s26], [sflag:$0x5] =	stream.linear.gather [hbm4b:s25+s3], $0x800, $0x38;
	[tilespmem:$0x19000] =	vst v63  }
0x3b: {  	s28 =	rddreg [dreg:$0xe];
	s29 =	simm.s32 $0x4800;
	s31 =	simm.s32 $0x5  }
0x3c: {  	[tilespmem:s29], [sflag:$0x5] =	stream.linear.gather [hbm4b:s28+s3], $0x800, $0x38;
	[tilespmem:$0x19000] =	vst v63  }
0x3d: {  	_ =	swait.ge [sflag:s31], $0x800  }
0x3e: {  	[sflag:s31] =	ssyncset.done $0x0  }
0x3f: {  	[sflag:s31] =	ssyncadd.s32 $0xFFFFF800  }
0x40: {  	_ =	swait.ge [sflag:s31], $0x800  }
0x41: {  	[sflag:s31] =	ssyncset.done $0x0  }
0x42: {  	[sflag:s31] =	ssyncadd.s32 $0xFFFFF800  }
0x43: {  	_ =	swait.ge [sflag:s31], $0x800  }
0x44: {  	[sflag:s31] =	ssyncset.done $0x0  }
0x45: {  	[sflag:s31] =	ssyncadd.s32 $0xFFFFF800  }
0x46: {  	_ =	swait.ge [sflag:s31], $0x800  }
0x47: {  	[sflag:s31] =	ssyncset.done $0x0  }
0x48: {  	[sflag:s31] =	ssyncadd.s32 $0xFFFFF800  }
0x49: {  	_ =	swait.ge [sflag:s31], $0x800  }
0x4a: {  	[sflag:s31] =	ssyncset.done $0x0  }
0x4b: {  	[sflag:s31] =	ssyncadd.s32 $0xFFFFF800  }
0x4c: {  	_ =	swait.ge [sflag:s31], $0x800  }
0x4d: {  	[sflag:s31] =	ssyncset.done $0x0  }
0x4e: {  	[sflag:s31] =	ssyncadd.s32 $0xFFFFF800  }
0x4f: {  	_ =	swait.ge [sflag:s31], $0x800  }
0x50: {  	[sflag:s31] =	ssyncset.done $0x0  }
0x51: {  	[sflag:s31] =	ssyncadd.s32 $0xFFFFF800  }
0x52: {  	_ =	swait.ge [sflag:s31], $0x800  }
0x53: {  	[sflag:s31] =	ssyncset.done $0x0  }
0x54: {  	[sflag:s31] =	ssyncadd.s32 $0xFFFFF800  }
0x55: {  	_ =	swait.ge [sflag:s31], $0x800  }
0x56: {  	[sflag:s31] =	ssyncset.done $0x0  }
0x57: {  	[sflag:s31] =	ssyncadd.s32 $0xFFFFF800  }
0x58: {  	_ =	swait.ge [sflag:s31], $0x800  }
0x59: {  	s0 =	simm.s32 $0x5000;
	s1 =	simm.s32 $0x10;
	[sflag:s31] =	ssyncset.done $0x0  }
0x5a: {  	s2 =	simm.s32 $0x5100;
	s4 =	sadd.s32 $0x0, s5;
	[sflag:s31] =	ssyncadd.s32 $0xFFFFF800  }
.LBB2_2:
0x5b: {  	[tilespmem:s0], [sflag:$0x1] =	stream.linear.gather [hbm4b:s4+s3], $0x80, $0x38;
	[tilespmem:$0x19000] =	vst v63  }
0x5c: {  	s4 =	smov.u32 s1;
	s0 =	smov.u32 s2;
	p0 =	sne.s32 s1, $0x9F0  }
.Ltmp0:
0x5d: {  	s1 =	sadd.s32 $0x10, s1;
	(pc) =	sbr.rel @p0 .LBB2_2-.Ltmp0, $2  }
0x5e: {  	_ =	sdelay $0x2  }
0x5f: {  	s2 =	sadd.s32 $0x100, s2;
	s4 =	sadd.s32 s4, s5  }
0x60: {  	[tilespmem:s0], [sflag:$0x1] =	stream.linear.gather [hbm4b:s4+s3], $0x80, $0x38;
	[tilespmem:$0x19000] =	vst v63  }
0x61: {  	s0 =	simm.s32 $0x5080  }
0x62: {  	s1 =	simm.s32 $0x10;
	s4 =	sadd.s32 $0x0, s6;
	s2 =	simm.s32 $0x5180  }
.LBB2_4:
0x63: {  	[tilespmem:s0], [sflag:$0x2] =	stream.linear.gather [hbm4b:s4+s3], $0x80, $0x38;
	[tilespmem:$0x19000] =	vst v63  }
0x64: {  	s4 =	smov.u32 s1;
	s0 =	smov.u32 s2;
	p0 =	sne.s32 s1, $0x9F0  }
.Ltmp1:
0x65: {  	s1 =	sadd.s32 $0x10, s1;
	(pc) =	sbr.rel @p0 .LBB2_4-.Ltmp1, $2  }
0x66: {  	_ =	sdelay $0x2  }
0x67: {  	s2 =	sadd.s32 $0x100, s2;
	s4 =	sadd.s32 s4, s6  }
0x68: {  	[tilespmem:s0], [sflag:$0x2] =	stream.linear.gather [hbm4b:s4+s3], $0x80, $0x38;
	[tilespmem:$0x19000] =	vst v63  }
0x69: {  	s2 =	simm.s32 $0x1  }
0x6a: {  	_ =	swait.ge [sflag:s2], $0x5000  }
0x6b: {  	s11 =	simm.s32 $0x0;
	s1 =	simm.s32 $0x0;
	[sflag:s2] =	ssyncset.done $0x0  }
0x6c: {  	s13 =	sand.u32 $0x70, s1;
	s12 =	sand.u32 $0xF00, s11;
	[sflag:s2] =	ssyncadd.s32 $0xFFFFB000  }
0x6d: {  	s14 =	sor.u32 s13, s12;
	v0 =	vld [tilespmem:s11+$0x0]  }
0x6e: {  	v1 =	vld [tilespmem:s14+$0x5000];
	_ =	sdelay $0x4  }
0x6f: {  	s15 =	simm.s32 $0x1000;
	v0 =	vadd.f32 v0, v1  }
0x70: {  	s16 =	simm.s32 $0x800;
	s1 =	sand.u32 $0x1F00, s15  }
0x71: {  	s18 =	sand.u32 $0xF80, s16;
	s17 =	sor.u32 s13, s1;
	[tilespmem:s14+$0xF000] =	vst v0  }
0x72: {  	s1 =	sor.u32 s13, s18;
	v0 =	vld [tilespmem:s17+$0x5000]  }
0x73: {  	v1 =	vld [tilespmem:s1+$0x0];
	_ =	sdelay $0x4  }
0x74: {  	s20 =	simm.s32 $0x2000;
	v0 =	vadd.f32 v1, v0  }
0x75: {  	s25 =	simm.s32 $0x1000;
	s1 =	sand.u32 $0x2F00, s20  }
0x76: {  	s2 =	sand.u32 $0x1780, s25;
	s26 =	sor.u32 s13, s1;
	[tilespmem:s17+$0xF000] =	vst v0  }
0x77: {  	s1 =	sor.u32 s13, s2;
	v0 =	vld [tilespmem:s26+$0x5000]  }
0x78: {  	v1 =	vld [tilespmem:s1+$0x0];
	_ =	sdelay $0x2  }
0x79: {  	s4 =	simm.s32 $0x10;
	s15 =	simm.s32 $0x20  }
0x7a: {  	s5 =	simm.s32 $0x10;
	s6 =	sand.u32 $0xF00, s15;
	s14 =	sand.u32 $0x70, s4  }
0x7b: {  	s7 =	simm.s32 $0x3000;
	v2 =	vld [tilespmem:s5+$0x0];
	s1 =	sor.u32 s14, s6;
	v0 =	vadd.f32 v1, v0  }
0x7c: {  	s8 =	simm.s32 $0x1800;
	s2 =	sand.u32 $0x3F00, s7;
	v1 =	vld [tilespmem:s1+$0x5000]  }
0x7d: {  	s12 =	sand.u32 $0x1F80, s8;
	s11 =	sor.u32 s13, s2;
	[tilespmem:s26+$0xF000] =	vst v0  }
0x7e: {  	s2 =	sor.u32 s13, s12;
	v0 =	vld [tilespmem:s11+$0x5000]  }
0x7f: {  	v3 =	vld [tilespmem:s2+$0x0];
	_ =	sdelay $0x1  }
0x80: {  	s16 =	simm.s32 $0x1020;
	v1 =	vadd.f32 v2, v1  }
0x81: {  	s17 =	simm.s32 $0x810;
	s2 =	sand.u32 $0x1F00, s16  }
0x82: {  	s20 =	sand.u32 $0xF80, s17;
	s18 =	sor.u32 s14, s2;
	[tilespmem:s1+$0xF000] =	vst v1  }
0x83: {  	s25 =	simm.s32 $0x4000;
	s2 =	sor.u32 s14, s20;
	v1 =	vld [tilespmem:s18+$0x5000];
	v0 =	vadd.f32 v3, v0  }
0x84: {  	s4 =	sand.u32 $0x4F00, s25;
	s26 =	simm.s32 $0x2000;
	v2 =	vld [tilespmem:s2+$0x0]  }
0x85: {  	s5 =	sor.u32 s13, s4;
	s2 =	sand.u32 $0x2780, s26;
	[tilespmem:s11+$0xF000] =	vst v0  }
0x86: {  	s2 =	sor.u32 s13, s2;
	v0 =	vld [tilespmem:s5+$0x5000]  }
0x87: {  	v3 =	vld [tilespmem:s2+$0x0];
	_ =	sdelay $0x1  }
0x88: {  	s6 =	simm.s32 $0x2020;
	v1 =	vadd.f32 v2, v1  }
0x89: {  	s7 =	simm.s32 $0x1010;
	s2 =	sand.u32 $0x2F00, s6  }
0x8a: {  	s11 =	sand.u32 $0x1780, s7;
	s8 =	sor.u32 s14, s2;
	[tilespmem:s18+$0xF000] =	vst v1  }
0x8b: {  	s12 =	simm.s32 $0x5000;
	s2 =	sor.u32 s14, s11;
	v1 =	vld [tilespmem:s8+$0x5000];
	v0 =	vadd.f32 v3, v0  }
0x8c: {  	s4 =	sand.u32 $0x5F00, s12;
	s16 =	simm.s32 $0x2800;
	v2 =	vld [tilespmem:s2+$0x0]  }
0x8d: {  	s17 =	sor.u32 s13, s4;
	s2 =	sand.u32 $0x2F80, s16;
	[tilespmem:s5+$0xF000] =	vst v0  }
0x8e: {  	s2 =	sor.u32 s13, s2;
	v0 =	vld [tilespmem:s17+$0x5000]  }
0x8f: {  	s18 =	simm.s32 $0x20;
	s16 =	simm.s32 $0x40;
	v3 =	vld [tilespmem:s2+$0x0]  }
0x90: {  	s20 =	simm.s32 $0x20;
	s25 =	sand.u32 $0xF00, s16;
	s5 =	sand.u32 $0x70, s18  }
0x91: {  	v4 =	vld [tilespmem:s20+$0x0];
	s11 =	simm.s32 $0x3020;
	s26 =	sor.u32 s5, s25;
	v1 =	vadd.f32 v2, v1  }
0x92: {  	s6 =	simm.s32 $0x1810;
	s4 =	sand.u32 $0x3F00, s11;
	v2 =	vld [tilespmem:s26+$0x5000]  }
0x93: {  	s6 =	sand.u32 $0x1F80, s6;
	s12 =	sor.u32 s14, s4;
	[tilespmem:s8+$0xF000] =	vst v1  }
0x94: {  	s7 =	simm.s32 $0x6000;
	s4 =	sor.u32 s14, s6;
	v1 =	vld [tilespmem:s12+$0x5000];
	v0 =	vadd.f32 v3, v0  }
0x95: {  	s6 =	sand.u32 $0x6F00, s7;
	s8 =	simm.s32 $0x3000;
	v3 =	vld [tilespmem:s4+$0x0]  }
0x96: {  	s11 =	sor.u32 s13, s6;
	s4 =	sand.u32 $0x3780, s8;
	[tilespmem:s17+$0xF000] =	vst v0  }
0x97: {  	s4 =	sor.u32 s13, s4;
	v0 =	vadd.f32 v4, v2;
	s17 =	simm.s32 $0x1040;
	v2 =	vld [tilespmem:s11+$0x5000]  }
0x98: {  	s7 =	simm.s32 $0x820;
	s6 =	sand.u32 $0x1F00, s17;
	v4 =	vld [tilespmem:s4+$0x0]  }
0x99: {  	s20 =	sand.u32 $0xF80, s7;
	[tilespmem:s26+$0xF000] =	vst v0;
	s18 =	sor.u32 s5, s6  }
0x9a: {  	s25 =	simm.s32 $0x4020;
	s4 =	sor.u32 s5, s20;
	v0 =	vld [tilespmem:s18+$0x5000];
	v1 =	vadd.f32 v3, v1  }
0x9b: {  	s26 =	simm.s32 $0x2010;
	s6 =	sand.u32 $0x4F00, s25;
	v3 =	vld [tilespmem:s4+$0x0]  }
0x9c: {  	s1 =	sor.u32 s14, s6;
	s4 =	sand.u32 $0x2780, s26;
	[tilespmem:s12+$0xF000] =	vst v1  }
0x9d: {  	s7 =	simm.s32 $0x7000;
	s4 =	sor.u32 s14, s4;
	v1 =	vld [tilespmem:s1+$0x5000];
	v2 =	vadd.f32 v4, v2  }
0x9e: {  	s8 =	simm.s32 $0x3800;
	s6 =	sand.u32 $0x7F00, s7;
	v4 =	vld [tilespmem:s4+$0x0]  }
0x9f: {  	s17 =	simm.s32 $0x30;
	s0 =	sor.u32 s13, s6;
	s4 =	sand.u32 $0x3F80, s8;
	[tilespmem:s11+$0xF000] =	vst v2  }
0xa0: {  	s25 =	sand.u32 $0x70, s17;
	s4 =	sor.u32 s13, s4;
	v0 =	vadd.f32 v3, v0;
	s11 =	simm.s32 $0x2040;
	v2 =	vld [tilespmem:s0+$0x5000]  }
0xa1: {  	s7 =	simm.s32 $0x30;
	s8 =	simm.s32 $0x1020;
	s6 =	sand.u32 $0x2F00, s11;
	v3 =	vld [tilespmem:s4+$0x0]  }
0xa2: {  	s12 =	simm.s32 $0x60;
	[tilespmem:s18+$0xF000] =	vst v0;
	v0 =	vld [tilespmem:s7+$0x0];
	s4 =	sor.u32 s5, s6;
	s18 =	sand.u32 $0x1780, s8  }
0xa3: {  	s20 =	sand.u32 $0xF00, s12;
	s11 =	simm.s32 $0x5020;
	v5 =	vld [tilespmem:s4+$0x5000];
	s6 =	sor.u32 s5, s18;
	v1 =	vadd.f32 v4, v1  }
0xa4: {  	s26 =	simm.s32 $0x2810;
	s8 =	sor.u32 s25, s20;
	s18 =	sand.u32 $0x5F00, s11;
	v4 =	vld [tilespmem:s6+$0x0]  }
0xa5: {  	s2 =	sand.u32 $0x2F80, s26;
	v6 =	vld [tilespmem:s8+$0x5000];
	s17 =	sor.u32 s14, s18;
	[tilespmem:s1+$0xF000] =	vst v1  }
0xa6: {  	s29 =	simm.s32 $0x4810;
	s2 =	sor.u32 s14, s2;
	v1 =	vld [tilespmem:s17+$0x5000]  }
0xa7: {  	s28 =	simm.s32 $0x1820;
	s31 =	simm.s32 $0x1060;
	s20 =	simm.s32 $0x8000;
	v2 =	vadd.f32 v3, v2;
	v7 =	vld [tilespmem:s2+$0x0]  }
0xa8: {  	s26 =	simm.s32 $0x4000;
	s11 =	sand.u32 $0x8F00, s20;
	s20 =	simm.s32 $0x3040  }
0xa9: {  	s6 =	simm.s32 $0x4820;
	s18 =	sand.u32 $0x4780, s26;
	[tilespmem:s0+$0xF000] =	vst v2;
	s0 =	sor.u32 s13, s11;
	v2 =	vadd.f32 v4, v5  }
0xaa: {  	s26 =	sand.u32 $0x3F00, s20;
	s20 =	simm.s32 $0x3010;
	s11 =	sor.u32 s13, s18;
	v8 =	vld [tilespmem:s0+$0x5000]  }
0xab: {  	s1 =	simm.s32 $0x4800;
	v0 =	vadd.f32 v0, v6;
	v9 =	vld [tilespmem:s11+$0x0];
	s11 =	sor.u32 s5, s26;
	s26 =	sand.u32 $0x1F80, s28;
	[tilespmem:s4+$0xF000] =	vst v2  }
0xac: {  	s18 =	sand.u32 $0x1F00, s31;
	s31 =	simm.s32 $0x6020;
	s28 =	sor.u32 s5, s26;
	v1 =	vadd.f32 v7, v1;
	v3 =	vld [tilespmem:s11+$0x5000]  }
0xad: {  	s2 =	simm.s32 $0x4830;
	[tilespmem:s8+$0xF000] =	vst v0;
	s4 =	sor.u32 s25, s18;
	s18 =	sand.u32 $0x6F00, s31;
	v4 =	vld [tilespmem:s28+$0x0]  }
0xae: {  	s8 =	sand.u32 $0x3780, s20;
	s28 =	simm.s32 $0x830;
	v5 =	vld [tilespmem:s4+$0x5000];
	s26 =	sor.u32 s14, s18;
	[tilespmem:s17+$0xF000] =	vst v1  }
0xaf: {  	s8 =	sor.u32 s14, s8;
	s18 =	simm.s32 $0x9000;
	s20 =	sand.u32 $0xF80, s28;
	v1 =	vld [tilespmem:s26+$0x5000]  }
0xb0: {  	s28 =	simm.s32 $0x80;
	v0 =	vadd.f32 v9, v8;
	s31 =	sor.u32 s25, s20;
	v2 =	vld [tilespmem:s8+$0x0];
	s8 =	sand.u32 $0x9F00, s18  }
.LBB2_6:
0xb1: {  	p0 =	sne.s32 s28, $0xFE0  }
0xb2: {  	v6 =	vld [tilespmem:s31+$0x0];
	[tilespmem:s0+$0xF000] =	vst v0;
	s0 =	sor.u32 s13, s8;
	s1 =	sand.u32 $0x4F80, s1;
	s8 =	sadd.s32 $0x4000, s16  }
0xb3: {  	s17 =	sadd.s32 $0xFFFFD800, s6;
	v0 =	vadd.f32 v4, v3;
	v3 =	vld [tilespmem:s0+$0x5000];
	s13 =	sor.u32 s13, s1;
	s1 =	smov.u32 s29  }
0xb4: {  	s7 =	sadd.s32 $0x10, s7;
	s8 =	sand.u32 $0x4F00, s8;
	s29 =	smov.u32 s6;
	v4 =	vld [tilespmem:s13+$0x0]  }
0xb5: {  	s6 =	smov.u32 s2;
	s8 =	sor.u32 s5, s8;
	[tilespmem:s11+$0xF000] =	vst v0;
	s11 =	sand.u32 $0x2780, s17  }
0xb6: {  	s13 =	smov.u32 s14;
	s17 =	sadd.s32 $0x7000, s15;
	v0 =	vld [tilespmem:s8+$0x5000];
	s11 =	sor.u32 s5, s11;
	v1 =	vadd.f32 v2, v1  }
0xb7: {  	s14 =	smov.u32 s5;
	s17 =	sand.u32 $0x7F00, s17;
	v2 =	vld [tilespmem:s11+$0x0];
	s11 =	sadd.s32 $0xFFFFF000, s1  }
0xb8: {  	s2 =	sadd.s32 $0x10, s2;
	v5 =	vadd.f32 v6, v5;
	s17 =	sor.u32 s13, s17;
	[tilespmem:s26+$0xF000] =	vst v1;
	s5 =	sand.u32 $0x3F80, s11  }
0xb9: {  	s18 =	smov.u32 s15;
	s11 =	sadd.s32 $0x2000, s12;
	v1 =	vld [tilespmem:s17+$0x5000];
	s5 =	sor.u32 s13, s5;
	v3 =	vadd.f32 v4, v3  }
0xba: {  	s26 =	sadd.s32 $0x5000, s16;
	s11 =	sand.u32 $0x2F00, s11;
	[tilespmem:s4+$0xF000] =	vst v5;
	s4 =	sadd.s32 $0xFFFFC800, s6;
	v4 =	vld [tilespmem:s5+$0x0]  }
0xbb: {  	s5 =	sadd.s32 $0xFFFFB800, s2;
	s11 =	sor.u32 s25, s11;
	v5 =	vld [tilespmem:s7+$0x0];
	s4 =	sand.u32 $0x1780, s4;
	[tilespmem:s0+$0xF000] =	vst v3  }
0xbc: {  	s0 =	sand.u32 $0x70, s5;
	s5 =	sand.u32 $0xF00, s28;
	v3 =	vld [tilespmem:s11+$0x5000];
	s4 =	sor.u32 s25, s4;
	v0 =	vadd.f32 v2, v0  }
0xbd: {  	s31 =	sor.u32 s0, s5;
	s5 =	sand.u32 $0x5F00, s26;
	v2 =	vld [tilespmem:s4+$0x0];
	s4 =	sadd.s32 $0xFFFFE000, s29  }
0xbe: {  	v6 =	vld [tilespmem:s31+$0x5000];
	[tilespmem:s8+$0xF000] =	vst v0;
	s8 =	sor.u32 s14, s5;
	s4 =	sand.u32 $0x2F80, s4;
	s5 =	smov.u32 s25  }
0xbf: {  	s26 =	sadd.s32 $0x8000, s15;
	s25 =	smov.u32 s0;
	v0 =	vld [tilespmem:s8+$0x5000];
	s4 =	sor.u32 s14, s4;
	v1 =	vadd.f32 v4, v1  }
0xc0: {  	s15 =	smov.u32 s16;
	s0 =	sand.u32 $0x8F00, s26;
	v4 =	vld [tilespmem:s4+$0x0];
	s4 =	sadd.s32 $0xFFFFF800, s1  }
0xc1: {  	s16 =	smov.u32 s12;
	s0 =	sor.u32 s13, s0;
	[tilespmem:s17+$0xF000] =	vst v1;
	s4 =	sand.u32 $0x4780, s4  }
0xc2: {  	s26 =	sadd.s32 $0xFFFFD000, s6;
	s17 =	sadd.s32 $0x3000, s12;
	v1 =	vadd.f32 v2, v3;
	v2 =	vld [tilespmem:s0+$0x5000];
	s4 =	sor.u32 s13, s4  }
0xc3: {  	s12 =	smov.u32 s28;
	s17 =	sand.u32 $0x3F00, s17;
	v7 =	vld [tilespmem:s4+$0x0];
	s4 =	sadd.s32 $0x1000, s28  }
0xc4: {  	v5 =	vadd.f32 v5, v6;
	[tilespmem:s11+$0xF000] =	vst v1;
	s11 =	sor.u32 s5, s17;
	s17 =	sand.u32 $0x1F80, s26;
	s4 =	sand.u32 $0x1F00, s4  }
.Ltmp2:
0xc5: {  	s26 =	sadd.s32 $0x6000, s15;
	v3 =	vld [tilespmem:s11+$0x5000];
	s17 =	sor.u32 s5, s17;
	v0 =	vadd.f32 v4, v0;
	(pc) =	sbr.rel @p0 .LBB2_6-.Ltmp2, $4  }
0xc6: {  	s4 =	sor.u32 s25, s4;
	s26 =	sand.u32 $0x6F00, s26;
	[tilespmem:s31+$0xF000] =	vst v5;
	v4 =	vld [tilespmem:s17+$0x0];
	s17 =	sadd.s32 $0xFFFFE800, s29  }
0xc7: {  	s31 =	sadd.s32 $0xFFFFC000, s2;
	s26 =	sor.u32 s14, s26;
	v5 =	vld [tilespmem:s4+$0x5000];
	[tilespmem:s8+$0xF000] =	vst v0;
	s8 =	sand.u32 $0x3780, s17  }
0xc8: {  	s18 =	sadd.s32 $0x9000, s18;
	s17 =	sand.u32 $0xF80, s31;
	v1 =	vld [tilespmem:s26+$0x5000];
	s8 =	sor.u32 s14, s8;
	v0 =	vadd.f32 v7, v2  }
0xc9: {  	s28 =	sadd.s32 $0x20, s28;
	s31 =	sor.u32 s25, s17;
	v2 =	vld [tilespmem:s8+$0x0];
	s8 =	sand.u32 $0x9F00, s18  }
0xca: {  	v6 =	vld [tilespmem:s31+$0x0];
	_ =	sdelay $0x4  }
0xcb: {  	s7 =	sadd.s32 $0x2000, s12;
	v5 =	vadd.f32 v6, v5  }
0xcc: {  	s17 =	sadd.s32 $0xFFFFC800, s2;
	s7 =	sand.u32 $0x2F00, s7  }
0xcd: {  	s20 =	sand.u32 $0x1780, s17;
	s18 =	sor.u32 s25, s7;
	[tilespmem:s4+$0xF000] =	vst v5  }
0xce: {  	s7 =	sor.u32 s25, s20;
	v5 =	vld [tilespmem:s18+$0x5000]  }
0xcf: {  	v31 =	vld [tilespmem:s7+$0x0];
	_ =	sdelay $0x4  }
0xd0: {  	s28 =	sadd.s32 $0x3000, s12;
	v5 =	vadd.f32 v31, v5  }
0xd1: {  	s31 =	sadd.s32 $0xFFFFD000, s2;
	s7 =	sand.u32 $0x3F00, s28  }
0xd2: {  	s17 =	sand.u32 $0x1F80, s31;
	s4 =	sor.u32 s25, s7;
	[tilespmem:s18+$0xF000] =	vst v5  }
0xd3: {  	s7 =	sor.u32 s25, s17;
	v5 =	vld [tilespmem:s4+$0x5000]  }
0xd4: {  	v32 =	vld [tilespmem:s7+$0x0];
	_ =	sdelay $0x2  }
0xd5: {  	v3 =	vadd.f32 v4, v3;
	s20 =	sadd.s32 $0x4000, s16  }
0xd6: {  	s17 =	sand.u32 $0x4F00, s20;
	s18 =	sadd.s32 $0xFFFFD800, s6  }
0xd7: {  	[tilespmem:s11+$0xF000] =	vst v3;
	s28 =	sadd.s32 $0x4000, s12;
	s17 =	sor.u32 s5, s17;
	s7 =	sand.u32 $0x2780, s18;
	v33 =	vadd.f32 v32, v5  }
0xd8: {  	s31 =	sadd.s32 $0xFFFFD800, s2;
	s11 =	sand.u32 $0x4F00, s28;
	v35 =	vld [tilespmem:s17+$0x5000];
	s7 =	sor.u32 s5, s7  }
0xd9: {  	v34 =	vld [tilespmem:s7+$0x0];
	s7 =	sand.u32 $0x2780, s31;
	[tilespmem:s4+$0xF000] =	vst v33;
	s4 =	sor.u32 s25, s11  }
0xda: {  	s7 =	sor.u32 s25, s7;
	v3 =	vld [tilespmem:s4+$0x5000]  }
0xdb: {  	v36 =	vld [tilespmem:s7+$0x0];
	_ =	sdelay $0x2  }
0xdc: {  	s18 =	sadd.s32 $0xFFFFE000, s6;
	v4 =	vadd.f32 v34, v35  }
0xdd: {  	s20 =	sadd.s32 $0x5000, s16;
	s7 =	sand.u32 $0x2F80, s18  }
0xde: {  	s28 =	sadd.s32 $0x5000, s12;
	s11 =	sand.u32 $0x5F00, s20;
	[tilespmem:s17+$0xF000] =	vst v4;
	s7 =	sor.u32 s5, s7;
	v3 =	vadd.f32 v36, v3  }
0xdf: {  	s31 =	sadd.s32 $0xFFFFE000, s2;
	s11 =	sor.u32 s5, s11;
	s17 =	sand.u32 $0x5F00, s28;
	v4 =	vld [tilespmem:s7+$0x0]  }
0xe0: {  	v37 =	vld [tilespmem:s11+$0x5000];
	s7 =	sand.u32 $0x2F80, s31;
	[tilespmem:s4+$0xF000] =	vst v3;
	s4 =	sor.u32 s25, s17  }
0xe1: {  	s7 =	sor.u32 s25, s7;
	v3 =	vld [tilespmem:s4+$0x5000]  }
0xe2: {  	v38 =	vld [tilespmem:s7+$0x0];
	_ =	sdelay $0x2  }
0xe3: {  	s18 =	sadd.s32 $0xFFFFE800, s6;
	v4 =	vadd.f32 v4, v37  }
0xe4: {  	s20 =	sadd.s32 $0x6000, s16;
	s7 =	sand.u32 $0x3780, s18  }
0xe5: {  	s28 =	sadd.s32 $0x6000, s12;
	s17 =	sand.u32 $0x6F00, s20;
	[tilespmem:s11+$0xF000] =	vst v4;
	s7 =	sor.u32 s5, s7;
	v3 =	vadd.f32 v38, v3  }
0xe6: {  	s31 =	sadd.s32 $0xFFFFE800, s2;
	s17 =	sor.u32 s5, s17;
	s11 =	sand.u32 $0x6F00, s28;
	v4 =	vld [tilespmem:s7+$0x0]  }
0xe7: {  	v39 =	vld [tilespmem:s17+$0x5000];
	s7 =	sand.u32 $0x3780, s31;
	[tilespmem:s4+$0xF000] =	vst v3;
	s4 =	sor.u32 s25, s11  }
0xe8: {  	s7 =	sor.u32 s25, s7;
	v3 =	vld [tilespmem:s4+$0x5000]  }
0xe9: {  	v40 =	vld [tilespmem:s7+$0x0]  }
0xea: {  	v1 =	vadd.f32 v2, v1;
	s11 =	sadd.s32 $0xFFFFF000, s29  }
0xeb: {  	s18 =	sadd.s32 $0x7000, s15;
	s7 =	sand.u32 $0x3F80, s11  }
0xec: {  	[tilespmem:s26+$0xF000] =	vst v1;
	v41 =	vadd.f32 v4, v39;
	s11 =	sand.u32 $0x7F00, s18;
	s18 =	sadd.s32 $0xFFFFF000, s6;
	s7 =	sor.u32 s14, s7  }
0xed: {  	s20 =	sadd.s32 $0x7000, s16;
	s11 =	sor.u32 s14, s11;
	s18 =	sand.u32 $0x3F80, s18;
	v42 =	vld [tilespmem:s7+$0x0]  }
0xee: {  	s28 =	sadd.s32 $0x7000, s12;
	[tilespmem:s17+$0xF000] =	vst v41;
	v43 =	vld [tilespmem:s11+$0x5000];
	s7 =	sand.u32 $0x7F00, s20;
	s26 =	sor.u32 s5, s18;
	v44 =	vadd.f32 v40, v3  }
0xef: {  	s31 =	sadd.s32 $0xFFFFF000, s2;
	s18 =	sand.u32 $0x7F00, s28;
	s7 =	sor.u32 s5, s7;
	v45 =	vld [tilespmem:s26+$0x0]  }
0xf0: {  	s17 =	sand.u32 $0x3F80, s31;
	v46 =	vld [tilespmem:s7+$0x5000];
	[tilespmem:s4+$0xF000] =	vst v44;
	s4 =	sor.u32 s25, s18  }
0xf1: {  	s17 =	sor.u32 s25, s17;
	v1 =	vld [tilespmem:s4+$0x5000]  }
0xf2: {  	v47 =	vld [tilespmem:s17+$0x0]  }
0xf3: {  	v2 =	vadd.f32 v42, v43;
	s18 =	sadd.s32 $0xFFFFF800, s29  }
0xf4: {  	s20 =	sadd.s32 $0x8000, s15;
	s17 =	sand.u32 $0x4780, s18  }
0xf5: {  	s28 =	sadd.s32 $0xFFFFF800, s6;
	s18 =	sand.u32 $0x8F00, s20;
	[tilespmem:s11+$0xF000] =	vst v2;
	s26 =	sor.u32 s14, s17;
	v48 =	vadd.f32 v45, v46  }
0xf6: {  	s31 =	sadd.s32 $0x8000, s16;
	s18 =	sor.u32 s14, s18;
	s17 =	sand.u32 $0x4780, s28;
	v49 =	vld [tilespmem:s26+$0x0]  }
0xf7: {  	s11 =	sand.u32 $0x8F00, s31;
	v50 =	vld [tilespmem:s18+$0x5000];
	s20 =	sor.u32 s5, s17;
	s26 =	sadd.s32 $0x8000, s12;
	[tilespmem:s7+$0xF000] =	vst v48;
	v1 =	vadd.f32 v47, v1  }
0xf8: {  	s28 =	sadd.s32 $0xFFFFF800, s2;
	s11 =	sor.u32 s5, s11;
	s17 =	sand.u32 $0x8F00, s26;
	v2 =	vld [tilespmem:s20+$0x0]  }
0xf9: {  	s7 =	sand.u32 $0x4780, s28;
	v51 =	vld [tilespmem:s11+$0x5000];
	s31 =	sor.u32 s25, s17;
	[tilespmem:s4+$0xF000] =	vst v1  }
0xfa: {  	s7 =	sor.u32 s25, s7;
	v52 =	vld [tilespmem:s31+$0x5000]  }
0xfb: {  	v53 =	vld [tilespmem:s7+$0x0]  }
0xfc: {  	[tilespmem:s0+$0xF000] =	vst v0;
	s0 =	sor.u32 s13, s8;
	s1 =	sand.u32 $0x4F80, s1;
	s8 =	sadd.s32 $0x9000, s15;
	v54 =	vadd.f32 v49, v50  }
0xfd: {  	v55 =	vld [tilespmem:s0+$0x5000];
	s1 =	sor.u32 s13, s1;
	s7 =	sand.u32 $0x9F00, s8  }
0xfe: {  	v56 =	vld [tilespmem:s1+$0x0];
	s16 =	sadd.s32 $0x9000, s16;
	s15 =	sand.u32 $0x4F80, s29;
	[tilespmem:s18+$0xF000] =	vst v54;
	s13 =	sor.u32 s14, s7;
	v57 =	vadd.f32 v2, v51  }
0xff: {  	s8 =	sand.u32 $0x9F00, s16;
	s7 =	sor.u32 s14, s15;
	v58 =	vld [tilespmem:s13+$0x5000]  }
0x100: {  	s20 =	sadd.s32 $0x9000, s12;
	s17 =	sor.u32 s5, s8;
	s18 =	sand.u32 $0x4F80, s6;
	v59 =	vld [tilespmem:s7+$0x0];
	[tilespmem:s11+$0xF000] =	vst v57;
	v60 =	vadd.f32 v53, v52  }
0x101: {  	s28 =	sand.u32 $0x9F00, s20;
	s26 =	sor.u32 s5, s18;
	v61 =	vld [tilespmem:s17+$0x5000]  }
0x102: {  	s29 =	sor.u32 s25, s28;
	v62 =	vld [tilespmem:s26+$0x0];
	[tilespmem:s31+$0xF000] =	vst v60;
	s31 =	sand.u32 $0x4F80, s2  }
0x103: {  	v0 =	vld [tilespmem:s29+$0x5000];
	s2 =	sor.u32 s25, s31  }
0x104: {  	v7 =	vld [tilespmem:s2+$0x0];
	_ =	sdelay $0x1  }
0x105: {  	v3 =	vadd.f32 v56, v55  }
0x106: {  	v1 =	vadd.f32 v59, v58  }
0x107: {  	[tilespmem:s0+$0xF000] =	vst v3;
	v63 =	vadd.f32 v62, v61  }
0x108: {  	[tilespmem:s13+$0xF000] =	vst v1;
	v0 =	vadd.f32 v7, v0  }
0x109: {  	s1 =	simm.s32 $0x10;
	[tilespmem:s17+$0xF000] =	vst v63  }
0x10a: {  	s0 =	simm.s32 $0xF000;
	s4 =	sadd.s32 $0x0, s19;
	s2 =	simm.s32 $0xF100;
	[tilespmem:s29+$0xF000] =	vst v0  }
.LBB2_8:
0x10b: {  	[hbm4b:s4+s3] =	stream.linear.scatter [tilespmem:s0], [sflag:$0x3], $0x80, $0x38;
	[tilespmem:$0x19000] =	vst v63  }
0x10c: {  	s4 =	smov.u32 s1;
	s0 =	smov.u32 s2;
	p0 =	sne.s32 s1, $0x9F0  }
.Ltmp3:
0x10d: {  	s1 =	sadd.s32 $0x10, s1;
	(pc) =	sbr.rel @p0 .LBB2_8-.Ltmp3, $2  }
0x10e: {  	_ =	sdelay $0x2  }
0x10f: {  	s2 =	sadd.s32 $0x100, s2;
	s4 =	sadd.s32 s4, s19  }
0x110: {  	[hbm4b:s4+s3] =	stream.linear.scatter [tilespmem:s0], [sflag:$0x3], $0x80, $0x38;
	[tilespmem:$0x19000] =	vst v63  }
0x111: {  	s0 =	simm.s32 $0x5000  }
0x112: {  	s1 =	simm.s32 $0x10;
	s4 =	sadd.s32 $0x0, s30;
	s2 =	simm.s32 $0x5100  }
.LBB2_10:
0x113: {  	[tilespmem:s0], [sflag:$0x1] =	stream.linear.gather [hbm4b:s4+s3], $0x80, $0x38;
	[tilespmem:$0x19000] =	vst v63  }
0x114: {  	s4 =	smov.u32 s1;
	s0 =	smov.u32 s2;
	p0 =	sne.s32 s1, $0x9F0  }
.Ltmp4:
0x115: {  	s1 =	sadd.s32 $0x10, s1;
	(pc) =	sbr.rel @p0 .LBB2_10-.Ltmp4, $2  }
0x116: {  	_ =	sdelay $0x2  }
0x117: {  	s2 =	sadd.s32 $0x100, s2;
	s4 =	sadd.s32 s4, s30  }
0x118: {  	[tilespmem:s0], [sflag:$0x1] =	stream.linear.gather [hbm4b:s4+s3], $0x80, $0x38;
	[tilespmem:$0x19000] =	vst v63  }
0x119: {  	s2 =	simm.s32 $0x2  }
0x11a: {  	_ =	swait.ge [sflag:s2], $0x5000  }
0x11b: {  	s12 =	simm.s32 $0x0;
	s1 =	simm.s32 $0x0;
	[sflag:s2] =	ssyncset.done $0x0  }
0x11c: {  	s13 =	sand.u32 $0x70, s1;
	s14 =	sand.u32 $0xF00, s12;
	[sflag:s2] =	ssyncadd.s32 $0xFFFFB000  }
0x11d: {  	s15 =	sor.u32 s14, s13;
	v0 =	vld [tilespmem:s12+$0x0]  }
0x11e: {  	v1 =	vld [tilespmem:s15+$0x5080];
	_ =	sdelay $0x4  }
0x11f: {  	s16 =	simm.s32 $0x1000;
	v0 =	vadd.f32 v0, v1  }
0x120: {  	s17 =	simm.s32 $0x800;
	s1 =	sand.u32 $0x1F00, s16  }
0x121: {  	s19 =	sand.u32 $0xF80, s17;
	s18 =	sor.u32 s1, s13;
	[tilespmem:s15+$0xF080] =	vst v0  }
0x122: {  	s1 =	sor.u32 s13, s19;
	v0 =	vld [tilespmem:s18+$0x5080]  }
0x123: {  	v1 =	vld [tilespmem:s1+$0x0];
	_ =	sdelay $0x4  }
0x124: {  	s20 =	simm.s32 $0x2000;
	v0 =	vadd.f32 v1, v0  }
0x125: {  	s25 =	simm.s32 $0x1000;
	s1 =	sand.u32 $0x2F00, s20  }
0x126: {  	s4 =	sand.u32 $0x1780, s25;
	s26 =	sor.u32 s1, s13;
	[tilespmem:s18+$0xF080] =	vst v0  }
0x127: {  	s1 =	sor.u32 s13, s4;
	v0 =	vld [tilespmem:s26+$0x5080]  }
0x128: {  	v1 =	vld [tilespmem:s1+$0x0];
	_ =	sdelay $0x2  }
0x129: {  	s5 =	simm.s32 $0x10;
	s15 =	simm.s32 $0x20  }
0x12a: {  	s6 =	simm.s32 $0x10;
	s14 =	sand.u32 $0x70, s5;
	s7 =	sand.u32 $0xF00, s15  }
0x12b: {  	s8 =	simm.s32 $0x3000;
	v2 =	vld [tilespmem:s6+$0x0];
	s1 =	sor.u32 s7, s14;
	v0 =	vadd.f32 v1, v0  }
0x12c: {  	s11 =	simm.s32 $0x1800;
	s2 =	sand.u32 $0x3F00, s8;
	v1 =	vld [tilespmem:s1+$0x5080]  }
0x12d: {  	s16 =	sand.u32 $0x1F80, s11;
	s12 =	sor.u32 s2, s13;
	[tilespmem:s26+$0xF080] =	vst v0  }
0x12e: {  	s2 =	sor.u32 s13, s16;
	v0 =	vld [tilespmem:s12+$0x5080]  }
0x12f: {  	v3 =	vld [tilespmem:s2+$0x0];
	_ =	sdelay $0x1  }
0x130: {  	s17 =	simm.s32 $0x1020;
	v1 =	vadd.f32 v2, v1  }
0x131: {  	s18 =	simm.s32 $0x810;
	s2 =	sand.u32 $0x1F00, s17  }
0x132: {  	s20 =	sand.u32 $0xF80, s18;
	s19 =	sor.u32 s2, s14;
	[tilespmem:s1+$0xF080] =	vst v1  }
0x133: {  	s25 =	simm.s32 $0x4000;
	s2 =	sor.u32 s14, s20;
	v1 =	vld [tilespmem:s19+$0x5080];
	v0 =	vadd.f32 v3, v0  }
0x134: {  	s4 =	sand.u32 $0x4F00, s25;
	s26 =	simm.s32 $0x2000;
	v2 =	vld [tilespmem:s2+$0x0]  }
0x135: {  	s5 =	sor.u32 s4, s13;
	s2 =	sand.u32 $0x2780, s26;
	[tilespmem:s12+$0xF080] =	vst v0  }
0x136: {  	s2 =	sor.u32 s13, s2;
	v0 =	vld [tilespmem:s5+$0x5080]  }
0x137: {  	v3 =	vld [tilespmem:s2+$0x0];
	_ =	sdelay $0x1  }
0x138: {  	s6 =	simm.s32 $0x2020;
	v1 =	vadd.f32 v2, v1  }
0x139: {  	s7 =	simm.s32 $0x1010;
	s2 =	sand.u32 $0x2F00, s6  }
0x13a: {  	s8 =	sor.u32 s2, s14;
	[tilespmem:s19+$0xF080] =	vst v1;
	s19 =	sand.u32 $0x1780, s7  }
0x13b: {  	s20 =	simm.s32 $0x5000;
	v1 =	vld [tilespmem:s8+$0x5080];
	s2 =	sor.u32 s14, s19;
	v0 =	vadd.f32 v3, v0  }
0x13c: {  	s25 =	simm.s32 $0x2800;
	s4 =	sand.u32 $0x5F00, s20;
	v2 =	vld [tilespmem:s2+$0x0]  }
0x13d: {  	s26 =	sor.u32 s4, s13;
	s2 =	sand.u32 $0x2F80, s25;
	[tilespmem:s5+$0xF080] =	vst v0  }
0x13e: {  	s2 =	sor.u32 s13, s2;
	v0 =	vld [tilespmem:s26+$0x5080]  }
0x13f: {  	s11 =	simm.s32 $0x20;
	s16 =	simm.s32 $0x40;
	v3 =	vld [tilespmem:s2+$0x0]  }
0x140: {  	s17 =	sand.u32 $0xF00, s16;
	s12 =	simm.s32 $0x20;
	s5 =	sand.u32 $0x70, s11  }
0x141: {  	v4 =	vld [tilespmem:s12+$0x0];
	s19 =	simm.s32 $0x3020;
	s18 =	sor.u32 s17, s5;
	v1 =	vadd.f32 v2, v1  }
0x142: {  	s6 =	simm.s32 $0x1810;
	s4 =	sand.u32 $0x3F00, s19;
	v2 =	vld [tilespmem:s18+$0x5080]  }
0x143: {  	s6 =	sand.u32 $0x1F80, s6;
	s20 =	sor.u32 s4, s14;
	[tilespmem:s8+$0xF080] =	vst v1  }
0x144: {  	s7 =	simm.s32 $0x6000;
	s4 =	sor.u32 s14, s6;
	v0 =	vadd.f32 v3, v0;
	v1 =	vld [tilespmem:s20+$0x5080]  }
0x145: {  	s6 =	sand.u32 $0x6F00, s7;
	s8 =	simm.s32 $0x3000;
	v3 =	vld [tilespmem:s4+$0x0]  }
0x146: {  	s11 =	sor.u32 s6, s13;
	s4 =	sand.u32 $0x3780, s8;
	[tilespmem:s26+$0xF080] =	vst v0  }
0x147: {  	s25 =	simm.s32 $0x1040;
	s4 =	sor.u32 s13, s4;
	v0 =	vadd.f32 v4, v2;
	v2 =	vld [tilespmem:s11+$0x5080]  }
0x148: {  	s7 =	simm.s32 $0x820;
	s6 =	sand.u32 $0x1F00, s25;
	v4 =	vld [tilespmem:s4+$0x0]  }
0x149: {  	s12 =	sand.u32 $0xF80, s7;
	s26 =	sor.u32 s6, s5;
	[tilespmem:s18+$0xF080] =	vst v0  }
0x14a: {  	s17 =	simm.s32 $0x4020;
	s4 =	sor.u32 s5, s12;
	v0 =	vld [tilespmem:s26+$0x5080];
	v1 =	vadd.f32 v3, v1  }
0x14b: {  	s6 =	sand.u32 $0x4F00, s17;
	s18 =	simm.s32 $0x2010;
	v3 =	vld [tilespmem:s4+$0x0]  }
0x14c: {  	s1 =	sor.u32 s6, s14;
	s4 =	sand.u32 $0x2780, s18;
	[tilespmem:s20+$0xF080] =	vst v1  }
0x14d: {  	s19 =	simm.s32 $0x7000;
	s4 =	sor.u32 s14, s4;
	v2 =	vadd.f32 v4, v2;
	v1 =	vld [tilespmem:s1+$0x5080]  }
0x14e: {  	s6 =	sand.u32 $0x7F00, s19;
	s20 =	simm.s32 $0x3800;
	v4 =	vld [tilespmem:s4+$0x0]  }
0x14f: {  	s25 =	simm.s32 $0x2040;
	s0 =	sor.u32 s6, s13;
	s4 =	sand.u32 $0x3F80, s20;
	[tilespmem:s11+$0xF080] =	vst v2  }
0x150: {  	s7 =	simm.s32 $0x30;
	s8 =	simm.s32 $0x1020;
	s4 =	sor.u32 s13, s4;
	v0 =	vadd.f32 v3, v0;
	v2 =	vld [tilespmem:s0+$0x5080]  }
0x151: {  	s17 =	sand.u32 $0x1780, s8;
	s12 =	simm.s32 $0x60;
	s6 =	sand.u32 $0x2F00, s25;
	v3 =	vld [tilespmem:s4+$0x0]  }
0x152: {  	s18 =	sand.u32 $0xF00, s12;
	s4 =	sor.u32 s6, s5;
	[tilespmem:s26+$0xF080] =	vst v0;
	s26 =	simm.s32 $0x30;
	v0 =	vld [tilespmem:s7+$0x0]  }
0x153: {  	s11 =	simm.s32 $0x5020;
	s6 =	sor.u32 s5, s17;
	s25 =	sand.u32 $0x70, s26;
	v5 =	vld [tilespmem:s4+$0x5080];
	v1 =	vadd.f32 v4, v1  }
0x154: {  	s19 =	simm.s32 $0x2810;
	s20 =	sand.u32 $0x5F00, s11;
	v4 =	vld [tilespmem:s6+$0x0];
	s8 =	sor.u32 s18, s25  }
0x155: {  	s2 =	sand.u32 $0x2F80, s19;
	s17 =	sor.u32 s20, s14;
	v6 =	vld [tilespmem:s8+$0x5080];
	[tilespmem:s1+$0xF080] =	vst v1  }
0x156: {  	s29 =	simm.s32 $0x4810;
	s2 =	sor.u32 s14, s2;
	v1 =	vld [tilespmem:s17+$0x5080]  }
0x157: {  	s28 =	simm.s32 $0x1060;
	s20 =	simm.s32 $0x3040;
	s26 =	simm.s32 $0x8000;
	v2 =	vadd.f32 v3, v2;
	v7 =	vld [tilespmem:s2+$0x0]  }
0x158: {  	s6 =	simm.s32 $0x4820;
	s18 =	simm.s32 $0x4000;
	s11 =	sand.u32 $0x8F00, s26  }
0x159: {  	s26 =	simm.s32 $0x1820;
	s19 =	sand.u32 $0x4780, s18;
	[tilespmem:s0+$0xF080] =	vst v2;
	s0 =	sor.u32 s11, s13;
	v2 =	vadd.f32 v4, v5  }
0x15a: {  	s1 =	simm.s32 $0x4800;
	s18 =	sand.u32 $0x3F00, s20;
	s11 =	sor.u32 s13, s19;
	v8 =	vld [tilespmem:s0+$0x5080]  }
0x15b: {  	s20 =	simm.s32 $0x3010;
	v9 =	vld [tilespmem:s11+$0x0];
	s11 =	sor.u32 s18, s5;
	s18 =	sand.u32 $0x1F80, s26;
	v0 =	vadd.f32 v0, v6;
	[tilespmem:s4+$0xF080] =	vst v2  }
0x15c: {  	s19 =	sand.u32 $0x1F00, s28;
	s28 =	simm.s32 $0x6020;
	s26 =	sor.u32 s5, s18;
	v3 =	vld [tilespmem:s11+$0x5080];
	v1 =	vadd.f32 v7, v1  }
0x15d: {  	s2 =	simm.s32 $0x4830;
	s4 =	sor.u32 s19, s25;
	v4 =	vld [tilespmem:s26+$0x0];
	s26 =	sand.u32 $0x6F00, s28;
	[tilespmem:s8+$0xF080] =	vst v0  }
0x15e: {  	s28 =	simm.s32 $0x830;
	s26 =	sor.u32 s26, s14;
	s8 =	sand.u32 $0x3780, s20;
	v5 =	vld [tilespmem:s4+$0x5080];
	[tilespmem:s17+$0xF080] =	vst v1  }
0x15f: {  	s19 =	sand.u32 $0xF80, s28;
	s20 =	simm.s32 $0x9000;
	s8 =	sor.u32 s14, s8;
	v1 =	vld [tilespmem:s26+$0x5080]  }
0x160: {  	s28 =	simm.s32 $0x80;
	v0 =	vadd.f32 v9, v8;
	s31 =	sor.u32 s25, s19;
	v2 =	vld [tilespmem:s8+$0x0];
	s8 =	sand.u32 $0x9F00, s20  }
.LBB2_12:
0x161: {  	p0 =	sne.s32 s28, $0xFE0  }
0x162: {  	v6 =	vld [tilespmem:s31+$0x0];
	[tilespmem:s0+$0xF080] =	vst v0;
	s0 =	sor.u32 s8, s13;
	s1 =	sand.u32 $0x4F80, s1;
	s8 =	sadd.s32 $0x4000, s16  }
0x163: {  	s17 =	sadd.s32 $0xFFFFD800, s6;
	v0 =	vadd.f32 v4, v3;
	v3 =	vld [tilespmem:s0+$0x5080];
	s13 =	sor.u32 s13, s1;
	s1 =	smov.u32 s29  }
0x164: {  	s7 =	sadd.s32 $0x10, s7;
	s8 =	sand.u32 $0x4F00, s8;
	s29 =	smov.u32 s6;
	v4 =	vld [tilespmem:s13+$0x0]  }
0x165: {  	s6 =	smov.u32 s2;
	s8 =	sor.u32 s8, s5;
	[tilespmem:s11+$0xF080] =	vst v0;
	s11 =	sand.u32 $0x2780, s17  }
0x166: {  	s13 =	smov.u32 s14;
	s17 =	sadd.s32 $0x7000, s15;
	v0 =	vld [tilespmem:s8+$0x5080];
	s11 =	sor.u32 s5, s11;
	v1 =	vadd.f32 v2, v1  }
0x167: {  	s14 =	smov.u32 s5;
	s17 =	sand.u32 $0x7F00, s17;
	v2 =	vld [tilespmem:s11+$0x0];
	s11 =	sadd.s32 $0xFFFFF000, s1  }
0x168: {  	s2 =	sadd.s32 $0x10, s2;
	v5 =	vadd.f32 v6, v5;
	s17 =	sor.u32 s17, s13;
	[tilespmem:s26+$0xF080] =	vst v1;
	s5 =	sand.u32 $0x3F80, s11  }
0x169: {  	s18 =	sadd.s32 $0x5000, s16;
	s11 =	sadd.s32 $0x2000, s12;
	v1 =	vld [tilespmem:s17+$0x5080];
	s5 =	sor.u32 s13, s5;
	v3 =	vadd.f32 v4, v3  }
0x16a: {  	s31 =	sadd.s32 $0xFFFFD000, s6;
	s11 =	sand.u32 $0x2F00, s11;
	[tilespmem:s4+$0xF080] =	vst v5;
	s4 =	sadd.s32 $0xFFFFC800, s6;
	v4 =	vld [tilespmem:s5+$0x0]  }
0x16b: {  	s5 =	sadd.s32 $0xFFFFB800, s2;
	s11 =	sor.u32 s11, s25;
	v5 =	vld [tilespmem:s7+$0x0];
	s4 =	sand.u32 $0x1780, s4;
	[tilespmem:s0+$0xF080] =	vst v3  }
0x16c: {  	s0 =	sand.u32 $0x70, s5;
	s5 =	sand.u32 $0xF00, s28;
	v3 =	vld [tilespmem:s11+$0x5080];
	s4 =	sor.u32 s25, s4;
	v0 =	vadd.f32 v2, v0  }
0x16d: {  	s26 =	sor.u32 s5, s0;
	s5 =	sand.u32 $0x5F00, s18;
	v2 =	vld [tilespmem:s4+$0x0];
	s4 =	sadd.s32 $0xFFFFE000, s29  }
0x16e: {  	v6 =	vld [tilespmem:s26+$0x5080];
	[tilespmem:s8+$0xF080] =	vst v0;
	s8 =	sor.u32 s5, s14;
	s4 =	sand.u32 $0x2F80, s4;
	s5 =	smov.u32 s25  }
0x16f: {  	s18 =	sadd.s32 $0x8000, s15;
	s25 =	smov.u32 s0;
	v0 =	vld [tilespmem:s8+$0x5080];
	s4 =	sor.u32 s14, s4;
	v1 =	vadd.f32 v4, v1  }
0x170: {  	s0 =	sand.u32 $0x8F00, s18;
	s18 =	smov.u32 s15;
	v4 =	vld [tilespmem:s4+$0x0];
	s4 =	sadd.s32 $0xFFFFF800, s1  }
0x171: {  	s15 =	smov.u32 s16;
	s0 =	sor.u32 s0, s13;
	[tilespmem:s17+$0xF080] =	vst v1;
	s4 =	sand.u32 $0x4780, s4  }
0x172: {  	s16 =	smov.u32 s12;
	s17 =	sadd.s32 $0x3000, s12;
	v1 =	vadd.f32 v2, v3;
	v2 =	vld [tilespmem:s0+$0x5080];
	s4 =	sor.u32 s13, s4  }
0x173: {  	s12 =	smov.u32 s28;
	s17 =	sand.u32 $0x3F00, s17;
	v7 =	vld [tilespmem:s4+$0x0];
	s4 =	sadd.s32 $0x1000, s28  }
0x174: {  	v5 =	vadd.f32 v5, v6;
	[tilespmem:s11+$0xF080] =	vst v1;
	s11 =	sor.u32 s17, s5;
	s17 =	sand.u32 $0x1F80, s31;
	s4 =	sand.u32 $0x1F00, s4  }
.Ltmp5:
0x175: {  	s31 =	sadd.s32 $0x6000, s15;
	v3 =	vld [tilespmem:s11+$0x5080];
	s17 =	sor.u32 s5, s17;
	v0 =	vadd.f32 v4, v0;
	(pc) =	sbr.rel @p0 .LBB2_12-.Ltmp5, $4  }
0x176: {  	s4 =	sor.u32 s4, s25;
	[tilespmem:s26+$0xF080] =	vst v5;
	v4 =	vld [tilespmem:s17+$0x0];
	s17 =	sadd.s32 $0xFFFFE800, s29;
	s26 =	sand.u32 $0x6F00, s31  }
0x177: {  	s31 =	sadd.s32 $0xFFFFC000, s2;
	v5 =	vld [tilespmem:s4+$0x5080];
	[tilespmem:s8+$0xF080] =	vst v0;
	s26 =	sor.u32 s26, s14;
	s8 =	sand.u32 $0x3780, s17  }
0x178: {  	s18 =	sadd.s32 $0x9000, s18;
	s17 =	sand.u32 $0xF80, s31;
	v1 =	vld [tilespmem:s26+$0x5080];
	s8 =	sor.u32 s14, s8;
	v0 =	vadd.f32 v7, v2  }
0x179: {  	s28 =	sadd.s32 $0x20, s28;
	s31 =	sor.u32 s25, s17;
	v2 =	vld [tilespmem:s8+$0x0];
	s8 =	sand.u32 $0x9F00, s18  }
0x17a: {  	v6 =	vld [tilespmem:s31+$0x0];
	_ =	sdelay $0x4  }
0x17b: {  	s7 =	sadd.s32 $0x2000, s12;
	v5 =	vadd.f32 v6, v5  }
0x17c: {  	s17 =	sadd.s32 $0xFFFFC800, s2;
	s7 =	sand.u32 $0x2F00, s7  }
0x17d: {  	s31 =	sand.u32 $0x1780, s17;
	s28 =	sor.u32 s7, s25;
	[tilespmem:s4+$0xF080] =	vst v5  }
0x17e: {  	s7 =	sor.u32 s25, s31;
	v5 =	vld [tilespmem:s28+$0x5080]  }
0x17f: {  	v31 =	vld [tilespmem:s7+$0x0];
	_ =	sdelay $0x4  }
0x180: {  	s17 =	sadd.s32 $0x3000, s12;
	v5 =	vadd.f32 v31, v5  }
0x181: {  	s18 =	sadd.s32 $0xFFFFD000, s2;
	s7 =	sand.u32 $0x3F00, s17  }
0x182: {  	s19 =	sand.u32 $0x1F80, s18;
	s4 =	sor.u32 s7, s25;
	[tilespmem:s28+$0xF080] =	vst v5  }
0x183: {  	s7 =	sor.u32 s25, s19;
	v5 =	vld [tilespmem:s4+$0x5080]  }
0x184: {  	v32 =	vld [tilespmem:s7+$0x0];
	_ =	sdelay $0x2  }
0x185: {  	s20 =	sadd.s32 $0xFFFFD800, s6;
	v3 =	vadd.f32 v4, v3  }
0x186: {  	s28 =	sadd.s32 $0x4000, s16;
	s7 =	sand.u32 $0x2780, s20  }
0x187: {  	s31 =	sadd.s32 $0x4000, s12;
	[tilespmem:s11+$0xF080] =	vst v3;
	s17 =	sand.u32 $0x4F00, s28;
	s7 =	sor.u32 s5, s7;
	v33 =	vadd.f32 v32, v5  }
0x188: {  	s18 =	sadd.s32 $0xFFFFD800, s2;
	s11 =	sand.u32 $0x4F00, s31;
	s17 =	sor.u32 s17, s5;
	v34 =	vld [tilespmem:s7+$0x0]  }
0x189: {  	s19 =	sor.u32 s11, s25;
	v35 =	vld [tilespmem:s17+$0x5080];
	s7 =	sand.u32 $0x2780, s18;
	[tilespmem:s4+$0xF080] =	vst v33  }
0x18a: {  	s7 =	sor.u32 s25, s7;
	v3 =	vld [tilespmem:s19+$0x5080]  }
0x18b: {  	v36 =	vld [tilespmem:s7+$0x0];
	_ =	sdelay $0x2  }
0x18c: {  	s20 =	sadd.s32 $0xFFFFE000, s6;
	v4 =	vadd.f32 v34, v35  }
0x18d: {  	s28 =	sadd.s32 $0x5000, s16;
	s7 =	sand.u32 $0x2F80, s20  }
0x18e: {  	s31 =	sadd.s32 $0x5000, s12;
	s11 =	sand.u32 $0x5F00, s28;
	[tilespmem:s17+$0xF080] =	vst v4;
	s7 =	sor.u32 s5, s7;
	v3 =	vadd.f32 v36, v3  }
0x18f: {  	s11 =	sor.u32 s11, s5;
	s18 =	sadd.s32 $0xFFFFE000, s2;
	s17 =	sand.u32 $0x5F00, s31;
	v4 =	vld [tilespmem:s7+$0x0]  }
0x190: {  	v37 =	vld [tilespmem:s11+$0x5080];
	s7 =	sand.u32 $0x2F80, s18;
	[tilespmem:s19+$0xF080] =	vst v3;
	s19 =	sor.u32 s17, s25  }
0x191: {  	s7 =	sor.u32 s25, s7;
	v3 =	vld [tilespmem:s19+$0x5080]  }
0x192: {  	v38 =	vld [tilespmem:s7+$0x0];
	_ =	sdelay $0x2  }
0x193: {  	s20 =	sadd.s32 $0xFFFFE800, s6;
	v4 =	vadd.f32 v4, v37  }
0x194: {  	s28 =	sadd.s32 $0x6000, s16;
	s7 =	sand.u32 $0x3780, s20  }
0x195: {  	s31 =	sadd.s32 $0x6000, s12;
	s17 =	sand.u32 $0x6F00, s28;
	[tilespmem:s11+$0xF080] =	vst v4;
	s7 =	sor.u32 s5, s7;
	v3 =	vadd.f32 v38, v3  }
0x196: {  	s18 =	sadd.s32 $0xFFFFE800, s2;
	s17 =	sor.u32 s17, s5;
	s11 =	sand.u32 $0x6F00, s31;
	v4 =	vld [tilespmem:s7+$0x0]  }
0x197: {  	v39 =	vld [tilespmem:s17+$0x5080];
	s4 =	sor.u32 s11, s25;
	s7 =	sand.u32 $0x3780, s18;
	[tilespmem:s19+$0xF080] =	vst v3  }
0x198: {  	s7 =	sor.u32 s25, s7;
	v3 =	vld [tilespmem:s4+$0x5080]  }
0x199: {  	v40 =	vld [tilespmem:s7+$0x0]  }
0x19a: {  	v1 =	vadd.f32 v2, v1;
	s20 =	sadd.s32 $0x7000, s15  }
0x19b: {  	s11 =	sand.u32 $0x7F00, s20;
	s19 =	sadd.s32 $0xFFFFF000, s29  }
0x19c: {  	[tilespmem:s26+$0xF080] =	vst v1;
	s18 =	sadd.s32 $0xFFFFF000, s6;
	s11 =	sor.u32 s11, s14;
	v41 =	vadd.f32 v4, v39;
	s7 =	sand.u32 $0x3F80, s19  }
0x19d: {  	s26 =	sadd.s32 $0x7000, s16;
	s18 =	sand.u32 $0x3F80, s18;
	v43 =	vld [tilespmem:s11+$0x5080];
	s7 =	sor.u32 s14, s7  }
0x19e: {  	s31 =	sadd.s32 $0x7000, s12;
	s28 =	sor.u32 s5, s18;
	[tilespmem:s17+$0xF080] =	vst v41;
	v42 =	vld [tilespmem:s7+$0x0];
	s7 =	sand.u32 $0x7F00, s26;
	v44 =	vadd.f32 v40, v3  }
0x19f: {  	s18 =	sand.u32 $0x7F00, s31;
	s19 =	sadd.s32 $0xFFFFF000, s2;
	v45 =	vld [tilespmem:s28+$0x0];
	s7 =	sor.u32 s7, s5  }
0x1a0: {  	s17 =	sand.u32 $0x3F80, s19;
	v46 =	vld [tilespmem:s7+$0x5080];
	[tilespmem:s4+$0xF080] =	vst v44;
	s4 =	sor.u32 s18, s25  }
0x1a1: {  	s17 =	sor.u32 s25, s17;
	v1 =	vld [tilespmem:s4+$0x5080]  }
0x1a2: {  	v47 =	vld [tilespmem:s17+$0x0]  }
0x1a3: {  	s20 =	sadd.s32 $0xFFFFF800, s29;
	v2 =	vadd.f32 v42, v43  }
0x1a4: {  	s26 =	sadd.s32 $0x8000, s15;
	s17 =	sand.u32 $0x4780, s20  }
0x1a5: {  	s31 =	sadd.s32 $0xFFFFF800, s6;
	s18 =	sand.u32 $0x8F00, s26;
	[tilespmem:s11+$0xF080] =	vst v2;
	s28 =	sor.u32 s14, s17;
	v48 =	vadd.f32 v45, v46  }
0x1a6: {  	s19 =	sadd.s32 $0x8000, s16;
	s18 =	sor.u32 s18, s14;
	s17 =	sand.u32 $0x4780, s31;
	v49 =	vld [tilespmem:s28+$0x0]  }
0x1a7: {  	s26 =	sadd.s32 $0x8000, s12;
	s11 =	sand.u32 $0x8F00, s19;
	v50 =	vld [tilespmem:s18+$0x5080];
	s20 =	sor.u32 s5, s17;
	[tilespmem:s7+$0xF080] =	vst v48;
	v1 =	vadd.f32 v47, v1  }
0x1a8: {  	s11 =	sor.u32 s11, s5;
	s28 =	sadd.s32 $0xFFFFF800, s2;
	s17 =	sand.u32 $0x8F00, s26;
	v2 =	vld [tilespmem:s20+$0x0]  }
0x1a9: {  	s31 =	sor.u32 s17, s25;
	s7 =	sand.u32 $0x4780, s28;
	v51 =	vld [tilespmem:s11+$0x5080];
	[tilespmem:s4+$0xF080] =	vst v1  }
0x1aa: {  	s7 =	sor.u32 s25, s7;
	v52 =	vld [tilespmem:s31+$0x5080]  }
0x1ab: {  	v53 =	vld [tilespmem:s7+$0x0]  }
0x1ac: {  	[tilespmem:s0+$0xF080] =	vst v0;
	s0 =	sor.u32 s8, s13;
	s1 =	sand.u32 $0x4F80, s1;
	s8 =	sadd.s32 $0x9000, s15;
	v54 =	vadd.f32 v49, v50  }
0x1ad: {  	v55 =	vld [tilespmem:s0+$0x5080];
	s1 =	sor.u32 s13, s1;
	s7 =	sand.u32 $0x9F00, s8  }
0x1ae: {  	v56 =	vld [tilespmem:s1+$0x0];
	s15 =	sand.u32 $0x4F80, s29;
	s17 =	sadd.s32 $0x9000, s16;
	[tilespmem:s18+$0xF080] =	vst v54;
	s13 =	sor.u32 s7, s14;
	v57 =	vadd.f32 v2, v51  }
0x1af: {  	s8 =	sand.u32 $0x9F00, s17;
	s7 =	sor.u32 s14, s15;
	v58 =	vld [tilespmem:s13+$0x5080]  }
0x1b0: {  	s19 =	sand.u32 $0x4F80, s6;
	s20 =	sadd.s32 $0x9000, s12;
	s18 =	sor.u32 s8, s5;
	v59 =	vld [tilespmem:s7+$0x0];
	[tilespmem:s11+$0xF080] =	vst v57;
	v60 =	vadd.f32 v53, v52  }
0x1b1: {  	s26 =	sor.u32 s5, s19;
	s28 =	sand.u32 $0x9F00, s20;
	v61 =	vld [tilespmem:s18+$0x5080]  }
0x1b2: {  	s29 =	sor.u32 s28, s25;
	v62 =	vld [tilespmem:s26+$0x0];
	[tilespmem:s31+$0xF080] =	vst v60;
	s31 =	sand.u32 $0x4F80, s2  }
0x1b3: {  	v0 =	vld [tilespmem:s29+$0x5080];
	s2 =	sor.u32 s25, s31  }
0x1b4: {  	v7 =	vld [tilespmem:s2+$0x0];
	_ =	sdelay $0x1  }
0x1b5: {  	v3 =	vadd.f32 v56, v55  }
0x1b6: {  	v1 =	vadd.f32 v59, v58  }
0x1b7: {  	[tilespmem:s0+$0xF080] =	vst v3;
	v63 =	vadd.f32 v62, v61  }
0x1b8: {  	[tilespmem:s13+$0xF080] =	vst v1;
	v0 =	vadd.f32 v7, v0  }
0x1b9: {  	[tilespmem:s18+$0xF080] =	vst v63  }
0x1ba: {  	[tilespmem:s29+$0xF080] =	vst v0  }
0x1bb: {  	s1 =	simm.s32 $0x10;
	s5 =	rddreg [dreg:$0x12]  }
0x1bc: {  	s0 =	simm.s32 $0xF080;
	s2 =	simm.s32 $0xF180;
	s4 =	sadd.s32 $0x0, s5  }
.LBB2_14:
0x1bd: {  	[hbm4b:s4+s3] =	stream.linear.scatter [tilespmem:s0], [sflag:$0x4], $0x80, $0x38;
	[tilespmem:$0x19000] =	vst v63  }
0x1be: {  	s4 =	smov.u32 s1;
	s0 =	smov.u32 s2;
	p0 =	sne.s32 s1, $0x9F0  }
.Ltmp6:
0x1bf: {  	s1 =	sadd.s32 $0x10, s1;
	(pc) =	sbr.rel @p0 .LBB2_14-.Ltmp6, $2  }
0x1c0: {  	_ =	sdelay $0x2  }
0x1c1: {  	s2 =	sadd.s32 $0x100, s2;
	s4 =	sadd.s32 s4, s5  }
0x1c2: {  	[hbm4b:s4+s3] =	stream.linear.scatter [tilespmem:s0], [sflag:$0x4], $0x80, $0x38;
	[tilespmem:$0x19000] =	vst v63  }
0x1c3: {  	s0 =	simm.s32 $0x0;
	s1 =	simm.s32 $0x5080;
	s4 =	rddreg [dreg:$0x14]  }
.LBB2_16:
0x1c4: {  	p0 =	sne.s32 s0, $0x9F0  }
.Ltmp7:
0x1c5: {  	_ = 	snop;
	(pc) =	sbr.rel @p0 .LBB2_16-.Ltmp7, $4  }
0x1c6: {  	_ = 	snop  }
0x1c7: {  	s2 =	sadd.s32 s0, s4  }
0x1c8: {  	[tilespmem:s1], [sflag:$0x2] =	stream.linear.gather [hbm4b:s2+s3], $0x80, $0x38;
	[tilespmem:$0x19000] =	vst v63  }
0x1c9: {  	s0 =	sadd.s32 $0x10, s0;
	s1 =	sadd.s32 $0x100, s1  }
0x1ca: {  	s20 =	simm.s32 $0x1  }
.LBB2_18:
0x1cb: {  	s0 =	simm.s32 $0x1  }
0x1cc: {  	_ =	swait.ge [sflag:s0], $0x5000  }
0x1cd: {  	[sflag:s0] =	ssyncset.done $0x0  }
0x1ce: {  	s2 =	simm.s32 $0x3;
	[sflag:s0] =	ssyncadd.s32 $0xFFFFB000  }
0x1cf: {  	_ =	swait.ge [sflag:s2], $0x5000  }
0x1d0: {  	s11 =	simm.s32 $0x0;
	s1 =	simm.s32 $0x0;
	[sflag:s2] =	ssyncset.done $0x0  }
0x1d1: {  	s14 =	sand.u32 $0x70, s1;
	s12 =	sand.u32 $0xF00, s11;
	[sflag:s2] =	ssyncadd.s32 $0xFFFFB000  }
0x1d2: {  	s13 =	sor.u32 s14, s12;
	v0 =	vld [tilespmem:s11+$0x0]  }
0x1d3: {  	v1 =	vld [tilespmem:s13+$0x5000];
	_ =	sdelay $0x4  }
0x1d4: {  	s15 =	simm.s32 $0x1000;
	v0 =	vadd.f32 v0, v1  }
0x1d5: {  	s16 =	simm.s32 $0x800;
	s1 =	sand.u32 $0x1F00, s15  }
0x1d6: {  	s18 =	sand.u32 $0xF80, s16;
	s17 =	sor.u32 s14, s1;
	[tilespmem:s13+$0xF000] =	vst v0  }
0x1d7: {  	s1 =	sor.u32 s14, s18;
	v0 =	vld [tilespmem:s17+$0x5000]  }
0x1d8: {  	v1 =	vld [tilespmem:s1+$0x0];
	_ =	sdelay $0x4  }
0x1d9: {  	s19 =	simm.s32 $0x2000;
	v0 =	vadd.f32 v1, v0  }
0x1da: {  	s25 =	simm.s32 $0x1000;
	s1 =	sand.u32 $0x2F00, s19  }
0x1db: {  	s4 =	sand.u32 $0x1780, s25;
	s26 =	sor.u32 s14, s1;
	[tilespmem:s17+$0xF000] =	vst v0  }
0x1dc: {  	s1 =	sor.u32 s14, s4;
	v0 =	vld [tilespmem:s26+$0x5000]  }
0x1dd: {  	v1 =	vld [tilespmem:s1+$0x0];
	_ =	sdelay $0x2  }
0x1de: {  	s5 =	simm.s32 $0x10;
	s16 =	simm.s32 $0x20  }
0x1df: {  	s6 =	simm.s32 $0x10;
	s15 =	sand.u32 $0x70, s5;
	s7 =	sand.u32 $0xF00, s16  }
0x1e0: {  	s8 =	simm.s32 $0x3000;
	v2 =	vld [tilespmem:s6+$0x0];
	s1 =	sor.u32 s15, s7;
	v0 =	vadd.f32 v1, v0  }
0x1e1: {  	s2 =	sand.u32 $0x3F00, s8;
	s4 =	simm.s32 $0x1800;
	v1 =	vld [tilespmem:s1+$0x5000]  }
0x1e2: {  	s11 =	sor.u32 s14, s2;
	s12 =	sand.u32 $0x1F80, s4;
	[tilespmem:s26+$0xF000] =	vst v0  }
0x1e3: {  	s2 =	sor.u32 s14, s12;
	v0 =	vld [tilespmem:s11+$0x5000]  }
0x1e4: {  	v3 =	vld [tilespmem:s2+$0x0];
	_ =	sdelay $0x1  }
0x1e5: {  	s13 =	simm.s32 $0x1020;
	v1 =	vadd.f32 v2, v1  }
0x1e6: {  	s17 =	simm.s32 $0x810;
	s2 =	sand.u32 $0x1F00, s13  }
0x1e7: {  	s19 =	sand.u32 $0xF80, s17;
	s18 =	sor.u32 s15, s2;
	[tilespmem:s1+$0xF000] =	vst v1  }
0x1e8: {  	s25 =	simm.s32 $0x4000;
	s2 =	sor.u32 s15, s19;
	v1 =	vld [tilespmem:s18+$0x5000];
	v0 =	vadd.f32 v3, v0  }
0x1e9: {  	s4 =	sand.u32 $0x4F00, s25;
	s26 =	simm.s32 $0x2000;
	v2 =	vld [tilespmem:s2+$0x0]  }
0x1ea: {  	s5 =	sor.u32 s14, s4;
	s2 =	sand.u32 $0x2780, s26;
	[tilespmem:s11+$0xF000] =	vst v0  }
0x1eb: {  	s2 =	sor.u32 s14, s2;
	v0 =	vld [tilespmem:s5+$0x5000]  }
0x1ec: {  	v3 =	vld [tilespmem:s2+$0x0];
	_ =	sdelay $0x1  }
0x1ed: {  	s6 =	simm.s32 $0x2020;
	v1 =	vadd.f32 v2, v1  }
0x1ee: {  	s7 =	simm.s32 $0x1010;
	s2 =	sand.u32 $0x2F00, s6  }
0x1ef: {  	s8 =	sand.u32 $0x1780, s7;
	s1 =	sor.u32 s15, s2;
	[tilespmem:s18+$0xF000] =	vst v1  }
0x1f0: {  	s11 =	simm.s32 $0x5000;
	s2 =	sor.u32 s15, s8;
	v1 =	vld [tilespmem:s1+$0x5000];
	v0 =	vadd.f32 v3, v0  }
0x1f1: {  	s12 =	simm.s32 $0x2800;
	s4 =	sand.u32 $0x5F00, s11;
	v2 =	vld [tilespmem:s2+$0x0]  }
0x1f2: {  	s13 =	sor.u32 s14, s4;
	s2 =	sand.u32 $0x2F80, s12;
	[tilespmem:s5+$0xF000] =	vst v0  }
0x1f3: {  	s2 =	sor.u32 s14, s2;
	v0 =	vld [tilespmem:s13+$0x5000]  }
0x1f4: {  	s25 =	simm.s32 $0x40;
	s17 =	simm.s32 $0x20;
	v3 =	vld [tilespmem:s2+$0x0]  }
0x1f5: {  	s19 =	sand.u32 $0xF00, s25;
	s18 =	simm.s32 $0x20;
	s5 =	sand.u32 $0x70, s17  }
0x1f6: {  	s7 =	simm.s32 $0x3020;
	v4 =	vld [tilespmem:s18+$0x0];
	s26 =	sor.u32 s5, s19;
	v1 =	vadd.f32 v2, v1  }
0x1f7: {  	s6 =	simm.s32 $0x1810;
	s4 =	sand.u32 $0x3F00, s7;
	v2 =	vld [tilespmem:s26+$0x5000]  }
0x1f8: {  	s8 =	sand.u32 $0x1F80, s6;
	[tilespmem:s1+$0xF000] =	vst v1;
	s1 =	sor.u32 s15, s4  }
0x1f9: {  	s11 =	simm.s32 $0x6000;
	s4 =	sor.u32 s15, s8;
	v1 =	vld [tilespmem:s1+$0x5000];
	v0 =	vadd.f32 v3, v0  }
0x1fa: {  	s6 =	sand.u32 $0x6F00, s11;
	s12 =	simm.s32 $0x3000;
	v3 =	vld [tilespmem:s4+$0x0]  }
0x1fb: {  	s4 =	sand.u32 $0x3780, s12;
	[tilespmem:s13+$0xF000] =	vst v0;
	s13 =	sor.u32 s14, s6  }
0x1fc: {  	s17 =	simm.s32 $0x1040;
	s4 =	sor.u32 s14, s4;
	v0 =	vadd.f32 v4, v2;
	v2 =	vld [tilespmem:s13+$0x5000]  }
0x1fd: {  	s7 =	simm.s32 $0x820;
	s6 =	sand.u32 $0x1F00, s17;
	v4 =	vld [tilespmem:s4+$0x0]  }
0x1fe: {  	s19 =	sand.u32 $0xF80, s7;
	s18 =	sor.u32 s5, s6;
	[tilespmem:s26+$0xF000] =	vst v0  }
0x1ff: {  	s4 =	sor.u32 s5, s19;
	s26 =	simm.s32 $0x4020;
	v0 =	vld [tilespmem:s18+$0x5000];
	v1 =	vadd.f32 v3, v1  }
0x200: {  	s7 =	simm.s32 $0x2010;
	v3 =	vld [tilespmem:s4+$0x0];
	s6 =	sand.u32 $0x4F00, s26  }
0x201: {  	s4 =	sand.u32 $0x2780, s7;
	[tilespmem:s1+$0xF000] =	vst v1;
	s1 =	sor.u32 s15, s6  }
0x202: {  	s8 =	simm.s32 $0x7000;
	s4 =	sor.u32 s15, s4;
	v1 =	vld [tilespmem:s1+$0x5000];
	v2 =	vadd.f32 v4, v2  }
0x203: {  	s11 =	simm.s32 $0x3800;
	s6 =	sand.u32 $0x7F00, s8;
	v4 =	vld [tilespmem:s4+$0x0]  }
0x204: {  	s12 =	simm.s32 $0x60;
	s0 =	sor.u32 s14, s6;
	s4 =	sand.u32 $0x3F80, s11;
	[tilespmem:s13+$0xF000] =	vst v2  }
0x205: {  	s17 =	simm.s32 $0x30;
	s4 =	sor.u32 s14, s4;
	v0 =	vadd.f32 v3, v0;
	s13 =	simm.s32 $0x2040;
	v2 =	vld [tilespmem:s0+$0x5000]  }
0x206: {  	s7 =	simm.s32 $0x30;
	s8 =	simm.s32 $0x1020;
	s6 =	sand.u32 $0x2F00, s13;
	v3 =	vld [tilespmem:s4+$0x0]  }
0x207: {  	s29 =	sand.u32 $0x70, s17;
	[tilespmem:s18+$0xF000] =	vst v0;
	v0 =	vld [tilespmem:s7+$0x0];
	s4 =	sor.u32 s5, s6;
	s18 =	sand.u32 $0x1780, s8  }
0x208: {  	s19 =	sand.u32 $0xF00, s12;
	s11 =	simm.s32 $0x5020;
	v5 =	vld [tilespmem:s4+$0x5000];
	s6 =	sor.u32 s5, s18;
	v1 =	vadd.f32 v4, v1  }
0x209: {  	s26 =	simm.s32 $0x2810;
	s17 =	sand.u32 $0x5F00, s11;
	s8 =	sor.u32 s29, s19;
	v4 =	vld [tilespmem:s6+$0x0]  }
0x20a: {  	s2 =	sand.u32 $0x2F80, s26;
	s13 =	sor.u32 s15, s17;
	v6 =	vld [tilespmem:s8+$0x5000];
	[tilespmem:s1+$0xF000] =	vst v1  }
0x20b: {  	s31 =	simm.s32 $0x4810;
	s2 =	sor.u32 s15, s2;
	v1 =	vld [tilespmem:s13+$0x5000]  }
0x20c: {  	s28 =	simm.s32 $0x80;
	s17 =	simm.s32 $0x4000;
	s18 =	simm.s32 $0x8000;
	v2 =	vadd.f32 v3, v2;
	v7 =	vld [tilespmem:s2+$0x0]  }
0x20d: {  	s26 =	simm.s32 $0x3040;
	s19 =	sand.u32 $0x4780, s17;
	s11 =	sand.u32 $0x8F00, s18  }
0x20e: {  	s17 =	sand.u32 $0x3F00, s26;
	s26 =	simm.s32 $0x1060;
	[tilespmem:s0+$0xF000] =	vst v2;
	s0 =	sor.u32 s14, s11;
	v2 =	vadd.f32 v4, v5  }
0x20f: {  	s26 =	sand.u32 $0x1F00, s26;
	s18 =	simm.s32 $0x1820;
	s11 =	sor.u32 s14, s19;
	v8 =	vld [tilespmem:s0+$0x5000]  }
0x210: {  	s6 =	simm.s32 $0x4820;
	v0 =	vadd.f32 v0, v6;
	s19 =	sand.u32 $0x1F80, s18;
	v9 =	vld [tilespmem:s11+$0x0];
	s11 =	sor.u32 s5, s17;
	[tilespmem:s4+$0xF000] =	vst v2  }
0x211: {  	s1 =	simm.s32 $0x4800;
	s18 =	sor.u32 s5, s19;
	s19 =	simm.s32 $0x6020;
	v1 =	vadd.f32 v7, v1;
	v3 =	vld [tilespmem:s11+$0x5000]  }
0x212: {  	[tilespmem:s8+$0xF000] =	vst v0;
	s8 =	simm.s32 $0x3010;
	s4 =	sor.u32 s29, s26;
	v4 =	vld [tilespmem:s18+$0x0];
	s18 =	sand.u32 $0x6F00, s19  }
0x213: {  	s8 =	sand.u32 $0x3780, s8;
	s19 =	simm.s32 $0x830;
	v5 =	vld [tilespmem:s4+$0x5000];
	[tilespmem:s13+$0xF000] =	vst v1;
	s26 =	sor.u32 s15, s18  }
0x214: {  	s8 =	sor.u32 s15, s8;
	s18 =	sand.u32 $0xF80, s19;
	s19 =	simm.s32 $0x9000;
	v1 =	vld [tilespmem:s26+$0x5000]  }
0x215: {  	s2 =	simm.s32 $0x4830;
	v0 =	vadd.f32 v9, v8;
	s13 =	sor.u32 s29, s18;
	v2 =	vld [tilespmem:s8+$0x0];
	s8 =	sand.u32 $0x9F00, s19  }
.LBB2_19:
0x216: {  	p0 =	sne.s32 s28, $0xFE0  }
0x217: {  	v6 =	vld [tilespmem:s13+$0x0];
	[tilespmem:s0+$0xF000] =	vst v0;
	s0 =	sor.u32 s14, s8;
	s1 =	sand.u32 $0x4F80, s1;
	s8 =	sadd.s32 $0x4000, s25  }
0x218: {  	s7 =	sadd.s32 $0x10, s7;
	v0 =	vadd.f32 v4, v3;
	v3 =	vld [tilespmem:s0+$0x5000];
	s13 =	sor.u32 s14, s1;
	s1 =	smov.u32 s31  }
0x219: {  	s14 =	sadd.s32 $0xFFFFD800, s6;
	s8 =	sand.u32 $0x4F00, s8;
	s31 =	smov.u32 s6;
	v4 =	vld [tilespmem:s13+$0x0]  }
0x21a: {  	s6 =	smov.u32 s2;
	s8 =	sor.u32 s5, s8;
	[tilespmem:s11+$0xF000] =	vst v0;
	s11 =	sand.u32 $0x2780, s14  }
0x21b: {  	s13 =	sadd.s32 $0x7000, s16;
	s14 =	smov.u32 s15;
	v0 =	vld [tilespmem:s8+$0x5000];
	s11 =	sor.u32 s5, s11;
	v1 =	vadd.f32 v2, v1  }
0x21c: {  	s13 =	sand.u32 $0x7F00, s13;
	s15 =	smov.u32 s5;
	v2 =	vld [tilespmem:s11+$0x0];
	s11 =	sadd.s32 $0xFFFFF000, s1  }
0x21d: {  	s2 =	sadd.s32 $0x10, s2;
	s13 =	sor.u32 s14, s13;
	v5 =	vadd.f32 v6, v5;
	[tilespmem:s26+$0xF000] =	vst v1;
	s5 =	sand.u32 $0x3F80, s11  }
0x21e: {  	s17 =	sadd.s32 $0x5000, s25;
	s11 =	sadd.s32 $0x2000, s12;
	v1 =	vld [tilespmem:s13+$0x5000];
	s5 =	sor.u32 s14, s5;
	v3 =	vadd.f32 v4, v3  }
0x21f: {  	s26 =	sadd.s32 $0xFFFFD000, s6;
	s11 =	sand.u32 $0x2F00, s11;
	[tilespmem:s4+$0xF000] =	vst v5;
	s4 =	sadd.s32 $0xFFFFC800, s6;
	v4 =	vld [tilespmem:s5+$0x0]  }
0x220: {  	s5 =	sadd.s32 $0xFFFFB800, s2;
	s11 =	sor.u32 s29, s11;
	v5 =	vld [tilespmem:s7+$0x0];
	s4 =	sand.u32 $0x1780, s4;
	[tilespmem:s0+$0xF000] =	vst v3  }
0x221: {  	s0 =	sand.u32 $0x70, s5;
	s5 =	sand.u32 $0xF00, s28;
	v3 =	vld [tilespmem:s11+$0x5000];
	s4 =	sor.u32 s29, s4;
	v0 =	vadd.f32 v2, v0  }
0x222: {  	s18 =	sor.u32 s0, s5;
	s5 =	sand.u32 $0x5F00, s17;
	v2 =	vld [tilespmem:s4+$0x0];
	s4 =	sadd.s32 $0xFFFFE000, s31  }
0x223: {  	v6 =	vld [tilespmem:s18+$0x5000];
	[tilespmem:s8+$0xF000] =	vst v0;
	s8 =	sor.u32 s15, s5;
	s4 =	sand.u32 $0x2F80, s4;
	s5 =	smov.u32 s29  }
0x224: {  	s17 =	sadd.s32 $0x8000, s16;
	s29 =	smov.u32 s0;
	v0 =	vld [tilespmem:s8+$0x5000];
	s4 =	sor.u32 s15, s4;
	v1 =	vadd.f32 v4, v1  }
0x225: {  	s0 =	sand.u32 $0x8F00, s17;
	s17 =	smov.u32 s16;
	v4 =	vld [tilespmem:s4+$0x0];
	s4 =	sadd.s32 $0xFFFFF800, s1  }
0x226: {  	s16 =	smov.u32 s25;
	s0 =	sor.u32 s14, s0;
	[tilespmem:s13+$0xF000] =	vst v1;
	s4 =	sand.u32 $0x4780, s4  }
0x227: {  	s25 =	smov.u32 s12;
	s13 =	sadd.s32 $0x3000, s12;
	v1 =	vadd.f32 v2, v3;
	v2 =	vld [tilespmem:s0+$0x5000];
	s4 =	sor.u32 s14, s4  }
0x228: {  	s12 =	smov.u32 s28;
	s13 =	sand.u32 $0x3F00, s13;
	v7 =	vld [tilespmem:s4+$0x0];
	s4 =	sadd.s32 $0x1000, s28  }
0x229: {  	v5 =	vadd.f32 v5, v6;
	[tilespmem:s11+$0xF000] =	vst v1;
	s11 =	sor.u32 s5, s13;
	s13 =	sand.u32 $0x1F80, s26;
	s4 =	sand.u32 $0x1F00, s4  }
.Ltmp8:
0x22a: {  	s26 =	sadd.s32 $0x6000, s16;
	v3 =	vld [tilespmem:s11+$0x5000];
	s13 =	sor.u32 s5, s13;
	v0 =	vadd.f32 v4, v0;
	(pc) =	sbr.rel @p0 .LBB2_19-.Ltmp8, $4  }
0x22b: {  	s4 =	sor.u32 s29, s4;
	[tilespmem:s18+$0xF000] =	vst v5;
	v4 =	vld [tilespmem:s13+$0x0];
	s13 =	sadd.s32 $0xFFFFE800, s31;
	s18 =	sand.u32 $0x6F00, s26  }
0x22c: {  	s19 =	sadd.s32 $0xFFFFC000, s2;
	v5 =	vld [tilespmem:s4+$0x5000];
	[tilespmem:s8+$0xF000] =	vst v0;
	s26 =	sor.u32 s15, s18;
	s8 =	sand.u32 $0x3780, s13  }
0x22d: {  	s17 =	sadd.s32 $0x9000, s17;
	s13 =	sand.u32 $0xF80, s19;
	v1 =	vld [tilespmem:s26+$0x5000];
	s8 =	sor.u32 s15, s8;
	v0 =	vadd.f32 v7, v2  }
0x22e: {  	s28 =	sadd.s32 $0x20, s28;
	s13 =	sor.u32 s29, s13;
	v2 =	vld [tilespmem:s8+$0x0];
	s8 =	sand.u32 $0x9F00, s17  }
0x22f: {  	v6 =	vld [tilespmem:s13+$0x0];
	_ =	sdelay $0x4  }
0x230: {  	s7 =	sadd.s32 $0x2000, s12;
	v5 =	vadd.f32 v6, v5  }
0x231: {  	s28 =	sadd.s32 $0xFFFFC800, s2;
	s7 =	sand.u32 $0x2F00, s7  }
0x232: {  	s18 =	sand.u32 $0x1780, s28;
	s17 =	sor.u32 s29, s7;
	[tilespmem:s4+$0xF000] =	vst v5  }
0x233: {  	s7 =	sor.u32 s29, s18;
	v5 =	vld [tilespmem:s17+$0x5000]  }
0x234: {  	v31 =	vld [tilespmem:s7+$0x0];
	_ =	sdelay $0x4  }
0x235: {  	s19 =	sadd.s32 $0x3000, s12;
	v5 =	vadd.f32 v31, v5  }
0x236: {  	s28 =	sadd.s32 $0xFFFFD000, s2;
	s7 =	sand.u32 $0x3F00, s19  }
0x237: {  	s13 =	sand.u32 $0x1F80, s28;
	s4 =	sor.u32 s29, s7;
	[tilespmem:s17+$0xF000] =	vst v5  }
0x238: {  	s7 =	sor.u32 s29, s13;
	v5 =	vld [tilespmem:s4+$0x5000]  }
0x239: {  	v32 =	vld [tilespmem:s7+$0x0];
	_ =	sdelay $0x1  }
0x23a: {  	v3 =	vadd.f32 v4, v3;
	s18 =	sadd.s32 $0x4000, s25  }
0x23b: {  	s13 =	sand.u32 $0x4F00, s18;
	s17 =	sadd.s32 $0xFFFFD800, s6  }
0x23c: {  	[tilespmem:s11+$0xF000] =	vst v3;
	s13 =	sor.u32 s5, s13;
	s7 =	sand.u32 $0x2780, s17  }
0x23d: {  	s19 =	sadd.s32 $0x4000, s12;
	v35 =	vld [tilespmem:s13+$0x5000];
	s7 =	sor.u32 s5, s7;
	v33 =	vadd.f32 v32, v5  }
0x23e: {  	s28 =	sadd.s32 $0xFFFFD800, s2;
	s11 =	sand.u32 $0x4F00, s19;
	v34 =	vld [tilespmem:s7+$0x0]  }
0x23f: {  	s7 =	sand.u32 $0x2780, s28;
	[tilespmem:s4+$0xF000] =	vst v33;
	s4 =	sor.u32 s29, s11  }
0x240: {  	s7 =	sor.u32 s29, s7;
	v3 =	vld [tilespmem:s4+$0x5000]  }
0x241: {  	v36 =	vld [tilespmem:s7+$0x0];
	_ =	sdelay $0x1  }
0x242: {  	s17 =	sadd.s32 $0xFFFFE000, s6;
	v4 =	vadd.f32 v34, v35  }
0x243: {  	s18 =	sadd.s32 $0x5000, s25;
	s7 =	sand.u32 $0x2F80, s17  }
0x244: {  	s11 =	sand.u32 $0x5F00, s18;
	[tilespmem:s13+$0xF000] =	vst v4;
	s7 =	sor.u32 s5, s7  }
0x245: {  	s19 =	sadd.s32 $0x5000, s12;
	s11 =	sor.u32 s5, s11;
	v4 =	vld [tilespmem:s7+$0x0];
	v3 =	vadd.f32 v36, v3  }
0x246: {  	s28 =	sadd.s32 $0xFFFFE000, s2;
	s13 =	sand.u32 $0x5F00, s19;
	v37 =	vld [tilespmem:s11+$0x5000]  }
0x247: {  	s7 =	sand.u32 $0x2F80, s28;
	[tilespmem:s4+$0xF000] =	vst v3;
	s4 =	sor.u32 s29, s13  }
0x248: {  	s7 =	sor.u32 s29, s7;
	v3 =	vld [tilespmem:s4+$0x5000]  }
0x249: {  	v38 =	vld [tilespmem:s7+$0x0];
	_ =	sdelay $0x1  }
0x24a: {  	s17 =	sadd.s32 $0xFFFFE800, s6;
	v4 =	vadd.f32 v4, v37  }
0x24b: {  	s18 =	sadd.s32 $0x6000, s25;
	s7 =	sand.u32 $0x3780, s17  }
0x24c: {  	s13 =	sand.u32 $0x6F00, s18;
	[tilespmem:s11+$0xF000] =	vst v4;
	s7 =	sor.u32 s5, s7  }
0x24d: {  	s19 =	sadd.s32 $0x6000, s12;
	s13 =	sor.u32 s5, s13;
	v4 =	vld [tilespmem:s7+$0x0];
	v3 =	vadd.f32 v38, v3  }
0x24e: {  	s28 =	sadd.s32 $0xFFFFE800, s2;
	s11 =	sand.u32 $0x6F00, s19;
	v39 =	vld [tilespmem:s13+$0x5000]  }
0x24f: {  	s7 =	sand.u32 $0x3780, s28;
	[tilespmem:s4+$0xF000] =	vst v3;
	s4 =	sor.u32 s29, s11  }
0x250: {  	s7 =	sor.u32 s29, s7;
	v3 =	vld [tilespmem:s4+$0x5000]  }
0x251: {  	v1 =	vadd.f32 v2, v1;
	s11 =	sadd.s32 $0xFFFFF000, s31;
	v40 =	vld [tilespmem:s7+$0x0]  }
0x252: {  	s17 =	sadd.s32 $0x7000, s16;
	s7 =	sand.u32 $0x3F80, s11  }
0x253: {  	[tilespmem:s26+$0xF000] =	vst v1;
	v41 =	vadd.f32 v4, v39;
	s11 =	sand.u32 $0x7F00, s17;
	s17 =	sadd.s32 $0xFFFFF000, s6;
	s7 =	sor.u32 s15, s7  }
0x254: {  	s18 =	sadd.s32 $0x7000, s25;
	s11 =	sor.u32 s15, s11;
	s17 =	sand.u32 $0x3F80, s17;
	v42 =	vld [tilespmem:s7+$0x0]  }
0x255: {  	[tilespmem:s13+$0xF000] =	vst v41;
	v43 =	vld [tilespmem:s11+$0x5000];
	s7 =	sand.u32 $0x7F00, s18;
	s19 =	sor.u32 s5, s17  }
0x256: {  	s26 =	sadd.s32 $0x7000, s12;
	s7 =	sor.u32 s5, s7;
	v45 =	vld [tilespmem:s19+$0x0];
	v44 =	vadd.f32 v40, v3  }
0x257: {  	s28 =	sadd.s32 $0xFFFFF000, s2;
	s17 =	sand.u32 $0x7F00, s26;
	v46 =	vld [tilespmem:s7+$0x5000]  }
0x258: {  	s13 =	sand.u32 $0x3F80, s28;
	[tilespmem:s4+$0xF000] =	vst v44;
	s4 =	sor.u32 s29, s17  }
0x259: {  	s13 =	sor.u32 s29, s13;
	v1 =	vld [tilespmem:s4+$0x5000]  }
0x25a: {  	v2 =	vadd.f32 v42, v43;
	s17 =	sadd.s32 $0xFFFFF800, s31;
	v47 =	vld [tilespmem:s13+$0x0]  }
0x25b: {  	s18 =	sadd.s32 $0x8000, s16;
	s13 =	sand.u32 $0x4780, s17  }
0x25c: {  	s26 =	sadd.s32 $0xFFFFF800, s6;
	s17 =	sand.u32 $0x8F00, s18;
	[tilespmem:s11+$0xF000] =	vst v2;
	s19 =	sor.u32 s15, s13;
	v48 =	vadd.f32 v45, v46  }
0x25d: {  	s28 =	sadd.s32 $0x8000, s25;
	s17 =	sor.u32 s15, s17;
	s13 =	sand.u32 $0x4780, s26;
	v49 =	vld [tilespmem:s19+$0x0]  }
0x25e: {  	s11 =	sand.u32 $0x8F00, s28;
	v50 =	vld [tilespmem:s17+$0x5000];
	s18 =	sor.u32 s5, s13;
	[tilespmem:s7+$0xF000] =	vst v48  }
0x25f: {  	s19 =	sadd.s32 $0x8000, s12;
	s11 =	sor.u32 s5, s11;
	v2 =	vld [tilespmem:s18+$0x0];
	v1 =	vadd.f32 v47, v1  }
0x260: {  	s26 =	sadd.s32 $0xFFFFF800, s2;
	s13 =	sand.u32 $0x8F00, s19;
	v51 =	vld [tilespmem:s11+$0x5000]  }
0x261: {  	s7 =	sand.u32 $0x4780, s26;
	s28 =	sor.u32 s29, s13;
	[tilespmem:s4+$0xF000] =	vst v1  }
0x262: {  	s7 =	sor.u32 s29, s7;
	v52 =	vld [tilespmem:s28+$0x5000]  }
0x263: {  	[tilespmem:s0+$0xF000] =	vst v0;
	s0 =	sor.u32 s14, s8;
	s1 =	sand.u32 $0x4F80, s1;
	s8 =	sadd.s32 $0x9000, s16;
	v54 =	vadd.f32 v49, v50;
	v53 =	vld [tilespmem:s7+$0x0]  }
0x264: {  	v55 =	vld [tilespmem:s0+$0x5000];
	s1 =	sor.u32 s14, s1;
	s7 =	sand.u32 $0x9F00, s8  }
0x265: {  	s14 =	sand.u32 $0x4F80, s31;
	v56 =	vld [tilespmem:s1+$0x0];
	s16 =	sadd.s32 $0x9000, s25;
	[tilespmem:s17+$0xF000] =	vst v54;
	s13 =	sor.u32 s15, s7;
	v57 =	vadd.f32 v2, v51  }
0x266: {  	s8 =	sand.u32 $0x9F00, s16;
	s7 =	sor.u32 s15, s14;
	v58 =	vld [tilespmem:s13+$0x5000]  }
0x267: {  	s18 =	sand.u32 $0x4F80, s6;
	s17 =	sor.u32 s5, s8;
	v59 =	vld [tilespmem:s7+$0x0];
	[tilespmem:s11+$0xF000] =	vst v57  }
0x268: {  	s19 =	sadd.s32 $0x9000, s12;
	s25 =	sor.u32 s5, s18;
	v61 =	vld [tilespmem:s17+$0x5000];
	v60 =	vadd.f32 v53, v52  }
0x269: {  	s26 =	sand.u32 $0x9F00, s19;
	v62 =	vld [tilespmem:s25+$0x0]  }
0x26a: {  	s31 =	sand.u32 $0x4F80, s2;
	[tilespmem:s28+$0xF000] =	vst v60;
	s28 =	sor.u32 s29, s26  }
0x26b: {  	s2 =	sor.u32 s29, s31;
	v0 =	vld [tilespmem:s28+$0x5000]  }
0x26c: {  	v3 =	vadd.f32 v56, v55;
	v7 =	vld [tilespmem:s2+$0x0]  }
0x26d: {  	v1 =	vadd.f32 v59, v58  }
0x26e: {  	[tilespmem:s0+$0xF000] =	vst v3;
	s14 =	smul.u32 $0xA000, s20;
	v63 =	vadd.f32 v62, v61  }
0x26f: {  	s0 =	rddreg [dreg:$0x5];
	[tilespmem:s13+$0xF000] =	vst v1  }
0x270: {  	s0 =	sadd.s32 s0, s14;
	[tilespmem:s17+$0xF000] =	vst v63  }
0x271: {  	s0 =	sshrl.u32 s0, $0x3;
	s1 =	rddreg [dreg:$0x3];
	v0 =	vadd.f32 v7, v0  }
0x272: {  	s4 =	simm.s32 $0xF100;
	s0 =	sadd.s32 s1, s0  }
0x273: {  	s2 =	simm.s32 $0x10;
	s1 =	simm.s32 $0xF000;
	s5 =	sadd.s32 $0x0, s0;
	[tilespmem:s28+$0xF000] =	vst v0  }
.LBB2_21:
0x274: {  	[hbm4b:s5+s3] =	stream.linear.scatter [tilespmem:s1], [sflag:$0x3], $0x80, $0x38;
	[tilespmem:$0x19000] =	vst v63  }
0x275: {  	s5 =	smov.u32 s2;
	s1 =	smov.u32 s4;
	p0 =	sne.s32 s2, $0x9F0  }
.Ltmp9:
0x276: {  	s2 =	sadd.s32 $0x10, s2;
	(pc) =	sbr.rel @p0 .LBB2_21-.Ltmp9, $2  }
0x277: {  	_ =	sdelay $0x2  }
0x278: {  	s4 =	sadd.s32 $0x100, s4;
	s5 =	sadd.s32 s5, s0  }
0x279: {  	[hbm4b:s5+s3] =	stream.linear.scatter [tilespmem:s1], [sflag:$0x3], $0x80, $0x38;
	[tilespmem:$0x19000] =	vst v63  }
0x27a: {  	s0 =	rddreg [dreg:$0x15]  }
0x27b: {  	s0 =	sadd.s32 s14, s0  }
0x27c: {  	s31 =	rddreg [dreg:$0x0];
	s0 =	sshrl.u32 s0, $0x3  }
0x27d: {  	[dreg:$0x19] =	wrdreg s20;
	s1 =	simm.s32 $0x5000;
	s0 =	sadd.s32 s31, s0  }
0x27e: {  	s2 =	simm.s32 $0x10;
	s4 =	simm.s32 $0x5100;
	s5 =	sadd.s32 $0x0, s0  }
.LBB2_23:
0x27f: {  	[tilespmem:s1], [sflag:$0x1] =	stream.linear.gather [hbm4b:s5+s3], $0x80, $0x38;
	[tilespmem:$0x19000] =	vst v63  }
0x280: {  	s5 =	smov.u32 s2;
	s1 =	smov.u32 s4;
	p0 =	sne.s32 s2, $0x9F0  }
.Ltmp10:
0x281: {  	s2 =	sadd.s32 $0x10, s2;
	(pc) =	sbr.rel @p0 .LBB2_23-.Ltmp10, $2  }
0x282: {  	_ =	sdelay $0x2  }
0x283: {  	s4 =	sadd.s32 $0x100, s4;
	s5 =	sadd.s32 s5, s0  }
0x284: {  	[tilespmem:s1], [sflag:$0x1] =	stream.linear.gather [hbm4b:s5+s3], $0x80, $0x38;
	[tilespmem:$0x19000] =	vst v63  }
0x285: {  	s0 =	simm.s32 $0x2  }
0x286: {  	_ =	swait.ge [sflag:s0], $0x5000  }
0x287: {  	[sflag:s0] =	ssyncset.done $0x0  }
0x288: {  	s2 =	simm.s32 $0x4;
	[sflag:s0] =	ssyncadd.s32 $0xFFFFB000  }
0x289: {  	_ =	swait.ge [sflag:s2], $0x5000  }
0x28a: {  	s8 =	simm.s32 $0x0;
	s11 =	simm.s32 $0x0;
	[sflag:s2] =	ssyncset.done $0x0  }
0x28b: {  	s15 =	sand.u32 $0x70, s11;
	s12 =	sand.u32 $0xF00, s8;
	[sflag:s2] =	ssyncadd.s32 $0xFFFFB000  }
0x28c: {  	s13 =	sor.u32 s12, s15;
	v0 =	vld [tilespmem:s8+$0x0]  }
0x28d: {  	v1 =	vld [tilespmem:s13+$0x5080];
	_ =	sdelay $0x4  }
0x28e: {  	s16 =	simm.s32 $0x1000;
	v0 =	vadd.f32 v0, v1  }
0x28f: {  	s17 =	simm.s32 $0x800;
	s1 =	sand.u32 $0x1F00, s16  }
0x290: {  	s19 =	sand.u32 $0xF80, s17;
	s18 =	sor.u32 s1, s15;
	[tilespmem:s13+$0xF080] =	vst v0  }
0x291: {  	s1 =	sor.u32 s15, s19;
	v0 =	vld [tilespmem:s18+$0x5080]  }
0x292: {  	v1 =	vld [tilespmem:s1+$0x0];
	_ =	sdelay $0x4  }
0x293: {  	s20 =	simm.s32 $0x2000;
	v0 =	vadd.f32 v1, v0  }
0x294: {  	s25 =	simm.s32 $0x1000;
	s1 =	sand.u32 $0x2F00, s20  }
0x295: {  	s4 =	sand.u32 $0x1780, s25;
	s26 =	sor.u32 s1, s15;
	[tilespmem:s18+$0xF080] =	vst v0  }
0x296: {  	s1 =	sor.u32 s15, s4;
	v0 =	vld [tilespmem:s26+$0x5080]  }
0x297: {  	v1 =	vld [tilespmem:s1+$0x0];
	_ =	sdelay $0x2  }
0x298: {  	s5 =	simm.s32 $0x10;
	s25 =	simm.s32 $0x20  }
0x299: {  	s6 =	simm.s32 $0x10;
	s16 =	sand.u32 $0x70, s5;
	s7 =	sand.u32 $0xF00, s25  }
0x29a: {  	v2 =	vld [tilespmem:s6+$0x0];
	s8 =	simm.s32 $0x3000;
	s1 =	sor.u32 s7, s16;
	v0 =	vadd.f32 v1, v0  }
0x29b: {  	s2 =	sand.u32 $0x3F00, s8;
	s4 =	simm.s32 $0x1800;
	v1 =	vld [tilespmem:s1+$0x5080]  }
0x29c: {  	s11 =	sor.u32 s2, s15;
	s12 =	sand.u32 $0x1F80, s4;
	[tilespmem:s26+$0xF080] =	vst v0  }
0x29d: {  	s2 =	sor.u32 s15, s12;
	v0 =	vld [tilespmem:s11+$0x5080]  }
0x29e: {  	v3 =	vld [tilespmem:s2+$0x0];
	_ =	sdelay $0x1  }
0x29f: {  	s13 =	simm.s32 $0x1020;
	v1 =	vadd.f32 v2, v1  }
0x2a0: {  	s17 =	simm.s32 $0x810;
	s2 =	sand.u32 $0x1F00, s13  }
0x2a1: {  	s19 =	sand.u32 $0xF80, s17;
	s18 =	sor.u32 s2, s16;
	[tilespmem:s1+$0xF080] =	vst v1  }
0x2a2: {  	s20 =	simm.s32 $0x4000;
	s2 =	sor.u32 s16, s19;
	v1 =	vld [tilespmem:s18+$0x5080];
	v0 =	vadd.f32 v3, v0  }
0x2a3: {  	s4 =	sand.u32 $0x4F00, s20;
	s26 =	simm.s32 $0x2000;
	v2 =	vld [tilespmem:s2+$0x0]  }
0x2a4: {  	s5 =	sor.u32 s4, s15;
	s2 =	sand.u32 $0x2780, s26;
	[tilespmem:s11+$0xF080] =	vst v0  }
0x2a5: {  	s2 =	sor.u32 s15, s2;
	v0 =	vld [tilespmem:s5+$0x5080]  }
0x2a6: {  	v3 =	vld [tilespmem:s2+$0x0];
	_ =	sdelay $0x1  }
0x2a7: {  	s6 =	simm.s32 $0x2020;
	v1 =	vadd.f32 v2, v1  }
0x2a8: {  	s7 =	simm.s32 $0x1010;
	s2 =	sand.u32 $0x2F00, s6  }
0x2a9: {  	s11 =	sand.u32 $0x1780, s7;
	s8 =	sor.u32 s2, s16;
	[tilespmem:s18+$0xF080] =	vst v1  }
0x2aa: {  	s12 =	simm.s32 $0x5000;
	s2 =	sor.u32 s16, s11;
	v1 =	vld [tilespmem:s8+$0x5080];
	v0 =	vadd.f32 v3, v0  }
0x2ab: {  	s4 =	sand.u32 $0x5F00, s12;
	s13 =	simm.s32 $0x2800;
	v2 =	vld [tilespmem:s2+$0x0]  }
0x2ac: {  	s17 =	sor.u32 s4, s15;
	s2 =	sand.u32 $0x2F80, s13;
	[tilespmem:s5+$0xF080] =	vst v0  }
0x2ad: {  	s2 =	sor.u32 s15, s2;
	v0 =	vld [tilespmem:s17+$0x5080]  }
0x2ae: {  	s18 =	simm.s32 $0x20;
	s5 =	simm.s32 $0x40;
	v3 =	vld [tilespmem:s2+$0x0]  }
0x2af: {  	s19 =	simm.s32 $0x20;
	s12 =	sand.u32 $0x70, s18;
	s20 =	sand.u32 $0xF00, s5  }
0x2b0: {  	v4 =	vld [tilespmem:s19+$0x0];
	s7 =	simm.s32 $0x3020;
	s26 =	sor.u32 s20, s12;
	v1 =	vadd.f32 v2, v1  }
0x2b1: {  	s6 =	simm.s32 $0x1810;
	s4 =	sand.u32 $0x3F00, s7;
	v2 =	vld [tilespmem:s26+$0x5080]  }
0x2b2: {  	s1 =	sor.u32 s4, s16;
	[tilespmem:s8+$0xF080] =	vst v1;
	s8 =	sand.u32 $0x1F80, s6  }
0x2b3: {  	s11 =	simm.s32 $0x6000;
	v1 =	vld [tilespmem:s1+$0x5080];
	s4 =	sor.u32 s16, s8;
	v0 =	vadd.f32 v3, v0  }
0x2b4: {  	s13 =	simm.s32 $0x3000;
	s6 =	sand.u32 $0x6F00, s11;
	v3 =	vld [tilespmem:s4+$0x0]  }
0x2b5: {  	s4 =	sand.u32 $0x3780, s13;
	[tilespmem:s17+$0xF080] =	vst v0;
	s17 =	sor.u32 s6, s15  }
0x2b6: {  	s18 =	simm.s32 $0x1040;
	v0 =	vadd.f32 v4, v2;
	s4 =	sor.u32 s15, s4;
	v2 =	vld [tilespmem:s17+$0x5080]  }
0x2b7: {  	s7 =	simm.s32 $0x820;
	s6 =	sand.u32 $0x1F00, s18;
	v4 =	vld [tilespmem:s4+$0x0]  }
0x2b8: {  	s20 =	sand.u32 $0xF80, s7;
	s19 =	sor.u32 s6, s12;
	[tilespmem:s26+$0xF080] =	vst v0  }
0x2b9: {  	s4 =	sor.u32 s12, s20;
	s26 =	simm.s32 $0x4020;
	v0 =	vld [tilespmem:s19+$0x5080];
	v1 =	vadd.f32 v3, v1  }
0x2ba: {  	s7 =	simm.s32 $0x2010;
	s6 =	sand.u32 $0x4F00, s26;
	v3 =	vld [tilespmem:s4+$0x0]  }
0x2bb: {  	s4 =	sand.u32 $0x2780, s7;
	[tilespmem:s1+$0xF080] =	vst v1;
	s1 =	sor.u32 s6, s16  }
0x2bc: {  	s8 =	simm.s32 $0x7000;
	s4 =	sor.u32 s16, s4;
	v2 =	vadd.f32 v4, v2;
	v1 =	vld [tilespmem:s1+$0x5080]  }
0x2bd: {  	s11 =	simm.s32 $0x3800;
	s6 =	sand.u32 $0x7F00, s8;
	v4 =	vld [tilespmem:s4+$0x0]  }
0x2be: {  	s29 =	simm.s32 $0x60;
	s13 =	sand.u32 $0x3F80, s11;
	s7 =	sor.u32 s6, s15;
	[tilespmem:s17+$0xF080] =	vst v2  }
0x2bf: {  	s11 =	simm.s32 $0x5020;
	s0 =	sor.u32 s15, s13;
	s17 =	simm.s32 $0x2040;
	v0 =	vadd.f32 v3, v0;
	v2 =	vld [tilespmem:s7+$0x5080]  }
0x2c0: {  	s18 =	simm.s32 $0x1020;
	s8 =	simm.s32 $0x30;
	s4 =	sand.u32 $0x2F00, s17;
	v3 =	vld [tilespmem:s0+$0x0]  }
0x2c1: {  	s6 =	sand.u32 $0x1780, s18;
	s4 =	sor.u32 s4, s12;
	[tilespmem:s19+$0xF080] =	vst v0;
	s19 =	simm.s32 $0x30;
	v0 =	vld [tilespmem:s8+$0x0]  }
0x2c2: {  	s20 =	sand.u32 $0xF00, s29;
	s6 =	sor.u32 s12, s6;
	s2 =	sand.u32 $0x70, s19;
	v5 =	vld [tilespmem:s4+$0x5080];
	v1 =	vadd.f32 v4, v1  }
0x2c3: {  	s11 =	sand.u32 $0x5F00, s11;
	s26 =	simm.s32 $0x2810;
	v4 =	vld [tilespmem:s6+$0x0];
	s13 =	sor.u32 s20, s2  }
0x2c4: {  	s11 =	sor.u32 s11, s16;
	s17 =	sand.u32 $0x2F80, s26;
	v6 =	vld [tilespmem:s13+$0x5080];
	[tilespmem:s1+$0xF080] =	vst v1  }
0x2c5: {  	s31 =	simm.s32 $0x4820;
	s18 =	sor.u32 s16, s17;
	v1 =	vld [tilespmem:s11+$0x5080]  }
0x2c6: {  	s0 =	simm.s32 $0x4800;
	s26 =	simm.s32 $0x1060;
	s17 =	simm.s32 $0x8000;
	v2 =	vadd.f32 v3, v2;
	v7 =	vld [tilespmem:s18+$0x0]  }
0x2c7: {  	s17 =	sand.u32 $0x8F00, s17;
	s6 =	simm.s32 $0x4830;
	s18 =	simm.s32 $0x4000  }
0x2c8: {  	s20 =	simm.s32 $0x3040;
	[tilespmem:s7+$0xF080] =	vst v2;
	s7 =	sor.u32 s17, s15;
	s19 =	sand.u32 $0x4780, s18;
	v2 =	vadd.f32 v4, v5  }
0x2c9: {  	s18 =	sand.u32 $0x3F00, s20;
	v8 =	vld [tilespmem:s7+$0x5080];
	s17 =	sor.u32 s15, s19;
	s19 =	simm.s32 $0x1820  }
0x2ca: {  	s1 =	simm.s32 $0x4810;
	v9 =	vld [tilespmem:s17+$0x0];
	s20 =	sand.u32 $0x1F80, s19;
	v0 =	vadd.f32 v0, v6;
	[tilespmem:s4+$0xF080] =	vst v2;
	s4 =	sor.u32 s18, s12  }
0x2cb: {  	s17 =	sand.u32 $0x1F00, s26;
	s26 =	simm.s32 $0x6020;
	s18 =	sor.u32 s12, s20;
	v3 =	vld [tilespmem:s4+$0x5080];
	v1 =	vadd.f32 v7, v1  }
0x2cc: {  	s20 =	sand.u32 $0x6F00, s26;
	v4 =	vld [tilespmem:s18+$0x0];
	[tilespmem:s13+$0xF080] =	vst v0;
	s13 =	sor.u32 s17, s2;
	s17 =	simm.s32 $0x3010  }
0x2cd: {  	s26 =	simm.s32 $0x830;
	s28 =	sor.u32 s20, s16;
	v5 =	vld [tilespmem:s13+$0x5080];
	[tilespmem:s11+$0xF080] =	vst v1;
	s18 =	sand.u32 $0x3780, s17  }
0x2ce: {  	s19 =	sand.u32 $0xF80, s26;
	s26 =	simm.s32 $0x9000;
	v1 =	vld [tilespmem:s28+$0x5080];
	s20 =	sor.u32 s16, s18  }
0x2cf: {  	s26 =	sand.u32 $0x9F00, s26;
	s17 =	sor.u32 s2, s19;
	s11 =	simm.s32 $0x80;
	v0 =	vadd.f32 v9, v8;
	v2 =	vld [tilespmem:s20+$0x0]  }
.LBB2_25:
0x2d0: {  	p0 =	sne.s32 s11, $0xFE0  }
0x2d1: {  	v6 =	vld [tilespmem:s17+$0x0];
	[tilespmem:s7+$0xF080] =	vst v0;
	s7 =	sor.u32 s26, s15;
	s0 =	sand.u32 $0x4F80, s0;
	s17 =	sadd.s32 $0x4000, s5  }
0x2d2: {  	s18 =	sadd.s32 $0xFFFFD800, s31;
	v0 =	vadd.f32 v4, v3;
	v3 =	vld [tilespmem:s7+$0x5080];
	s15 =	sor.u32 s15, s0;
	s0 =	smov.u32 s1  }
0x2d3: {  	s8 =	sadd.s32 $0x10, s8;
	s17 =	sand.u32 $0x4F00, s17;
	s1 =	smov.u32 s31;
	v4 =	vld [tilespmem:s15+$0x0]  }
0x2d4: {  	s31 =	smov.u32 s6;
	s15 =	sand.u32 $0x2780, s18;
	[tilespmem:s4+$0xF080] =	vst v0;
	s4 =	sor.u32 s17, s12  }
0x2d5: {  	s18 =	sadd.s32 $0x7000, s25;
	s17 =	sor.u32 s12, s15;
	s15 =	smov.u32 s16;
	v0 =	vld [tilespmem:s4+$0x5080];
	v1 =	vadd.f32 v2, v1  }
0x2d6: {  	s18 =	sand.u32 $0x7F00, s18;
	s16 =	smov.u32 s12;
	v2 =	vld [tilespmem:s17+$0x0];
	s17 =	sadd.s32 $0xFFFFF000, s0  }
0x2d7: {  	s6 =	sadd.s32 $0x10, s6;
	s18 =	sor.u32 s18, s15;
	v5 =	vadd.f32 v6, v5;
	[tilespmem:s28+$0xF080] =	vst v1;
	s12 =	sand.u32 $0x3F80, s17  }
0x2d8: {  	s19 =	sadd.s32 $0x5000, s5;
	s17 =	sadd.s32 $0x2000, s29;
	v1 =	vld [tilespmem:s18+$0x5080];
	s12 =	sor.u32 s15, s12;
	v3 =	vadd.f32 v4, v3  }
0x2d9: {  	s20 =	smov.u32 s25;
	s17 =	sand.u32 $0x2F00, s17;
	[tilespmem:s13+$0xF080] =	vst v5;
	s13 =	sadd.s32 $0xFFFFC800, s31;
	v4 =	vld [tilespmem:s12+$0x0]  }
0x2da: {  	s12 =	sadd.s32 $0xFFFFB800, s6;
	s17 =	sor.u32 s17, s2;
	v5 =	vld [tilespmem:s8+$0x0];
	s13 =	sand.u32 $0x1780, s13;
	[tilespmem:s7+$0xF080] =	vst v3  }
0x2db: {  	s7 =	sand.u32 $0x70, s12;
	s12 =	sand.u32 $0xF00, s11;
	v3 =	vld [tilespmem:s17+$0x5080];
	s13 =	sor.u32 s2, s13;
	v0 =	vadd.f32 v2, v0  }
0x2dc: {  	s26 =	sor.u32 s12, s7;
	s12 =	sadd.s32 $0xFFFFE000, s1;
	v2 =	vld [tilespmem:s13+$0x0];
	s13 =	sand.u32 $0x5F00, s19  }
0x2dd: {  	v6 =	vld [tilespmem:s26+$0x5080];
	[tilespmem:s4+$0xF080] =	vst v0;
	s19 =	sor.u32 s13, s16;
	s4 =	sand.u32 $0x2F80, s12;
	s12 =	smov.u32 s2  }
0x2de: {  	s13 =	sadd.s32 $0x8000, s25;
	s2 =	smov.u32 s7;
	v0 =	vld [tilespmem:s19+$0x5080];
	s4 =	sor.u32 s16, s4;
	v1 =	vadd.f32 v4, v1  }
0x2df: {  	s28 =	sadd.s32 $0x1000, s11;
	s7 =	sand.u32 $0x8F00, s13;
	v4 =	vld [tilespmem:s4+$0x0];
	s4 =	sadd.s32 $0xFFFFF800, s0  }
0x2e0: {  	s25 =	smov.u32 s5;
	s7 =	sor.u32 s7, s15;
	[tilespmem:s18+$0xF080] =	vst v1;
	s4 =	sand.u32 $0x4780, s4  }
0x2e1: {  	s5 =	smov.u32 s29;
	s13 =	sadd.s32 $0x3000, s29;
	v1 =	vadd.f32 v2, v3;
	v2 =	vld [tilespmem:s7+$0x5080];
	s4 =	sor.u32 s15, s4  }
0x2e2: {  	s29 =	smov.u32 s11;
	s13 =	sand.u32 $0x3F00, s13;
	s18 =	sadd.s32 $0xFFFFD000, s31;
	v7 =	vld [tilespmem:s4+$0x0]  }
0x2e3: {  	v5 =	vadd.f32 v5, v6;
	s4 =	sor.u32 s13, s12;
	s13 =	sand.u32 $0x1F80, s18;
	[tilespmem:s17+$0xF080] =	vst v1;
	s17 =	sand.u32 $0x1F00, s28  }
.Ltmp11:
0x2e4: {  	s18 =	sor.u32 s12, s13;
	s28 =	sadd.s32 $0x6000, s25;
	v3 =	vld [tilespmem:s4+$0x5080];
	v0 =	vadd.f32 v4, v0;
	(pc) =	sbr.rel @p0 .LBB2_25-.Ltmp11, $4  }
0x2e5: {  	s13 =	sor.u32 s17, s2;
	s17 =	sadd.s32 $0xFFFFE800, s1;
	[tilespmem:s26+$0xF080] =	vst v5;
	v4 =	vld [tilespmem:s18+$0x0];
	s18 =	sand.u32 $0x6F00, s28  }
0x2e6: {  	s26 =	sadd.s32 $0xFFFFC000, s6;
	s17 =	sand.u32 $0x3780, s17;
	v5 =	vld [tilespmem:s13+$0x5080];
	[tilespmem:s19+$0xF080] =	vst v0;
	s28 =	sor.u32 s18, s16  }
0x2e7: {  	s20 =	sadd.s32 $0x9000, s20;
	s18 =	sand.u32 $0xF80, s26;
	s19 =	sor.u32 s16, s17;
	v1 =	vld [tilespmem:s28+$0x5080];
	v0 =	vadd.f32 v7, v2  }
0x2e8: {  	s11 =	sadd.s32 $0x20, s11;
	s26 =	sand.u32 $0x9F00, s20;
	s17 =	sor.u32 s2, s18;
	v2 =	vld [tilespmem:s19+$0x0]  }
0x2e9: {  	v6 =	vld [tilespmem:s17+$0x0];
	_ =	sdelay $0x4  }
0x2ea: {  	s8 =	sadd.s32 $0x2000, s29;
	v5 =	vadd.f32 v6, v5  }
0x2eb: {  	s11 =	sadd.s32 $0xFFFFC800, s6;
	s8 =	sand.u32 $0x2F00, s8  }
0x2ec: {  	s11 =	sand.u32 $0x1780, s11;
	s8 =	sor.u32 s8, s2;
	[tilespmem:s13+$0xF080] =	vst v5  }
0x2ed: {  	s11 =	sor.u32 s2, s11;
	v5 =	vld [tilespmem:s8+$0x5080]  }
0x2ee: {  	v31 =	vld [tilespmem:s11+$0x0];
	_ =	sdelay $0x4  }
0x2ef: {  	s13 =	sadd.s32 $0x3000, s29;
	v5 =	vadd.f32 v31, v5  }
0x2f0: {  	s17 =	sadd.s32 $0xFFFFD000, s6;
	s11 =	sand.u32 $0x3F00, s13  }
0x2f1: {  	s18 =	sand.u32 $0x1F80, s17;
	[tilespmem:s8+$0xF080] =	vst v5;
	s8 =	sor.u32 s11, s2  }
0x2f2: {  	s11 =	sor.u32 s2, s18;
	v5 =	vld [tilespmem:s8+$0x5080]  }
0x2f3: {  	v32 =	vld [tilespmem:s11+$0x0];
	_ =	sdelay $0x1  }
0x2f4: {  	s20 =	sadd.s32 $0x4000, s5;
	v3 =	vadd.f32 v4, v3  }
0x2f5: {  	s19 =	sadd.s32 $0xFFFFD800, s31;
	s13 =	sand.u32 $0x4F00, s20  }
0x2f6: {  	[tilespmem:s4+$0xF080] =	vst v3;
	s13 =	sor.u32 s13, s12;
	s11 =	sand.u32 $0x2780, s19  }
0x2f7: {  	s17 =	sadd.s32 $0x4000, s29;
	v35 =	vld [tilespmem:s13+$0x5080];
	s11 =	sor.u32 s12, s11;
	v33 =	vadd.f32 v32, v5  }
0x2f8: {  	s18 =	sadd.s32 $0xFFFFD800, s6;
	v34 =	vld [tilespmem:s11+$0x0];
	s11 =	sand.u32 $0x4F00, s17  }
0x2f9: {  	s4 =	sand.u32 $0x2780, s18;
	[tilespmem:s8+$0xF080] =	vst v33;
	s8 =	sor.u32 s11, s2  }
0x2fa: {  	s4 =	sor.u32 s2, s4;
	v3 =	vld [tilespmem:s8+$0x5080]  }
0x2fb: {  	v36 =	vld [tilespmem:s4+$0x0];
	_ =	sdelay $0x1  }
0x2fc: {  	s19 =	sadd.s32 $0xFFFFE000, s31;
	v4 =	vadd.f32 v34, v35  }
0x2fd: {  	s20 =	sadd.s32 $0x5000, s5;
	s4 =	sand.u32 $0x2F80, s19  }
0x2fe: {  	s11 =	sand.u32 $0x5F00, s20;
	[tilespmem:s13+$0xF080] =	vst v4;
	s4 =	sor.u32 s12, s4  }
0x2ff: {  	s17 =	sadd.s32 $0x5000, s29;
	s11 =	sor.u32 s11, s12;
	v4 =	vld [tilespmem:s4+$0x0];
	v3 =	vadd.f32 v36, v3  }
0x300: {  	s18 =	sadd.s32 $0xFFFFE000, s6;
	s13 =	sand.u32 $0x5F00, s17;
	v37 =	vld [tilespmem:s11+$0x5080]  }
0x301: {  	s4 =	sand.u32 $0x2F80, s18;
	[tilespmem:s8+$0xF080] =	vst v3;
	s8 =	sor.u32 s13, s2  }
0x302: {  	s4 =	sor.u32 s2, s4;
	v3 =	vld [tilespmem:s8+$0x5080]  }
0x303: {  	v38 =	vld [tilespmem:s4+$0x0];
	_ =	sdelay $0x1  }
0x304: {  	s19 =	sadd.s32 $0xFFFFE800, s31;
	v4 =	vadd.f32 v4, v37  }
0x305: {  	s20 =	sadd.s32 $0x6000, s5;
	s4 =	sand.u32 $0x3780, s19  }
0x306: {  	s13 =	sand.u32 $0x6F00, s20;
	[tilespmem:s11+$0xF080] =	vst v4;
	s4 =	sor.u32 s12, s4  }
0x307: {  	s17 =	sadd.s32 $0x6000, s29;
	s13 =	sor.u32 s13, s12;
	v4 =	vld [tilespmem:s4+$0x0];
	v3 =	vadd.f32 v38, v3  }
0x308: {  	s18 =	sadd.s32 $0xFFFFE800, s6;
	s11 =	sand.u32 $0x6F00, s17;
	v39 =	vld [tilespmem:s13+$0x5080]  }
0x309: {  	s4 =	sand.u32 $0x3780, s18;
	[tilespmem:s8+$0xF080] =	vst v3;
	s8 =	sor.u32 s11, s2  }
0x30a: {  	s4 =	sor.u32 s2, s4;
	v3 =	vld [tilespmem:s8+$0x5080]  }
0x30b: {  	v1 =	vadd.f32 v2, v1;
	s20 =	sadd.s32 $0x7000, s25;
	v40 =	vld [tilespmem:s4+$0x0]  }
0x30c: {  	s19 =	sadd.s32 $0xFFFFF000, s1;
	s11 =	sand.u32 $0x7F00, s20  }
0x30d: {  	[tilespmem:s28+$0xF080] =	vst v1;
	s28 =	sadd.s32 $0xFFFFF000, s31;
	v41 =	vadd.f32 v4, v39;
	s4 =	sand.u32 $0x3F80, s19;
	s11 =	sor.u32 s11, s16  }
0x30e: {  	s17 =	sand.u32 $0x3F80, s28;
	s18 =	sadd.s32 $0x7000, s5;
	s4 =	sor.u32 s16, s4;
	v43 =	vld [tilespmem:s11+$0x5080]  }
0x30f: {  	s19 =	sor.u32 s12, s17;
	[tilespmem:s13+$0xF080] =	vst v41;
	v42 =	vld [tilespmem:s4+$0x0];
	s4 =	sand.u32 $0x7F00, s18  }
0x310: {  	s20 =	sadd.s32 $0x7000, s29;
	v45 =	vld [tilespmem:s19+$0x0];
	s4 =	sor.u32 s4, s12;
	v44 =	vadd.f32 v40, v3  }
0x311: {  	s28 =	sadd.s32 $0xFFFFF000, s6;
	s17 =	sand.u32 $0x7F00, s20;
	v46 =	vld [tilespmem:s4+$0x5080]  }
0x312: {  	s13 =	sand.u32 $0x3F80, s28;
	[tilespmem:s8+$0xF080] =	vst v44;
	s8 =	sor.u32 s17, s2  }
0x313: {  	s13 =	sor.u32 s2, s13;
	v1 =	vld [tilespmem:s8+$0x5080]  }
0x314: {  	v2 =	vadd.f32 v42, v43;
	s17 =	sadd.s32 $0xFFFFF800, s1;
	v47 =	vld [tilespmem:s13+$0x0]  }
0x315: {  	s18 =	sadd.s32 $0x8000, s25;
	s13 =	sand.u32 $0x4780, s17  }
0x316: {  	s20 =	sadd.s32 $0xFFFFF800, s31;
	s17 =	sand.u32 $0x8F00, s18;
	[tilespmem:s11+$0xF080] =	vst v2;
	s19 =	sor.u32 s16, s13;
	v48 =	vadd.f32 v45, v46  }
0x317: {  	s28 =	sadd.s32 $0x8000, s5;
	s17 =	sor.u32 s17, s16;
	s13 =	sand.u32 $0x4780, s20;
	v49 =	vld [tilespmem:s19+$0x0]  }
0x318: {  	s11 =	sand.u32 $0x8F00, s28;
	v50 =	vld [tilespmem:s17+$0x5080];
	s18 =	sor.u32 s12, s13;
	[tilespmem:s4+$0xF080] =	vst v48  }
0x319: {  	s19 =	sadd.s32 $0x8000, s29;
	s11 =	sor.u32 s11, s12;
	v2 =	vld [tilespmem:s18+$0x0];
	v1 =	vadd.f32 v47, v1  }
0x31a: {  	s20 =	sadd.s32 $0xFFFFF800, s6;
	s13 =	sand.u32 $0x8F00, s19;
	v51 =	vld [tilespmem:s11+$0x5080]  }
0x31b: {  	s4 =	sand.u32 $0x4780, s20;
	[tilespmem:s8+$0xF080] =	vst v1;
	s8 =	sor.u32 s13, s2  }
0x31c: {  	s0 =	sand.u32 $0x4F80, s0;
	s4 =	sor.u32 s2, s4;
	v52 =	vld [tilespmem:s8+$0x5080]  }
0x31d: {  	[tilespmem:s7+$0xF080] =	vst v0;
	s0 =	sor.u32 s15, s0;
	s28 =	sadd.s32 $0x9000, s25;
	v54 =	vadd.f32 v49, v50;
	v53 =	vld [tilespmem:s4+$0x0]  }
0x31e: {  	v56 =	vld [tilespmem:s0+$0x0];
	s7 =	sand.u32 $0x9F00, s28;
	s4 =	sor.u32 s26, s15  }
0x31f: {  	s13 =	sor.u32 s7, s16;
	s15 =	sand.u32 $0x4F80, s1;
	v55 =	vld [tilespmem:s4+$0x5080];
	[tilespmem:s17+$0xF080] =	vst v54;
	v57 =	vadd.f32 v2, v51;
	s17 =	sadd.s32 $0x9000, s5  }
0x320: {  	s1 =	sor.u32 s16, s15;
	v58 =	vld [tilespmem:s13+$0x5080];
	s5 =	sand.u32 $0x9F00, s17  }
0x321: {  	s19 =	sand.u32 $0x4F80, s31;
	v59 =	vld [tilespmem:s1+$0x0];
	[tilespmem:s11+$0xF080] =	vst v57;
	s18 =	sor.u32 s5, s12  }
0x322: {  	s20 =	sadd.s32 $0x9000, s29;
	s5 =	sor.u32 s12, s19;
	v61 =	vld [tilespmem:s18+$0x5080];
	v60 =	vadd.f32 v53, v52  }
0x323: {  	s7 =	sand.u32 $0x9F00, s20;
	v62 =	vld [tilespmem:s5+$0x0]  }
0x324: {  	s25 =	sor.u32 s7, s2;
	s26 =	sand.u32 $0x4F80, s6;
	[tilespmem:s8+$0xF080] =	vst v60  }
0x325: {  	s28 =	sor.u32 s2, s26;
	v0 =	vld [tilespmem:s25+$0x5080]  }
0x326: {  	v3 =	vadd.f32 v56, v55;
	v7 =	vld [tilespmem:s28+$0x0]  }
0x327: {  	v1 =	vadd.f32 v59, v58  }
0x328: {  	[tilespmem:s4+$0xF080] =	vst v3;
	v63 =	vadd.f32 v62, v61  }
0x329: {  	s29 =	rddreg [dreg:$0x16];
	[tilespmem:s13+$0xF080] =	vst v1  }
0x32a: {  	s2 =	sadd.s32 s14, s29;
	[tilespmem:s18+$0xF080] =	vst v63  }
0x32b: {  	s31 =	sshrl.u32 s2, $0x3;
	s1 =	rddreg [dreg:$0x3];
	v0 =	vadd.f32 v7, v0  }
0x32c: {  	s4 =	simm.s32 $0xF180;
	s0 =	sadd.s32 s1, s31  }
0x32d: {  	s2 =	simm.s32 $0x10;
	s1 =	simm.s32 $0xF080;
	s5 =	sadd.s32 $0x0, s0;
	[tilespmem:s25+$0xF080] =	vst v0  }
.LBB2_27:
0x32e: {  	[hbm4b:s5+s3] =	stream.linear.scatter [tilespmem:s1], [sflag:$0x4], $0x80, $0x38;
	[tilespmem:$0x19000] =	vst v63  }
0x32f: {  	s5 =	smov.u32 s2;
	s1 =	smov.u32 s4;
	p0 =	sne.s32 s2, $0x9F0  }
.Ltmp12:
0x330: {  	s2 =	sadd.s32 $0x10, s2;
	(pc) =	sbr.rel @p0 .LBB2_27-.Ltmp12, $2  }
0x331: {  	_ =	sdelay $0x2  }
0x332: {  	s4 =	sadd.s32 $0x100, s4;
	s5 =	sadd.s32 s5, s0  }
0x333: {  	[hbm4b:s5+s3] =	stream.linear.scatter [tilespmem:s1], [sflag:$0x4], $0x80, $0x38;
	[tilespmem:$0x19000] =	vst v63  }
0x334: {  	s0 =	rddreg [dreg:$0x17]  }
0x335: {  	s0 =	sadd.s32 s14, s0  }
0x336: {  	s31 =	rddreg [dreg:$0x0];
	s0 =	sshrl.u32 s0, $0x3  }
0x337: {  	s1 =	simm.s32 $0x5080;
	s2 =	simm.s32 $0x10;
	s0 =	sadd.s32 s31, s0  }
0x338: {  	s4 =	simm.s32 $0x5180;
	s20 =	rddreg [dreg:$0x19];
	s5 =	sadd.s32 $0x0, s0  }
.LBB2_29:
0x339: {  	[tilespmem:s1], [sflag:$0x2] =	stream.linear.gather [hbm4b:s5+s3], $0x80, $0x38;
	[tilespmem:$0x19000] =	vst v63  }
0x33a: {  	s5 =	smov.u32 s2;
	s1 =	smov.u32 s4;
	p0 =	sne.s32 s2, $0x9F0  }
.Ltmp13:
0x33b: {  	s2 =	sadd.s32 $0x10, s2;
	(pc) =	sbr.rel @p0 .LBB2_29-.Ltmp13, $2  }
0x33c: {  	_ =	sdelay $0x2  }
0x33d: {  	s4 =	sadd.s32 $0x100, s4;
	s5 =	sadd.s32 s5, s0  }
0x33e: {  	s20 =	sadd.s32 $0x1, s20  }
0x33f: {  	p0 =	sne.s32 s20, $0x18  }
.Ltmp14:
0x340: {  	_ = 	snop;
	(pc) =	sbr.rel @p0 .LBB2_18-.Ltmp14, $2  }
0x341: {  	_ =	sdelay $0x2  }
0x342: {  	[tilespmem:s1], [sflag:$0x2] =	stream.linear.gather [hbm4b:s5+s3], $0x80, $0x38;
	[tilespmem:$0x19000] =	vst v63  }
0x343: {  	s0 =	simm.s32 $0x1  }
0x344: {  	_ =	swait.ge [sflag:s0], $0x5000  }
0x345: {  	[sflag:s0] =	ssyncset.done $0x0  }
0x346: {  	s2 =	simm.s32 $0x3;
	[sflag:s0] =	ssyncadd.s32 $0xFFFFB000  }
0x347: {  	_ =	swait.ge [sflag:s2], $0x5000  }
0x348: {  	s5 =	simm.s32 $0x0;
	s1 =	simm.s32 $0x0;
	[sflag:s2] =	ssyncset.done $0x0  }
0x349: {  	s13 =	sand.u32 $0x70, s1;
	s6 =	sand.u32 $0xF00, s5;
	[sflag:s2] =	ssyncadd.s32 $0xFFFFB000  }
0x34a: {  	s7 =	sor.u32 s13, s6;
	v0 =	vld [tilespmem:s5+$0x0]  }
0x34b: {  	v1 =	vld [tilespmem:s7+$0x5000];
	_ =	sdelay $0x4  }
0x34c: {  	s8 =	simm.s32 $0x1000;
	v0 =	vadd.f32 v0, v1  }
0x34d: {  	s11 =	simm.s32 $0x800;
	s1 =	sand.u32 $0x1F00, s8  }
0x34e: {  	s14 =	sand.u32 $0xF80, s11;
	s12 =	sor.u32 s13, s1;
	[tilespmem:s7+$0xF000] =	vst v0  }
0x34f: {  	s1 =	sor.u32 s13, s14;
	v0 =	vld [tilespmem:s12+$0x5000]  }
0x350: {  	v1 =	vld [tilespmem:s1+$0x0];
	_ =	sdelay $0x4  }
0x351: {  	s15 =	simm.s32 $0x2000;
	v0 =	vadd.f32 v1, v0  }
0x352: {  	s16 =	simm.s32 $0x1000;
	s1 =	sand.u32 $0x2F00, s15  }
0x353: {  	s18 =	sand.u32 $0x1780, s16;
	s17 =	sor.u32 s13, s1;
	[tilespmem:s12+$0xF000] =	vst v0  }
0x354: {  	s1 =	sor.u32 s13, s18;
	v0 =	vld [tilespmem:s17+$0x5000]  }
0x355: {  	v1 =	vld [tilespmem:s1+$0x0];
	_ =	sdelay $0x2  }
0x356: {  	s19 =	simm.s32 $0x10;
	s15 =	simm.s32 $0x20  }
0x357: {  	s20 =	simm.s32 $0x10;
	s14 =	sand.u32 $0x70, s19;
	s25 =	sand.u32 $0xF00, s15  }
0x358: {  	s26 =	simm.s32 $0x3000;
	v2 =	vld [tilespmem:s20+$0x0];
	s1 =	sor.u32 s14, s25;
	v0 =	vadd.f32 v1, v0  }
0x359: {  	s4 =	simm.s32 $0x1800;
	s2 =	sand.u32 $0x3F00, s26;
	v1 =	vld [tilespmem:s1+$0x5000]  }
0x35a: {  	s4 =	sand.u32 $0x1F80, s4;
	s31 =	sor.u32 s13, s2;
	[tilespmem:s17+$0xF000] =	vst v0  }
0x35b: {  	s2 =	sor.u32 s13, s4;
	v0 =	vld [tilespmem:s31+$0x5000]  }
0x35c: {  	v3 =	vld [tilespmem:s2+$0x0];
	_ =	sdelay $0x1  }
0x35d: {  	s5 =	simm.s32 $0x1020;
	v1 =	vadd.f32 v2, v1  }
0x35e: {  	s6 =	simm.s32 $0x810;
	s2 =	sand.u32 $0x1F00, s5  }
0x35f: {  	s8 =	sand.u32 $0xF80, s6;
	s7 =	sor.u32 s14, s2;
	[tilespmem:s1+$0xF000] =	vst v1  }
0x360: {  	s11 =	simm.s32 $0x4000;
	s2 =	sor.u32 s14, s8;
	v1 =	vld [tilespmem:s7+$0x5000];
	v0 =	vadd.f32 v3, v0  }
0x361: {  	s4 =	sand.u32 $0x4F00, s11;
	s12 =	simm.s32 $0x2000;
	v2 =	vld [tilespmem:s2+$0x0]  }
0x362: {  	s16 =	sor.u32 s13, s4;
	s2 =	sand.u32 $0x2780, s12;
	[tilespmem:s31+$0xF000] =	vst v0  }
0x363: {  	s2 =	sor.u32 s13, s2;
	v0 =	vld [tilespmem:s16+$0x5000]  }
0x364: {  	v3 =	vld [tilespmem:s2+$0x0];
	_ =	sdelay $0x1  }
0x365: {  	s17 =	simm.s32 $0x2020;
	v1 =	vadd.f32 v2, v1  }
0x366: {  	s18 =	simm.s32 $0x1010;
	s2 =	sand.u32 $0x2F00, s17  }
0x367: {  	s20 =	sand.u32 $0x1780, s18;
	s19 =	sor.u32 s14, s2;
	[tilespmem:s7+$0xF000] =	vst v1  }
0x368: {  	s25 =	simm.s32 $0x5000;
	s2 =	sor.u32 s14, s20;
	v1 =	vld [tilespmem:s19+$0x5000];
	v0 =	vadd.f32 v3, v0  }
0x369: {  	s26 =	simm.s32 $0x2800;
	s4 =	sand.u32 $0x5F00, s25;
	v2 =	vld [tilespmem:s2+$0x0]  }
0x36a: {  	s31 =	sor.u32 s13, s4;
	s2 =	sand.u32 $0x2F80, s26;
	[tilespmem:s16+$0xF000] =	vst v0  }
0x36b: {  	s2 =	sor.u32 s13, s2;
	v0 =	vld [tilespmem:s31+$0x5000]  }
0x36c: {  	s6 =	simm.s32 $0x20;
	s5 =	simm.s32 $0x40;
	v3 =	vld [tilespmem:s2+$0x0]  }
0x36d: {  	s8 =	sand.u32 $0xF00, s5;
	s12 =	sand.u32 $0x70, s6;
	s7 =	simm.s32 $0x20  }
0x36e: {  	s11 =	sor.u32 s12, s8;
	v4 =	vld [tilespmem:s7+$0x0];
	s16 =	simm.s32 $0x3020;
	v1 =	vadd.f32 v2, v1  }
0x36f: {  	s6 =	simm.s32 $0x1810;
	s4 =	sand.u32 $0x3F00, s16;
	v2 =	vld [tilespmem:s11+$0x5000]  }
0x370: {  	s18 =	sand.u32 $0x1F80, s6;
	s17 =	sor.u32 s14, s4;
	[tilespmem:s19+$0xF000] =	vst v1  }
0x371: {  	s4 =	sor.u32 s14, s18;
	s19 =	simm.s32 $0x6000;
	v1 =	vld [tilespmem:s17+$0x5000];
	v0 =	vadd.f32 v3, v0  }
0x372: {  	s20 =	simm.s32 $0x3000;
	v3 =	vld [tilespmem:s4+$0x0];
	s6 =	sand.u32 $0x6F00, s19  }
0x373: {  	s4 =	sand.u32 $0x3780, s20;
	s25 =	sor.u32 s13, s6;
	[tilespmem:s31+$0xF000] =	vst v0  }
0x374: {  	s26 =	simm.s32 $0x1040;
	s4 =	sor.u32 s13, s4;
	v0 =	vadd.f32 v4, v2;
	v2 =	vld [tilespmem:s25+$0x5000]  }
0x375: {  	s7 =	simm.s32 $0x820;
	s6 =	sand.u32 $0x1F00, s26;
	v4 =	vld [tilespmem:s4+$0x0]  }
0x376: {  	s7 =	sand.u32 $0xF80, s7;
	s31 =	sor.u32 s12, s6;
	[tilespmem:s11+$0xF000] =	vst v0  }
0x377: {  	s8 =	simm.s32 $0x4020;
	s4 =	sor.u32 s12, s7;
	v0 =	vld [tilespmem:s31+$0x5000];
	v1 =	vadd.f32 v3, v1  }
0x378: {  	s6 =	sand.u32 $0x4F00, s8;
	s11 =	simm.s32 $0x2010;
	v3 =	vld [tilespmem:s4+$0x0]  }
0x379: {  	s1 =	sor.u32 s14, s6;
	s4 =	sand.u32 $0x2780, s11;
	[tilespmem:s17+$0xF000] =	vst v1  }
0x37a: {  	s16 =	simm.s32 $0x7000;
	s4 =	sor.u32 s14, s4;
	v1 =	vld [tilespmem:s1+$0x5000];
	v2 =	vadd.f32 v4, v2  }
0x37b: {  	s6 =	sand.u32 $0x7F00, s16;
	s17 =	simm.s32 $0x3800;
	v4 =	vld [tilespmem:s4+$0x0]  }
0x37c: {  	s19 =	simm.s32 $0x2040;
	s7 =	sor.u32 s13, s6;
	s18 =	sand.u32 $0x3F80, s17;
	[tilespmem:s25+$0xF000] =	vst v2  }
0x37d: {  	s20 =	simm.s32 $0x1020;
	s8 =	simm.s32 $0x30;
	s0 =	sor.u32 s13, s18;
	v0 =	vadd.f32 v3, v0;
	v2 =	vld [tilespmem:s7+$0x5000]  }
0x37e: {  	s16 =	simm.s32 $0x60;
	s6 =	sand.u32 $0x1780, s20;
	s4 =	sand.u32 $0x2F00, s19;
	v3 =	vld [tilespmem:s0+$0x0]  }
0x37f: {  	s26 =	sand.u32 $0xF00, s16;
	s4 =	sor.u32 s12, s4;
	s25 =	simm.s32 $0x30;
	[tilespmem:s31+$0xF000] =	vst v0;
	v0 =	vld [tilespmem:s8+$0x0]  }
0x380: {  	s11 =	simm.s32 $0x5020;
	s6 =	sor.u32 s12, s6;
	s2 =	sand.u32 $0x70, s25;
	v5 =	vld [tilespmem:s4+$0x5000];
	v1 =	vadd.f32 v4, v1  }
0x381: {  	s11 =	sand.u32 $0x5F00, s11;
	s17 =	sor.u32 s2, s26;
	s31 =	simm.s32 $0x2810;
	v4 =	vld [tilespmem:s6+$0x0]  }
0x382: {  	s11 =	sor.u32 s14, s11;
	v6 =	vld [tilespmem:s17+$0x5000];
	s18 =	sand.u32 $0x2F80, s31;
	[tilespmem:s1+$0xF000] =	vst v1  }
0x383: {  	s0 =	simm.s32 $0x4800;
	s19 =	sor.u32 s14, s18;
	v1 =	vld [tilespmem:s11+$0x5000]  }
0x384: {  	s25 =	simm.s32 $0x4820;
	s26 =	simm.s32 $0x3040;
	s18 =	simm.s32 $0x8000;
	v2 =	vadd.f32 v3, v2;
	v7 =	vld [tilespmem:s19+$0x0]  }
0x385: {  	s6 =	simm.s32 $0x4830;
	s18 =	sand.u32 $0x8F00, s18;
	s19 =	simm.s32 $0x4000  }
0x386: {  	s31 =	simm.s32 $0x1060;
	s20 =	sand.u32 $0x4780, s19;
	[tilespmem:s7+$0xF000] =	vst v2;
	s7 =	sor.u32 s13, s18;
	v2 =	vadd.f32 v4, v5  }
0x387: {  	s19 =	sand.u32 $0x3F00, s26;
	s18 =	sor.u32 s13, s20;
	s20 =	simm.s32 $0x1820;
	v8 =	vld [tilespmem:s7+$0x5000]  }
0x388: {  	s1 =	simm.s32 $0x4810;
	v0 =	vadd.f32 v0, v6;
	v9 =	vld [tilespmem:s18+$0x0];
	s26 =	sand.u32 $0x1F80, s20;
	[tilespmem:s4+$0xF000] =	vst v2;
	s4 =	sor.u32 s12, s19  }
0x389: {  	s18 =	sand.u32 $0x1F00, s31;
	s31 =	simm.s32 $0x6020;
	s19 =	sor.u32 s12, s26;
	v3 =	vld [tilespmem:s4+$0x5000];
	v1 =	vadd.f32 v7, v1  }
0x38a: {  	[tilespmem:s17+$0xF000] =	vst v0;
	s29 =	sor.u32 s2, s18;
	s26 =	sand.u32 $0x6F00, s31;
	v4 =	vld [tilespmem:s19+$0x0];
	s19 =	simm.s32 $0x3010  }
0x38b: {  	s31 =	simm.s32 $0x830;
	v5 =	vld [tilespmem:s29+$0x5000];
	s28 =	sor.u32 s14, s26;
	s18 =	sand.u32 $0x3780, s19;
	[tilespmem:s11+$0xF000] =	vst v1  }
0x38c: {  	s20 =	sand.u32 $0xF80, s31;
	s31 =	simm.s32 $0x9000;
	s26 =	sor.u32 s14, s18;
	v1 =	vld [tilespmem:s28+$0x5000]  }
0x38d: {  	s17 =	sor.u32 s2, s20;
	s11 =	simm.s32 $0x80;
	v0 =	vadd.f32 v9, v8;
	v2 =	vld [tilespmem:s26+$0x0];
	s26 =	sand.u32 $0x9F00, s31  }
.LBB2_32:
0x38e: {  	p0 =	sne.s32 s11, $0xFE0  }
0x38f: {  	v6 =	vld [tilespmem:s17+$0x0];
	[tilespmem:s7+$0xF000] =	vst v0;
	s7 =	sor.u32 s13, s26;
	s0 =	sand.u32 $0x4F80, s0;
	s17 =	sadd.s32 $0x4000, s5  }
0x390: {  	s18 =	sadd.s32 $0xFFFFD800, s25;
	v0 =	vadd.f32 v4, v3;
	v3 =	vld [tilespmem:s7+$0x5000];
	s13 =	sor.u32 s13, s0;
	s0 =	smov.u32 s1  }
0x391: {  	s8 =	sadd.s32 $0x10, s8;
	s17 =	sand.u32 $0x4F00, s17;
	s1 =	smov.u32 s25;
	v4 =	vld [tilespmem:s13+$0x0]  }
0x392: {  	s25 =	smov.u32 s6;
	s13 =	sand.u32 $0x2780, s18;
	[tilespmem:s4+$0xF000] =	vst v0;
	s4 =	sor.u32 s12, s17  }
0x393: {  	s18 =	sadd.s32 $0x7000, s15;
	s17 =	sor.u32 s12, s13;
	s13 =	smov.u32 s14;
	v0 =	vld [tilespmem:s4+$0x5000];
	v1 =	vadd.f32 v2, v1  }
0x394: {  	s18 =	sand.u32 $0x7F00, s18;
	s14 =	smov.u32 s12;
	v2 =	vld [tilespmem:s17+$0x0];
	s17 =	sadd.s32 $0xFFFFF000, s0  }
0x395: {  	s6 =	sadd.s32 $0x10, s6;
	s18 =	sor.u32 s13, s18;
	v5 =	vadd.f32 v6, v5;
	[tilespmem:s28+$0xF000] =	vst v1;
	s12 =	sand.u32 $0x3F80, s17  }
0x396: {  	s19 =	sadd.s32 $0xFFFFC800, s25;
	s17 =	sadd.s32 $0x2000, s16;
	v1 =	vld [tilespmem:s18+$0x5000];
	s12 =	sor.u32 s13, s12;
	v3 =	vadd.f32 v4, v3  }
0x397: {  	s20 =	sadd.s32 $0x5000, s5;
	s19 =	sand.u32 $0x1780, s19;
	s17 =	sand.u32 $0x2F00, s17;
	[tilespmem:s29+$0xF000] =	vst v5;
	v4 =	vld [tilespmem:s12+$0x0]  }
0x398: {  	s19 =	sor.u32 s2, s19;
	s12 =	sadd.s32 $0xFFFFB800, s6;
	s17 =	sor.u32 s2, s17;
	v5 =	vld [tilespmem:s8+$0x0];
	[tilespmem:s7+$0xF000] =	vst v3  }
0x399: {  	s28 =	sadd.s32 $0xFFFFD000, s25;
	s7 =	sand.u32 $0x70, s12;
	s12 =	sand.u32 $0xF00, s11;
	v3 =	vld [tilespmem:s17+$0x5000];
	v0 =	vadd.f32 v2, v0  }
0x39a: {  	s26 =	sor.u32 s7, s12;
	s12 =	sadd.s32 $0xFFFFE000, s1;
	v2 =	vld [tilespmem:s19+$0x0];
	s19 =	sand.u32 $0x5F00, s20  }
0x39b: {  	v6 =	vld [tilespmem:s26+$0x5000];
	[tilespmem:s4+$0xF000] =	vst v0;
	s19 =	sor.u32 s14, s19;
	s4 =	sand.u32 $0x2F80, s12;
	s12 =	smov.u32 s2  }
0x39c: {  	s20 =	sadd.s32 $0x8000, s15;
	s2 =	smov.u32 s7;
	v0 =	vld [tilespmem:s19+$0x5000];
	s4 =	sor.u32 s14, s4;
	v1 =	vadd.f32 v4, v1  }
0x39d: {  	s7 =	sand.u32 $0x8F00, s20;
	s20 =	smov.u32 s15;
	v4 =	vld [tilespmem:s4+$0x0];
	s4 =	sadd.s32 $0xFFFFF800, s0  }
0x39e: {  	s15 =	smov.u32 s5;
	s7 =	sor.u32 s13, s7;
	[tilespmem:s18+$0xF000] =	vst v1;
	s4 =	sand.u32 $0x4780, s4  }
0x39f: {  	s5 =	smov.u32 s16;
	s18 =	sadd.s32 $0x3000, s16;
	v1 =	vadd.f32 v2, v3;
	v2 =	vld [tilespmem:s7+$0x5000];
	s4 =	sor.u32 s13, s4  }
0x3a0: {  	s29 =	sadd.s32 $0x1000, s11;
	s16 =	smov.u32 s11;
	s18 =	sand.u32 $0x3F00, s18;
	v7 =	vld [tilespmem:s4+$0x0]  }
0x3a1: {  	v5 =	vadd.f32 v5, v6;
	s4 =	sor.u32 s12, s18;
	s18 =	sand.u32 $0x1F00, s29;
	[tilespmem:s17+$0xF000] =	vst v1;
	s17 =	sand.u32 $0x1F80, s28  }
.Ltmp15:
0x3a2: {  	s28 =	sadd.s32 $0x6000, s15;
	v3 =	vld [tilespmem:s4+$0x5000];
	s17 =	sor.u32 s12, s17;
	v0 =	vadd.f32 v4, v0;
	(pc) =	sbr.rel @p0 .LBB2_32-.Ltmp15, $4  }
0x3a3: {  	s29 =	sor.u32 s2, s18;
	s18 =	sand.u32 $0x6F00, s28;
	[tilespmem:s26+$0xF000] =	vst v5;
	v4 =	vld [tilespmem:s17+$0x0];
	s17 =	sadd.s32 $0xFFFFE800, s1  }
0x3a4: {  	s26 =	sadd.s32 $0xFFFFC000, s6;
	s28 =	sor.u32 s14, s18;
	v5 =	vld [tilespmem:s29+$0x5000];
	[tilespmem:s19+$0xF000] =	vst v0;
	s17 =	sand.u32 $0x3780, s17  }
0x3a5: {  	s20 =	sadd.s32 $0x9000, s20;
	s18 =	sand.u32 $0xF80, s26;
	v1 =	vld [tilespmem:s28+$0x5000];
	s19 =	sor.u32 s14, s17;
	v0 =	vadd.f32 v7, v2  }
0x3a6: {  	s11 =	sadd.s32 $0x20, s11;
	s26 =	sand.u32 $0x9F00, s20;
	s17 =	sor.u32 s2, s18;
	v2 =	vld [tilespmem:s19+$0x0]  }
0x3a7: {  	v6 =	vld [tilespmem:s17+$0x0];
	_ =	sdelay $0x4  }
0x3a8: {  	s8 =	sadd.s32 $0x2000, s16;
	v5 =	vadd.f32 v6, v5  }
0x3a9: {  	s11 =	sadd.s32 $0xFFFFC800, s6;
	s8 =	sand.u32 $0x2F00, s8  }
0x3aa: {  	s11 =	sand.u32 $0x1780, s11;
	s8 =	sor.u32 s2, s8;
	[tilespmem:s29+$0xF000] =	vst v5  }
0x3ab: {  	s11 =	sor.u32 s2, s11;
	v5 =	vld [tilespmem:s8+$0x5000]  }
0x3ac: {  	v31 =	vld [tilespmem:s11+$0x0];
	_ =	sdelay $0x4  }
0x3ad: {  	s29 =	sadd.s32 $0x3000, s16;
	v5 =	vadd.f32 v31, v5  }
0x3ae: {  	s31 =	sadd.s32 $0xFFFFD000, s6;
	s11 =	sand.u32 $0x3F00, s29  }
0x3af: {  	s18 =	sand.u32 $0x1F80, s31;
	[tilespmem:s8+$0xF000] =	vst v5;
	s8 =	sor.u32 s2, s11  }
0x3b0: {  	s11 =	sor.u32 s2, s18;
	v5 =	vld [tilespmem:s8+$0x5000]  }
0x3b1: {  	v32 =	vld [tilespmem:s11+$0x0];
	_ =	sdelay $0x2  }
0x3b2: {  	s20 =	sadd.s32 $0x4000, s5;
	v3 =	vadd.f32 v4, v3  }
0x3b3: {  	s19 =	sadd.s32 $0xFFFFD800, s25;
	s17 =	sand.u32 $0x4F00, s20  }
0x3b4: {  	s31 =	sadd.s32 $0x4000, s16;
	s17 =	sor.u32 s12, s17;
	[tilespmem:s4+$0xF000] =	vst v3;
	s11 =	sand.u32 $0x2780, s19;
	v33 =	vadd.f32 v32, v5  }
0x3b5: {  	v35 =	vld [tilespmem:s17+$0x5000];
	s18 =	sadd.s32 $0xFFFFD800, s6;
	s29 =	sor.u32 s12, s11;
	s11 =	sand.u32 $0x4F00, s31  }
0x3b6: {  	s4 =	sand.u32 $0x2780, s18;
	v34 =	vld [tilespmem:s29+$0x0];
	s19 =	sor.u32 s2, s11;
	[tilespmem:s8+$0xF000] =	vst v33  }
0x3b7: {  	s4 =	sor.u32 s2, s4;
	v3 =	vld [tilespmem:s19+$0x5000]  }
0x3b8: {  	v36 =	vld [tilespmem:s4+$0x0];
	_ =	sdelay $0x2  }
0x3b9: {  	s20 =	sadd.s32 $0xFFFFE000, s25;
	v4 =	vadd.f32 v34, v35  }
0x3ba: {  	s29 =	sadd.s32 $0x5000, s5;
	s4 =	sand.u32 $0x2F80, s20  }
0x3bb: {  	s31 =	sadd.s32 $0x5000, s16;
	s11 =	sand.u32 $0x5F00, s29;
	[tilespmem:s17+$0xF000] =	vst v4;
	s4 =	sor.u32 s12, s4;
	v3 =	vadd.f32 v36, v3  }
0x3bc: {  	s18 =	sadd.s32 $0xFFFFE000, s6;
	s11 =	sor.u32 s12, s11;
	s17 =	sand.u32 $0x5F00, s31;
	v4 =	vld [tilespmem:s4+$0x0]  }
0x3bd: {  	v37 =	vld [tilespmem:s11+$0x5000];
	s4 =	sand.u32 $0x2F80, s18;
	[tilespmem:s19+$0xF000] =	vst v3;
	s19 =	sor.u32 s2, s17  }
0x3be: {  	s4 =	sor.u32 s2, s4;
	v3 =	vld [tilespmem:s19+$0x5000]  }
0x3bf: {  	v38 =	vld [tilespmem:s4+$0x0];
	_ =	sdelay $0x2  }
0x3c0: {  	s20 =	sadd.s32 $0xFFFFE800, s25;
	v4 =	vadd.f32 v4, v37  }
0x3c1: {  	s29 =	sadd.s32 $0x6000, s5;
	s4 =	sand.u32 $0x3780, s20  }
0x3c2: {  	s31 =	sadd.s32 $0x6000, s16;
	s17 =	sand.u32 $0x6F00, s29;
	[tilespmem:s11+$0xF000] =	vst v4;
	s4 =	sor.u32 s12, s4;
	v3 =	vadd.f32 v38, v3  }
0x3c3: {  	s18 =	sadd.s32 $0xFFFFE800, s6;
	s17 =	sor.u32 s12, s17;
	s11 =	sand.u32 $0x6F00, s31;
	v4 =	vld [tilespmem:s4+$0x0]  }
0x3c4: {  	v39 =	vld [tilespmem:s17+$0x5000];
	s8 =	sor.u32 s2, s11;
	s4 =	sand.u32 $0x3780, s18;
	[tilespmem:s19+$0xF000] =	vst v3  }
0x3c5: {  	s4 =	sor.u32 s2, s4;
	v3 =	vld [tilespmem:s8+$0x5000]  }
0x3c6: {  	v40 =	vld [tilespmem:s4+$0x0]  }
0x3c7: {  	v1 =	vadd.f32 v2, v1;
	s20 =	sadd.s32 $0x7000, s15  }
0x3c8: {  	s11 =	sand.u32 $0x7F00, s20;
	s19 =	sadd.s32 $0xFFFFF000, s1  }
0x3c9: {  	[tilespmem:s28+$0xF000] =	vst v1;
	s18 =	sadd.s32 $0xFFFFF000, s25;
	s11 =	sor.u32 s14, s11;
	v41 =	vadd.f32 v4, v39;
	s4 =	sand.u32 $0x3F80, s19  }
0x3ca: {  	s28 =	sadd.s32 $0x7000, s5;
	s18 =	sand.u32 $0x3F80, s18;
	v43 =	vld [tilespmem:s11+$0x5000];
	s4 =	sor.u32 s14, s4  }
0x3cb: {  	s31 =	sadd.s32 $0x7000, s16;
	s29 =	sor.u32 s12, s18;
	[tilespmem:s17+$0xF000] =	vst v41;
	v42 =	vld [tilespmem:s4+$0x0];
	s4 =	sand.u32 $0x7F00, s28;
	v44 =	vadd.f32 v40, v3  }
0x3cc: {  	s18 =	sand.u32 $0x7F00, s31;
	s19 =	sadd.s32 $0xFFFFF000, s6;
	v45 =	vld [tilespmem:s29+$0x0];
	s4 =	sor.u32 s12, s4  }
0x3cd: {  	s17 =	sand.u32 $0x3F80, s19;
	v46 =	vld [tilespmem:s4+$0x5000];
	[tilespmem:s8+$0xF000] =	vst v44;
	s8 =	sor.u32 s2, s18  }
0x3ce: {  	s17 =	sor.u32 s2, s17;
	v1 =	vld [tilespmem:s8+$0x5000]  }
0x3cf: {  	v47 =	vld [tilespmem:s17+$0x0]  }
0x3d0: {  	s20 =	sadd.s32 $0xFFFFF800, s1;
	v2 =	vadd.f32 v42, v43  }
0x3d1: {  	s28 =	sadd.s32 $0x8000, s15;
	s17 =	sand.u32 $0x4780, s20  }
0x3d2: {  	s31 =	sadd.s32 $0xFFFFF800, s25;
	s18 =	sand.u32 $0x8F00, s28;
	[tilespmem:s11+$0xF000] =	vst v2;
	s29 =	sor.u32 s14, s17;
	v48 =	vadd.f32 v45, v46  }
0x3d3: {  	s19 =	sadd.s32 $0x8000, s5;
	s18 =	sor.u32 s14, s18;
	s17 =	sand.u32 $0x4780, s31;
	v49 =	vld [tilespmem:s29+$0x0]  }
0x3d4: {  	s28 =	sadd.s32 $0x8000, s16;
	s11 =	sand.u32 $0x8F00, s19;
	v50 =	vld [tilespmem:s18+$0x5000];
	s20 =	sor.u32 s12, s17;
	[tilespmem:s4+$0xF000] =	vst v48;
	v1 =	vadd.f32 v47, v1  }
0x3d5: {  	s11 =	sor.u32 s12, s11;
	s29 =	sadd.s32 $0xFFFFF800, s6;
	s17 =	sand.u32 $0x8F00, s28;
	v2 =	vld [tilespmem:s20+$0x0]  }
0x3d6: {  	s31 =	sor.u32 s2, s17;
	s4 =	sand.u32 $0x4780, s29;
	v51 =	vld [tilespmem:s11+$0x5000];
	[tilespmem:s8+$0xF000] =	vst v1  }
0x3d7: {  	s4 =	sor.u32 s2, s4;
	v52 =	vld [tilespmem:s31+$0x5000]  }
0x3d8: {  	s0 =	sand.u32 $0x4F80, s0;
	v53 =	vld [tilespmem:s4+$0x0]  }
0x3d9: {  	[tilespmem:s7+$0xF000] =	vst v0;
	s0 =	sor.u32 s13, s0;
	s15 =	sadd.s32 $0x9000, s15;
	v54 =	vadd.f32 v49, v50  }
0x3da: {  	v56 =	vld [tilespmem:s0+$0x0];
	s7 =	sand.u32 $0x9F00, s15;
	s4 =	sor.u32 s13, s26  }
0x3db: {  	s19 =	sadd.s32 $0x9000, s5;
	s17 =	sor.u32 s14, s7;
	v55 =	vld [tilespmem:s4+$0x5000];
	[tilespmem:s18+$0xF000] =	vst v54;
	s18 =	sand.u32 $0x4F80, s1;
	v57 =	vadd.f32 v2, v51  }
0x3dc: {  	s5 =	sand.u32 $0x9F00, s19;
	v58 =	vld [tilespmem:s17+$0x5000];
	s1 =	sor.u32 s14, s18  }
0x3dd: {  	s25 =	sand.u32 $0x4F80, s25;
	s20 =	sor.u32 s12, s5;
	s26 =	sadd.s32 $0x9000, s16;
	v59 =	vld [tilespmem:s1+$0x0];
	[tilespmem:s11+$0xF000] =	vst v57;
	v60 =	vadd.f32 v53, v52  }
0x3de: {  	s5 =	sor.u32 s12, s25;
	s7 =	sand.u32 $0x9F00, s26;
	v61 =	vld [tilespmem:s20+$0x5000]  }
0x3df: {  	s29 =	sand.u32 $0x4F80, s6;
	s28 =	sor.u32 s2, s7;
	v62 =	vld [tilespmem:s5+$0x0];
	[tilespmem:s31+$0xF000] =	vst v60  }
0x3e0: {  	s31 =	sor.u32 s2, s29;
	v0 =	vld [tilespmem:s28+$0x5000]  }
0x3e1: {  	v7 =	vld [tilespmem:s31+$0x0];
	_ =	sdelay $0x1  }
0x3e2: {  	v3 =	vadd.f32 v56, v55  }
0x3e3: {  	v1 =	vadd.f32 v59, v58  }
0x3e4: {  	[tilespmem:s4+$0xF000] =	vst v3;
	v63 =	vadd.f32 v62, v61  }
0x3e5: {  	[tilespmem:s17+$0xF000] =	vst v1;
	v0 =	vadd.f32 v7, v0  }
0x3e6: {  	s0 =	simm.s32 $0xF000;
	[tilespmem:s20+$0xF000] =	vst v63  }
0x3e7: {  	s1 =	simm.s32 $0x10;
	s2 =	simm.s32 $0xF100;
	s4 =	sadd.s32 $0x0, s9;
	[tilespmem:s28+$0xF000] =	vst v0  }
.LBB2_34:
0x3e8: {  	[hbm4b:s4+s3] =	stream.linear.scatter [tilespmem:s0], [sflag:$0x3], $0x80, $0x38;
	[tilespmem:$0x19000] =	vst v63  }
0x3e9: {  	s4 =	smov.u32 s1;
	s0 =	smov.u32 s2;
	p0 =	sne.s32 s1, $0x9F0  }
.Ltmp16:
0x3ea: {  	s1 =	sadd.s32 $0x10, s1;
	(pc) =	sbr.rel @p0 .LBB2_34-.Ltmp16, $2  }
0x3eb: {  	_ =	sdelay $0x2  }
0x3ec: {  	s2 =	sadd.s32 $0x100, s2;
	s4 =	sadd.s32 s4, s9  }
0x3ed: {  	[hbm4b:s4+s3] =	stream.linear.scatter [tilespmem:s0], [sflag:$0x3], $0x80, $0x38;
	[tilespmem:$0x19000] =	vst v63  }
0x3ee: {  	s0 =	simm.s32 $0x5000  }
0x3ef: {  	s1 =	simm.s32 $0x10;
	s4 =	sadd.s32 $0x0, s21;
	s2 =	simm.s32 $0x5100  }
.LBB2_36:
0x3f0: {  	[tilespmem:s0], [sflag:$0x1] =	stream.linear.gather [hbm4b:s4+s3], $0x80, $0x38;
	[tilespmem:$0x19000] =	vst v63  }
0x3f1: {  	s4 =	smov.u32 s1;
	s0 =	smov.u32 s2;
	p0 =	sne.s32 s1, $0x9F0  }
.Ltmp17:
0x3f2: {  	s1 =	sadd.s32 $0x10, s1;
	(pc) =	sbr.rel @p0 .LBB2_36-.Ltmp17, $2  }
0x3f3: {  	_ =	sdelay $0x2  }
0x3f4: {  	s2 =	sadd.s32 $0x100, s2;
	s4 =	sadd.s32 s4, s21  }
0x3f5: {  	[tilespmem:s0], [sflag:$0x1] =	stream.linear.gather [hbm4b:s4+s3], $0x80, $0x38;
	[tilespmem:$0x19000] =	vst v63  }
0x3f6: {  	s2 =	simm.s32 $0x2  }
0x3f7: {  	_ =	swait.ge [sflag:s2], $0x5000  }
0x3f8: {  	[sflag:s2] =	ssyncset.done $0x0  }
0x3f9: {  	[sflag:s2] =	ssyncadd.s32 $0xFFFFB000;
	s2 =	simm.s32 $0x4  }
0x3fa: {  	_ =	swait.ge [sflag:s2], $0x5000  }
0x3fb: {  	s4 =	simm.s32 $0x0;
	s1 =	simm.s32 $0x0;
	[sflag:s2] =	ssyncset.done $0x0  }
0x3fc: {  	s13 =	sand.u32 $0x70, s1;
	s5 =	sand.u32 $0xF00, s4;
	[sflag:s2] =	ssyncadd.s32 $0xFFFFB000  }
0x3fd: {  	s6 =	sor.u32 s5, s13;
	v0 =	vld [tilespmem:s4+$0x0]  }
0x3fe: {  	v1 =	vld [tilespmem:s6+$0x5080];
	_ =	sdelay $0x4  }
0x3ff: {  	s7 =	simm.s32 $0x1000;
	v0 =	vadd.f32 v0, v1  }
0x400: {  	s8 =	simm.s32 $0x800;
	s1 =	sand.u32 $0x1F00, s7  }
0x401: {  	s12 =	sand.u32 $0xF80, s8;
	s11 =	sor.u32 s1, s13;
	[tilespmem:s6+$0xF080] =	vst v0  }
0x402: {  	s1 =	sor.u32 s13, s12;
	v0 =	vld [tilespmem:s11+$0x5080]  }
0x403: {  	v1 =	vld [tilespmem:s1+$0x0];
	_ =	sdelay $0x4  }
0x404: {  	s14 =	simm.s32 $0x2000;
	v0 =	vadd.f32 v1, v0  }
0x405: {  	s15 =	simm.s32 $0x1000;
	s1 =	sand.u32 $0x2F00, s14  }
0x406: {  	s17 =	sand.u32 $0x1780, s15;
	s16 =	sor.u32 s1, s13;
	[tilespmem:s11+$0xF080] =	vst v0  }
0x407: {  	s1 =	sor.u32 s13, s17;
	v0 =	vld [tilespmem:s16+$0x5080]  }
0x408: {  	v1 =	vld [tilespmem:s1+$0x0];
	_ =	sdelay $0x2  }
0x409: {  	s18 =	simm.s32 $0x10;
	s15 =	simm.s32 $0x20  }
0x40a: {  	s19 =	simm.s32 $0x10;
	s20 =	sand.u32 $0xF00, s15;
	s14 =	sand.u32 $0x70, s18  }
0x40b: {  	s25 =	simm.s32 $0x3000;
	v2 =	vld [tilespmem:s19+$0x0];
	s1 =	sor.u32 s20, s14;
	v0 =	vadd.f32 v1, v0  }
0x40c: {  	s26 =	simm.s32 $0x1800;
	s2 =	sand.u32 $0x3F00, s25;
	v1 =	vld [tilespmem:s1+$0x5080]  }
0x40d: {  	s31 =	sor.u32 s2, s13;
	s4 =	sand.u32 $0x1F80, s26;
	[tilespmem:s16+$0xF080] =	vst v0  }
0x40e: {  	s2 =	sor.u32 s13, s4;
	v0 =	vld [tilespmem:s31+$0x5080]  }
0x40f: {  	v3 =	vld [tilespmem:s2+$0x0];
	_ =	sdelay $0x1  }
0x410: {  	s5 =	simm.s32 $0x1020;
	v1 =	vadd.f32 v2, v1  }
0x411: {  	s6 =	simm.s32 $0x810;
	s2 =	sand.u32 $0x1F00, s5  }
0x412: {  	s8 =	sand.u32 $0xF80, s6;
	s7 =	sor.u32 s2, s14;
	[tilespmem:s1+$0xF080] =	vst v1  }
0x413: {  	s11 =	simm.s32 $0x4000;
	s2 =	sor.u32 s14, s8;
	v1 =	vld [tilespmem:s7+$0x5080];
	v0 =	vadd.f32 v3, v0  }
0x414: {  	s12 =	simm.s32 $0x2000;
	s4 =	sand.u32 $0x4F00, s11;
	v2 =	vld [tilespmem:s2+$0x0]  }
0x415: {  	s16 =	sor.u32 s4, s13;
	s2 =	sand.u32 $0x2780, s12;
	[tilespmem:s31+$0xF080] =	vst v0  }
0x416: {  	s2 =	sor.u32 s13, s2;
	v0 =	vld [tilespmem:s16+$0x5080]  }
0x417: {  	v3 =	vld [tilespmem:s2+$0x0];
	_ =	sdelay $0x1  }
0x418: {  	s17 =	simm.s32 $0x2020;
	v1 =	vadd.f32 v2, v1  }
0x419: {  	s18 =	simm.s32 $0x1010;
	s2 =	sand.u32 $0x2F00, s17  }
0x41a: {  	s20 =	sand.u32 $0x1780, s18;
	s19 =	sor.u32 s2, s14;
	[tilespmem:s7+$0xF080] =	vst v1  }
0x41b: {  	s25 =	simm.s32 $0x5000;
	s2 =	sor.u32 s14, s20;
	v1 =	vld [tilespmem:s19+$0x5080];
	v0 =	vadd.f32 v3, v0  }
0x41c: {  	s26 =	simm.s32 $0x2800;
	s4 =	sand.u32 $0x5F00, s25;
	v2 =	vld [tilespmem:s2+$0x0]  }
0x41d: {  	s31 =	sor.u32 s4, s13;
	s2 =	sand.u32 $0x2F80, s26;
	[tilespmem:s16+$0xF080] =	vst v0  }
0x41e: {  	s2 =	sor.u32 s13, s2;
	v0 =	vld [tilespmem:s31+$0x5080]  }
0x41f: {  	s6 =	simm.s32 $0x20;
	s5 =	simm.s32 $0x40;
	v3 =	vld [tilespmem:s2+$0x0]  }
0x420: {  	s8 =	sand.u32 $0xF00, s5;
	s12 =	sand.u32 $0x70, s6;
	s7 =	simm.s32 $0x20  }
0x421: {  	s11 =	sor.u32 s8, s12;
	v4 =	vld [tilespmem:s7+$0x0];
	s16 =	simm.s32 $0x3020;
	v1 =	vadd.f32 v2, v1  }
0x422: {  	s6 =	simm.s32 $0x1810;
	s4 =	sand.u32 $0x3F00, s16;
	v2 =	vld [tilespmem:s11+$0x5080]  }
0x423: {  	s18 =	sand.u32 $0x1F80, s6;
	s17 =	sor.u32 s4, s14;
	[tilespmem:s19+$0xF080] =	vst v1  }
0x424: {  	s4 =	sor.u32 s14, s18;
	s19 =	simm.s32 $0x6000;
	v1 =	vld [tilespmem:s17+$0x5080];
	v0 =	vadd.f32 v3, v0  }
0x425: {  	s20 =	simm.s32 $0x3000;
	v3 =	vld [tilespmem:s4+$0x0];
	s6 =	sand.u32 $0x6F00, s19  }
0x426: {  	s4 =	sand.u32 $0x3780, s20;
	s25 =	sor.u32 s6, s13;
	[tilespmem:s31+$0xF080] =	vst v0  }
0x427: {  	s26 =	simm.s32 $0x1040;
	s4 =	sor.u32 s13, s4;
	v0 =	vadd.f32 v4, v2;
	v2 =	vld [tilespmem:s25+$0x5080]  }
0x428: {  	s7 =	simm.s32 $0x820;
	s6 =	sand.u32 $0x1F00, s26;
	v4 =	vld [tilespmem:s4+$0x0]  }
0x429: {  	s7 =	sand.u32 $0xF80, s7;
	s31 =	sor.u32 s6, s12;
	[tilespmem:s11+$0xF080] =	vst v0  }
0x42a: {  	s8 =	simm.s32 $0x4020;
	s4 =	sor.u32 s12, s7;
	v0 =	vld [tilespmem:s31+$0x5080];
	v1 =	vadd.f32 v3, v1  }
0x42b: {  	s6 =	sand.u32 $0x4F00, s8;
	s11 =	simm.s32 $0x2010;
	v3 =	vld [tilespmem:s4+$0x0]  }
0x42c: {  	s1 =	sor.u32 s6, s14;
	s4 =	sand.u32 $0x2780, s11;
	[tilespmem:s17+$0xF080] =	vst v1  }
0x42d: {  	s16 =	simm.s32 $0x7000;
	s4 =	sor.u32 s14, s4;
	v1 =	vld [tilespmem:s1+$0x5080];
	v2 =	vadd.f32 v4, v2  }
0x42e: {  	s6 =	sand.u32 $0x7F00, s16;
	s17 =	simm.s32 $0x3800;
	v4 =	vld [tilespmem:s4+$0x0]  }
0x42f: {  	s19 =	simm.s32 $0x2040;
	s7 =	sor.u32 s6, s13;
	s18 =	sand.u32 $0x3F80, s17;
	[tilespmem:s25+$0xF080] =	vst v2  }
0x430: {  	s20 =	simm.s32 $0x1020;
	s8 =	simm.s32 $0x30;
	s0 =	sor.u32 s13, s18;
	v0 =	vadd.f32 v3, v0;
	v2 =	vld [tilespmem:s7+$0x5080]  }
0x431: {  	s16 =	simm.s32 $0x60;
	s6 =	sand.u32 $0x1780, s20;
	s4 =	sand.u32 $0x2F00, s19;
	v3 =	vld [tilespmem:s0+$0x0]  }
0x432: {  	s26 =	sand.u32 $0xF00, s16;
	s4 =	sor.u32 s4, s12;
	s25 =	simm.s32 $0x30;
	[tilespmem:s31+$0xF080] =	vst v0;
	v0 =	vld [tilespmem:s8+$0x0]  }
0x433: {  	s11 =	simm.s32 $0x5020;
	s6 =	sor.u32 s12, s6;
	s2 =	sand.u32 $0x70, s25;
	v5 =	vld [tilespmem:s4+$0x5080];
	v1 =	vadd.f32 v4, v1  }
0x434: {  	s11 =	sand.u32 $0x5F00, s11;
	s17 =	sor.u32 s26, s2;
	s31 =	simm.s32 $0x2810;
	v4 =	vld [tilespmem:s6+$0x0]  }
0x435: {  	s11 =	sor.u32 s11, s14;
	v6 =	vld [tilespmem:s17+$0x5080];
	s18 =	sand.u32 $0x2F80, s31;
	[tilespmem:s1+$0xF080] =	vst v1  }
0x436: {  	s0 =	simm.s32 $0x4800;
	s19 =	sor.u32 s14, s18;
	v1 =	vld [tilespmem:s11+$0x5080]  }
0x437: {  	s25 =	simm.s32 $0x4820;
	s26 =	simm.s32 $0x3040;
	s18 =	simm.s32 $0x8000;
	v2 =	vadd.f32 v3, v2;
	v7 =	vld [tilespmem:s19+$0x0]  }
0x438: {  	s6 =	simm.s32 $0x4830;
	s18 =	sand.u32 $0x8F00, s18;
	s19 =	simm.s32 $0x4000  }
0x439: {  	s31 =	simm.s32 $0x1060;
	s20 =	sand.u32 $0x4780, s19;
	[tilespmem:s7+$0xF080] =	vst v2;
	s7 =	sor.u32 s18, s13;
	v2 =	vadd.f32 v4, v5  }
0x43a: {  	s19 =	sand.u32 $0x3F00, s26;
	s18 =	sor.u32 s13, s20;
	s20 =	simm.s32 $0x1820;
	v8 =	vld [tilespmem:s7+$0x5080]  }
0x43b: {  	s1 =	simm.s32 $0x4810;
	v0 =	vadd.f32 v0, v6;
	v9 =	vld [tilespmem:s18+$0x0];
	s26 =	sand.u32 $0x1F80, s20;
	[tilespmem:s4+$0xF080] =	vst v2;
	s4 =	sor.u32 s19, s12  }
0x43c: {  	s18 =	sand.u32 $0x1F00, s31;
	s31 =	simm.s32 $0x6020;
	s19 =	sor.u32 s12, s26;
	v3 =	vld [tilespmem:s4+$0x5080];
	v1 =	vadd.f32 v7, v1  }
0x43d: {  	[tilespmem:s17+$0xF080] =	vst v0;
	s29 =	sor.u32 s18, s2;
	s26 =	sand.u32 $0x6F00, s31;
	v4 =	vld [tilespmem:s19+$0x0];
	s19 =	simm.s32 $0x3010  }
0x43e: {  	s31 =	simm.s32 $0x830;
	v5 =	vld [tilespmem:s29+$0x5080];
	s28 =	sor.u32 s26, s14;
	s18 =	sand.u32 $0x3780, s19;
	[tilespmem:s11+$0xF080] =	vst v1  }
0x43f: {  	s20 =	sand.u32 $0xF80, s31;
	s31 =	simm.s32 $0x9000;
	s26 =	sor.u32 s14, s18;
	v1 =	vld [tilespmem:s28+$0x5080]  }
0x440: {  	s17 =	sor.u32 s2, s20;
	s11 =	simm.s32 $0x80;
	v0 =	vadd.f32 v9, v8;
	v2 =	vld [tilespmem:s26+$0x0];
	s26 =	sand.u32 $0x9F00, s31  }
.LBB2_38:
0x441: {  	p0 =	sne.s32 s11, $0xFE0  }
0x442: {  	v6 =	vld [tilespmem:s17+$0x0];
	[tilespmem:s7+$0xF080] =	vst v0;
	s7 =	sor.u32 s26, s13;
	s0 =	sand.u32 $0x4F80, s0;
	s17 =	sadd.s32 $0x4000, s5  }
0x443: {  	s18 =	sadd.s32 $0xFFFFD800, s25;
	v0 =	vadd.f32 v4, v3;
	v3 =	vld [tilespmem:s7+$0x5080];
	s13 =	sor.u32 s13, s0;
	s0 =	smov.u32 s1  }
0x444: {  	s8 =	sadd.s32 $0x10, s8;
	s17 =	sand.u32 $0x4F00, s17;
	s1 =	smov.u32 s25;
	v4 =	vld [tilespmem:s13+$0x0]  }
0x445: {  	s25 =	smov.u32 s6;
	s13 =	sand.u32 $0x2780, s18;
	[tilespmem:s4+$0xF080] =	vst v0;
	s4 =	sor.u32 s17, s12  }
0x446: {  	s18 =	sadd.s32 $0x7000, s15;
	s17 =	sor.u32 s12, s13;
	s13 =	smov.u32 s14;
	v0 =	vld [tilespmem:s4+$0x5080];
	v1 =	vadd.f32 v2, v1  }
0x447: {  	s18 =	sand.u32 $0x7F00, s18;
	s14 =	smov.u32 s12;
	v2 =	vld [tilespmem:s17+$0x0];
	s17 =	sadd.s32 $0xFFFFF000, s0  }
0x448: {  	s6 =	sadd.s32 $0x10, s6;
	s18 =	sor.u32 s18, s13;
	v5 =	vadd.f32 v6, v5;
	[tilespmem:s28+$0xF080] =	vst v1;
	s12 =	sand.u32 $0x3F80, s17  }
0x449: {  	s19 =	sadd.s32 $0xFFFFC800, s25;
	s17 =	sadd.s32 $0x2000, s16;
	v1 =	vld [tilespmem:s18+$0x5080];
	s12 =	sor.u32 s13, s12;
	v3 =	vadd.f32 v4, v3  }
0x44a: {  	s20 =	sadd.s32 $0x5000, s5;
	s19 =	sand.u32 $0x1780, s19;
	s17 =	sand.u32 $0x2F00, s17;
	[tilespmem:s29+$0xF080] =	vst v5;
	v4 =	vld [tilespmem:s12+$0x0]  }
0x44b: {  	s19 =	sor.u32 s2, s19;
	s12 =	sadd.s32 $0xFFFFB800, s6;
	s17 =	sor.u32 s17, s2;
	v5 =	vld [tilespmem:s8+$0x0];
	[tilespmem:s7+$0xF080] =	vst v3  }
0x44c: {  	s28 =	sadd.s32 $0xFFFFD000, s25;
	s7 =	sand.u32 $0x70, s12;
	s12 =	sand.u32 $0xF00, s11;
	v3 =	vld [tilespmem:s17+$0x5080];
	v0 =	vadd.f32 v2, v0  }
0x44d: {  	s26 =	sor.u32 s12, s7;
	s12 =	sadd.s32 $0xFFFFE000, s1;
	v2 =	vld [tilespmem:s19+$0x0];
	s19 =	sand.u32 $0x5F00, s20  }
0x44e: {  	v6 =	vld [tilespmem:s26+$0x5080];
	[tilespmem:s4+$0xF080] =	vst v0;
	s19 =	sor.u32 s19, s14;
	s4 =	sand.u32 $0x2F80, s12;
	s12 =	smov.u32 s2  }
0x44f: {  	s20 =	sadd.s32 $0x8000, s15;
	s2 =	smov.u32 s7;
	v0 =	vld [tilespmem:s19+$0x5080];
	s4 =	sor.u32 s14, s4;
	v1 =	vadd.f32 v4, v1  }
0x450: {  	s7 =	sand.u32 $0x8F00, s20;
	s20 =	smov.u32 s15;
	v4 =	vld [tilespmem:s4+$0x0];
	s4 =	sadd.s32 $0xFFFFF800, s0  }
0x451: {  	s15 =	smov.u32 s5;
	s7 =	sor.u32 s7, s13;
	[tilespmem:s18+$0xF080] =	vst v1;
	s4 =	sand.u32 $0x4780, s4  }
0x452: {  	s5 =	smov.u32 s16;
	s18 =	sadd.s32 $0x3000, s16;
	v1 =	vadd.f32 v2, v3;
	v2 =	vld [tilespmem:s7+$0x5080];
	s4 =	sor.u32 s13, s4  }
0x453: {  	s29 =	sadd.s32 $0x1000, s11;
	s16 =	smov.u32 s11;
	s18 =	sand.u32 $0x3F00, s18;
	v7 =	vld [tilespmem:s4+$0x0]  }
0x454: {  	v5 =	vadd.f32 v5, v6;
	s4 =	sor.u32 s18, s12;
	s18 =	sand.u32 $0x1F00, s29;
	[tilespmem:s17+$0xF080] =	vst v1;
	s17 =	sand.u32 $0x1F80, s28  }
.Ltmp18:
0x455: {  	s28 =	sadd.s32 $0x6000, s15;
	v3 =	vld [tilespmem:s4+$0x5080];
	s17 =	sor.u32 s12, s17;
	v0 =	vadd.f32 v4, v0;
	(pc) =	sbr.rel @p0 .LBB2_38-.Ltmp18, $4  }
0x456: {  	s29 =	sor.u32 s18, s2;
	s18 =	sand.u32 $0x6F00, s28;
	[tilespmem:s26+$0xF080] =	vst v5;
	v4 =	vld [tilespmem:s17+$0x0];
	s17 =	sadd.s32 $0xFFFFE800, s1  }
0x457: {  	s26 =	sadd.s32 $0xFFFFC000, s6;
	s28 =	sor.u32 s18, s14;
	v5 =	vld [tilespmem:s29+$0x5080];
	[tilespmem:s19+$0xF080] =	vst v0;
	s17 =	sand.u32 $0x3780, s17  }
0x458: {  	s20 =	sadd.s32 $0x9000, s20;
	s18 =	sand.u32 $0xF80, s26;
	v1 =	vld [tilespmem:s28+$0x5080];
	s19 =	sor.u32 s14, s17;
	v0 =	vadd.f32 v7, v2  }
0x459: {  	s11 =	sadd.s32 $0x20, s11;
	s26 =	sand.u32 $0x9F00, s20;
	s17 =	sor.u32 s2, s18;
	v2 =	vld [tilespmem:s19+$0x0]  }
0x45a: {  	v6 =	vld [tilespmem:s17+$0x0];
	_ =	sdelay $0x4  }
0x45b: {  	s8 =	sadd.s32 $0x2000, s16;
	v5 =	vadd.f32 v6, v5  }
0x45c: {  	s11 =	sadd.s32 $0xFFFFC800, s6;
	s8 =	sand.u32 $0x2F00, s8  }
0x45d: {  	s11 =	sand.u32 $0x1780, s11;
	s8 =	sor.u32 s8, s2;
	[tilespmem:s29+$0xF080] =	vst v5  }
0x45e: {  	s11 =	sor.u32 s2, s11;
	v5 =	vld [tilespmem:s8+$0x5080]  }
0x45f: {  	v31 =	vld [tilespmem:s11+$0x0];
	_ =	sdelay $0x4  }
0x460: {  	s29 =	sadd.s32 $0x3000, s16;
	v5 =	vadd.f32 v31, v5  }
0x461: {  	s31 =	sadd.s32 $0xFFFFD000, s6;
	s11 =	sand.u32 $0x3F00, s29  }
0x462: {  	s18 =	sand.u32 $0x1F80, s31;
	[tilespmem:s8+$0xF080] =	vst v5;
	s8 =	sor.u32 s11, s2  }
0x463: {  	s11 =	sor.u32 s2, s18;
	v5 =	vld [tilespmem:s8+$0x5080]  }
0x464: {  	v32 =	vld [tilespmem:s11+$0x0];
	_ =	sdelay $0x2  }
0x465: {  	s20 =	sadd.s32 $0x4000, s5;
	v3 =	vadd.f32 v4, v3  }
0x466: {  	s19 =	sadd.s32 $0xFFFFD800, s25;
	s17 =	sand.u32 $0x4F00, s20  }
0x467: {  	s31 =	sadd.s32 $0x4000, s16;
	s17 =	sor.u32 s17, s12;
	[tilespmem:s4+$0xF080] =	vst v3;
	s11 =	sand.u32 $0x2780, s19;
	v33 =	vadd.f32 v32, v5  }
0x468: {  	v35 =	vld [tilespmem:s17+$0x5080];
	s18 =	sadd.s32 $0xFFFFD800, s6;
	s29 =	sor.u32 s12, s11;
	s11 =	sand.u32 $0x4F00, s31  }
0x469: {  	s4 =	sand.u32 $0x2780, s18;
	v34 =	vld [tilespmem:s29+$0x0];
	s19 =	sor.u32 s11, s2;
	[tilespmem:s8+$0xF080] =	vst v33  }
0x46a: {  	s4 =	sor.u32 s2, s4;
	v3 =	vld [tilespmem:s19+$0x5080]  }
0x46b: {  	v36 =	vld [tilespmem:s4+$0x0];
	_ =	sdelay $0x2  }
0x46c: {  	s20 =	sadd.s32 $0xFFFFE000, s25;
	v4 =	vadd.f32 v34, v35  }
0x46d: {  	s29 =	sadd.s32 $0x5000, s5;
	s4 =	sand.u32 $0x2F80, s20  }
0x46e: {  	s31 =	sadd.s32 $0x5000, s16;
	s11 =	sand.u32 $0x5F00, s29;
	[tilespmem:s17+$0xF080] =	vst v4;
	s4 =	sor.u32 s12, s4;
	v3 =	vadd.f32 v36, v3  }
0x46f: {  	s18 =	sadd.s32 $0xFFFFE000, s6;
	s11 =	sor.u32 s11, s12;
	s17 =	sand.u32 $0x5F00, s31;
	v4 =	vld [tilespmem:s4+$0x0]  }
0x470: {  	v37 =	vld [tilespmem:s11+$0x5080];
	s4 =	sand.u32 $0x2F80, s18;
	[tilespmem:s19+$0xF080] =	vst v3;
	s19 =	sor.u32 s17, s2  }
0x471: {  	s4 =	sor.u32 s2, s4;
	v3 =	vld [tilespmem:s19+$0x5080]  }
0x472: {  	v38 =	vld [tilespmem:s4+$0x0];
	_ =	sdelay $0x2  }
0x473: {  	s20 =	sadd.s32 $0xFFFFE800, s25;
	v4 =	vadd.f32 v4, v37  }
0x474: {  	s29 =	sadd.s32 $0x6000, s5;
	s4 =	sand.u32 $0x3780, s20  }
0x475: {  	s31 =	sadd.s32 $0x6000, s16;
	s17 =	sand.u32 $0x6F00, s29;
	[tilespmem:s11+$0xF080] =	vst v4;
	s4 =	sor.u32 s12, s4;
	v3 =	vadd.f32 v38, v3  }
0x476: {  	s18 =	sadd.s32 $0xFFFFE800, s6;
	s17 =	sor.u32 s17, s12;
	s11 =	sand.u32 $0x6F00, s31;
	v4 =	vld [tilespmem:s4+$0x0]  }
0x477: {  	v39 =	vld [tilespmem:s17+$0x5080];
	s8 =	sor.u32 s11, s2;
	s4 =	sand.u32 $0x3780, s18;
	[tilespmem:s19+$0xF080] =	vst v3  }
0x478: {  	s4 =	sor.u32 s2, s4;
	v3 =	vld [tilespmem:s8+$0x5080]  }
0x479: {  	v40 =	vld [tilespmem:s4+$0x0]  }
0x47a: {  	v1 =	vadd.f32 v2, v1;
	s20 =	sadd.s32 $0x7000, s15  }
0x47b: {  	s11 =	sand.u32 $0x7F00, s20;
	s19 =	sadd.s32 $0xFFFFF000, s1  }
0x47c: {  	[tilespmem:s28+$0xF080] =	vst v1;
	s18 =	sadd.s32 $0xFFFFF000, s25;
	s11 =	sor.u32 s11, s14;
	v41 =	vadd.f32 v4, v39;
	s4 =	sand.u32 $0x3F80, s19  }
0x47d: {  	s28 =	sadd.s32 $0x7000, s5;
	s18 =	sand.u32 $0x3F80, s18;
	v43 =	vld [tilespmem:s11+$0x5080];
	s4 =	sor.u32 s14, s4  }
0x47e: {  	s31 =	sadd.s32 $0x7000, s16;
	s29 =	sor.u32 s12, s18;
	[tilespmem:s17+$0xF080] =	vst v41;
	v42 =	vld [tilespmem:s4+$0x0];
	s4 =	sand.u32 $0x7F00, s28;
	v44 =	vadd.f32 v40, v3  }
0x47f: {  	s18 =	sand.u32 $0x7F00, s31;
	s19 =	sadd.s32 $0xFFFFF000, s6;
	v45 =	vld [tilespmem:s29+$0x0];
	s4 =	sor.u32 s4, s12  }
0x480: {  	s17 =	sand.u32 $0x3F80, s19;
	v46 =	vld [tilespmem:s4+$0x5080];
	[tilespmem:s8+$0xF080] =	vst v44;
	s8 =	sor.u32 s18, s2  }
0x481: {  	s17 =	sor.u32 s2, s17;
	v1 =	vld [tilespmem:s8+$0x5080]  }
0x482: {  	v47 =	vld [tilespmem:s17+$0x0]  }
0x483: {  	s20 =	sadd.s32 $0xFFFFF800, s1;
	v2 =	vadd.f32 v42, v43  }
0x484: {  	s28 =	sadd.s32 $0x8000, s15;
	s17 =	sand.u32 $0x4780, s20  }
0x485: {  	s31 =	sadd.s32 $0xFFFFF800, s25;
	s18 =	sand.u32 $0x8F00, s28;
	[tilespmem:s11+$0xF080] =	vst v2;
	s29 =	sor.u32 s14, s17;
	v48 =	vadd.f32 v45, v46  }
0x486: {  	s19 =	sadd.s32 $0x8000, s5;
	s18 =	sor.u32 s18, s14;
	s17 =	sand.u32 $0x4780, s31;
	v49 =	vld [tilespmem:s29+$0x0]  }
0x487: {  	s28 =	sadd.s32 $0x8000, s16;
	s11 =	sand.u32 $0x8F00, s19;
	v50 =	vld [tilespmem:s18+$0x5080];
	s20 =	sor.u32 s12, s17;
	[tilespmem:s4+$0xF080] =	vst v48;
	v1 =	vadd.f32 v47, v1  }
0x488: {  	s11 =	sor.u32 s11, s12;
	s29 =	sadd.s32 $0xFFFFF800, s6;
	s17 =	sand.u32 $0x8F00, s28;
	v2 =	vld [tilespmem:s20+$0x0]  }
0x489: {  	s31 =	sor.u32 s17, s2;
	s4 =	sand.u32 $0x4780, s29;
	v51 =	vld [tilespmem:s11+$0x5080];
	[tilespmem:s8+$0xF080] =	vst v1  }
0x48a: {  	s4 =	sor.u32 s2, s4;
	v52 =	vld [tilespmem:s31+$0x5080]  }
0x48b: {  	s0 =	sand.u32 $0x4F80, s0;
	v53 =	vld [tilespmem:s4+$0x0]  }
0x48c: {  	[tilespmem:s7+$0xF080] =	vst v0;
	s0 =	sor.u32 s13, s0;
	s15 =	sadd.s32 $0x9000, s15;
	v54 =	vadd.f32 v49, v50  }
0x48d: {  	v56 =	vld [tilespmem:s0+$0x0];
	s7 =	sand.u32 $0x9F00, s15;
	s4 =	sor.u32 s26, s13  }
0x48e: {  	s19 =	sadd.s32 $0x9000, s5;
	s17 =	sor.u32 s7, s14;
	v55 =	vld [tilespmem:s4+$0x5080];
	[tilespmem:s18+$0xF080] =	vst v54;
	s18 =	sand.u32 $0x4F80, s1;
	v57 =	vadd.f32 v2, v51  }
0x48f: {  	s5 =	sand.u32 $0x9F00, s19;
	v58 =	vld [tilespmem:s17+$0x5080];
	s1 =	sor.u32 s14, s18  }
0x490: {  	s25 =	sand.u32 $0x4F80, s25;
	s20 =	sor.u32 s5, s12;
	s26 =	sadd.s32 $0x9000, s16;
	v59 =	vld [tilespmem:s1+$0x0];
	[tilespmem:s11+$0xF080] =	vst v57;
	v60 =	vadd.f32 v53, v52  }
0x491: {  	s5 =	sor.u32 s12, s25;
	s7 =	sand.u32 $0x9F00, s26;
	v61 =	vld [tilespmem:s20+$0x5080]  }
0x492: {  	s29 =	sand.u32 $0x4F80, s6;
	s28 =	sor.u32 s7, s2;
	v62 =	vld [tilespmem:s5+$0x0];
	[tilespmem:s31+$0xF080] =	vst v60  }
0x493: {  	s31 =	sor.u32 s2, s29;
	v0 =	vld [tilespmem:s28+$0x5080]  }
0x494: {  	v7 =	vld [tilespmem:s31+$0x0];
	_ =	sdelay $0x1  }
0x495: {  	v3 =	vadd.f32 v56, v55  }
0x496: {  	v1 =	vadd.f32 v59, v58  }
0x497: {  	[tilespmem:s4+$0xF080] =	vst v3;
	v63 =	vadd.f32 v62, v61  }
0x498: {  	[tilespmem:s17+$0xF080] =	vst v1;
	v0 =	vadd.f32 v7, v0  }
0x499: {  	s0 =	simm.s32 $0xF080;
	[tilespmem:s20+$0xF080] =	vst v63  }
0x49a: {  	s1 =	simm.s32 $0x10;
	s2 =	simm.s32 $0xF180;
	s4 =	sadd.s32 $0x0, s10;
	[tilespmem:s28+$0xF080] =	vst v0  }
.LBB2_40:
0x49b: {  	[hbm4b:s4+s3] =	stream.linear.scatter [tilespmem:s0], [sflag:$0x4], $0x80, $0x38;
	[tilespmem:$0x19000] =	vst v63  }
0x49c: {  	s4 =	smov.u32 s1;
	s0 =	smov.u32 s2;
	p0 =	sne.s32 s1, $0x9F0  }
.Ltmp19:
0x49d: {  	s1 =	sadd.s32 $0x10, s1;
	(pc) =	sbr.rel @p0 .LBB2_40-.Ltmp19, $2  }
0x49e: {  	_ =	sdelay $0x2  }
0x49f: {  	s2 =	sadd.s32 $0x100, s2;
	s4 =	sadd.s32 s4, s10  }
0x4a0: {  	[hbm4b:s4+s3] =	stream.linear.scatter [tilespmem:s0], [sflag:$0x4], $0x80, $0x38;
	[tilespmem:$0x19000] =	vst v63  }
0x4a1: {  	s0 =	simm.s32 $0x5080  }
0x4a2: {  	s1 =	simm.s32 $0x10;
	s4 =	sadd.s32 $0x0, s22;
	s2 =	simm.s32 $0x5180  }
.LBB2_42:
0x4a3: {  	[tilespmem:s0], [sflag:$0x2] =	stream.linear.gather [hbm4b:s4+s3], $0x80, $0x38;
	[tilespmem:$0x19000] =	vst v63  }
0x4a4: {  	s4 =	smov.u32 s1;
	s0 =	smov.u32 s2;
	p0 =	sne.s32 s1, $0x1F0  }
.Ltmp20:
0x4a5: {  	s1 =	sadd.s32 $0x10, s1;
	(pc) =	sbr.rel @p0 .LBB2_42-.Ltmp20, $2  }
0x4a6: {  	_ =	sdelay $0x2  }
0x4a7: {  	s2 =	sadd.s32 $0x100, s2;
	s4 =	sadd.s32 s4, s22  }
0x4a8: {  	[tilespmem:s0], [sflag:$0x2] =	stream.linear.gather [hbm4b:s4+s3], $0x80, $0x38;
	[tilespmem:$0x19000] =	vst v63  }
0x4a9: {  	s2 =	simm.s32 $0x1  }
0x4aa: {  	_ =	swait.ge [sflag:s2], $0x5000  }
0x4ab: {  	[sflag:s2] =	ssyncset.done $0x0  }
0x4ac: {  	[sflag:s2] =	ssyncadd.s32 $0xFFFFB000;
	s2 =	simm.s32 $0x3  }
0x4ad: {  	_ =	swait.ge [sflag:s2], $0x5000  }
0x4ae: {  	s4 =	simm.s32 $0x0;
	s1 =	simm.s32 $0x0;
	[sflag:s2] =	ssyncset.done $0x0  }
0x4af: {  	s13 =	sand.u32 $0x70, s1;
	s5 =	sand.u32 $0xF00, s4;
	[sflag:s2] =	ssyncadd.s32 $0xFFFFB000  }
0x4b0: {  	s6 =	sor.u32 s13, s5;
	v0 =	vld [tilespmem:s4+$0x0]  }
0x4b1: {  	v1 =	vld [tilespmem:s6+$0x5000];
	_ =	sdelay $0x4  }
0x4b2: {  	s7 =	simm.s32 $0x1000;
	v0 =	vadd.f32 v0, v1  }
0x4b3: {  	s8 =	simm.s32 $0x800;
	s1 =	sand.u32 $0x1F00, s7  }
0x4b4: {  	s12 =	sand.u32 $0xF80, s8;
	s11 =	sor.u32 s13, s1;
	[tilespmem:s6+$0xF000] =	vst v0  }
0x4b5: {  	s1 =	sor.u32 s13, s12;
	v0 =	vld [tilespmem:s11+$0x5000]  }
0x4b6: {  	v1 =	vld [tilespmem:s1+$0x0];
	_ =	sdelay $0x4  }
0x4b7: {  	s14 =	simm.s32 $0x2000;
	v0 =	vadd.f32 v1, v0  }
0x4b8: {  	s15 =	simm.s32 $0x1000;
	s1 =	sand.u32 $0x2F00, s14  }
0x4b9: {  	s17 =	sand.u32 $0x1780, s15;
	s16 =	sor.u32 s13, s1;
	[tilespmem:s11+$0xF000] =	vst v0  }
0x4ba: {  	s1 =	sor.u32 s13, s17;
	v0 =	vld [tilespmem:s16+$0x5000]  }
0x4bb: {  	v1 =	vld [tilespmem:s1+$0x0];
	_ =	sdelay $0x2  }
0x4bc: {  	s18 =	simm.s32 $0x10;
	s15 =	simm.s32 $0x20  }
0x4bd: {  	s19 =	simm.s32 $0x10;
	s20 =	sand.u32 $0xF00, s15;
	s14 =	sand.u32 $0x70, s18  }
0x4be: {  	s25 =	simm.s32 $0x3000;
	v2 =	vld [tilespmem:s19+$0x0];
	s1 =	sor.u32 s14, s20;
	v0 =	vadd.f32 v1, v0  }
0x4bf: {  	s26 =	simm.s32 $0x1800;
	s2 =	sand.u32 $0x3F00, s25;
	v1 =	vld [tilespmem:s1+$0x5000]  }
0x4c0: {  	s31 =	sor.u32 s13, s2;
	s4 =	sand.u32 $0x1F80, s26;
	[tilespmem:s16+$0xF000] =	vst v0  }
0x4c1: {  	s2 =	sor.u32 s13, s4;
	v0 =	vld [tilespmem:s31+$0x5000]  }
0x4c2: {  	v3 =	vld [tilespmem:s2+$0x0];
	_ =	sdelay $0x1  }
0x4c3: {  	s5 =	simm.s32 $0x1020;
	v1 =	vadd.f32 v2, v1  }
0x4c4: {  	s6 =	simm.s32 $0x810;
	s2 =	sand.u32 $0x1F00, s5  }
0x4c5: {  	s8 =	sand.u32 $0xF80, s6;
	s7 =	sor.u32 s14, s2;
	[tilespmem:s1+$0xF000] =	vst v1  }
0x4c6: {  	s11 =	simm.s32 $0x4000;
	s2 =	sor.u32 s14, s8;
	v1 =	vld [tilespmem:s7+$0x5000];
	v0 =	vadd.f32 v3, v0  }
0x4c7: {  	s12 =	simm.s32 $0x2000;
	s4 =	sand.u32 $0x4F00, s11;
	v2 =	vld [tilespmem:s2+$0x0]  }
0x4c8: {  	s16 =	sor.u32 s13, s4;
	s2 =	sand.u32 $0x2780, s12;
	[tilespmem:s31+$0xF000] =	vst v0  }
0x4c9: {  	s2 =	sor.u32 s13, s2;
	v0 =	vld [tilespmem:s16+$0x5000]  }
0x4ca: {  	v3 =	vld [tilespmem:s2+$0x0];
	_ =	sdelay $0x1  }
0x4cb: {  	s17 =	simm.s32 $0x2020;
	v1 =	vadd.f32 v2, v1  }
0x4cc: {  	s18 =	simm.s32 $0x1010;
	s2 =	sand.u32 $0x2F00, s17  }
0x4cd: {  	s20 =	sand.u32 $0x1780, s18;
	s19 =	sor.u32 s14, s2;
	[tilespmem:s7+$0xF000] =	vst v1  }
0x4ce: {  	s25 =	simm.s32 $0x5000;
	s2 =	sor.u32 s14, s20;
	v1 =	vld [tilespmem:s19+$0x5000];
	v0 =	vadd.f32 v3, v0  }
0x4cf: {  	s26 =	simm.s32 $0x2800;
	s4 =	sand.u32 $0x5F00, s25;
	v2 =	vld [tilespmem:s2+$0x0]  }
0x4d0: {  	s31 =	sor.u32 s13, s4;
	s2 =	sand.u32 $0x2F80, s26;
	[tilespmem:s16+$0xF000] =	vst v0  }
0x4d1: {  	s2 =	sor.u32 s13, s2;
	v0 =	vld [tilespmem:s31+$0x5000]  }
0x4d2: {  	s6 =	simm.s32 $0x20;
	s5 =	simm.s32 $0x40;
	v3 =	vld [tilespmem:s2+$0x0]  }
0x4d3: {  	s8 =	sand.u32 $0xF00, s5;
	s12 =	sand.u32 $0x70, s6;
	s7 =	simm.s32 $0x20  }
0x4d4: {  	s11 =	sor.u32 s12, s8;
	v4 =	vld [tilespmem:s7+$0x0];
	s16 =	simm.s32 $0x3020;
	v1 =	vadd.f32 v2, v1  }
0x4d5: {  	s6 =	simm.s32 $0x1810;
	s4 =	sand.u32 $0x3F00, s16;
	v2 =	vld [tilespmem:s11+$0x5000]  }
0x4d6: {  	s18 =	sand.u32 $0x1F80, s6;
	s17 =	sor.u32 s14, s4;
	[tilespmem:s19+$0xF000] =	vst v1  }
0x4d7: {  	s4 =	sor.u32 s14, s18;
	s19 =	simm.s32 $0x6000;
	v1 =	vld [tilespmem:s17+$0x5000];
	v0 =	vadd.f32 v3, v0  }
0x4d8: {  	s20 =	simm.s32 $0x3000;
	v3 =	vld [tilespmem:s4+$0x0];
	s6 =	sand.u32 $0x6F00, s19  }
0x4d9: {  	s4 =	sand.u32 $0x3780, s20;
	s25 =	sor.u32 s13, s6;
	[tilespmem:s31+$0xF000] =	vst v0  }
0x4da: {  	s26 =	simm.s32 $0x1040;
	s4 =	sor.u32 s13, s4;
	v0 =	vadd.f32 v4, v2;
	v2 =	vld [tilespmem:s25+$0x5000]  }
0x4db: {  	s7 =	simm.s32 $0x820;
	s6 =	sand.u32 $0x1F00, s26;
	v4 =	vld [tilespmem:s4+$0x0]  }
0x4dc: {  	s7 =	sand.u32 $0xF80, s7;
	s31 =	sor.u32 s12, s6;
	[tilespmem:s11+$0xF000] =	vst v0  }
0x4dd: {  	s8 =	simm.s32 $0x4020;
	s4 =	sor.u32 s12, s7;
	v0 =	vld [tilespmem:s31+$0x5000];
	v1 =	vadd.f32 v3, v1  }
0x4de: {  	s6 =	sand.u32 $0x4F00, s8;
	s11 =	simm.s32 $0x2010;
	v3 =	vld [tilespmem:s4+$0x0]  }
0x4df: {  	s1 =	sor.u32 s14, s6;
	s4 =	sand.u32 $0x2780, s11;
	[tilespmem:s17+$0xF000] =	vst v1  }
0x4e0: {  	s16 =	simm.s32 $0x7000;
	s4 =	sor.u32 s14, s4;
	v1 =	vld [tilespmem:s1+$0x5000];
	v2 =	vadd.f32 v4, v2  }
0x4e1: {  	s6 =	sand.u32 $0x7F00, s16;
	s17 =	simm.s32 $0x3800;
	v4 =	vld [tilespmem:s4+$0x0]  }
0x4e2: {  	s19 =	simm.s32 $0x2040;
	s7 =	sor.u32 s13, s6;
	s18 =	sand.u32 $0x3F80, s17;
	[tilespmem:s25+$0xF000] =	vst v2  }
0x4e3: {  	s20 =	simm.s32 $0x1020;
	s8 =	simm.s32 $0x30;
	s0 =	sor.u32 s13, s18;
	v0 =	vadd.f32 v3, v0;
	v2 =	vld [tilespmem:s7+$0x5000]  }
0x4e4: {  	s16 =	simm.s32 $0x60;
	s6 =	sand.u32 $0x1780, s20;
	s4 =	sand.u32 $0x2F00, s19;
	v3 =	vld [tilespmem:s0+$0x0]  }
0x4e5: {  	s26 =	sand.u32 $0xF00, s16;
	s4 =	sor.u32 s12, s4;
	s25 =	simm.s32 $0x30;
	[tilespmem:s31+$0xF000] =	vst v0;
	v0 =	vld [tilespmem:s8+$0x0]  }
0x4e6: {  	s11 =	simm.s32 $0x5020;
	s6 =	sor.u32 s12, s6;
	s2 =	sand.u32 $0x70, s25;
	v5 =	vld [tilespmem:s4+$0x5000];
	v1 =	vadd.f32 v4, v1  }
0x4e7: {  	s11 =	sand.u32 $0x5F00, s11;
	s17 =	sor.u32 s2, s26;
	s31 =	simm.s32 $0x2810;
	v4 =	vld [tilespmem:s6+$0x0]  }
0x4e8: {  	s11 =	sor.u32 s14, s11;
	v6 =	vld [tilespmem:s17+$0x5000];
	s18 =	sand.u32 $0x2F80, s31;
	[tilespmem:s1+$0xF000] =	vst v1  }
0x4e9: {  	s0 =	simm.s32 $0x4800;
	s19 =	sor.u32 s14, s18;
	v1 =	vld [tilespmem:s11+$0x5000]  }
0x4ea: {  	s25 =	simm.s32 $0x4820;
	s26 =	simm.s32 $0x3040;
	s18 =	simm.s32 $0x8000;
	v2 =	vadd.f32 v3, v2;
	v7 =	vld [tilespmem:s19+$0x0]  }
0x4eb: {  	s6 =	simm.s32 $0x4830;
	s18 =	sand.u32 $0x8F00, s18;
	s19 =	simm.s32 $0x4000  }
0x4ec: {  	s31 =	simm.s32 $0x1060;
	s20 =	sand.u32 $0x4780, s19;
	[tilespmem:s7+$0xF000] =	vst v2;
	s7 =	sor.u32 s13, s18;
	v2 =	vadd.f32 v4, v5  }
0x4ed: {  	s19 =	sand.u32 $0x3F00, s26;
	s18 =	sor.u32 s13, s20;
	s20 =	simm.s32 $0x1820;
	v8 =	vld [tilespmem:s7+$0x5000]  }
0x4ee: {  	s1 =	simm.s32 $0x4810;
	v0 =	vadd.f32 v0, v6;
	v9 =	vld [tilespmem:s18+$0x0];
	s26 =	sand.u32 $0x1F80, s20;
	[tilespmem:s4+$0xF000] =	vst v2;
	s4 =	sor.u32 s12, s19  }
0x4ef: {  	s18 =	sand.u32 $0x1F00, s31;
	s31 =	simm.s32 $0x6020;
	s19 =	sor.u32 s12, s26;
	v3 =	vld [tilespmem:s4+$0x5000];
	v1 =	vadd.f32 v7, v1  }
0x4f0: {  	[tilespmem:s17+$0xF000] =	vst v0;
	s29 =	sor.u32 s2, s18;
	s26 =	sand.u32 $0x6F00, s31;
	v4 =	vld [tilespmem:s19+$0x0];
	s19 =	simm.s32 $0x3010  }
0x4f1: {  	s31 =	simm.s32 $0x830;
	v5 =	vld [tilespmem:s29+$0x5000];
	s28 =	sor.u32 s14, s26;
	s18 =	sand.u32 $0x3780, s19;
	[tilespmem:s11+$0xF000] =	vst v1  }
0x4f2: {  	s20 =	sand.u32 $0xF80, s31;
	s31 =	simm.s32 $0x9000;
	s26 =	sor.u32 s14, s18;
	v1 =	vld [tilespmem:s28+$0x5000]  }
0x4f3: {  	s17 =	sor.u32 s2, s20;
	s11 =	simm.s32 $0x80;
	v0 =	vadd.f32 v9, v8;
	v2 =	vld [tilespmem:s26+$0x0];
	s26 =	sand.u32 $0x9F00, s31  }
.LBB2_44:
0x4f4: {  	p0 =	sne.s32 s11, $0xFE0  }
0x4f5: {  	v6 =	vld [tilespmem:s17+$0x0];
	[tilespmem:s7+$0xF000] =	vst v0;
	s7 =	sor.u32 s13, s26;
	s0 =	sand.u32 $0x4F80, s0;
	s17 =	sadd.s32 $0x4000, s5  }
0x4f6: {  	s18 =	sadd.s32 $0xFFFFD800, s25;
	v0 =	vadd.f32 v4, v3;
	v3 =	vld [tilespmem:s7+$0x5000];
	s13 =	sor.u32 s13, s0;
	s0 =	smov.u32 s1  }
0x4f7: {  	s8 =	sadd.s32 $0x10, s8;
	s17 =	sand.u32 $0x4F00, s17;
	s1 =	smov.u32 s25;
	v4 =	vld [tilespmem:s13+$0x0]  }
0x4f8: {  	s25 =	smov.u32 s6;
	s13 =	sand.u32 $0x2780, s18;
	[tilespmem:s4+$0xF000] =	vst v0;
	s4 =	sor.u32 s12, s17  }
0x4f9: {  	s18 =	sadd.s32 $0x7000, s15;
	s17 =	sor.u32 s12, s13;
	s13 =	smov.u32 s14;
	v0 =	vld [tilespmem:s4+$0x5000];
	v1 =	vadd.f32 v2, v1  }
0x4fa: {  	s18 =	sand.u32 $0x7F00, s18;
	s14 =	smov.u32 s12;
	v2 =	vld [tilespmem:s17+$0x0];
	s17 =	sadd.s32 $0xFFFFF000, s0  }
0x4fb: {  	s6 =	sadd.s32 $0x10, s6;
	s18 =	sor.u32 s13, s18;
	v5 =	vadd.f32 v6, v5;
	[tilespmem:s28+$0xF000] =	vst v1;
	s12 =	sand.u32 $0x3F80, s17  }
0x4fc: {  	s19 =	sadd.s32 $0xFFFFC800, s25;
	s17 =	sadd.s32 $0x2000, s16;
	v1 =	vld [tilespmem:s18+$0x5000];
	s12 =	sor.u32 s13, s12;
	v3 =	vadd.f32 v4, v3  }
0x4fd: {  	s20 =	sadd.s32 $0x5000, s5;
	s19 =	sand.u32 $0x1780, s19;
	s17 =	sand.u32 $0x2F00, s17;
	[tilespmem:s29+$0xF000] =	vst v5;
	v4 =	vld [tilespmem:s12+$0x0]  }
0x4fe: {  	s19 =	sor.u32 s2, s19;
	s12 =	sadd.s32 $0xFFFFB800, s6;
	s17 =	sor.u32 s2, s17;
	v5 =	vld [tilespmem:s8+$0x0];
	[tilespmem:s7+$0xF000] =	vst v3  }
0x4ff: {  	s28 =	sadd.s32 $0xFFFFD000, s25;
	s7 =	sand.u32 $0x70, s12;
	s12 =	sand.u32 $0xF00, s11;
	v3 =	vld [tilespmem:s17+$0x5000];
	v0 =	vadd.f32 v2, v0  }
0x500: {  	s26 =	sor.u32 s7, s12;
	s12 =	sadd.s32 $0xFFFFE000, s1;
	v2 =	vld [tilespmem:s19+$0x0];
	s19 =	sand.u32 $0x5F00, s20  }
0x501: {  	v6 =	vld [tilespmem:s26+$0x5000];
	[tilespmem:s4+$0xF000] =	vst v0;
	s19 =	sor.u32 s14, s19;
	s4 =	sand.u32 $0x2F80, s12;
	s12 =	smov.u32 s2  }
0x502: {  	s20 =	sadd.s32 $0x8000, s15;
	s2 =	smov.u32 s7;
	v0 =	vld [tilespmem:s19+$0x5000];
	s4 =	sor.u32 s14, s4;
	v1 =	vadd.f32 v4, v1  }
0x503: {  	s7 =	sand.u32 $0x8F00, s20;
	s20 =	smov.u32 s15;
	v4 =	vld [tilespmem:s4+$0x0];
	s4 =	sadd.s32 $0xFFFFF800, s0  }
0x504: {  	s15 =	smov.u32 s5;
	s7 =	sor.u32 s13, s7;
	[tilespmem:s18+$0xF000] =	vst v1;
	s4 =	sand.u32 $0x4780, s4  }
0x505: {  	s5 =	smov.u32 s16;
	s18 =	sadd.s32 $0x3000, s16;
	v1 =	vadd.f32 v2, v3;
	v2 =	vld [tilespmem:s7+$0x5000];
	s4 =	sor.u32 s13, s4  }
0x506: {  	s29 =	sadd.s32 $0x1000, s11;
	s16 =	smov.u32 s11;
	s18 =	sand.u32 $0x3F00, s18;
	v7 =	vld [tilespmem:s4+$0x0]  }
0x507: {  	v5 =	vadd.f32 v5, v6;
	s4 =	sor.u32 s12, s18;
	s18 =	sand.u32 $0x1F00, s29;
	[tilespmem:s17+$0xF000] =	vst v1;
	s17 =	sand.u32 $0x1F80, s28  }
.Ltmp21:
0x508: {  	s28 =	sadd.s32 $0x6000, s15;
	v3 =	vld [tilespmem:s4+$0x5000];
	s17 =	sor.u32 s12, s17;
	v0 =	vadd.f32 v4, v0;
	(pc) =	sbr.rel @p0 .LBB2_44-.Ltmp21, $4  }
0x509: {  	s29 =	sor.u32 s2, s18;
	s18 =	sand.u32 $0x6F00, s28;
	[tilespmem:s26+$0xF000] =	vst v5;
	v4 =	vld [tilespmem:s17+$0x0];
	s17 =	sadd.s32 $0xFFFFE800, s1  }
0x50a: {  	s26 =	sadd.s32 $0xFFFFC000, s6;
	s28 =	sor.u32 s14, s18;
	v5 =	vld [tilespmem:s29+$0x5000];
	[tilespmem:s19+$0xF000] =	vst v0;
	s17 =	sand.u32 $0x3780, s17  }
0x50b: {  	s20 =	sadd.s32 $0x9000, s20;
	s18 =	sand.u32 $0xF80, s26;
	v1 =	vld [tilespmem:s28+$0x5000];
	s19 =	sor.u32 s14, s17;
	v0 =	vadd.f32 v7, v2  }
0x50c: {  	s11 =	sadd.s32 $0x20, s11;
	s26 =	sand.u32 $0x9F00, s20;
	s17 =	sor.u32 s2, s18;
	v2 =	vld [tilespmem:s19+$0x0]  }
0x50d: {  	v6 =	vld [tilespmem:s17+$0x0];
	_ =	sdelay $0x4  }
0x50e: {  	s8 =	sadd.s32 $0x2000, s16;
	v5 =	vadd.f32 v6, v5  }
0x50f: {  	s11 =	sadd.s32 $0xFFFFC800, s6;
	s8 =	sand.u32 $0x2F00, s8  }
0x510: {  	s11 =	sand.u32 $0x1780, s11;
	s8 =	sor.u32 s2, s8;
	[tilespmem:s29+$0xF000] =	vst v5  }
0x511: {  	s11 =	sor.u32 s2, s11;
	v5 =	vld [tilespmem:s8+$0x5000]  }
0x512: {  	v31 =	vld [tilespmem:s11+$0x0];
	_ =	sdelay $0x4  }
0x513: {  	s29 =	sadd.s32 $0x3000, s16;
	v5 =	vadd.f32 v31, v5  }
0x514: {  	s31 =	sadd.s32 $0xFFFFD000, s6;
	s11 =	sand.u32 $0x3F00, s29  }
0x515: {  	s18 =	sand.u32 $0x1F80, s31;
	[tilespmem:s8+$0xF000] =	vst v5;
	s8 =	sor.u32 s2, s11  }
0x516: {  	s11 =	sor.u32 s2, s18;
	v5 =	vld [tilespmem:s8+$0x5000]  }
0x517: {  	v32 =	vld [tilespmem:s11+$0x0];
	_ =	sdelay $0x2  }
0x518: {  	s20 =	sadd.s32 $0x4000, s5;
	v3 =	vadd.f32 v4, v3  }
0x519: {  	s19 =	sadd.s32 $0xFFFFD800, s25;
	s17 =	sand.u32 $0x4F00, s20  }
0x51a: {  	s31 =	sadd.s32 $0x4000, s16;
	s17 =	sor.u32 s12, s17;
	[tilespmem:s4+$0xF000] =	vst v3;
	s11 =	sand.u32 $0x2780, s19;
	v33 =	vadd.f32 v32, v5  }
0x51b: {  	v35 =	vld [tilespmem:s17+$0x5000];
	s18 =	sadd.s32 $0xFFFFD800, s6;
	s29 =	sor.u32 s12, s11;
	s11 =	sand.u32 $0x4F00, s31  }
0x51c: {  	s4 =	sand.u32 $0x2780, s18;
	v34 =	vld [tilespmem:s29+$0x0];
	s19 =	sor.u32 s2, s11;
	[tilespmem:s8+$0xF000] =	vst v33  }
0x51d: {  	s4 =	sor.u32 s2, s4;
	v3 =	vld [tilespmem:s19+$0x5000]  }
0x51e: {  	v36 =	vld [tilespmem:s4+$0x0];
	_ =	sdelay $0x2  }
0x51f: {  	s20 =	sadd.s32 $0xFFFFE000, s25;
	v4 =	vadd.f32 v34, v35  }
0x520: {  	s29 =	sadd.s32 $0x5000, s5;
	s4 =	sand.u32 $0x2F80, s20  }
0x521: {  	s31 =	sadd.s32 $0x5000, s16;
	s11 =	sand.u32 $0x5F00, s29;
	[tilespmem:s17+$0xF000] =	vst v4;
	s4 =	sor.u32 s12, s4;
	v3 =	vadd.f32 v36, v3  }
0x522: {  	s18 =	sadd.s32 $0xFFFFE000, s6;
	s11 =	sor.u32 s12, s11;
	s17 =	sand.u32 $0x5F00, s31;
	v4 =	vld [tilespmem:s4+$0x0]  }
0x523: {  	v37 =	vld [tilespmem:s11+$0x5000];
	s4 =	sand.u32 $0x2F80, s18;
	[tilespmem:s19+$0xF000] =	vst v3;
	s19 =	sor.u32 s2, s17  }
0x524: {  	s4 =	sor.u32 s2, s4;
	v3 =	vld [tilespmem:s19+$0x5000]  }
0x525: {  	v38 =	vld [tilespmem:s4+$0x0];
	_ =	sdelay $0x2  }
0x526: {  	s20 =	sadd.s32 $0xFFFFE800, s25;
	v4 =	vadd.f32 v4, v37  }
0x527: {  	s29 =	sadd.s32 $0x6000, s5;
	s4 =	sand.u32 $0x3780, s20  }
0x528: {  	s31 =	sadd.s32 $0x6000, s16;
	s17 =	sand.u32 $0x6F00, s29;
	[tilespmem:s11+$0xF000] =	vst v4;
	s4 =	sor.u32 s12, s4;
	v3 =	vadd.f32 v38, v3  }
0x529: {  	s18 =	sadd.s32 $0xFFFFE800, s6;
	s17 =	sor.u32 s12, s17;
	s11 =	sand.u32 $0x6F00, s31;
	v4 =	vld [tilespmem:s4+$0x0]  }
0x52a: {  	v39 =	vld [tilespmem:s17+$0x5000];
	s8 =	sor.u32 s2, s11;
	s4 =	sand.u32 $0x3780, s18;
	[tilespmem:s19+$0xF000] =	vst v3  }
0x52b: {  	s4 =	sor.u32 s2, s4;
	v3 =	vld [tilespmem:s8+$0x5000]  }
0x52c: {  	v40 =	vld [tilespmem:s4+$0x0]  }
0x52d: {  	v1 =	vadd.f32 v2, v1;
	s20 =	sadd.s32 $0x7000, s15  }
0x52e: {  	s11 =	sand.u32 $0x7F00, s20;
	s19 =	sadd.s32 $0xFFFFF000, s1  }
0x52f: {  	[tilespmem:s28+$0xF000] =	vst v1;
	s18 =	sadd.s32 $0xFFFFF000, s25;
	s11 =	sor.u32 s14, s11;
	v41 =	vadd.f32 v4, v39;
	s4 =	sand.u32 $0x3F80, s19  }
0x530: {  	s28 =	sadd.s32 $0x7000, s5;
	s18 =	sand.u32 $0x3F80, s18;
	v43 =	vld [tilespmem:s11+$0x5000];
	s4 =	sor.u32 s14, s4  }
0x531: {  	s31 =	sadd.s32 $0x7000, s16;
	s29 =	sor.u32 s12, s18;
	[tilespmem:s17+$0xF000] =	vst v41;
	v42 =	vld [tilespmem:s4+$0x0];
	s4 =	sand.u32 $0x7F00, s28;
	v44 =	vadd.f32 v40, v3  }
0x532: {  	s18 =	sand.u32 $0x7F00, s31;
	s19 =	sadd.s32 $0xFFFFF000, s6;
	v45 =	vld [tilespmem:s29+$0x0];
	s4 =	sor.u32 s12, s4  }
0x533: {  	s17 =	sand.u32 $0x3F80, s19;
	v46 =	vld [tilespmem:s4+$0x5000];
	[tilespmem:s8+$0xF000] =	vst v44;
	s8 =	sor.u32 s2, s18  }
0x534: {  	s17 =	sor.u32 s2, s17;
	v1 =	vld [tilespmem:s8+$0x5000]  }
0x535: {  	v47 =	vld [tilespmem:s17+$0x0]  }
0x536: {  	s20 =	sadd.s32 $0xFFFFF800, s1;
	v2 =	vadd.f32 v42, v43  }
0x537: {  	s28 =	sadd.s32 $0x8000, s15;
	s17 =	sand.u32 $0x4780, s20  }
0x538: {  	s31 =	sadd.s32 $0xFFFFF800, s25;
	s18 =	sand.u32 $0x8F00, s28;
	[tilespmem:s11+$0xF000] =	vst v2;
	s29 =	sor.u32 s14, s17;
	v48 =	vadd.f32 v45, v46  }
0x539: {  	s19 =	sadd.s32 $0x8000, s5;
	s18 =	sor.u32 s14, s18;
	s17 =	sand.u32 $0x4780, s31;
	v49 =	vld [tilespmem:s29+$0x0]  }
0x53a: {  	s28 =	sadd.s32 $0x8000, s16;
	s11 =	sand.u32 $0x8F00, s19;
	v50 =	vld [tilespmem:s18+$0x5000];
	s20 =	sor.u32 s12, s17;
	[tilespmem:s4+$0xF000] =	vst v48;
	v1 =	vadd.f32 v47, v1  }
0x53b: {  	s11 =	sor.u32 s12, s11;
	s29 =	sadd.s32 $0xFFFFF800, s6;
	s17 =	sand.u32 $0x8F00, s28;
	v2 =	vld [tilespmem:s20+$0x0]  }
0x53c: {  	s31 =	sor.u32 s2, s17;
	s4 =	sand.u32 $0x4780, s29;
	v51 =	vld [tilespmem:s11+$0x5000];
	[tilespmem:s8+$0xF000] =	vst v1  }
0x53d: {  	s4 =	sor.u32 s2, s4;
	v52 =	vld [tilespmem:s31+$0x5000]  }
0x53e: {  	s0 =	sand.u32 $0x4F80, s0;
	v53 =	vld [tilespmem:s4+$0x0]  }
0x53f: {  	[tilespmem:s7+$0xF000] =	vst v0;
	s0 =	sor.u32 s13, s0;
	s15 =	sadd.s32 $0x9000, s15;
	v54 =	vadd.f32 v49, v50  }
0x540: {  	v56 =	vld [tilespmem:s0+$0x0];
	s7 =	sand.u32 $0x9F00, s15;
	s4 =	sor.u32 s13, s26  }
0x541: {  	s19 =	sadd.s32 $0x9000, s5;
	s17 =	sor.u32 s14, s7;
	v55 =	vld [tilespmem:s4+$0x5000];
	[tilespmem:s18+$0xF000] =	vst v54;
	s18 =	sand.u32 $0x4F80, s1;
	v57 =	vadd.f32 v2, v51  }
0x542: {  	s5 =	sand.u32 $0x9F00, s19;
	v58 =	vld [tilespmem:s17+$0x5000];
	s1 =	sor.u32 s14, s18  }
0x543: {  	s25 =	sand.u32 $0x4F80, s25;
	s20 =	sor.u32 s12, s5;
	s26 =	sadd.s32 $0x9000, s16;
	v59 =	vld [tilespmem:s1+$0x0];
	[tilespmem:s11+$0xF000] =	vst v57;
	v60 =	vadd.f32 v53, v52  }
0x544: {  	s5 =	sor.u32 s12, s25;
	s7 =	sand.u32 $0x9F00, s26;
	v61 =	vld [tilespmem:s20+$0x5000]  }
0x545: {  	s29 =	sand.u32 $0x4F80, s6;
	s28 =	sor.u32 s2, s7;
	v62 =	vld [tilespmem:s5+$0x0];
	[tilespmem:s31+$0xF000] =	vst v60  }
0x546: {  	s31 =	sor.u32 s2, s29;
	v0 =	vld [tilespmem:s28+$0x5000]  }
0x547: {  	v7 =	vld [tilespmem:s31+$0x0];
	_ =	sdelay $0x1  }
0x548: {  	v3 =	vadd.f32 v56, v55  }
0x549: {  	v1 =	vadd.f32 v59, v58  }
0x54a: {  	[tilespmem:s4+$0xF000] =	vst v3;
	v63 =	vadd.f32 v62, v61  }
0x54b: {  	[tilespmem:s17+$0xF000] =	vst v1;
	v0 =	vadd.f32 v7, v0  }
0x54c: {  	s0 =	simm.s32 $0xF000;
	[tilespmem:s20+$0xF000] =	vst v63  }
0x54d: {  	s1 =	simm.s32 $0x10;
	s2 =	simm.s32 $0xF100;
	s4 =	sadd.s32 $0x0, s23;
	[tilespmem:s28+$0xF000] =	vst v0  }
.LBB2_46:
0x54e: {  	[hbm4b:s4+s3] =	stream.linear.scatter [tilespmem:s0], [sflag:$0x3], $0x80, $0x38;
	[tilespmem:$0x19000] =	vst v63  }
0x54f: {  	s4 =	smov.u32 s1;
	s0 =	smov.u32 s2;
	p0 =	sne.s32 s1, $0x9F0  }
.Ltmp22:
0x550: {  	s1 =	sadd.s32 $0x10, s1;
	(pc) =	sbr.rel @p0 .LBB2_46-.Ltmp22, $2  }
0x551: {  	_ =	sdelay $0x2  }
0x552: {  	s2 =	sadd.s32 $0x100, s2;
	s4 =	sadd.s32 s4, s23  }
0x553: {  	[hbm4b:s4+s3] =	stream.linear.scatter [tilespmem:s0], [sflag:$0x3], $0x80, $0x38;
	[tilespmem:$0x19000] =	vst v63  }
0x554: {  	s17 =	simm.s32 $0x2  }
0x555: {  	_ =	swait.ge [sflag:s17], $0x1000  }
0x556: {  	[sflag:s17] =	ssyncset.done $0x0  }
0x557: {  	s1 =	simm.s32 $0x4;
	[sflag:s17] =	ssyncadd.s32 $0xFFFFF000  }
0x558: {  	_ =	swait.ge [sflag:s1], $0x5000  }
0x559: {  	s18 =	simm.s32 $0x0;
	[sflag:s1] =	ssyncset.done $0x0  }
0x55a: {  	s19 =	sand.u32 $0x70, s18;
	s2 =	sand.u32 $0xF00, s18;
	[sflag:s1] =	ssyncadd.s32 $0xFFFFB000  }
0x55b: {  	s2 =	sor.u32 s2, s19;
	v0 =	vld [tilespmem:s18+$0x0]  }
0x55c: {  	v1 =	vld [tilespmem:s2+$0x5080];
	_ =	sdelay $0x1  }
0x55d: {  	s20 =	simm.s32 $0x10;
	s25 =	simm.s32 $0x20  }
0x55e: {  	s7 =	sand.u32 $0x70, s20;
	s4 =	sand.u32 $0xF00, s25  }
0x55f: {  	s6 =	sor.u32 s4, s7;
	v2 =	vld [tilespmem:s20+$0x0]  }
0x560: {  	s26 =	simm.s32 $0x1000;
	v0 =	vadd.f32 v0, v1;
	v1 =	vld [tilespmem:s6+$0x5080]  }
0x561: {  	s28 =	simm.s32 $0x800;
	s0 =	sand.u32 $0x1F00, s26  }
0x562: {  	s29 =	sand.u32 $0xF80, s28;
	s0 =	sor.u32 s0, s19;
	[tilespmem:s2+$0xF080] =	vst v0  }
0x563: {  	s1 =	sor.u32 s19, s29;
	v3 =	vld [tilespmem:s0+$0x5080]  }
0x564: {  	s4 =	simm.s32 $0x40;
	s2 =	simm.s32 $0x20;
	v4 =	vld [tilespmem:s1+$0x0]  }
0x565: {  	s8 =	simm.s32 $0x1020;
	s5 =	sand.u32 $0xF00, s4;
	s1 =	sand.u32 $0x70, s2;
	v0 =	vadd.f32 v2, v1  }
0x566: {  	s11 =	simm.s32 $0x810;
	s8 =	sand.u32 $0x1F00, s8;
	s5 =	sor.u32 s5, s1;
	v1 =	vld [tilespmem:s2+$0x0]  }
0x567: {  	s31 =	sand.u32 $0xF80, s11;
	v2 =	vld [tilespmem:s5+$0x5080];
	[tilespmem:s6+$0xF080] =	vst v0;
	s6 =	sor.u32 s8, s7  }
0x568: {  	s11 =	simm.s32 $0x30;
	s12 =	sor.u32 s7, s31;
	v0 =	vld [tilespmem:s6+$0x5080]  }
0x569: {  	s7 =	simm.s32 $0x30;
	s8 =	simm.s32 $0x60;
	v4 =	vadd.f32 v4, v3;
	v3 =	vld [tilespmem:s12+$0x0];
	s19 =	rddreg [dreg:$0x11]  }
.LBB2_48:
0x56a: {  	s12 =	sand.u32 $0x70, s7  }
0x56b: {  	s13 =	sand.u32 $0xF00, s8;
	s14 =	sadd.s32 $0x1000, s4;
	s15 =	smov.u32 s7  }
0x56c: {  	[tilespmem:s0+$0xF080] =	vst v4;
	s0 =	smov.u32 s6;
	s4 =	smov.u32 s8;
	p0 =	sne.s32 s7, $0x7F0  }
.Ltmp23:
0x56d: {  	s7 =	sadd.s32 $0x10, s7;
	s13 =	sor.u32 s13, s12;
	v4 =	vadd.f32 v1, v2;
	v1 =	vld [tilespmem:s11+$0x0];
	(pc) =	sbr.rel @p0 .LBB2_48-.Ltmp23, $4  }
0x56e: {  	s16 =	sadd.s32 $0x800, s2;
	s6 =	sand.u32 $0x1F00, s14;
	s2 =	smov.u32 s15;
	v2 =	vld [tilespmem:s13+$0x5080]  }
0x56f: {  	s14 =	sand.u32 $0xF80, s16;
	s6 =	sor.u32 s6, s1;
	[tilespmem:s5+$0xF080] =	vst v4;
	s5 =	smov.u32 s13  }
0x570: {  	s13 =	sor.u32 s1, s14;
	s1 =	smov.u32 s12;
	v4 =	vadd.f32 v3, v0;
	v0 =	vld [tilespmem:s6+$0x5080]  }
0x571: {  	s8 =	sadd.s32 $0x20, s8;
	s11 =	sadd.s32 $0x10, s11;
	v3 =	vld [tilespmem:s13+$0x0]  }
0x572: {  	_ = 	snop  }
0x573: {  	s4 =	sadd.s32 $0x1000, s4;
	v1 =	vadd.f32 v1, v2  }
0x574: {  	s2 =	sadd.s32 $0x800, s2;
	s4 =	sand.u32 $0x1F00, s4  }
0x575: {  	s2 =	sand.u32 $0xF80, s2;
	s4 =	sor.u32 s4, s1;
	[tilespmem:s5+$0xF080] =	vst v1  }
0x576: {  	s31 =	sor.u32 s1, s2;
	v1 =	vld [tilespmem:s4+$0x5080]  }
0x577: {  	v63 =	vld [tilespmem:s31+$0x0];
	_ =	sdelay $0x3  }
0x578: {  	v0 =	vadd.f32 v3, v0  }
0x579: {  	[tilespmem:s0+$0xF080] =	vst v4;
	v1 =	vadd.f32 v63, v1  }
0x57a: {  	s0 =	simm.s32 $0xF080;
	[tilespmem:s6+$0xF080] =	vst v0  }
0x57b: {  	s1 =	simm.s32 $0x10;
	s2 =	simm.s32 $0xF180;
	[tilespmem:s4+$0xF080] =	vst v1;
	s4 =	sadd.s32 $0x0, s24  }
.LBB2_50:
0x57c: {  	[hbm4b:s4+s3] =	stream.linear.scatter [tilespmem:s0], [sflag:$0x4], $0x80, $0x38;
	[tilespmem:$0x19000] =	vst v63  }
0x57d: {  	s4 =	smov.u32 s1;
	s0 =	smov.u32 s2;
	p0 =	sne.s32 s1, $0x1F0  }
.Ltmp24:
0x57e: {  	s1 =	sadd.s32 $0x10, s1;
	(pc) =	sbr.rel @p0 .LBB2_50-.Ltmp24, $2  }
0x57f: {  	_ =	sdelay $0x2  }
0x580: {  	s2 =	sadd.s32 $0x100, s2;
	s4 =	sadd.s32 s4, s24  }
0x581: {  	[hbm4b:s4+s3] =	stream.linear.scatter [tilespmem:s0], [sflag:$0x4], $0x80, $0x38;
	[tilespmem:$0x19000] =	vst v63  }
0x582: {  	s29 =	simm.s32 $0x3  }
0x583: {  	_ =	swait.ge [sflag:s29], $0x5000  }
0x584: {  	[sflag:s29] =	ssyncset.done $0x0  }
0x585: {  	s1 =	simm.s32 $0x4;
	[sflag:s29] =	ssyncadd.s32 $0xFFFFB000  }
0x586: {  	_ =	swait.ge [sflag:s1], $0x1000  }
0x587: {  	s2 =	rddreg [dreg:$0x18]  }
0x588: {  	s31 =	rddreg [dreg:$0x13];
	s2 =	sadd.s32 $0x1, s2  }
0x589: {  	p0 =	sne.s32 s2, s31  }
.Ltmp25:
0x58a: {  	_ = 	snop;
	(pc) =	sbr.rel @p0 .LBB2_1-.Ltmp25, $3  }
0x58b: {  	_ =	sdelay $0x1  }
0x58c: {  	[sflag:s1] =	ssyncset.done $0x0;
	s5 =	rddreg [dreg:$0xf]  }
0x58d: {  	s6 =	rddreg [dreg:$0x10];
	[sflag:s1] =	ssyncadd.s32 $0xFFFFF000  }
0x58e: {  	_ =	sfence.sel $0x180000  }
0x58f: {  	[bflag:$0x0] =	sbarrier.arrive $0xFFFF  }
0x590: {  	_ =	strace $0x9000004A  }
0x591: {  	s0 =	stileid.u32;
	[bflag:$0x2] =	sbarrier.arrive $0xFFFF  }
0x592: {  	p0 =	sne.s32 s0, $0x0;
	s0 =	rddreg [dreg:$0x2]  }
0x593: {  	s0 =	sadd.s32 @!p0 $0x100000, s0  }
0x594: {  	[sflag:s0] =	ssyncadd.tile.s32 @!p0 $0x1;
	_ =	shalt  }
.Lfunc_end2:
_tile_overlayer_lowered:
.L_overlay_start_2:
0x595: {  	(tag) =	ssettag $0x2  }
0x596: {  	s0 =	rddreg [dreg:$0x0];
	s2 =	stileid.u32  }
0x597: {  	s1 =	rddreg [dreg:$0x1];
	p0 =	sne.s32 s2, $0x0  }
0x598: {  	s3 =	rddreg [dreg:$0x2];
	[bflag:$0x3] =	sbarrier.arrive $0xFFFF;
	s2 =	simm.s32 @!p0 $0x1C06  }
0x599: {  	[timem:s3], [sflag:s2] =	dma.local @!p0 [hbm:s0], s1  }
0x59a: {  	s0 =	simm.s32 @!p0 $0x6  }
0x59b: {  	_ =	swait.ge @!p0 [sflag:s0], s1  }
0x59c: {  	s1 =	ssub.s32 @!p0 $0x0, s1;
	[sflag:s0] =	ssyncset.done @!p0 $0x0  }
0x59d: {  	[sflag:s0] =	ssyncadd.s32 @!p0 s1  }
0x59e: {  	[bflag:$0x3] =	sbarrier.arrive $0xFFFF  }
0x59f: {  	_ =	shalt  }

// kernel: sparse-core-data-format-call.cloned.1.call-start
scs
called_computation_lowered:
.L_overlay_start_0:
0x0: {  	s2 =	sld [smem:$0x3FD9]  }
0x1: {  	s3 =	sld [smem:$0x3FFE];
	_ =	sdelay $0x1  }
0x2: {  	s1 =	srdreg.scid  }
0x3: {  	s0 =	sand.u32 $0x1, s1  }
0x4: {  	s19 =	sshll.u32 s0, $0xA;
	s2 =	sadd.s32 s3, s2  }
0x5: {  	s2 =	sadd.s32 s2, s19  }
0x6: {  	[smem:$0x3FC6] =	sst s2  }
0x7: {  	_ = 	snop  }
0x8: {  	s2 =	sld [smem:$0x3FC9]  }
0x9: {  	s20 =	sld [smem:$0x3FD0];
	(tm) =	ssettm $0x1  }
0xa: {  	s4 =	sld [smem:$0x3FFB];
	_ =	sdelay $0x3  }
0xb: {  	_ =	strace s4  }
0xc: {  	s4 =	sld [smem:$0x3FFC];
	_ =	sdelay $0x3  }
0xd: {  	_ =	strace s4  }
0xe: {  	s4 =	sld [smem:$0x3FFD];
	_ =	sdelay $0x3  }
0xf: {  	_ =	strace s4  }
0x10: {  	_ =	strace $0x8FFFFFFF  }
0x11: {  	s21 =	sld [smem:$0x3FDB];
	_ =	sdelay $0x1  }
0x12: {  	s5 =	simm.s32 $_scs_section_size  }
0x13: {  	s6 =	simm.s32 $_size__tile_overlayer_lowered;
	s7 =	simm.s32 $_tile_overlayer_lowered  }
0x14: {  	s24 =	simm.s32 $0x1BFF;
	s23 =	sshll.u32 s7, $0x1;
	s4 =	sadd.s32 s5, s21  }
0x15: {  	s8 =	simm.s32 $0x0;
	s22 =	sshll.u32 s6, $0x1;
	s6 =	sadd.s32 s23, s4  }
0x16: {  	[timem:s8], [sflag:s24] =	dma.local [hbm:s6], s22  }
0x17: {  	_ =	swait.ge [sflag:s24], s22  }
0x18: {  	s5 =	ssub.s32 $0x0, s22;
	[sflag:s24] =	ssyncset.done $0x0  }
0x19: {  	[sflag:s24] =	ssyncadd.s32 s5;
	_ =	sdelay $0x1  }
0x1a: {  	s25 =	simm.s32 $0x1B8B  }
0x1b: {  	_ =	swait.ge [sflag:s25], $0x1  }
0x1c: {  	[sflag:s25] =	ssyncset.done $0x0  }
0x1d: {  	s26 =	simm.s32 $0x1B8E;
	[sflag:s25] =	ssyncadd.s32 $0xFFFFFFFF  }
0x1e: {  	s27 =	simm.s32 $execute0_lowered;
	[smem:$0x3FD2] =	sst s26  }
0x1f: {  	s5 =	sshll.u32 s27, $0x1;
	_ =	strace $0x80000046;
	[dreg:$0x1] =	wrdreg $0xFFFFFFFF  }
0x20: {  	s28 =	simm.s32 $_size_execute0_lowered;
	s4 =	sadd.s32 s4, s5;
	[dreg:$0x0] =	wrdreg $0x0  }
0x21: {  	s5 =	sshll.u32 s28, $0x1;
	[dreg:$0x2] =	wrdreg s4  }
0x22: {  	[dreg:$0x3] =	wrdreg s5  }
0x23: {  	[dreg:$0x4] =	wrdreg $0xC0  }
0x24: {  	_ =	task [dreg:s8], $0x5FFFF  }
0x25: {  	[dreg:$0x1] =	wrdreg $0xFFFFFFFF  }
0x26: {  	[dreg:$0x0] =	wrdreg $0x60  }
0x27: {  	[dreg:$0x2] =	wrdreg s2  }
0x28: {  	[dreg:$0x3] =	wrdreg s20  }
0x29: {  	[dreg:$0x4] =	wrdreg $0x9  }
0x2a: {  	_ =	task.clear_ibuf [dreg:s8], $0x5FFFF;
	_ =	strace $0x90000046  }
0x2b: {  	s29 =	simm.s32 $0x9;
	_ =	strace $0x80000048  }
0x2c: {  	_ =	swait.ge [sflag:s29], $0x1  }
0x2d: {  	[sflag:s29] =	ssyncadd.s32 $0xFFFFFFFF  }
0x2e: {  	_ =	strace $0x90000048  }
0x2f: {  	_ =	sfence  }
0x30: {  	s30 =	sld [smem:$0x0];
	_ =	sdelay $0x2  }
0x31: {  	s31 =	sshll.u32 s1, $0xD;
	s1 =	sshrl.u32 s1, $0x2  }
0x32: {  	s3 =	sand.u32 $0x4000, s31;
	s1 =	sadd.s32 s1, s30  }
0x33: {  	s0 =	sor.u32 s3, s0;
	s1 =	sshll.u32 s1, $0x11  }
0x34: {  	s0 =	sor.u32 s1, s0  }
0x35: {  	s0 =	sadd.s32 $0x8F2B, s0  }
0x36: {  	[sflag:s0] =	ssyncadd.remote.s32 $0x1  }
0x37: {  	_ =	sfence.sel $0xFFFF  }
0x38: {  	[dreg:$0x0] =	wrdreg $0xFFFFFFFF;
	(pc) =	sbr.abs _section_cstart, $3  }
0x39: {  	[dreg:$0x1] =	wrdreg $0xFFFFFFFF  }
0x3a: {  	_ =	task.clear_ibuf [dreg:s8], $0x2FFFF;
	_ =	strace $0x9FFFFFFF  }
0x3b: {  	(tm) =	ssettm $0x7FFFFFFF  }
tec
execute0_lowered:
.L_overlay_start_1:
0x0: {  	(tag) =	ssettag $0x1  }
0x1: {  	s2 =	rddreg [dreg:$0x0]  }
0x2: {  	s3 =	rddreg [dreg:$0x1]  }
0x3: {  	s0 =	rddreg [dreg:$0x2];
	s4 =	srdreg.scid  }
.Ltmp0:
0x4: {  	_ =	strace $0x80000047;
	s1 =	stileid.u32;
	(pc) =	sbr.rel .LBB1_1-.Ltmp0, $4  }
0x5: {  	s6 =	simm.s32 $0x2;
	p0 =	por $0x0, $0x0;
	s5 =	sshll.u32 s4, $0x4  }
0x6: {  	s9 =	simm.s32 $0x0;
	s4 =	simm.s32 $0x1;
	s5 =	sand.u32 $0x10, s5  }
0x7: {  	s7 =	simm.s32 $0x0;
	[sflag:s4] =	ssyncpa.u1 $0x0;
	s5 =	sor.u32 s1, s5  }
0x8: {  	[sflag:s6] =	ssyncpa.u1 $0x0;
	s6 =	simm.s32 $0x0;
	s8 =	smov.u32 s5  }
.LBB1_7:
0x9: {  	s11 =	sadd.s32 $0x20, s8  }
0xa: {  	p1 =	slt.u32 s7, $0x2;
	s7 =	sadd.s32 $0x1, s7;
	p2 =	sgt.s32 s11, $0x7FF  }
0xb: {  	s11 =	smov.u32 @p2 s5;
	p2 =	sne.s32 s7, $0x42  }
.Ltmp1:
0xc: {  	_ = 	snop;
	(pc) =	sbr.rel @!p2 .LBB1_8-.Ltmp1, $4  }
0xd: {  	s10 =	simm.s32 @!p1 $0x2  }
0xe: {  	_ =	swait.ge @!p1 [sflag:s10], $0x4000  }
0xf: {  	s9 =	smov.u32 s8;
	[sflag:s10] =	ssyncset.done @!p1 $0x0  }
0x10: {  	p0 =	por !p0, !p0;
	s8 =	smov.u32 s11;
	[sflag:s10] =	ssyncadd.s32 @!p1 $0xFFFFC000  }
.LBB1_1:
0x11: {  	p1 =	sgt.u32 s7, $0x3F  }
0x12: {  	s10 =	sxor.u32 @!p1 $0xFFFFFFFF, s7  }
0x13: {  	s11 =	sshll.u32 @!p1 s8, $0xB;
	s10 =	sshll.u32 @!p1 s10, $0xE  }
0x14: {  	s12 =	simm.s32 @!p1 $0x0;
	s11 =	sadd.s32 @!p1 s2, s11;
	s10 =	sand.u32 @!p1 $0x4000, s10  }
0x15: {  	[tilespmem:s10], [sflag:$0x1] =	stream.linear.gather @!p1 [hbm4b:s11+s12], $0x4000, $0x38;
	[tilespmem:$0x10000] =	vst v63  }
0x16: {  	p1 =	seq.s32 s7, $0x0  }
0x17: {  	p2 =	seq.s32 @!p1 s7, $0x41  }
0x18: {  	p1 =	por p1, p2  }
.Ltmp2:
0x19: {  	_ = 	snop;
	(pc) =	sbr.rel @p1 .LBB1_7-.Ltmp2, $1  }
0x1a: {  	_ =	sdelay $0x3  }
0x1b: {  	s10 =	simm.s32 $0x1;
	_ =	swait.ge [sflag:s4], $0x4000;
	s12 =	sshll.u32 s7, $0xE  }
0x1c: {  	s13 =	simm.s32 $0x0;
	s10 =	simm.s32 @!p0 $0x0;
	[sflag:s4] =	ssyncset.done $0x0  }
0x1d: {  	s12 =	sand.u32 $0x4000, s12;
	s11 =	sshll.u32 s10, $0xE;
	[sflag:s4] =	ssyncadd.s32 $0xFFFFC000  }
0x1e: {  	s12 =	sor.u32 $0x8000, s12;
	s10 =	sor.u32 $0x8040, s11;
	s11 =	sor.u32 $0x40, s11  }
.LBB1_3:
0x1f: {  	v0 =	vmov s11;
	_ =	sdelay $0x3  }
0x20: {  	s15 =	simm.s32 $0x0  }
0x21: {  	v6 =	vld.idx.msk [tilespmem:v0+s15+$0x30 ss:$0x1], $0xffff  }
0x22: {  	v7 =	vld.idx.msk [tilespmem:v0+s15+$0xFFFFFFC0 ss:$0x1], $0xffff  }
0x23: {  	v5 =	vld.idx.msk [tilespmem:v0+s15+$0xFFFFFFD0 ss:$0x1], $0xffff  }
0x24: {  	v4 =	vld.idx.msk [tilespmem:v0+s15+$0xFFFFFFE0 ss:$0x1], $0xffff  }
0x25: {  	v3 =	vld.idx.msk [tilespmem:v0+s15+$0xFFFFFFF0 ss:$0x1], $0xffff  }
0x26: {  	v1 =	vld.idx.msk [tilespmem:v0+s15+$0x0 ss:$0x1], $0xffff  }
0x27: {  	v2 =	vld.idx.msk [tilespmem:v0+s15+$0x10 ss:$0x1], $0xffff;
	[tilespmem:s10+$0x30] =	vst v6  }
0x28: {  	s14 =	simm.s32 $0x80;
	s16 =	simm.s32 $0x400;
	[tilespmem:s10+$0xFFFFFFC0] =	vst v7;
	v6 =	vld.idx.msk [tilespmem:v0+s15+$0x20 ss:$0x1], $0xffff;
	s15 =	smov.u32 s10  }
.LBB1_4:
0x29: {  	p1 =	sne.s32 s16, $0xE00;
	v7 =	vld.idx.msk [tilespmem:v0+s14+$0x30 ss:$0x1], $0xffff;
	[tilespmem:s15+$0xFFFFFFD0] =	vst v5  }
0x2a: {  	v8 =	vld.idx.msk [tilespmem:v0+s14+$0xFFFFFFC0 ss:$0x1], $0xffff;
	[tilespmem:s15+$0xFFFFFFE0] =	vst v4  }
0x2b: {  	v5 =	vld.idx.msk [tilespmem:v0+s14+$0xFFFFFFD0 ss:$0x1], $0xffff;
	[tilespmem:s15+$0xFFFFFFF0] =	vst v3  }
.Ltmp3:
0x2c: {  	v4 =	vld.idx.msk [tilespmem:v0+s14+$0xFFFFFFE0 ss:$0x1], $0xffff;
	[tilespmem:s15+$0x0] =	vst v1;
	(pc) =	sbr.rel @p1 .LBB1_4-.Ltmp3, $4  }
0x2d: {  	v3 =	vld.idx.msk [tilespmem:v0+s14+$0xFFFFFFF0 ss:$0x1], $0xffff;
	[tilespmem:s15+$0x10] =	vst v2  }
0x2e: {  	v1 =	vld.idx.msk [tilespmem:v0+s14+$0x0 ss:$0x1], $0xffff;
	[tilespmem:s15+$0x20] =	vst v6;
	s15 =	sadd.s32 $0x800, s15  }
0x2f: {  	v2 =	vld.idx.msk [tilespmem:v0+s14+$0x10 ss:$0x1], $0xffff;
	[tilespmem:s15+$0x30] =	vst v7  }
0x30: {  	[tilespmem:s15+$0xFFFFFFC0] =	vst v8;
	v6 =	vld.idx.msk [tilespmem:v0+s14+$0x20 ss:$0x1], $0xffff;
	s14 =	sshra.s32 s16, $0x2;
	s16 =	sadd.s32 $0x200, s16  }
0x31: {  	_ =	sdelay $0x2  }
0x32: {  	[tilespmem:s15+$0xFFFFFFD0] =	vst v5  }
0x33: {  	v56 =	vld.idx.msk [tilespmem:v0+s14+$0x30 ss:$0x1], $0xffff;
	[tilespmem:s15+$0xFFFFFFE0] =	vst v4  }
0x34: {  	v57 =	vld.idx.msk [tilespmem:v0+s14+$0xFFFFFFC0 ss:$0x1], $0xffff;
	[tilespmem:s15+$0xFFFFFFF0] =	vst v3  }
0x35: {  	v58 =	vld.idx.msk [tilespmem:v0+s14+$0xFFFFFFD0 ss:$0x1], $0xffff;
	[tilespmem:s15+$0x0] =	vst v1  }
0x36: {  	v59 =	vld.idx.msk [tilespmem:v0+s14+$0xFFFFFFE0 ss:$0x1], $0xffff;
	[tilespmem:s15+$0x10] =	vst v2  }
0x37: {  	v60 =	vld.idx.msk [tilespmem:v0+s14+$0xFFFFFFF0 ss:$0x1], $0xffff;
	s31 =	sadd.s32 $0x800, s15;
	[tilespmem:s15+$0x20] =	vst v6  }
0x38: {  	v61 =	vld.idx.msk [tilespmem:v0+s14+$0x0 ss:$0x1], $0xffff;
	[tilespmem:s31+$0x30] =	vst v56  }
0x39: {  	v62 =	vld.idx.msk [tilespmem:v0+s14+$0x10 ss:$0x1], $0xffff;
	s13 =	sadd.s32 $0x1, s13;
	[tilespmem:s31+$0xFFFFFFC0] =	vst v57  }
0x3a: {  	v63 =	vld.idx.msk [tilespmem:v0+s14+$0x20 ss:$0x1], $0xffff;
	p1 =	sne.s32 s13, $0x10;
	[tilespmem:s31+$0xFFFFFFD0] =	vst v58  }
.Ltmp4:
0x3b: {  	[tilespmem:s31+$0xFFFFFFE0] =	vst v59;
	(pc) =	sbr.rel @p1 .LBB1_3-.Ltmp4, $4  }
0x3c: {  	[tilespmem:s31+$0xFFFFFFF0] =	vst v60  }
0x3d: {  	[tilespmem:s31+$0x0] =	vst v61  }
0x3e: {  	[tilespmem:s31+$0x10] =	vst v62  }
0x3f: {  	s10 =	sadd.s32 $0x80, s10;
	s11 =	sadd.s32 $0x400, s11;
	[tilespmem:s31+$0x20] =	vst v63  }
.Ltmp5:
0x40: {  	(pc) =	sbr.rel .LBB1_7-.Ltmp5, $4  }
0x41: {  	_ = 	snop  }
0x42: {  	s9 =	sshll.u32 s9, $0xB  }
0x43: {  	s9 =	sadd.s32 s3, s9  }
0x44: {  	[hbm4b:s9+s6] =	stream.linear.scatter [tilespmem:s12], [sflag:$0x2], $0x4000, $0x38;
	[tilespmem:$0x10000] =	vst v63  }
.LBB1_8:
0x45: {  	_ =	sfence.sel $0x180000  }
0x46: {  	s2 =	simm.s32 $0x1;
	[bflag:$0x0] =	sbarrier.arrive $0xFFFF  }
0x47: {  	s31 =	simm.s32 $0x2;
	[sflag:s2] =	ssyncpa.u1 $0x1  }
0x48: {  	[sflag:s31] =	ssyncpa.u1 $0x1  }
0x49: {  	p0 =	sne.s32 s1, $0x0;
	_ =	strace $0x90000047  }
0x4a: {  	s0 =	sadd.s32 @!p0 $0x100000, s0;
	[bflag:$0x2] =	sbarrier.arrive $0xFFFF  }
0x4b: {  	[sflag:s0] =	ssyncadd.tile.s32 @!p0 $0x1;
	_ =	shalt  }
.Lfunc_end1:
_tile_overlayer_lowered:
.L_overlay_start_2:
0x4c: {  	(tag) =	ssettag $0x2  }
0x4d: {  	s0 =	rddreg [dreg:$0x0];
	s2 =	stileid.u32  }
0x4e: {  	s1 =	rddreg [dreg:$0x1];
	p0 =	sne.s32 s2, $0x0  }
0x4f: {  	s3 =	rddreg [dreg:$0x2];
	[bflag:$0x3] =	sbarrier.arrive $0xFFFF;
	s2 =	simm.s32 @!p0 $0x1C01  }
0x50: {  	[timem:s3], [sflag:s2] =	dma.local @!p0 [hbm:s0], s1  }
0x51: {  	s0 =	simm.s32 @!p0 $0x1  }
0x52: {  	_ =	swait.ge @!p0 [sflag:s0], s1  }
0x53: {  	s1 =	ssub.s32 @!p0 $0x0, s1;
	[sflag:s0] =	ssyncset.done @!p0 $0x0  }
0x54: {  	[sflag:s0] =	ssyncadd.s32 @!p0 s1  }
0x55: {  	[bflag:$0x3] =	sbarrier.arrive $0xFFFF  }
0x56: {  	_ =	shalt  }

</sc_bundles>
